<compile_context>
chip_gen: v7x
topology: tpu7x:2x2x1
jax: 0.10.2.dev20260603
libtpu: 0.0.44.dev20260713+nightly
codegen_flags: <defaults>
</compile_context>

<pallas_src>
import functools

import jax
import jax.numpy as jnp
from jax import lax
from jax.experimental import pallas as pl
from jax.experimental.pallas import tpu as pltpu
from jax.experimental.pallas import tpu_sc as plsc

NUM_CORES = 2
NUM_SUBCORES = 16
NUM_WORKERS = NUM_CORES * NUM_SUBCORES
LANES = 16

BATCH = 16384
DIM = 64
ENT = 1000000
NUM_REL = 1000

PART_SHIFT = 15
PART = 1 << PART_SHIFT
CH_SHIFT = 8
CH = 1 << CH_SHIFT
CAP = 1024
LIST = CAP + LANES
E1_PIECE = 2048
TAIL0 = (ENT // 128) * 128
TAILN = ENT - TAIL0

_i32 = jnp.int32


def _pc(mask):
    n = plsc.all_reduce_population_count(mask)
    n = jnp.asarray(n)
    return n[0] if n.ndim else n


def _body(e1_ref, r_ref, ent_t_ref, rel_t_ref, tail_t_ref, out_ref,
          e1buf, r_v, pids, ppos, cloc, cpos, chunk3, rel64, tail64, rg,
          csem0, csem1, osem, ssem):
    wid = lax.axis_index("s") * NUM_CORES + lax.axis_index("c")
    nch_all = TAIL0 >> CH_SHIFT
    cstart = (wid * nch_all) >> 5
    cend = ((wid + 1) * nch_all) >> 5
    cend_m = cend + (wid == NUM_WORKERS - 1).astype(_i32)
    part_base = cstart << CH_SHIFT
    nch_full = cend - cstart

    iota = lax.iota(_i32, LANES)

    stage = [pltpu.make_async_copy(r_ref, r_v, ssem),
             pltpu.make_async_copy(rel_t_ref, rel64, ssem),
             pltpu.make_async_copy(tail_t_ref, tail64, ssem)]
    for cp in stage:
        cp.start()

    def scan_round(rnd):
        lo = rnd * CAP
        hi = lo + CAP

        def piece(p, carry):
            cnt, app = carry
            pltpu.sync_copy(e1_ref.at[pl.ds(p * E1_PIECE, E1_PIECE)], e1buf)

            def step(t, carry2):
                cnt2, app2 = carry2
                ev = e1buf[pl.ds(t * LANES, LANES)]
                cg = ev >> CH_SHIFT
                m = (cg >= cstart) & (cg < cend_m)
                mi = m.astype(_i32)
                excl = plsc.cumsum(mi) - mi
                rank = cnt2 + excl
                sel = m & (rank >= lo) & (rank < hi)
                plsc.store_compressed(pids.at[pl.ds(app2, LANES)],
                                      ev - part_base, mask=sel)
                posv = iota + (p * E1_PIECE + t * LANES)
                plsc.store_compressed(ppos.at[pl.ds(app2, LANES)], posv,
                                      mask=sel)
                return cnt2 + _pc(m), app2 + _pc(sel)

            return lax.fori_loop(0, E1_PIECE // LANES, step, (cnt, app))

        cnt, app = lax.fori_loop(0, BATCH // E1_PIECE, piece,
                                 (jnp.asarray(0, _i32), jnp.asarray(0, _i32)))
        pids[pl.ds(app, LANES)] = jnp.full((LANES,), -1, _i32)
        return cnt, app

    def issue_chunk(ch, par_buf, sem):
        col0 = pl.multiple_of(part_base + ch * CH, CH)
        pltpu.make_async_copy(ent_t_ref.at[:, pl.ds(col0, CH)],
                              chunk3.at[par_buf], sem).start()

    def wait_chunk(par_buf, sem):
        pltpu.make_async_copy(ent_t_ref.at[:, pl.ds(0, CH)],
                              chunk3.at[par_buf], sem).wait()

    def process_members(app, member_fn, gather_fn):
        def ext(t, ccnt):
            base = t * LANES
            loc16 = pids[pl.ds(base, LANES)]
            pos16 = ppos[pl.ds(base, LANES)]
            m, lvec16 = member_fn(loc16)
            plsc.store_compressed(cloc.at[pl.ds(ccnt, LANES)], lvec16, mask=m)
            plsc.store_compressed(cpos.at[pl.ds(ccnt, LANES)], pos16, mask=m)
            return ccnt + _pc(m)

        titers = (app + LANES - 1) >> 4
        ccnt = lax.fori_loop(0, titers, ext, jnp.asarray(0, _i32))

        mrep = iota >> 2
        d4 = iota & 3

        def pack(g, carry):
            gbase = g * 4
            sel = gbase + mrep
            pm = sel < ccnt
            lvec = plsc.load_gather(cloc, [sel], mask=pm)
            pvec = plsc.load_gather(cpos, [sel], mask=pm)
            rvec = plsc.load_gather(r_v, [pvec], mask=pm)
            rg_idx = mrep * DIM + d4

            def dloop(dd, carry2):
                dvec = d4 + dd * 4
                ent = gather_fn(dvec, lvec, pm)
                rel = plsc.load_gather(rel64, [dvec, rvec], mask=pm)
                plsc.store_scatter(rg, [rg_idx + dd * 4], ent + rel,
                                   mask=pm)
                return carry2

            lax.fori_loop(0, DIM // 4, dloop, 0)

            pcnt = jnp.minimum(4, ccnt - gbase)
            for j in range(4):
                pj = pvec[j * 4]

                @pl.when(j < pcnt)
                def _():
                    pltpu.make_async_copy(
                        rg.at[pl.ds(j * DIM, DIM)],
                        out_ref.at[pl.ds(pj * DIM, DIM)], osem).start()

            def drain(j, carry2):
                pltpu.make_async_copy(rg.at[pl.ds(0, DIM)],
                                      out_ref.at[pl.ds(0, DIM)], osem).wait()
                return carry2

            lax.fori_loop(0, pcnt, drain, 0)
            return carry

        npk = (ccnt + 3) >> 2
        lax.fori_loop(0, npk, pack, 0)

    def chunk_member(ch):
        def fn(loc16):
            return (loc16 >> CH_SHIFT) == ch, loc16 & (CH - 1)
        return fn

    def tail_member(loc16):
        return (loc16 >> CH_SHIFT) == nch_full, loc16 & (CH - 1)

    def chunk_gather(par):
        parv = jnp.full((LANES,), 0, _i32) + par

        def fn(dv, lvec, gvalid):
            return plsc.load_gather(chunk3, [parv, dv, lvec], mask=gvalid)
        return fn

    def tail_gather(dv, lvec, gvalid):
        return plsc.load_gather(tail64, [dv, lvec], mask=gvalid)

    def sweep(app, primed=False):
        if not primed:
            @pl.when(nch_full > 0)
            def _():
                issue_chunk(jnp.asarray(0, _i32), 0, csem0)

        def pair(cc, carry):
            ch0 = cc * 2
            ch1 = ch0 + 1

            @pl.when(ch1 < nch_full)
            def _():
                issue_chunk(ch1, 1, csem1)

            wait_chunk(0, csem0)
            process_members(app, chunk_member(ch0), chunk_gather(0))

            @pl.when(ch1 < nch_full)
            def _():
                @pl.when(ch1 + 1 < nch_full)
                def _():
                    issue_chunk(ch1 + 1, 0, csem0)

                wait_chunk(1, csem1)
                process_members(app, chunk_member(ch1), chunk_gather(1))

            return carry

        lax.fori_loop(0, (nch_full + 1) >> 1, pair, 0)

        process_members(app, tail_member, tail_gather)

    @pl.when(nch_full > 0)
    def _():
        issue_chunk(jnp.asarray(0, _i32), 0, csem0)

    total0, app0 = scan_round(jnp.asarray(0, _i32))
    for cp in stage:
        cp.wait()
    sweep(app0, primed=True)

    def more(carry):
        rnd, total = carry
        return (rnd * CAP) < total

    def round_body(carry):
        rnd, total = carry
        _, app = scan_round(rnd)
        sweep(app)
        return rnd + 1, total

    lax.while_loop(more, round_body, (jnp.asarray(1, _i32), total0))


@jax.jit
def _transe(e1_1d, r_1d, ent_t, rel_t, tail_t):
    mesh = plsc.VectorSubcoreMesh(core_axis_name="c", subcore_axis_name="s")
    kern = pl.kernel(
        _body,
        mesh=mesh,
        compiler_params=pltpu.CompilerParams(needs_layout_passes=False),
        out_type=jax.ShapeDtypeStruct((BATCH * DIM,), jnp.float32),
        scratch_types=[
            pltpu.VMEM((E1_PIECE,), _i32),
            pltpu.VMEM((BATCH,), _i32),
            pltpu.VMEM((LIST,), _i32),
            pltpu.VMEM((LIST,), _i32),
            pltpu.VMEM((LIST,), _i32),
            pltpu.VMEM((LIST,), _i32),
            pltpu.VMEM((2, DIM, CH), jnp.float32),
            pltpu.VMEM((DIM, NUM_REL), jnp.float32),
            pltpu.VMEM((DIM, TAILN), jnp.float32),
            pltpu.VMEM((LANES * DIM,), jnp.float32),
            pltpu.SemaphoreType.DMA,
            pltpu.SemaphoreType.DMA,
            pltpu.SemaphoreType.DMA,
            pltpu.SemaphoreType.DMA,
        ],
    )
    return kern(e1_1d, r_1d, ent_t, rel_t, tail_t)


def kernel(e1, r, entity_table, relation_table):
    out = _transe(e1, r, entity_table.T, relation_table.T,
                  entity_table[TAIL0:].T)
    return out.reshape(BATCH, DIM)

# --- scband reference (transcript-rebuilt; emitter-appended) ---
"""Pipeline reference for scband-trans-e-18382460026886 (READ-ONLY COPY).

The authoritative reference and input builder live on the scoring server;
editing this copy changes nothing except your own understanding.
"""

import jax, jax.numpy as jnp
import numpy as np

NUM_ENTITIES = 1000000
NUM_RELATIONS = 1000
EMBED_DIM = 64
BATCH = 16384

def setup_inputs(seed: int = 0) -> dict:
    key = jax.random.key(seed)
    k1, k2, k3, k4 = jax.random.split(key, 4)
    e1 = jax.random.randint(k1, (BATCH,), 0, NUM_ENTITIES, dtype=jnp.int64 if jax.config.jax_enable_x64 else jnp.int32).astype(jnp.int32)
    r = jax.random.randint(k2, (BATCH,), 0, NUM_RELATIONS).astype(jnp.int32)
    entity_table = jax.random.normal(k3, (NUM_ENTITIES, EMBED_DIM), dtype=jnp.float32) * 0.02
    relation_table = jax.random.normal(k4, (NUM_RELATIONS, EMBED_DIM), dtype=jnp.float32) * 0.02
    return {"e1": e1, "r": r, "entity_table": entity_table, "relation_table": relation_table}

def reference(e1, r, entity_table, relation_table):
    # kg.get_entity_embeddings(e1) -> embedding lookup (gather)
    E1 = jnp.take(entity_table, e1, axis=0)
    # kg.get_relation_embeddings(r) -> embedding lookup (gather)
    R = jnp.take(relation_table, r, axis=0)
    # forward_displacement: e_t ~ e_h + e_r
    return E1 + R

if __name__ == "__main__":
    import jax
    _d = setup_inputs()
    print(jax.jit(kernel)(*tuple(_d.values())))

</pallas_src>

<mosaic_0001>
#map = affine_map<(d0, d1) -> (0)>
#map1 = affine_map<(d0, d1) -> (0, 0)>
module attributes {stable_mosaic.version = 14 : i64} {
  func.func @_body(%arg0: i32, %arg1: i32, %arg2: memref<16384xi32, #tpu.memory_space<hbm>>, %arg3: memref<16384xi32, #tpu.memory_space<hbm>>, %arg4: memref<64x1000000xf32, #tpu.memory_space<hbm>>, %arg5: memref<64x1000xf32, #tpu.memory_space<hbm>>, %arg6: memref<64x64xf32, #tpu.memory_space<hbm>>, %arg7: memref<1048576xf32, #tpu.memory_space<hbm>>, %arg8: memref<2048xi32, #tpu.memory_space<vmem>>, %arg9: memref<16384xi32, #tpu.memory_space<vmem>>, %arg10: memref<1040xi32, #tpu.memory_space<vmem>>, %arg11: memref<1040xi32, #tpu.memory_space<vmem>>, %arg12: memref<1040xi32, #tpu.memory_space<vmem>>, %arg13: memref<1040xi32, #tpu.memory_space<vmem>>, %arg14: memref<2x64x256xf32, #tpu.memory_space<vmem>>, %arg15: memref<64x1000xf32, #tpu.memory_space<vmem>>, %arg16: memref<64x64xf32, #tpu.memory_space<vmem>>, %arg17: memref<1024xf32, #tpu.memory_space<vmem>>, %arg18: memref<!tpu.dma_semaphore, #tpu.memory_space<semaphore_mem>>, %arg19: memref<!tpu.dma_semaphore, #tpu.memory_space<semaphore_mem>>, %arg20: memref<!tpu.dma_semaphore, #tpu.memory_space<semaphore_mem>>, %arg21: memref<!tpu.dma_semaphore, #tpu.memory_space<semaphore_mem>>) attributes {dimension_semantics = [#tpu.dimension_semantics<core_parallel>, #tpu.dimension_semantics<subcore_parallel>], iteration_bounds = array<i64: 2, 16>, scalar_prefetch = 0 : i64, scratch_operands = 14 : i64, tpu.core_type = #tpu.core_type<sc_vector_subcore>, window_params = [{transform_indices = #map}, {transform_indices = #map}, {transform_indices = #map1}, {transform_indices = #map1}, {transform_indices = #map1}, {transform_indices = #map}]} {
    %mul3A = arith.constant 2 : i32
    %mul3A_0 = arith.muli %arg1, %mul3A : i32
    %add3A = arith.addi %mul3A_0, %arg0 : i32
    %mul3A_1 = arith.constant 3906 : i32
    %mul3A_2 = arith.muli %add3A, %mul3A_1 : i32
    %shift_right_arithmetic3A = arith.constant 5 : i32
    %shift_right_arithmetic3A_3 = arith.shrsi %mul3A_2, %shift_right_arithmetic3A : i32
    %add3A_4 = arith.constant 1 : i32
    %add3A_5 = arith.addi %add3A, %add3A_4 : i32
    %mul3A_6 = arith.constant 3906 : i32
    %mul3A_7 = arith.muli %add3A_5, %mul3A_6 : i32
    %shift_right_arithmetic3A_8 = arith.constant 5 : i32
    %shift_right_arithmetic3A_9 = arith.shrsi %mul3A_7, %shift_right_arithmetic3A_8 : i32
    %eq3A = arith.constant 31 : i32
    %eq3A_10 = arith.cmpi eq, %add3A, %eq3A : i32
    %convert_element_type3A = arith.extui %eq3A_10 : i1 to i32
    %add3A_11 = arith.addi %shift_right_arithmetic3A_9, %convert_element_type3A : i32
    %shift_left3A = arith.constant 8 : i32
    %shift_left3A_12 = arith.shli %shift_right_arithmetic3A_3, %shift_left3A : i32
    %sub3A = arith.subi %shift_right_arithmetic3A_9, %shift_right_arithmetic3A_3 : i32
    %iota3A = tpu.iota {dimensions = array<i32: 0>} : vector<16xi32>
    tpu.enqueue_dma source(%arg3 : memref<16384xi32, #tpu.memory_space<hbm>>) target(%arg9 : memref<16384xi32, #tpu.memory_space<vmem>>) target_semaphore(%arg21 : memref<!tpu.dma_semaphore, #tpu.memory_space<semaphore_mem>>)
    tpu.enqueue_dma source(%arg5 : memref<64x1000xf32, #tpu.memory_space<hbm>>) target(%arg15 : memref<64x1000xf32, #tpu.memory_space<vmem>>) target_semaphore(%arg21 : memref<!tpu.dma_semaphore, #tpu.memory_space<semaphore_mem>>)
    tpu.enqueue_dma source(%arg6 : memref<64x64xf32, #tpu.memory_space<hbm>>) target(%arg16 : memref<64x64xf32, #tpu.memory_space<vmem>>) target_semaphore(%arg21 : memref<!tpu.dma_semaphore, #tpu.memory_space<semaphore_mem>>)
    %gt3A = arith.constant 0 : i32
    %gt3A_13 = arith.cmpi sgt, %sub3A, %gt3A : i32
    %convert_element_type3A_14 = arith.extui %gt3A_13 : i1 to i32
    %cond3A = arith.constant 0 : i32
    %cond3A_15 = arith.cmpi ne, %convert_element_type3A_14, %cond3A : i32
    scf.if %cond3A_15 {
      %mul3A_82 = arith.constant 0 : i32
      %mul3A_83 = arith.constant 256 : i32
      %mul3A_84 = arith.muli %mul3A_82, %mul3A_83 : i32
      %add3A_85 = arith.addi %shift_left3A_12, %mul3A_84 : i32
      %multiple_of3A = tpu.assume_multiple %add3A_85, 256 : i32
      %dma_start3A = arith.constant 0 : i32
      %dma_start3A_86 = arith.constant 0 : i32
      %dma_start3A_87 = arith.constant 0 : i32
      %dma_start3A_88 = tpu.memref_slice %arg14[%dma_start3A, %dma_start3A_86, %dma_start3A_87] : memref<2x64x256xf32, #tpu.memory_space<vmem>> -> memref<1x64x256xf32, #tpu.memory_space<vmem>>
      %dma_start3A_89 = tpu.memref_squeeze %dma_start3A_88 : memref<1x64x256xf32, #tpu.memory_space<vmem>> -> memref<64x256xf32, #tpu.memory_space<vmem>>
      %dma_start3A_90 = arith.constant 0 : i32
      %dma_start3A_91 = tpu.memref_slice %arg4[%dma_start3A_90, %multiple_of3A] : memref<64x1000000xf32, #tpu.memory_space<hbm>> -> memref<64x256xf32, #tpu.memory_space<hbm>>
      %dma_start3A_92 = arith.constant 0 : i32
      %dma_start3A_93 = arith.constant 0 : i32
      %dma_start3A_94 = tpu.memref_slice %arg14[%dma_start3A, %dma_start3A_92, %dma_start3A_93] : memref<2x64x256xf32, #tpu.memory_space<vmem>> -> memref<1x64x256xf32, #tpu.memory_space<vmem>>
      %dma_start3A_95 = tpu.memref_squeeze %dma_start3A_94 : memref<1x64x256xf32, #tpu.memory_space<vmem>> -> memref<64x256xf32, #tpu.memory_space<vmem>>
      %dma_start3A_96 = arith.constant 0 : i32
      %dma_start3A_97 = tpu.memref_slice %arg4[%dma_start3A_96, %multiple_of3A] : memref<64x1000000xf32, #tpu.memory_space<hbm>> -> memref<64x256xf32, #tpu.memory_space<hbm>>
      tpu.enqueue_dma source(%dma_start3A_97 : memref<64x256xf32, #tpu.memory_space<hbm>>) target(%dma_start3A_95 : memref<64x256xf32, #tpu.memory_space<vmem>>) target_semaphore(%arg18 : memref<!tpu.dma_semaphore, #tpu.memory_space<semaphore_mem>>)
    } else {
    }
    %mul3A_16 = arith.constant 0 : i32
    %mul3A_17 = arith.constant 1024 : i32
    %mul3A_18 = arith.muli %mul3A_16, %mul3A_17 : i32
    %add3A_19 = arith.constant 1024 : i32
    %add3A_20 = arith.addi %mul3A_18, %add3A_19 : i32
    %scan3A = arith.constant 0 : i32
    %scan3A_21 = arith.constant 0 : i32
    %scan3A_22 = arith.constant 0 : i32
    %scan3A_23 = arith.constant 8 : i32
    %scan3A_24 = arith.addi %scan3A_22, %scan3A_23 : i32
    %scan3A_25 = arith.constant 1 : i32
    %scan3A_26:2 = scf.for %scan3A_82 = %scan3A_22 to %scan3A_24 step %scan3A_25 iter_args(%scan3A_83 = %scan3A, %scan3A_84 = %scan3A_21) -> (i32, i32)  : i32 {
      %mul3A_85 = arith.constant 2048 : i32
      %mul3A_86 = arith.muli %scan3A_82, %mul3A_85 : i32
      "tpu.region"() ({
        %run_scoped3A = tpu.sem_alloc : memref<!tpu.dma_semaphore, #tpu.memory_space<semaphore_mem>>
        %dma_start3A = tpu.memref_slice %arg2[%mul3A_86] : memref<16384xi32, #tpu.memory_space<hbm>> -> memref<2048xi32, #tpu.memory_space<hbm>>
        %dma_start3A_93 = tpu.memref_slice %arg2[%mul3A_86] : memref<16384xi32, #tpu.memory_space<hbm>> -> memref<2048xi32, #tpu.memory_space<hbm>>
        tpu.enqueue_dma source(%dma_start3A_93 : memref<2048xi32, #tpu.memory_space<hbm>>) target(%arg8 : memref<2048xi32, #tpu.memory_space<vmem>>) target_semaphore(%run_scoped3A : memref<!tpu.dma_semaphore, #tpu.memory_space<semaphore_mem>>)
        %dma_wait3A = tpu.memref_slice %arg2[%mul3A_86] : memref<16384xi32, #tpu.memory_space<hbm>> -> memref<2048xi32, #tpu.memory_space<hbm>>
        %dma_wait3A_94 = tpu.memref_slice %arg2[%mul3A_86] : memref<16384xi32, #tpu.memory_space<hbm>> -> memref<2048xi32, #tpu.memory_space<hbm>>
        tpu.wait_dma2 semaphore(%run_scoped3A : memref<!tpu.dma_semaphore, #tpu.memory_space<semaphore_mem>>) src(%dma_wait3A_94 : memref<2048xi32, #tpu.memory_space<hbm>>) dst(%arg8 : memref<2048xi32, #tpu.memory_space<vmem>>)
        tpu.yield
      }) : () -> ()
      %scan3A_87 = arith.constant 0 : i32
      %scan3A_88 = arith.constant 128 : i32
      %scan3A_89 = arith.addi %scan3A_87, %scan3A_88 : i32
      %scan3A_90 = arith.constant 1 : i32
      %scan3A_91:2 = scf.for %scan3A_93 = %scan3A_87 to %scan3A_89 step %scan3A_90 iter_args(%scan3A_94 = %scan3A_83, %scan3A_95 = %scan3A_84) -> (i32, i32)  : i32 {
        %mul3A_96 = arith.constant 16 : i32
        %mul3A_97 = arith.muli %scan3A_93, %mul3A_96 : i32
        %get3A = arith.index_cast %mul3A_97 : i32 to index
        %get3A_98 = tpu.vector_load %arg8[%get3A] {strides = array<i32>} : memref<2048xi32, #tpu.memory_space<vmem>>, vector<16xi32>,
        %shift_right_arithmetic3A_99 = arith.constant 8 : i32
        %shift_right_arithmetic3A_100 = vector.broadcast %shift_right_arithmetic3A_99 : i32 to vector<16xi32>
        %shift_right_arithmetic3A_101 = arith.shrsi %get3A_98, %shift_right_arithmetic3A_100 : vector<16xi32>
        %ge3A = vector.broadcast %shift_right_arithmetic3A_3 : i32 to vector<16xi32>
        %ge3A_102 = arith.cmpi sge, %shift_right_arithmetic3A_101, %ge3A : vector<16xi32>
        %lt3A = vector.broadcast %add3A_11 : i32 to vector<16xi32>
        %lt3A_103 = arith.cmpi slt, %shift_right_arithmetic3A_101, %lt3A : vector<16xi32>
        %and3A_104 = arith.andi %ge3A_102, %lt3A_103 : vector<16xi1>
        %convert_element_type3A_105 = arith.extui %and3A_104 : vector<16xi1> to vector<16xi32>
        %broadcast_in_dim3A_106 = arith.constant true
        %broadcast_in_dim3A_107 = vector.broadcast %broadcast_in_dim3A_106 : i1 to vector<16xi1>
        %masked_cumsum3A = tpu.scan <sum>, %convert_element_type3A_105 masked %broadcast_in_dim3A_107 : vector<16xi32>, vector<16xi1> -> vector<16xi32>
        %sub3A_108 = arith.subi %masked_cumsum3A, %convert_element_type3A_105 : vector<16xi32>
        %add3A_109 = vector.broadcast %scan3A_94 : i32 to vector<16xi32>
        %add3A_110 = arith.addi %add3A_109, %sub3A_108 : vector<16xi32>
        %ge3A_111 = vector.broadcast %mul3A_18 : i32 to vector<16xi32>
        %ge3A_112 = arith.cmpi sge, %add3A_110, %ge3A_111 : vector<16xi32>
        %and3A_113 = arith.andi %and3A_104, %ge3A_112 : vector<16xi1>
        %lt3A_114 = vector.broadcast %add3A_20 : i32 to vector<16xi32>
        %lt3A_115 = arith.cmpi slt, %add3A_110, %lt3A_114 : vector<16xi32>
        %and3A_116 = arith.andi %and3A_113, %lt3A_115 : vector<16xi1>
        %sub3A_117 = vector.broadcast %shift_left3A_12 : i32 to vector<16xi32>
        %sub3A_118 = arith.subi %get3A_98, %sub3A_117 : vector<16xi32>
        %swap3A_119 = arith.index_cast %scan3A_95 : i32 to index
        %swap3A_120 = tpu.vector_load %arg10[%swap3A_119] masked %and3A_116 {strides = array<i32>} : memref<1040xi32, #tpu.memory_space<vmem>>, vector<16xi32>, vector<16xi1>
        tpu.vector_store %arg10[%swap3A_119], %sub3A_118 masked %and3A_116 {strides = array<i32>} : memref<1040xi32, #tpu.memory_space<vmem>>, vector<16xi32>, vector<16xi1>
        %mul3A_121 = arith.constant 2048 : i32
        %mul3A_122 = arith.muli %scan3A_82, %mul3A_121 : i32
        %mul3A_123 = arith.constant 16 : i32
        %mul3A_124 = arith.muli %scan3A_93, %mul3A_123 : i32
        %add3A_125 = arith.addi %mul3A_122, %mul3A_124 : i32
        %add3A_126 = vector.broadcast %add3A_125 : i32 to vector<16xi32>
        %add3A_127 = arith.addi %iota3A, %add3A_126 : vector<16xi32>
        %swap3A_128 = arith.index_cast %scan3A_95 : i32 to index
        %swap3A_129 = tpu.vector_load %arg11[%swap3A_128] masked %and3A_116 {strides = array<i32>} : memref<1040xi32, #tpu.memory_space<vmem>>, vector<16xi32>, vector<16xi1>
        tpu.vector_store %arg11[%swap3A_128], %add3A_127 masked %and3A_116 {strides = array<i32>} : memref<1040xi32, #tpu.memory_space<vmem>>, vector<16xi32>, vector<16xi1>
        %all_reduce_population_count3A = tpu.all_reduce %and3A_104 {dim = 0 : i64, kind = #tpu.reduction_kind<sum>} : vector<16xi1> -> vector<16xi32>
        %slice3A = vector.extract_strided_slice %all_reduce_population_count3A {offsets = [0], sizes = [1], strides = [1]} : vector<16xi32> to vector<1xi32>
        %squeeze3A = vector.extract %slice3A[0] : i32 from vector<1xi32>
        %add3A_130 = arith.addi %scan3A_94, %squeeze3A : i32
        %all_reduce_population_count3A_131 = tpu.all_reduce %and3A_116 {dim = 0 : i64, kind = #tpu.reduction_kind<sum>} : vector<16xi1> -> vector<16xi32>
        %slice3A_132 = vector.extract_strided_slice %all_reduce_population_count3A_131 {offsets = [0], sizes = [1], strides = [1]} : vector<16xi32> to vector<1xi32>
        %squeeze3A_133 = vector.extract %slice3A_132[0] : i32 from vector<1xi32>
        %add3A_134 = arith.addi %scan3A_95, %squeeze3A_133 : i32
        scf.yield %add3A_130, %add3A_134 : i32, i32
      }
      %scan3A_92 = arith.constant 128 : i32
      scf.yield %scan3A_91#0, %scan3A_91#1 : i32, i32
    }
    %scan3A_27 = arith.constant 8 : i32
    %broadcast_in_dim3A = arith.constant -1 : i32
    %broadcast_in_dim3A_28 = vector.broadcast %broadcast_in_dim3A : i32 to vector<16xi32>
    %swap3A = arith.index_cast %scan3A_26#1 : i32 to index
    %swap3A_29 = tpu.vector_load %arg10[%swap3A] {strides = array<i32>} : memref<1040xi32, #tpu.memory_space<vmem>>, vector<16xi32>,
    tpu.vector_store %arg10[%swap3A], %broadcast_in_dim3A_28 {strides = array<i32>} : memref<1040xi32, #tpu.memory_space<vmem>>, vector<16xi32>,
    tpu.wait_dma2 semaphore(%arg21 : memref<!tpu.dma_semaphore, #tpu.memory_space<semaphore_mem>>) src(%arg3 : memref<16384xi32, #tpu.memory_space<hbm>>) dst(%arg9 : memref<16384xi32, #tpu.memory_space<vmem>>)
    tpu.wait_dma2 semaphore(%arg21 : memref<!tpu.dma_semaphore, #tpu.memory_space<semaphore_mem>>) src(%arg5 : memref<64x1000xf32, #tpu.memory_space<hbm>>) dst(%arg15 : memref<64x1000xf32, #tpu.memory_space<vmem>>)
    tpu.wait_dma2 semaphore(%arg21 : memref<!tpu.dma_semaphore, #tpu.memory_space<semaphore_mem>>) src(%arg6 : memref<64x64xf32, #tpu.memory_space<hbm>>) dst(%arg16 : memref<64x64xf32, #tpu.memory_space<vmem>>)
    %add3A_30 = arith.constant 1 : i32
    %add3A_31 = arith.addi %sub3A, %add3A_30 : i32
    %shift_right_arithmetic3A_32 = arith.constant 1 : i32
    %shift_right_arithmetic3A_33 = arith.shrsi %add3A_31, %shift_right_arithmetic3A_32 : i32
    %while3A = arith.constant 0 : i32
    %while3A_34 = arith.constant 0 : i32
    %while3A_35 = arith.subi %shift_right_arithmetic3A_33, %while3A_34 : i32
    %while3A_36 = arith.addi %while3A_34, %while3A_35 : i32
    %while3A_37 = arith.constant 1 : i32
    %while3A_38 = arith.divsi %while3A_35, %while3A_37 : i32
    %while3A_39 = arith.muli %while3A_38, %while3A_37 : i32
    %while3A_40 = arith.addi %while3A_34, %while3A_39 : i32
    %while3A_41 = arith.constant 1 : i32
    scf.for %while3A_82 = %while3A_34 to %while3A_40 step %while3A_41  : i32 {
      %mul3A_83 = arith.constant 2 : i32
      %mul3A_84 = arith.muli %while3A_82, %mul3A_83 : i32
      %add3A_85 = arith.constant 1 : i32
      %add3A_86 = arith.addi %mul3A_84, %add3A_85 : i32
      %lt3A = arith.cmpi slt, %add3A_86, %sub3A : i32
      %convert_element_type3A_87 = arith.extui %lt3A : i1 to i32
      %cond3A_88 = arith.constant 0 : i32
      %cond3A_89 = arith.cmpi ne, %convert_element_type3A_87, %cond3A_88 : i32
      scf.if %cond3A_89 {
        %mul3A_151 = arith.constant 256 : i32
        %mul3A_152 = arith.muli %add3A_86, %mul3A_151 : i32
        %add3A_153 = arith.addi %shift_left3A_12, %mul3A_152 : i32
        %multiple_of3A = tpu.assume_multiple %add3A_153, 256 : i32
        %dma_start3A = arith.constant 1 : i32
        %dma_start3A_154 = arith.constant 0 : i32
        %dma_start3A_155 = arith.constant 0 : i32
        %dma_start3A_156 = tpu.memref_slice %arg14[%dma_start3A, %dma_start3A_154, %dma_start3A_155] : memref<2x64x256xf32, #tpu.memory_space<vmem>> -> memref<1x64x256xf32, #tpu.memory_space<vmem>>
        %dma_start3A_157 = tpu.memref_squeeze %dma_start3A_156 : memref<1x64x256xf32, #tpu.memory_space<vmem>> -> memref<64x256xf32, #tpu.memory_space<vmem>>
        %dma_start3A_158 = arith.constant 0 : i32
        %dma_start3A_159 = tpu.memref_slice %arg4[%dma_start3A_158, %multiple_of3A] : memref<64x1000000xf32, #tpu.memory_space<hbm>> -> memref<64x256xf32, #tpu.memory_space<hbm>>
        %dma_start3A_160 = arith.constant 0 : i32
        %dma_start3A_161 = arith.constant 0 : i32
        %dma_start3A_162 = tpu.memref_slice %arg14[%dma_start3A, %dma_start3A_160, %dma_start3A_161] : memref<2x64x256xf32, #tpu.memory_space<vmem>> -> memref<1x64x256xf32, #tpu.memory_space<vmem>>
        %dma_start3A_163 = tpu.memref_squeeze %dma_start3A_162 : memref<1x64x256xf32, #tpu.memory_space<vmem>> -> memref<64x256xf32, #tpu.memory_space<vmem>>
        %dma_start3A_164 = arith.constant 0 : i32
        %dma_start3A_165 = tpu.memref_slice %arg4[%dma_start3A_164, %multiple_of3A] : memref<64x1000000xf32, #tpu.memory_space<hbm>> -> memref<64x256xf32, #tpu.memory_space<hbm>>
        tpu.enqueue_dma source(%dma_start3A_165 : memref<64x256xf32, #tpu.memory_space<hbm>>) target(%dma_start3A_163 : memref<64x256xf32, #tpu.memory_space<vmem>>) target_semaphore(%arg19 : memref<!tpu.dma_semaphore, #tpu.memory_space<semaphore_mem>>)
      } else {
      }
      %dma_wait3A = arith.constant 0 : i32
      %dma_wait3A_90 = arith.constant 0 : i32
      %dma_wait3A_91 = arith.constant 0 : i32
      %dma_wait3A_92 = tpu.memref_slice %arg14[%dma_wait3A, %dma_wait3A_90, %dma_wait3A_91] : memref<2x64x256xf32, #tpu.memory_space<vmem>> -> memref<1x64x256xf32, #tpu.memory_space<vmem>>
      %dma_wait3A_93 = tpu.memref_squeeze %dma_wait3A_92 : memref<1x64x256xf32, #tpu.memory_space<vmem>> -> memref<64x256xf32, #tpu.memory_space<vmem>>
      %dma_wait3A_94 = arith.constant 0 : i32
      %dma_wait3A_95 = arith.constant 0 : i32
      %dma_wait3A_96 = tpu.memref_slice %arg4[%dma_wait3A_94, %dma_wait3A_95] : memref<64x1000000xf32, #tpu.memory_space<hbm>> -> memref<64x256xf32, #tpu.memory_space<hbm>>
      %dma_wait3A_97 = arith.constant 0 : i32
      %dma_wait3A_98 = arith.constant 0 : i32
      %dma_wait3A_99 = tpu.memref_slice %arg14[%dma_wait3A, %dma_wait3A_97, %dma_wait3A_98] : memref<2x64x256xf32, #tpu.memory_space<vmem>> -> memref<1x64x256xf32, #tpu.memory_space<vmem>>
      %dma_wait3A_100 = tpu.memref_squeeze %dma_wait3A_99 : memref<1x64x256xf32, #tpu.memory_space<vmem>> -> memref<64x256xf32, #tpu.memory_space<vmem>>
      %dma_wait3A_101 = arith.constant 0 : i32
      %dma_wait3A_102 = arith.constant 0 : i32
      %dma_wait3A_103 = tpu.memref_slice %arg4[%dma_wait3A_101, %dma_wait3A_102] : memref<64x1000000xf32, #tpu.memory_space<hbm>> -> memref<64x256xf32, #tpu.memory_space<hbm>>
      tpu.wait_dma2 semaphore(%arg18 : memref<!tpu.dma_semaphore, #tpu.memory_space<semaphore_mem>>) src(%dma_wait3A_103 : memref<64x256xf32, #tpu.memory_space<hbm>>) dst(%dma_wait3A_100 : memref<64x256xf32, #tpu.memory_space<vmem>>)
      %broadcast_in_dim3A_104 = arith.constant 0 : i32
      %broadcast_in_dim3A_105 = vector.broadcast %broadcast_in_dim3A_104 : i32 to vector<16xi32>
      %add3A_106 = arith.constant 0 : i32
      %add3A_107 = vector.broadcast %add3A_106 : i32 to vector<16xi32>
      %add3A_108 = arith.addi %broadcast_in_dim3A_105, %add3A_107 : vector<16xi32>
      %add3A_109 = arith.constant 16 : i32
      %add3A_110 = arith.addi %scan3A_26#1, %add3A_109 : i32
      %sub3A_111 = arith.constant 1 : i32
      %sub3A_112 = arith.subi %add3A_110, %sub3A_111 : i32
      %shift_right_arithmetic3A_113 = arith.constant 4 : i32
      %shift_right_arithmetic3A_114 = arith.shrsi %sub3A_112, %shift_right_arithmetic3A_113 : i32
      %while3A_115 = arith.constant 0 : i32
      %while3A_116 = arith.constant 0 : i32
      %while3A_117 = arith.subi %shift_right_arithmetic3A_114, %while3A_115 : i32
      %while3A_118 = arith.addi %while3A_115, %while3A_117 : i32
      %while3A_119 = arith.constant 1 : i32
      %while3A_120 = arith.divsi %while3A_117, %while3A_119 : i32
      %while3A_121 = arith.muli %while3A_120, %while3A_119 : i32
      %while3A_122 = arith.addi %while3A_115, %while3A_121 : i32
      %while3A_123 = arith.constant 1 : i32
      %while3A_124 = scf.for %while3A_151 = %while3A_115 to %while3A_122 step %while3A_123 iter_args(%while3A_152 = %while3A_116) -> (i32)  : i32 {
        %mul3A_153 = arith.constant 16 : i32
        %mul3A_154 = arith.muli %while3A_151, %mul3A_153 : i32
        %get3A = arith.index_cast %mul3A_154 : i32 to index
        %get3A_155 = tpu.vector_load %arg10[%get3A] {strides = array<i32>} : memref<1040xi32, #tpu.memory_space<vmem>>, vector<16xi32>,
        %get3A_156 = arith.index_cast %mul3A_154 : i32 to index
        %get3A_157 = tpu.vector_load %arg11[%get3A_156] {strides = array<i32>} : memref<1040xi32, #tpu.memory_space<vmem>>, vector<16xi32>,
        %shift_right_arithmetic3A_158 = arith.constant 8 : i32
        %shift_right_arithmetic3A_159 = vector.broadcast %shift_right_arithmetic3A_158 : i32 to vector<16xi32>
        %shift_right_arithmetic3A_160 = arith.shrsi %get3A_155, %shift_right_arithmetic3A_159 : vector<16xi32>
        %eq3A_161 = vector.broadcast %mul3A_84 : i32 to vector<16xi32>
        %eq3A_162 = arith.cmpi eq, %shift_right_arithmetic3A_160, %eq3A_161 : vector<16xi32>
        %and3A_163 = arith.constant 255 : i32
        %and3A_164 = vector.broadcast %and3A_163 : i32 to vector<16xi32>
        %and3A_165 = arith.andi %get3A_155, %and3A_164 : vector<16xi32>
        %swap3A_166 = arith.index_cast %while3A_152 : i32 to index
        %swap3A_167 = tpu.vector_load %arg12[%swap3A_166] masked %eq3A_162 {strides = array<i32>} : memref<1040xi32, #tpu.memory_space<vmem>>, vector<16xi32>, vector<16xi1>
        tpu.vector_store %arg12[%swap3A_166], %and3A_165 masked %eq3A_162 {strides = array<i32>} : memref<1040xi32, #tpu.memory_space<vmem>>, vector<16xi32>, vector<16xi1>
        %swap3A_168 = arith.index_cast %while3A_152 : i32 to index
        %swap3A_169 = tpu.vector_load %arg13[%swap3A_168] masked %eq3A_162 {strides = array<i32>} : memref<1040xi32, #tpu.memory_space<vmem>>, vector<16xi32>, vector<16xi1>
        tpu.vector_store %arg13[%swap3A_168], %get3A_157 masked %eq3A_162 {strides = array<i32>} : memref<1040xi32, #tpu.memory_space<vmem>>, vector<16xi32>, vector<16xi1>
        %all_reduce_population_count3A = tpu.all_reduce %eq3A_162 {dim = 0 : i64, kind = #tpu.reduction_kind<sum>} : vector<16xi1> -> vector<16xi32>
        %slice3A = vector.extract_strided_slice %all_reduce_population_count3A {offsets = [0], sizes = [1], strides = [1]} : vector<16xi32> to vector<1xi32>
        %squeeze3A = vector.extract %slice3A[0] : i32 from vector<1xi32>
        %add3A_170 = arith.addi %while3A_152, %squeeze3A : i32
        scf.yield %add3A_170 : i32
      }
      %while3A_125 = arith.constant 1 : i32
      %while3A_126 = scf.for %while3A_151 = %while3A_122 to %while3A_118 step %while3A_125 iter_args(%while3A_152 = %while3A_124) -> (i32)  : i32 {
        %mul3A_153 = arith.constant 16 : i32
        %mul3A_154 = arith.muli %while3A_151, %mul3A_153 : i32
        %get3A = arith.index_cast %mul3A_154 : i32 to index
        %get3A_155 = tpu.vector_load %arg10[%get3A] {strides = array<i32>} : memref<1040xi32, #tpu.memory_space<vmem>>, vector<16xi32>,
        %get3A_156 = arith.index_cast %mul3A_154 : i32 to index
        %get3A_157 = tpu.vector_load %arg11[%get3A_156] {strides = array<i32>} : memref<1040xi32, #tpu.memory_space<vmem>>, vector<16xi32>,
        %shift_right_arithmetic3A_158 = arith.constant 8 : i32
        %shift_right_arithmetic3A_159 = vector.broadcast %shift_right_arithmetic3A_158 : i32 to vector<16xi32>
        %shift_right_arithmetic3A_160 = arith.shrsi %get3A_155, %shift_right_arithmetic3A_159 : vector<16xi32>
        %eq3A_161 = vector.broadcast %mul3A_84 : i32 to vector<16xi32>
        %eq3A_162 = arith.cmpi eq, %shift_right_arithmetic3A_160, %eq3A_161 : vector<16xi32>
        %and3A_163 = arith.constant 255 : i32
        %and3A_164 = vector.broadcast %and3A_163 : i32 to vector<16xi32>
        %and3A_165 = arith.andi %get3A_155, %and3A_164 : vector<16xi32>
        %swap3A_166 = arith.index_cast %while3A_152 : i32 to index
        %swap3A_167 = tpu.vector_load %arg12[%swap3A_166] masked %eq3A_162 {strides = array<i32>} : memref<1040xi32, #tpu.memory_space<vmem>>, vector<16xi32>, vector<16xi1>
        tpu.vector_store %arg12[%swap3A_166], %and3A_165 masked %eq3A_162 {strides = array<i32>} : memref<1040xi32, #tpu.memory_space<vmem>>, vector<16xi32>, vector<16xi1>
        %swap3A_168 = arith.index_cast %while3A_152 : i32 to index
        %swap3A_169 = tpu.vector_load %arg13[%swap3A_168] masked %eq3A_162 {strides = array<i32>} : memref<1040xi32, #tpu.memory_space<vmem>>, vector<16xi32>, vector<16xi1>
        tpu.vector_store %arg13[%swap3A_168], %get3A_157 masked %eq3A_162 {strides = array<i32>} : memref<1040xi32, #tpu.memory_space<vmem>>, vector<16xi32>, vector<16xi1>
        %all_reduce_population_count3A = tpu.all_reduce %eq3A_162 {dim = 0 : i64, kind = #tpu.reduction_kind<sum>} : vector<16xi1> -> vector<16xi32>
        %slice3A = vector.extract_strided_slice %all_reduce_population_count3A {offsets = [0], sizes = [1], strides = [1]} : vector<16xi32> to vector<1xi32>
        %squeeze3A = vector.extract %slice3A[0] : i32 from vector<1xi32>
        %add3A_170 = arith.addi %while3A_152, %squeeze3A : i32
        scf.yield %add3A_170 : i32
      }
      %shift_right_arithmetic3A_127 = arith.constant 2 : i32
      %shift_right_arithmetic3A_128 = vector.broadcast %shift_right_arithmetic3A_127 : i32 to vector<16xi32>
      %shift_right_arithmetic3A_129 = arith.shrsi %iota3A, %shift_right_arithmetic3A_128 : vector<16xi32>
      %and3A_130 = arith.constant 3 : i32
      %and3A_131 = vector.broadcast %and3A_130 : i32 to vector<16xi32>
      %and3A_132 = arith.andi %iota3A, %and3A_131 : vector<16xi32>
      %add3A_133 = arith.constant 3 : i32
      %add3A_134 = arith.addi %while3A_126, %add3A_133 : i32
      %shift_right_arithmetic3A_135 = arith.constant 2 : i32
      %shift_right_arithmetic3A_136 = arith.shrsi %add3A_134, %shift_right_arithmetic3A_135 : i32
      %while3A_137 = arith.constant 0 : i32
      %while3A_138 = arith.constant 0 : i32
      %while3A_139 = arith.subi %shift_right_arithmetic3A_136, %while3A_138 : i32
      %while3A_140 = arith.addi %while3A_138, %while3A_139 : i32
      %while3A_141 = arith.constant 1 : i32
      %while3A_142 = arith.divsi %while3A_139, %while3A_141 : i32
      %while3A_143 = arith.muli %while3A_142, %while3A_141 : i32
      %while3A_144 = arith.addi %while3A_138, %while3A_143 : i32
      %while3A_145 = arith.constant 1 : i32
      scf.for %while3A_151 = %while3A_138 to %while3A_144 step %while3A_145  : i32 {
        %mul3A_152 = arith.constant 4 : i32
        %mul3A_153 = arith.muli %while3A_151, %mul3A_152 : i32
        %add3A_154 = vector.broadcast %mul3A_153 : i32 to vector<16xi32>
        %add3A_155 = arith.addi %add3A_154, %shift_right_arithmetic3A_129 : vector<16xi32>
        %lt3A_156 = vector.broadcast %while3A_126 : i32 to vector<16xi32>
        %lt3A_157 = arith.cmpi slt, %add3A_155, %lt3A_156 : vector<16xi32>
        %gather3A = tpu.vector_load_idx %arg12[%add3A_155] masked %lt3A_157 : memref<1040xi32, #tpu.memory_space<vmem>>[vector<16xi32>], vector<16xi32>, vector<16xi1>
        %gather3A_158 = tpu.vector_load_idx %arg13[%add3A_155] masked %lt3A_157 : memref<1040xi32, #tpu.memory_space<vmem>>[vector<16xi32>], vector<16xi32>, vector<16xi1>
        %gather3A_159 = tpu.vector_load_idx %arg9[%gather3A_158] masked %lt3A_157 : memref<16384xi32, #tpu.memory_space<vmem>>[vector<16xi32>], vector<16xi32>, vector<16xi1>
        %mul3A_160 = arith.constant 64 : i32
        %mul3A_161 = vector.broadcast %mul3A_160 : i32 to vector<16xi32>
        %mul3A_162 = arith.muli %shift_right_arithmetic3A_129, %mul3A_161 : vector<16xi32>
        %add3A_163 = arith.addi %mul3A_162, %and3A_132 : vector<16xi32>
        %scan3A_164 = arith.constant 0 : i32
        %scan3A_165 = arith.constant 0 : i32
        %scan3A_166 = arith.constant 16 : i32
        %scan3A_167 = arith.addi %scan3A_165, %scan3A_166 : i32
        %scan3A_168 = arith.constant 1 : i32
        scf.for %scan3A_208 = %scan3A_165 to %scan3A_167 step %scan3A_168  : i32 {
          %mul3A_209 = arith.constant 4 : i32
          %mul3A_210 = arith.muli %scan3A_208, %mul3A_209 : i32
          %add3A_211 = vector.broadcast %mul3A_210 : i32 to vector<16xi32>
          %add3A_212 = arith.addi %and3A_132, %add3A_211 : vector<16xi32>
          %gather3A_213 = tpu.vector_load_idx %arg14[%add3A_108, %add3A_212, %gather3A] masked %lt3A_157 : memref<2x64x256xf32, #tpu.memory_space<vmem>>[vector<16xi32>, vector<16xi32>, vector<16xi32>], vector<16xf32>, vector<16xi1>
          %gather3A_214 = tpu.vector_load_idx %arg15[%add3A_212, %gather3A_159] masked %lt3A_157 : memref<64x1000xf32, #tpu.memory_space<vmem>>[vector<16xi32>, vector<16xi32>], vector<16xf32>, vector<16xi1>
          %mul3A_215 = arith.constant 4 : i32
          %mul3A_216 = arith.muli %scan3A_208, %mul3A_215 : i32
          %add3A_217 = vector.broadcast %mul3A_216 : i32 to vector<16xi32>
          %add3A_218 = arith.addi %add3A_163, %add3A_217 : vector<16xi32>
          %add3A_219 = arith.addf %gather3A_213, %gather3A_214 : vector<16xf32>
          tpu.vector_store_idx %arg17[%add3A_218], %add3A_219 masked %lt3A_157 : memref<1024xf32, #tpu.memory_space<vmem>>[vector<16xi32>], vector<16xf32>, vector<16xi1>
        }
        %scan3A_169 = arith.constant 16 : i32
        %sub3A_170 = arith.subi %while3A_126, %mul3A_153 : i32
        %min3A = arith.constant 4 : i32
        %min3A_171 = arith.minsi %min3A, %sub3A_170 : i32
        %slice3A = vector.extract_strided_slice %gather3A_158 {offsets = [0], sizes = [1], strides = [1]} : vector<16xi32> to vector<1xi32>
        %squeeze3A = vector.extract %slice3A[0] : i32 from vector<1xi32>
        %gt3A_172 = arith.constant 0 : i32
        %gt3A_173 = arith.cmpi sgt, %min3A_171, %gt3A_172 : i32
        %convert_element_type3A_174 = arith.extui %gt3A_173 : i1 to i32
        %cond3A_175 = arith.constant 0 : i32
        %cond3A_176 = arith.cmpi ne, %convert_element_type3A_174, %cond3A_175 : i32
        scf.if %cond3A_176 {
          %mul3A_208 = arith.constant 64 : i32
          %mul3A_209 = arith.muli %squeeze3A, %mul3A_208 : i32
          %dma_start3A = arith.constant 0 : i32
          %dma_start3A_210 = tpu.memref_slice %arg17[%dma_start3A] : memref<1024xf32, #tpu.memory_space<vmem>> -> memref<64xf32, #tpu.memory_space<vmem>>
          %dma_start3A_211 = tpu.memref_slice %arg7[%mul3A_209] : memref<1048576xf32, #tpu.memory_space<hbm>> -> memref<64xf32, #tpu.memory_space<hbm>>
          %dma_start3A_212 = tpu.memref_slice %arg7[%mul3A_209] : memref<1048576xf32, #tpu.memory_space<hbm>> -> memref<64xf32, #tpu.memory_space<hbm>>
          %dma_start3A_213 = arith.constant 0 : i32
          %dma_start3A_214 = tpu.memref_slice %arg17[%dma_start3A_213] : memref<1024xf32, #tpu.memory_space<vmem>> -> memref<64xf32, #tpu.memory_space<vmem>>
          tpu.enqueue_dma source(%dma_start3A_214 : memref<64xf32, #tpu.memory_space<vmem>>) target(%dma_start3A_212 : memref<64xf32, #tpu.memory_space<hbm>>) target_semaphore(%arg20 : memref<!tpu.dma_semaphore, #tpu.memory_space<semaphore_mem>>)
        } else {
        }
        %slice3A_177 = vector.extract_strided_slice %gather3A_158 {offsets = [4], sizes = [1], strides = [1]} : vector<16xi32> to vector<1xi32>
        %squeeze3A_178 = vector.extract %slice3A_177[0] : i32 from vector<1xi32>
        %gt3A_179 = arith.constant 1 : i32
        %gt3A_180 = arith.cmpi sgt, %min3A_171, %gt3A_179 : i32
        %convert_element_type3A_181 = arith.extui %gt3A_180 : i1 to i32
        %cond3A_182 = arith.constant 0 : i32
        %cond3A_183 = arith.cmpi ne, %convert_element_type3A_181, %cond3A_182 : i32
        scf.if %cond3A_183 {
          %mul3A_208 = arith.constant 64 : i32
          %mul3A_209 = arith.muli %squeeze3A_178, %mul3A_208 : i32
          %dma_start3A = arith.constant 64 : i32
          %dma_start3A_210 = tpu.memref_slice %arg17[%dma_start3A] : memref<1024xf32, #tpu.memory_space<vmem>> -> memref<64xf32, #tpu.memory_space<vmem>>
          %dma_start3A_211 = tpu.memref_slice %arg7[%mul3A_209] : memref<1048576xf32, #tpu.memory_space<hbm>> -> memref<64xf32, #tpu.memory_space<hbm>>
          %dma_start3A_212 = tpu.memref_slice %arg7[%mul3A_209] : memref<1048576xf32, #tpu.memory_space<hbm>> -> memref<64xf32, #tpu.memory_space<hbm>>
          %dma_start3A_213 = arith.constant 64 : i32
          %dma_start3A_214 = tpu.memref_slice %arg17[%dma_start3A_213] : memref<1024xf32, #tpu.memory_space<vmem>> -> memref<64xf32, #tpu.memory_space<vmem>>
          tpu.enqueue_dma source(%dma_start3A_214 : memref<64xf32, #tpu.memory_space<vmem>>) target(%dma_start3A_212 : memref<64xf32, #tpu.memory_space<hbm>>) target_semaphore(%arg20 : memref<!tpu.dma_semaphore, #tpu.memory_space<semaphore_mem>>)
        } else {
        }
        %slice3A_184 = vector.extract_strided_slice %gather3A_158 {offsets = [8], sizes = [1], strides = [1]} : vector<16xi32> to vector<1xi32>
        %squeeze3A_185 = vector.extract %slice3A_184[0] : i32 from vector<1xi32>
        %gt3A_186 = arith.constant 2 : i32
        %gt3A_187 = arith.cmpi sgt, %min3A_171, %gt3A_186 : i32
        %convert_element_type3A_188 = arith.extui %gt3A_187 : i1 to i32
        %cond3A_189 = arith.constant 0 : i32
        %cond3A_190 = arith.cmpi ne, %convert_element_type3A_188, %cond3A_189 : i32
        scf.if %cond3A_190 {
          %mul3A_208 = arith.constant 64 : i32
          %mul3A_209 = arith.muli %squeeze3A_185, %mul3A_208 : i32
          %dma_start3A = arith.constant 128 : i32
          %dma_start3A_210 = tpu.memref_slice %arg17[%dma_start3A] : memref<1024xf32, #tpu.memory_space<vmem>> -> memref<64xf32, #tpu.memory_space<vmem>>
          %dma_start3A_211 = tpu.memref_slice %arg7[%mul3A_209] : memref<1048576xf32, #tpu.memory_space<hbm>> -> memref<64xf32, #tpu.memory_space<hbm>>
          %dma_start3A_212 = tpu.memref_slice %arg7[%mul3A_209] : memref<1048576xf32, #tpu.memory_space<hbm>> -> memref<64xf32, #tpu.memory_space<hbm>>
          %dma_start3A_213 = arith.constant 128 : i32
          %dma_start3A_214 = tpu.memref_slice %arg17[%dma_start3A_213] : memref<1024xf32, #tpu.memory_space<vmem>> -> memref<64xf32, #tpu.memory_space<vmem>>
          tpu.enqueue_dma source(%dma_start3A_214 : memref<64xf32, #tpu.memory_space<vmem>>) target(%dma_start3A_212 : memref<64xf32, #tpu.memory_space<hbm>>) target_semaphore(%arg20 : memref<!tpu.dma_semaphore, #tpu.memory_space<semaphore_mem>>)
        } else {
        }
        %slice3A_191 = vector.extract_strided_slice %gather3A_158 {offsets = [12], sizes = [1], strides = [1]} : vector<16xi32> to vector<1xi32>
        %squeeze3A_192 = vector.extract %slice3A_191[0] : i32 from vector<1xi32>
        %gt3A_193 = arith.constant 3 : i32
        %gt3A_194 = arith.cmpi sgt, %min3A_171, %gt3A_193 : i32
        %convert_element_type3A_195 = arith.extui %gt3A_194 : i1 to i32
        %cond3A_196 = arith.constant 0 : i32
        %cond3A_197 = arith.cmpi ne, %convert_element_type3A_195, %cond3A_196 : i32
        scf.if %cond3A_197 {
          %mul3A_208 = arith.constant 64 : i32
          %mul3A_209 = arith.muli %squeeze3A_192, %mul3A_208 : i32
          %dma_start3A = arith.constant 192 : i32
          %dma_start3A_210 = tpu.memref_slice %arg17[%dma_start3A] : memref<1024xf32, #tpu.memory_space<vmem>> -> memref<64xf32, #tpu.memory_space<vmem>>
          %dma_start3A_211 = tpu.memref_slice %arg7[%mul3A_209] : memref<1048576xf32, #tpu.memory_space<hbm>> -> memref<64xf32, #tpu.memory_space<hbm>>
          %dma_start3A_212 = tpu.memref_slice %arg7[%mul3A_209] : memref<1048576xf32, #tpu.memory_space<hbm>> -> memref<64xf32, #tpu.memory_space<hbm>>
          %dma_start3A_213 = arith.constant 192 : i32
          %dma_start3A_214 = tpu.memref_slice %arg17[%dma_start3A_213] : memref<1024xf32, #tpu.memory_space<vmem>> -> memref<64xf32, #tpu.memory_space<vmem>>
          tpu.enqueue_dma source(%dma_start3A_214 : memref<64xf32, #tpu.memory_space<vmem>>) target(%dma_start3A_212 : memref<64xf32, #tpu.memory_space<hbm>>) target_semaphore(%arg20 : memref<!tpu.dma_semaphore, #tpu.memory_space<semaphore_mem>>)
        } else {
        }
        %while3A_198 = arith.constant 0 : i32
        %while3A_199 = arith.constant 0 : i32
        %while3A_200 = arith.subi %min3A_171, %while3A_199 : i32
        %while3A_201 = arith.addi %while3A_199, %while3A_200 : i32
        %while3A_202 = arith.constant 1 : i32
        %while3A_203 = arith.divsi %while3A_200, %while3A_202 : i32
        %while3A_204 = arith.muli %while3A_203, %while3A_202 : i32
        %while3A_205 = arith.addi %while3A_199, %while3A_204 : i32
        %while3A_206 = arith.constant 1 : i32
        scf.for %while3A_208 = %while3A_199 to %while3A_205 step %while3A_206  : i32 {
          %dma_wait3A_209 = arith.constant 0 : i32
          %dma_wait3A_210 = tpu.memref_slice %arg17[%dma_wait3A_209] : memref<1024xf32, #tpu.memory_space<vmem>> -> memref<64xf32, #tpu.memory_space<vmem>>
          %dma_wait3A_211 = arith.constant 0 : i32
          %dma_wait3A_212 = tpu.memref_slice %arg7[%dma_wait3A_211] : memref<1048576xf32, #tpu.memory_space<hbm>> -> memref<64xf32, #tpu.memory_space<hbm>>
          %dma_wait3A_213 = arith.constant 0 : i32
          %dma_wait3A_214 = tpu.memref_slice %arg7[%dma_wait3A_213] : memref<1048576xf32, #tpu.memory_space<hbm>> -> memref<64xf32, #tpu.memory_space<hbm>>
          %dma_wait3A_215 = arith.constant 0 : i32
          %dma_wait3A_216 = tpu.memref_slice %arg17[%dma_wait3A_215] : memref<1024xf32, #tpu.memory_space<vmem>> -> memref<64xf32, #tpu.memory_space<vmem>>
          tpu.wait_dma2 semaphore(%arg20 : memref<!tpu.dma_semaphore, #tpu.memory_space<semaphore_mem>>) src(%dma_wait3A_216 : memref<64xf32, #tpu.memory_space<vmem>>) dst(%dma_wait3A_214 : memref<64xf32, #tpu.memory_space<hbm>>)
        }
        %while3A_207 = arith.constant 1 : i32
        scf.for %while3A_208 = %while3A_205 to %while3A_201 step %while3A_207  : i32 {
          %dma_wait3A_209 = arith.constant 0 : i32
          %dma_wait3A_210 = tpu.memref_slice %arg17[%dma_wait3A_209] : memref<1024xf32, #tpu.memory_space<vmem>> -> memref<64xf32, #tpu.memory_space<vmem>>
          %dma_wait3A_211 = arith.constant 0 : i32
          %dma_wait3A_212 = tpu.memref_slice %arg7[%dma_wait3A_211] : memref<1048576xf32, #tpu.memory_space<hbm>> -> memref<64xf32, #tpu.memory_space<hbm>>
          %dma_wait3A_213 = arith.constant 0 : i32
          %dma_wait3A_214 = tpu.memref_slice %arg7[%dma_wait3A_213] : memref<1048576xf32, #tpu.memory_space<hbm>> -> memref<64xf32, #tpu.memory_space<hbm>>
          %dma_wait3A_215 = arith.constant 0 : i32
          %dma_wait3A_216 = tpu.memref_slice %arg17[%dma_wait3A_215] : memref<1024xf32, #tpu.memory_space<vmem>> -> memref<64xf32, #tpu.memory_space<vmem>>
          tpu.wait_dma2 semaphore(%arg20 : memref<!tpu.dma_semaphore, #tpu.memory_space<semaphore_mem>>) src(%dma_wait3A_216 : memref<64xf32, #tpu.memory_space<vmem>>) dst(%dma_wait3A_214 : memref<64xf32, #tpu.memory_space<hbm>>)
        }
      }
      %while3A_146 = arith.constant 1 : i32
      scf.for %while3A_151 = %while3A_144 to %while3A_140 step %while3A_146  : i32 {
        %mul3A_152 = arith.constant 4 : i32
        %mul3A_153 = arith.muli %while3A_151, %mul3A_152 : i32
        %add3A_154 = vector.broadcast %mul3A_153 : i32 to vector<16xi32>
        %add3A_155 = arith.addi %add3A_154, %shift_right_arithmetic3A_129 : vector<16xi32>
        %lt3A_156 = vector.broadcast %while3A_126 : i32 to vector<16xi32>
        %lt3A_157 = arith.cmpi slt, %add3A_155, %lt3A_156 : vector<16xi32>
        %gather3A = tpu.vector_load_idx %arg12[%add3A_155] masked %lt3A_157 : memref<1040xi32, #tpu.memory_space<vmem>>[vector<16xi32>], vector<16xi32>, vector<16xi1>
        %gather3A_158 = tpu.vector_load_idx %arg13[%add3A_155] masked %lt3A_157 : memref<1040xi32, #tpu.memory_space<vmem>>[vector<16xi32>], vector<16xi32>, vector<16xi1>
        %gather3A_159 = tpu.vector_load_idx %arg9[%gather3A_158] masked %lt3A_157 : memref<16384xi32, #tpu.memory_space<vmem>>[vector<16xi32>], vector<16xi32>, vector<16xi1>
        %mul3A_160 = arith.constant 64 : i32
        %mul3A_161 = vector.broadcast %mul3A_160 : i32 to vector<16xi32>
        %mul3A_162 = arith.muli %shift_right_arithmetic3A_129, %mul3A_161 : vector<16xi32>
        %add3A_163 = arith.addi %mul3A_162, %and3A_132 : vector<16xi32>
        %scan3A_164 = arith.constant 0 : i32
        %scan3A_165 = arith.constant 0 : i32
        %scan3A_166 = arith.constant 16 : i32
        %scan3A_167 = arith.addi %scan3A_165, %scan3A_166 : i32
        %scan3A_168 = arith.constant 1 : i32
        scf.for %scan3A_208 = %scan3A_165 to %scan3A_167 step %scan3A_168  : i32 {
          %mul3A_209 = arith.constant 4 : i32
          %mul3A_210 = arith.muli %scan3A_208, %mul3A_209 : i32
          %add3A_211 = vector.broadcast %mul3A_210 : i32 to vector<16xi32>
          %add3A_212 = arith.addi %and3A_132, %add3A_211 : vector<16xi32>
          %gather3A_213 = tpu.vector_load_idx %arg14[%add3A_108, %add3A_212, %gather3A] masked %lt3A_157 : memref<2x64x256xf32, #tpu.memory_space<vmem>>[vector<16xi32>, vector<16xi32>, vector<16xi32>], vector<16xf32>, vector<16xi1>
          %gather3A_214 = tpu.vector_load_idx %arg15[%add3A_212, %gather3A_159] masked %lt3A_157 : memref<64x1000xf32, #tpu.memory_space<vmem>>[vector<16xi32>, vector<16xi32>], vector<16xf32>, vector<16xi1>
          %mul3A_215 = arith.constant 4 : i32
          %mul3A_216 = arith.muli %scan3A_208, %mul3A_215 : i32
          %add3A_217 = vector.broadcast %mul3A_216 : i32 to vector<16xi32>
          %add3A_218 = arith.addi %add3A_163, %add3A_217 : vector<16xi32>
          %add3A_219 = arith.addf %gather3A_213, %gather3A_214 : vector<16xf32>
          tpu.vector_store_idx %arg17[%add3A_218], %add3A_219 masked %lt3A_157 : memref<1024xf32, #tpu.memory_space<vmem>>[vector<16xi32>], vector<16xf32>, vector<16xi1>
        }
        %scan3A_169 = arith.constant 16 : i32
        %sub3A_170 = arith.subi %while3A_126, %mul3A_153 : i32
        %min3A = arith.constant 4 : i32
        %min3A_171 = arith.minsi %min3A, %sub3A_170 : i32
        %slice3A = vector.extract_strided_slice %gather3A_158 {offsets = [0], sizes = [1], strides = [1]} : vector<16xi32> to vector<1xi32>
        %squeeze3A = vector.extract %slice3A[0] : i32 from vector<1xi32>
        %gt3A_172 = arith.constant 0 : i32
        %gt3A_173 = arith.cmpi sgt, %min3A_171, %gt3A_172 : i32
        %convert_element_type3A_174 = arith.extui %gt3A_173 : i1 to i32
        %cond3A_175 = arith.constant 0 : i32
        %cond3A_176 = arith.cmpi ne, %convert_element_type3A_174, %cond3A_175 : i32
        scf.if %cond3A_176 {
          %mul3A_208 = arith.constant 64 : i32
          %mul3A_209 = arith.muli %squeeze3A, %mul3A_208 : i32
          %dma_start3A = arith.constant 0 : i32
          %dma_start3A_210 = tpu.memref_slice %arg17[%dma_start3A] : memref<1024xf32, #tpu.memory_space<vmem>> -> memref<64xf32, #tpu.memory_space<vmem>>
          %dma_start3A_211 = tpu.memref_slice %arg7[%mul3A_209] : memref<1048576xf32, #tpu.memory_space<hbm>> -> memref<64xf32, #tpu.memory_space<hbm>>
          %dma_start3A_212 = tpu.memref_slice %arg7[%mul3A_209] : memref<1048576xf32, #tpu.memory_space<hbm>> -> memref<64xf32, #tpu.memory_space<hbm>>
          %dma_start3A_213 = arith.constant 0 : i32
          %dma_start3A_214 = tpu.memref_slice %arg17[%dma_start3A_213] : memref<1024xf32, #tpu.memory_space<vmem>> -> memref<64xf32, #tpu.memory_space<vmem>>
          tpu.enqueue_dma source(%dma_start3A_214 : memref<64xf32, #tpu.memory_space<vmem>>) target(%dma_start3A_212 : memref<64xf32, #tpu.memory_space<hbm>>) target_semaphore(%arg20 : memref<!tpu.dma_semaphore, #tpu.memory_space<semaphore_mem>>)
        } else {
        }
        %slice3A_177 = vector.extract_strided_slice %gather3A_158 {offsets = [4], sizes = [1], strides = [1]} : vector<16xi32> to vector<1xi32>
        %squeeze3A_178 = vector.extract %slice3A_177[0] : i32 from vector<1xi32>
        %gt3A_179 = arith.constant 1 : i32
        %gt3A_180 = arith.cmpi sgt, %min3A_171, %gt3A_179 : i32
        %convert_element_type3A_181 = arith.extui %gt3A_180 : i1 to i32
        %cond3A_182 = arith.constant 0 : i32
        %cond3A_183 = arith.cmpi ne, %convert_element_type3A_181, %cond3A_182 : i32
        scf.if %cond3A_183 {
          %mul3A_208 = arith.constant 64 : i32
          %mul3A_209 = arith.muli %squeeze3A_178, %mul3A_208 : i32
          %dma_start3A = arith.constant 64 : i32
          %dma_start3A_210 = tpu.memref_slice %arg17[%dma_start3A] : memref<1024xf32, #tpu.memory_space<vmem>> -> memref<64xf32, #tpu.memory_space<vmem>>
          %dma_start3A_211 = tpu.memref_slice %arg7[%mul3A_209] : memref<1048576xf32, #tpu.memory_space<hbm>> -> memref<64xf32, #tpu.memory_space<hbm>>
          %dma_start3A_212 = tpu.memref_slice %arg7[%mul3A_209] : memref<1048576xf32, #tpu.memory_space<hbm>> -> memref<64xf32, #tpu.memory_space<hbm>>
          %dma_start3A_213 = arith.constant 64 : i32
          %dma_start3A_214 = tpu.memref_slice %arg17[%dma_start3A_213] : memref<1024xf32, #tpu.memory_space<vmem>> -> memref<64xf32, #tpu.memory_space<vmem>>
          tpu.enqueue_dma source(%dma_start3A_214 : memref<64xf32, #tpu.memory_space<vmem>>) target(%dma_start3A_212 : memref<64xf32, #tpu.memory_space<hbm>>) target_semaphore(%arg20 : memref<!tpu.dma_semaphore, #tpu.memory_space<semaphore_mem>>)
        } else {
        }
        %slice3A_184 = vector.extract_strided_slice %gather3A_158 {offsets = [8], sizes = [1], strides = [1]} : vector<16xi32> to vector<1xi32>
        %squeeze3A_185 = vector.extract %slice3A_184[0] : i32 from vector<1xi32>
        %gt3A_186 = arith.constant 2 : i32
        %gt3A_187 = arith.cmpi sgt, %min3A_171, %gt3A_186 : i32
        %convert_element_type3A_188 = arith.extui %gt3A_187 : i1 to i32
        %cond3A_189 = arith.constant 0 : i32
        %cond3A_190 = arith.cmpi ne, %convert_element_type3A_188, %cond3A_189 : i32
        scf.if %cond3A_190 {
          %mul3A_208 = arith.constant 64 : i32
          %mul3A_209 = arith.muli %squeeze3A_185, %mul3A_208 : i32
          %dma_start3A = arith.constant 128 : i32
          %dma_start3A_210 = tpu.memref_slice %arg17[%dma_start3A] : memref<1024xf32, #tpu.memory_space<vmem>> -> memref<64xf32, #tpu.memory_space<vmem>>
          %dma_start3A_211 = tpu.memref_slice %arg7[%mul3A_209] : memref<1048576xf32, #tpu.memory_space<hbm>> -> memref<64xf32, #tpu.memory_space<hbm>>
          %dma_start3A_212 = tpu.memref_slice %arg7[%mul3A_209] : memref<1048576xf32, #tpu.memory_space<hbm>> -> memref<64xf32, #tpu.memory_space<hbm>>
          %dma_start3A_213 = arith.constant 128 : i32
          %dma_start3A_214 = tpu.memref_slice %arg17[%dma_start3A_213] : memref<1024xf32, #tpu.memory_space<vmem>> -> memref<64xf32, #tpu.memory_space<vmem>>
          tpu.enqueue_dma source(%dma_start3A_214 : memref<64xf32, #tpu.memory_space<vmem>>) target(%dma_start3A_212 : memref<64xf32, #tpu.memory_space<hbm>>) target_semaphore(%arg20 : memref<!tpu.dma_semaphore, #tpu.memory_space<semaphore_mem>>)
        } else {
        }
        %slice3A_191 = vector.extract_strided_slice %gather3A_158 {offsets = [12], sizes = [1], strides = [1]} : vector<16xi32> to vector<1xi32>
        %squeeze3A_192 = vector.extract %slice3A_191[0] : i32 from vector<1xi32>
        %gt3A_193 = arith.constant 3 : i32
        %gt3A_194 = arith.cmpi sgt, %min3A_171, %gt3A_193 : i32
        %convert_element_type3A_195 = arith.extui %gt3A_194 : i1 to i32
        %cond3A_196 = arith.constant 0 : i32
        %cond3A_197 = arith.cmpi ne, %convert_element_type3A_195, %cond3A_196 : i32
        scf.if %cond3A_197 {
          %mul3A_208 = arith.constant 64 : i32
          %mul3A_209 = arith.muli %squeeze3A_192, %mul3A_208 : i32
          %dma_start3A = arith.constant 192 : i32
          %dma_start3A_210 = tpu.memref_slice %arg17[%dma_start3A] : memref<1024xf32, #tpu.memory_space<vmem>> -> memref<64xf32, #tpu.memory_space<vmem>>
          %dma_start3A_211 = tpu.memref_slice %arg7[%mul3A_209] : memref<1048576xf32, #tpu.memory_space<hbm>> -> memref<64xf32, #tpu.memory_space<hbm>>
          %dma_start3A_212 = tpu.memref_slice %arg7[%mul3A_209] : memref<1048576xf32, #tpu.memory_space<hbm>> -> memref<64xf32, #tpu.memory_space<hbm>>
          %dma_start3A_213 = arith.constant 192 : i32
          %dma_start3A_214 = tpu.memref_slice %arg17[%dma_start3A_213] : memref<1024xf32, #tpu.memory_space<vmem>> -> memref<64xf32, #tpu.memory_space<vmem>>
          tpu.enqueue_dma source(%dma_start3A_214 : memref<64xf32, #tpu.memory_space<vmem>>) target(%dma_start3A_212 : memref<64xf32, #tpu.memory_space<hbm>>) target_semaphore(%arg20 : memref<!tpu.dma_semaphore, #tpu.memory_space<semaphore_mem>>)
        } else {
        }
        %while3A_198 = arith.constant 0 : i32
        %while3A_199 = arith.constant 0 : i32
        %while3A_200 = arith.subi %min3A_171, %while3A_199 : i32
        %while3A_201 = arith.addi %while3A_199, %while3A_200 : i32
        %while3A_202 = arith.constant 1 : i32
        %while3A_203 = arith.divsi %while3A_200, %while3A_202 : i32
        %while3A_204 = arith.muli %while3A_203, %while3A_202 : i32
        %while3A_205 = arith.addi %while3A_199, %while3A_204 : i32
        %while3A_206 = arith.constant 1 : i32
        scf.for %while3A_208 = %while3A_199 to %while3A_205 step %while3A_206  : i32 {
          %dma_wait3A_209 = arith.constant 0 : i32
          %dma_wait3A_210 = tpu.memref_slice %arg17[%dma_wait3A_209] : memref<1024xf32, #tpu.memory_space<vmem>> -> memref<64xf32, #tpu.memory_space<vmem>>
          %dma_wait3A_211 = arith.constant 0 : i32
          %dma_wait3A_212 = tpu.memref_slice %arg7[%dma_wait3A_211] : memref<1048576xf32, #tpu.memory_space<hbm>> -> memref<64xf32, #tpu.memory_space<hbm>>
          %dma_wait3A_213 = arith.constant 0 : i32
          %dma_wait3A_214 = tpu.memref_slice %arg7[%dma_wait3A_213] : memref<1048576xf32, #tpu.memory_space<hbm>> -> memref<64xf32, #tpu.memory_space<hbm>>
          %dma_wait3A_215 = arith.constant 0 : i32
          %dma_wait3A_216 = tpu.memref_slice %arg17[%dma_wait3A_215] : memref<1024xf32, #tpu.memory_space<vmem>> -> memref<64xf32, #tpu.memory_space<vmem>>
          tpu.wait_dma2 semaphore(%arg20 : memref<!tpu.dma_semaphore, #tpu.memory_space<semaphore_mem>>) src(%dma_wait3A_216 : memref<64xf32, #tpu.memory_space<vmem>>) dst(%dma_wait3A_214 : memref<64xf32, #tpu.memory_space<hbm>>)
        }
        %while3A_207 = arith.constant 1 : i32
        scf.for %while3A_208 = %while3A_205 to %while3A_201 step %while3A_207  : i32 {
          %dma_wait3A_209 = arith.constant 0 : i32
          %dma_wait3A_210 = tpu.memref_slice %arg17[%dma_wait3A_209] : memref<1024xf32, #tpu.memory_space<vmem>> -> memref<64xf32, #tpu.memory_space<vmem>>
          %dma_wait3A_211 = arith.constant 0 : i32
          %dma_wait3A_212 = tpu.memref_slice %arg7[%dma_wait3A_211] : memref<1048576xf32, #tpu.memory_space<hbm>> -> memref<64xf32, #tpu.memory_space<hbm>>
          %dma_wait3A_213 = arith.constant 0 : i32
          %dma_wait3A_214 = tpu.memref_slice %arg7[%dma_wait3A_213] : memref<1048576xf32, #tpu.memory_space<hbm>> -> memref<64xf32, #tpu.memory_space<hbm>>
          %dma_wait3A_215 = arith.constant 0 : i32
          %dma_wait3A_216 = tpu.memref_slice %arg17[%dma_wait3A_215] : memref<1024xf32, #tpu.memory_space<vmem>> -> memref<64xf32, #tpu.memory_space<vmem>>
          tpu.wait_dma2 semaphore(%arg20 : memref<!tpu.dma_semaphore, #tpu.memory_space<semaphore_mem>>) src(%dma_wait3A_216 : memref<64xf32, #tpu.memory_space<vmem>>) dst(%dma_wait3A_214 : memref<64xf32, #tpu.memory_space<hbm>>)
        }
      }
      %lt3A_147 = arith.cmpi slt, %add3A_86, %sub3A : i32
      %convert_element_type3A_148 = arith.extui %lt3A_147 : i1 to i32
      %cond3A_149 = arith.constant 0 : i32
      %cond3A_150 = arith.cmpi ne, %convert_element_type3A_148, %cond3A_149 : i32
      scf.if %cond3A_150 {
        %add3A_151 = arith.constant 1 : i32
        %add3A_152 = arith.addi %add3A_86, %add3A_151 : i32
        %lt3A_153 = arith.cmpi slt, %add3A_152, %sub3A : i32
        %convert_element_type3A_154 = arith.extui %lt3A_153 : i1 to i32
        %cond3A_155 = arith.constant 0 : i32
        %cond3A_156 = arith.cmpi ne, %convert_element_type3A_154, %cond3A_155 : i32
        scf.if %cond3A_156 {
          %add3A_215 = arith.constant 1 : i32
          %add3A_216 = arith.addi %add3A_86, %add3A_215 : i32
          %mul3A_217 = arith.constant 256 : i32
          %mul3A_218 = arith.muli %add3A_216, %mul3A_217 : i32
          %add3A_219 = arith.addi %shift_left3A_12, %mul3A_218 : i32
          %multiple_of3A = tpu.assume_multiple %add3A_219, 256 : i32
          %dma_start3A = arith.constant 0 : i32
          %dma_start3A_220 = arith.constant 0 : i32
          %dma_start3A_221 = arith.constant 0 : i32
          %dma_start3A_222 = tpu.memref_slice %arg14[%dma_start3A, %dma_start3A_220, %dma_start3A_221] : memref<2x64x256xf32, #tpu.memory_space<vmem>> -> memref<1x64x256xf32, #tpu.memory_space<vmem>>
          %dma_start3A_223 = tpu.memref_squeeze %dma_start3A_222 : memref<1x64x256xf32, #tpu.memory_space<vmem>> -> memref<64x256xf32, #tpu.memory_space<vmem>>
          %dma_start3A_224 = arith.constant 0 : i32
          %dma_start3A_225 = tpu.memref_slice %arg4[%dma_start3A_224, %multiple_of3A] : memref<64x1000000xf32, #tpu.memory_space<hbm>> -> memref<64x256xf32, #tpu.memory_space<hbm>>
          %dma_start3A_226 = arith.constant 0 : i32
          %dma_start3A_227 = arith.constant 0 : i32
          %dma_start3A_228 = tpu.memref_slice %arg14[%dma_start3A, %dma_start3A_226, %dma_start3A_227] : memref<2x64x256xf32, #tpu.memory_space<vmem>> -> memref<1x64x256xf32, #tpu.memory_space<vmem>>
          %dma_start3A_229 = tpu.memref_squeeze %dma_start3A_228 : memref<1x64x256xf32, #tpu.memory_space<vmem>> -> memref<64x256xf32, #tpu.memory_space<vmem>>
          %dma_start3A_230 = arith.constant 0 : i32
          %dma_start3A_231 = tpu.memref_slice %arg4[%dma_start3A_230, %multiple_of3A] : memref<64x1000000xf32, #tpu.memory_space<hbm>> -> memref<64x256xf32, #tpu.memory_space<hbm>>
          tpu.enqueue_dma source(%dma_start3A_231 : memref<64x256xf32, #tpu.memory_space<hbm>>) target(%dma_start3A_229 : memref<64x256xf32, #tpu.memory_space<vmem>>) target_semaphore(%arg18 : memref<!tpu.dma_semaphore, #tpu.memory_space<semaphore_mem>>)
        } else {
        }
        %dma_wait3A_157 = arith.constant 1 : i32
        %dma_wait3A_158 = arith.constant 0 : i32
        %dma_wait3A_159 = arith.constant 0 : i32
        %dma_wait3A_160 = tpu.memref_slice %arg14[%dma_wait3A_157, %dma_wait3A_158, %dma_wait3A_159] : memref<2x64x256xf32, #tpu.memory_space<vmem>> -> memref<1x64x256xf32, #tpu.memory_space<vmem>>
        %dma_wait3A_161 = tpu.memref_squeeze %dma_wait3A_160 : memref<1x64x256xf32, #tpu.memory_space<vmem>> -> memref<64x256xf32, #tpu.memory_space<vmem>>
        %dma_wait3A_162 = arith.constant 0 : i32
        %dma_wait3A_163 = arith.constant 0 : i32
        %dma_wait3A_164 = tpu.memref_slice %arg4[%dma_wait3A_162, %dma_wait3A_163] : memref<64x1000000xf32, #tpu.memory_space<hbm>> -> memref<64x256xf32, #tpu.memory_space<hbm>>
        %dma_wait3A_165 = arith.constant 0 : i32
        %dma_wait3A_166 = arith.constant 0 : i32
        %dma_wait3A_167 = tpu.memref_slice %arg14[%dma_wait3A_157, %dma_wait3A_165, %dma_wait3A_166] : memref<2x64x256xf32, #tpu.memory_space<vmem>> -> memref<1x64x256xf32, #tpu.memory_space<vmem>>
        %dma_wait3A_168 = tpu.memref_squeeze %dma_wait3A_167 : memref<1x64x256xf32, #tpu.memory_space<vmem>> -> memref<64x256xf32, #tpu.memory_space<vmem>>
        %dma_wait3A_169 = arith.constant 0 : i32
        %dma_wait3A_170 = arith.constant 0 : i32
        %dma_wait3A_171 = tpu.memref_slice %arg4[%dma_wait3A_169, %dma_wait3A_170] : memref<64x1000000xf32, #tpu.memory_space<hbm>> -> memref<64x256xf32, #tpu.memory_space<hbm>>
        tpu.wait_dma2 semaphore(%arg19 : memref<!tpu.dma_semaphore, #tpu.memory_space<semaphore_mem>>) src(%dma_wait3A_171 : memref<64x256xf32, #tpu.memory_space<hbm>>) dst(%dma_wait3A_168 : memref<64x256xf32, #tpu.memory_space<vmem>>)
        %broadcast_in_dim3A_172 = arith.constant 0 : i32
        %broadcast_in_dim3A_173 = vector.broadcast %broadcast_in_dim3A_172 : i32 to vector<16xi32>
        %add3A_174 = arith.constant 1 : i32
        %add3A_175 = vector.broadcast %add3A_174 : i32 to vector<16xi32>
        %add3A_176 = arith.addi %broadcast_in_dim3A_173, %add3A_175 : vector<16xi32>
        %add3A_177 = arith.constant 16 : i32
        %add3A_178 = arith.addi %scan3A_26#1, %add3A_177 : i32
        %sub3A_179 = arith.constant 1 : i32
        %sub3A_180 = arith.subi %add3A_178, %sub3A_179 : i32
        %shift_right_arithmetic3A_181 = arith.constant 4 : i32
        %shift_right_arithmetic3A_182 = arith.shrsi %sub3A_180, %shift_right_arithmetic3A_181 : i32
        %while3A_183 = arith.constant 0 : i32
        %while3A_184 = arith.constant 0 : i32
        %while3A_185 = arith.subi %shift_right_arithmetic3A_182, %while3A_183 : i32
        %while3A_186 = arith.addi %while3A_183, %while3A_185 : i32
        %while3A_187 = arith.constant 1 : i32
        %while3A_188 = arith.divsi %while3A_185, %while3A_187 : i32
        %while3A_189 = arith.muli %while3A_188, %while3A_187 : i32
        %while3A_190 = arith.addi %while3A_183, %while3A_189 : i32
        %while3A_191 = arith.constant 1 : i32
        %while3A_192 = scf.for %while3A_215 = %while3A_183 to %while3A_190 step %while3A_191 iter_args(%while3A_216 = %while3A_184) -> (i32)  : i32 {
          %mul3A_217 = arith.constant 16 : i32
          %mul3A_218 = arith.muli %while3A_215, %mul3A_217 : i32
          %get3A = arith.index_cast %mul3A_218 : i32 to index
          %get3A_219 = tpu.vector_load %arg10[%get3A] {strides = array<i32>} : memref<1040xi32, #tpu.memory_space<vmem>>, vector<16xi32>,
          %get3A_220 = arith.index_cast %mul3A_218 : i32 to index
          %get3A_221 = tpu.vector_load %arg11[%get3A_220] {strides = array<i32>} : memref<1040xi32, #tpu.memory_space<vmem>>, vector<16xi32>,
          %shift_right_arithmetic3A_222 = arith.constant 8 : i32
          %shift_right_arithmetic3A_223 = vector.broadcast %shift_right_arithmetic3A_222 : i32 to vector<16xi32>
          %shift_right_arithmetic3A_224 = arith.shrsi %get3A_219, %shift_right_arithmetic3A_223 : vector<16xi32>
          %eq3A_225 = vector.broadcast %add3A_86 : i32 to vector<16xi32>
          %eq3A_226 = arith.cmpi eq, %shift_right_arithmetic3A_224, %eq3A_225 : vector<16xi32>
          %and3A_227 = arith.constant 255 : i32
          %and3A_228 = vector.broadcast %and3A_227 : i32 to vector<16xi32>
          %and3A_229 = arith.andi %get3A_219, %and3A_228 : vector<16xi32>
          %swap3A_230 = arith.index_cast %while3A_216 : i32 to index
          %swap3A_231 = tpu.vector_load %arg12[%swap3A_230] masked %eq3A_226 {strides = array<i32>} : memref<1040xi32, #tpu.memory_space<vmem>>, vector<16xi32>, vector<16xi1>
          tpu.vector_store %arg12[%swap3A_230], %and3A_229 masked %eq3A_226 {strides = array<i32>} : memref<1040xi32, #tpu.memory_space<vmem>>, vector<16xi32>, vector<16xi1>
          %swap3A_232 = arith.index_cast %while3A_216 : i32 to index
          %swap3A_233 = tpu.vector_load %arg13[%swap3A_232] masked %eq3A_226 {strides = array<i32>} : memref<1040xi32, #tpu.memory_space<vmem>>, vector<16xi32>, vector<16xi1>
          tpu.vector_store %arg13[%swap3A_232], %get3A_221 masked %eq3A_226 {strides = array<i32>} : memref<1040xi32, #tpu.memory_space<vmem>>, vector<16xi32>, vector<16xi1>
          %all_reduce_population_count3A = tpu.all_reduce %eq3A_226 {dim = 0 : i64, kind = #tpu.reduction_kind<sum>} : vector<16xi1> -> vector<16xi32>
          %slice3A = vector.extract_strided_slice %all_reduce_population_count3A {offsets = [0], sizes = [1], strides = [1]} : vector<16xi32> to vector<1xi32>
          %squeeze3A = vector.extract %slice3A[0] : i32 from vector<1xi32>
          %add3A_234 = arith.addi %while3A_216, %squeeze3A : i32
          scf.yield %add3A_234 : i32
        }
        %while3A_193 = arith.constant 1 : i32
        %while3A_194 = scf.for %while3A_215 = %while3A_190 to %while3A_186 step %while3A_193 iter_args(%while3A_216 = %while3A_192) -> (i32)  : i32 {
          %mul3A_217 = arith.constant 16 : i32
          %mul3A_218 = arith.muli %while3A_215, %mul3A_217 : i32
          %get3A = arith.index_cast %mul3A_218 : i32 to index
          %get3A_219 = tpu.vector_load %arg10[%get3A] {strides = array<i32>} : memref<1040xi32, #tpu.memory_space<vmem>>, vector<16xi32>,
          %get3A_220 = arith.index_cast %mul3A_218 : i32 to index
          %get3A_221 = tpu.vector_load %arg11[%get3A_220] {strides = array<i32>} : memref<1040xi32, #tpu.memory_space<vmem>>, vector<16xi32>,
          %shift_right_arithmetic3A_222 = arith.constant 8 : i32
          %shift_right_arithmetic3A_223 = vector.broadcast %shift_right_arithmetic3A_222 : i32 to vector<16xi32>
          %shift_right_arithmetic3A_224 = arith.shrsi %get3A_219, %shift_right_arithmetic3A_223 : vector<16xi32>
          %eq3A_225 = vector.broadcast %add3A_86 : i32 to vector<16xi32>
          %eq3A_226 = arith.cmpi eq, %shift_right_arithmetic3A_224, %eq3A_225 : vector<16xi32>
          %and3A_227 = arith.constant 255 : i32
          %and3A_228 = vector.broadcast %and3A_227 : i32 to vector<16xi32>
          %and3A_229 = arith.andi %get3A_219, %and3A_228 : vector<16xi32>
          %swap3A_230 = arith.index_cast %while3A_216 : i32 to index
          %swap3A_231 = tpu.vector_load %arg12[%swap3A_230] masked %eq3A_226 {strides = array<i32>} : memref<1040xi32, #tpu.memory_space<vmem>>, vector<16xi32>, vector<16xi1>
          tpu.vector_store %arg12[%swap3A_230], %and3A_229 masked %eq3A_226 {strides = array<i32>} : memref<1040xi32, #tpu.memory_space<vmem>>, vector<16xi32>, vector<16xi1>
          %swap3A_232 = arith.index_cast %while3A_216 : i32 to index
          %swap3A_233 = tpu.vector_load %arg13[%swap3A_232] masked %eq3A_226 {strides = array<i32>} : memref<1040xi32, #tpu.memory_space<vmem>>, vector<16xi32>, vector<16xi1>
          tpu.vector_store %arg13[%swap3A_232], %get3A_221 masked %eq3A_226 {strides = array<i32>} : memref<1040xi32, #tpu.memory_space<vmem>>, vector<16xi32>, vector<16xi1>
          %all_reduce_population_count3A = tpu.all_reduce %eq3A_226 {dim = 0 : i64, kind = #tpu.reduction_kind<sum>} : vector<16xi1> -> vector<16xi32>
          %slice3A = vector.extract_strided_slice %all_reduce_population_count3A {offsets = [0], sizes = [1], strides = [1]} : vector<16xi32> to vector<1xi32>
          %squeeze3A = vector.extract %slice3A[0] : i32 from vector<1xi32>
          %add3A_234 = arith.addi %while3A_216, %squeeze3A : i32
          scf.yield %add3A_234 : i32
        }
        %shift_right_arithmetic3A_195 = arith.constant 2 : i32
        %shift_right_arithmetic3A_196 = vector.broadcast %shift_right_arithmetic3A_195 : i32 to vector<16xi32>
        %shift_right_arithmetic3A_197 = arith.shrsi %iota3A, %shift_right_arithmetic3A_196 : vector<16xi32>
        %and3A_198 = arith.constant 3 : i32
        %and3A_199 = vector.broadcast %and3A_198 : i32 to vector<16xi32>
        %and3A_200 = arith.andi %iota3A, %and3A_199 : vector<16xi32>
        %add3A_201 = arith.constant 3 : i32
        %add3A_202 = arith.addi %while3A_194, %add3A_201 : i32
        %shift_right_arithmetic3A_203 = arith.constant 2 : i32
        %shift_right_arithmetic3A_204 = arith.shrsi %add3A_202, %shift_right_arithmetic3A_203 : i32
        %while3A_205 = arith.constant 0 : i32
        %while3A_206 = arith.constant 0 : i32
        %while3A_207 = arith.subi %shift_right_arithmetic3A_204, %while3A_206 : i32
        %while3A_208 = arith.addi %while3A_206, %while3A_207 : i32
        %while3A_209 = arith.constant 1 : i32
        %while3A_210 = arith.divsi %while3A_207, %while3A_209 : i32
        %while3A_211 = arith.muli %while3A_210, %while3A_209 : i32
        %while3A_212 = arith.addi %while3A_206, %while3A_211 : i32
        %while3A_213 = arith.constant 1 : i32
        scf.for %while3A_215 = %while3A_206 to %while3A_212 step %while3A_213  : i32 {
          %mul3A_216 = arith.constant 4 : i32
          %mul3A_217 = arith.muli %while3A_215, %mul3A_216 : i32
          %add3A_218 = vector.broadcast %mul3A_217 : i32 to vector<16xi32>
          %add3A_219 = arith.addi %add3A_218, %shift_right_arithmetic3A_197 : vector<16xi32>
          %lt3A_220 = vector.broadcast %while3A_194 : i32 to vector<16xi32>
          %lt3A_221 = arith.cmpi slt, %add3A_219, %lt3A_220 : vector<16xi32>
          %gather3A = tpu.vector_load_idx %arg12[%add3A_219] masked %lt3A_221 : memref<1040xi32, #tpu.memory_space<vmem>>[vector<16xi32>], vector<16xi32>, vector<16xi1>
          %gather3A_222 = tpu.vector_load_idx %arg13[%add3A_219] masked %lt3A_221 : memref<1040xi32, #tpu.memory_space<vmem>>[vector<16xi32>], vector<16xi32>, vector<16xi1>
          %gather3A_223 = tpu.vector_load_idx %arg9[%gather3A_222] masked %lt3A_221 : memref<16384xi32, #tpu.memory_space<vmem>>[vector<16xi32>], vector<16xi32>, vector<16xi1>
          %mul3A_224 = arith.constant 64 : i32
          %mul3A_225 = vector.broadcast %mul3A_224 : i32 to vector<16xi32>
          %mul3A_226 = arith.muli %shift_right_arithmetic3A_197, %mul3A_225 : vector<16xi32>
          %add3A_227 = arith.addi %mul3A_226, %and3A_200 : vector<16xi32>
          %scan3A_228 = arith.constant 0 : i32
          %scan3A_229 = arith.constant 0 : i32
          %scan3A_230 = arith.constant 16 : i32
          %scan3A_231 = arith.addi %scan3A_229, %scan3A_230 : i32
          %scan3A_232 = arith.constant 1 : i32
          scf.for %scan3A_272 = %scan3A_229 to %scan3A_231 step %scan3A_232  : i32 {
            %mul3A_273 = arith.constant 4 : i32
            %mul3A_274 = arith.muli %scan3A_272, %mul3A_273 : i32
            %add3A_275 = vector.broadcast %mul3A_274 : i32 to vector<16xi32>
            %add3A_276 = arith.addi %and3A_200, %add3A_275 : vector<16xi32>
            %gather3A_277 = tpu.vector_load_idx %arg14[%add3A_176, %add3A_276, %gather3A] masked %lt3A_221 : memref<2x64x256xf32, #tpu.memory_space<vmem>>[vector<16xi32>, vector<16xi32>, vector<16xi32>], vector<16xf32>, vector<16xi1>
            %gather3A_278 = tpu.vector_load_idx %arg15[%add3A_276, %gather3A_223] masked %lt3A_221 : memref<64x1000xf32, #tpu.memory_space<vmem>>[vector<16xi32>, vector<16xi32>], vector<16xf32>, vector<16xi1>
            %mul3A_279 = arith.constant 4 : i32
            %mul3A_280 = arith.muli %scan3A_272, %mul3A_279 : i32
            %add3A_281 = vector.broadcast %mul3A_280 : i32 to vector<16xi32>
            %add3A_282 = arith.addi %add3A_227, %add3A_281 : vector<16xi32>
            %add3A_283 = arith.addf %gather3A_277, %gather3A_278 : vector<16xf32>
            tpu.vector_store_idx %arg17[%add3A_282], %add3A_283 masked %lt3A_221 : memref<1024xf32, #tpu.memory_space<vmem>>[vector<16xi32>], vector<16xf32>, vector<16xi1>
          }
          %scan3A_233 = arith.constant 16 : i32
          %sub3A_234 = arith.subi %while3A_194, %mul3A_217 : i32
          %min3A = arith.constant 4 : i32
          %min3A_235 = arith.minsi %min3A, %sub3A_234 : i32
          %slice3A = vector.extract_strided_slice %gather3A_222 {offsets = [0], sizes = [1], strides = [1]} : vector<16xi32> to vector<1xi32>
          %squeeze3A = vector.extract %slice3A[0] : i32 from vector<1xi32>
          %gt3A_236 = arith.constant 0 : i32
          %gt3A_237 = arith.cmpi sgt, %min3A_235, %gt3A_236 : i32
          %convert_element_type3A_238 = arith.extui %gt3A_237 : i1 to i32
          %cond3A_239 = arith.constant 0 : i32
          %cond3A_240 = arith.cmpi ne, %convert_element_type3A_238, %cond3A_239 : i32
          scf.if %cond3A_240 {
            %mul3A_272 = arith.constant 64 : i32
            %mul3A_273 = arith.muli %squeeze3A, %mul3A_272 : i32
            %dma_start3A = arith.constant 0 : i32
            %dma_start3A_274 = tpu.memref_slice %arg17[%dma_start3A] : memref<1024xf32, #tpu.memory_space<vmem>> -> memref<64xf32, #tpu.memory_space<vmem>>
            %dma_start3A_275 = tpu.memref_slice %arg7[%mul3A_273] : memref<1048576xf32, #tpu.memory_space<hbm>> -> memref<64xf32, #tpu.memory_space<hbm>>
            %dma_start3A_276 = tpu.memref_slice %arg7[%mul3A_273] : memref<1048576xf32, #tpu.memory_space<hbm>> -> memref<64xf32, #tpu.memory_space<hbm>>
            %dma_start3A_277 = arith.constant 0 : i32
            %dma_start3A_278 = tpu.memref_slice %arg17[%dma_start3A_277] : memref<1024xf32, #tpu.memory_space<vmem>> -> memref<64xf32, #tpu.memory_space<vmem>>
            tpu.enqueue_dma source(%dma_start3A_278 : memref<64xf32, #tpu.memory_space<vmem>>) target(%dma_start3A_276 : memref<64xf32, #tpu.memory_space<hbm>>) target_semaphore(%arg20 : memref<!tpu.dma_semaphore, #tpu.memory_space<semaphore_mem>>)
          } else {
          }
          %slice3A_241 = vector.extract_strided_slice %gather3A_222 {offsets = [4], sizes = [1], strides = [1]} : vector<16xi32> to vector<1xi32>
          %squeeze3A_242 = vector.extract %slice3A_241[0] : i32 from vector<1xi32>
          %gt3A_243 = arith.constant 1 : i32
          %gt3A_244 = arith.cmpi sgt, %min3A_235, %gt3A_243 : i32
          %convert_element_type3A_245 = arith.extui %gt3A_244 : i1 to i32
          %cond3A_246 = arith.constant 0 : i32
          %cond3A_247 = arith.cmpi ne, %convert_element_type3A_245, %cond3A_246 : i32
          scf.if %cond3A_247 {
            %mul3A_272 = arith.constant 64 : i32
            %mul3A_273 = arith.muli %squeeze3A_242, %mul3A_272 : i32
            %dma_start3A = arith.constant 64 : i32
            %dma_start3A_274 = tpu.memref_slice %arg17[%dma_start3A] : memref<1024xf32, #tpu.memory_space<vmem>> -> memref<64xf32, #tpu.memory_space<vmem>>
            %dma_start3A_275 = tpu.memref_slice %arg7[%mul3A_273] : memref<1048576xf32, #tpu.memory_space<hbm>> -> memref<64xf32, #tpu.memory_space<hbm>>
            %dma_start3A_276 = tpu.memref_slice %arg7[%mul3A_273] : memref<1048576xf32, #tpu.memory_space<hbm>> -> memref<64xf32, #tpu.memory_space<hbm>>
            %dma_start3A_277 = arith.constant 64 : i32
            %dma_start3A_278 = tpu.memref_slice %arg17[%dma_start3A_277] : memref<1024xf32, #tpu.memory_space<vmem>> -> memref<64xf32, #tpu.memory_space<vmem>>
            tpu.enqueue_dma source(%dma_start3A_278 : memref<64xf32, #tpu.memory_space<vmem>>) target(%dma_start3A_276 : memref<64xf32, #tpu.memory_space<hbm>>) target_semaphore(%arg20 : memref<!tpu.dma_semaphore, #tpu.memory_space<semaphore_mem>>)
          } else {
          }
          %slice3A_248 = vector.extract_strided_slice %gather3A_222 {offsets = [8], sizes = [1], strides = [1]} : vector<16xi32> to vector<1xi32>
          %squeeze3A_249 = vector.extract %slice3A_248[0] : i32 from vector<1xi32>
          %gt3A_250 = arith.constant 2 : i32
          %gt3A_251 = arith.cmpi sgt, %min3A_235, %gt3A_250 : i32
          %convert_element_type3A_252 = arith.extui %gt3A_251 : i1 to i32
          %cond3A_253 = arith.constant 0 : i32
          %cond3A_254 = arith.cmpi ne, %convert_element_type3A_252, %cond3A_253 : i32
          scf.if %cond3A_254 {
            %mul3A_272 = arith.constant 64 : i32
            %mul3A_273 = arith.muli %squeeze3A_249, %mul3A_272 : i32
            %dma_start3A = arith.constant 128 : i32
            %dma_start3A_274 = tpu.memref_slice %arg17[%dma_start3A] : memref<1024xf32, #tpu.memory_space<vmem>> -> memref<64xf32, #tpu.memory_space<vmem>>
            %dma_start3A_275 = tpu.memref_slice %arg7[%mul3A_273] : memref<1048576xf32, #tpu.memory_space<hbm>> -> memref<64xf32, #tpu.memory_space<hbm>>
            %dma_start3A_276 = tpu.memref_slice %arg7[%mul3A_273] : memref<1048576xf32, #tpu.memory_space<hbm>> -> memref<64xf32, #tpu.memory_space<hbm>>
            %dma_start3A_277 = arith.constant 128 : i32
            %dma_start3A_278 = tpu.memref_slice %arg17[%dma_start3A_277] : memref<1024xf32, #tpu.memory_space<vmem>> -> memref<64xf32, #tpu.memory_space<vmem>>
            tpu.enqueue_dma source(%dma_start3A_278 : memref<64xf32, #tpu.memory_space<vmem>>) target(%dma_start3A_276 : memref<64xf32, #tpu.memory_space<hbm>>) target_semaphore(%arg20 : memref<!tpu.dma_semaphore, #tpu.memory_space<semaphore_mem>>)
          } else {
          }
          %slice3A_255 = vector.extract_strided_slice %gather3A_222 {offsets = [12], sizes = [1], strides = [1]} : vector<16xi32> to vector<1xi32>
          %squeeze3A_256 = vector.extract %slice3A_255[0] : i32 from vector<1xi32>
          %gt3A_257 = arith.constant 3 : i32
          %gt3A_258 = arith.cmpi sgt, %min3A_235, %gt3A_257 : i32
          %convert_element_type3A_259 = arith.extui %gt3A_258 : i1 to i32
          %cond3A_260 = arith.constant 0 : i32
          %cond3A_261 = arith.cmpi ne, %convert_element_type3A_259, %cond3A_260 : i32
          scf.if %cond3A_261 {
            %mul3A_272 = arith.constant 64 : i32
            %mul3A_273 = arith.muli %squeeze3A_256, %mul3A_272 : i32
            %dma_start3A = arith.constant 192 : i32
            %dma_start3A_274 = tpu.memref_slice %arg17[%dma_start3A] : memref<1024xf32, #tpu.memory_space<vmem>> -> memref<64xf32, #tpu.memory_space<vmem>>
            %dma_start3A_275 = tpu.memref_slice %arg7[%mul3A_273] : memref<1048576xf32, #tpu.memory_space<hbm>> -> memref<64xf32, #tpu.memory_space<hbm>>
            %dma_start3A_276 = tpu.memref_slice %arg7[%mul3A_273] : memref<1048576xf32, #tpu.memory_space<hbm>> -> memref<64xf32, #tpu.memory_space<hbm>>
            %dma_start3A_277 = arith.constant 192 : i32
            %dma_start3A_278 = tpu.memref_slice %arg17[%dma_start3A_277] : memref<1024xf32, #tpu.memory_space<vmem>> -> memref<64xf32, #tpu.memory_space<vmem>>
            tpu.enqueue_dma source(%dma_start3A_278 : memref<64xf32, #tpu.memory_space<vmem>>) target(%dma_start3A_276 : memref<64xf32, #tpu.memory_space<hbm>>) target_semaphore(%arg20 : memref<!tpu.dma_semaphore, #tpu.memory_space<semaphore_mem>>)
          } else {
          }
          %while3A_262 = arith.constant 0 : i32
          %while3A_263 = arith.constant 0 : i32
          %while3A_264 = arith.subi %min3A_235, %while3A_263 : i32
          %while3A_265 = arith.addi %while3A_263, %while3A_264 : i32
          %while3A_266 = arith.constant 1 : i32
          %while3A_267 = arith.divsi %while3A_264, %while3A_266 : i32
          %while3A_268 = arith.muli %while3A_267, %while3A_266 : i32
          %while3A_269 = arith.addi %while3A_263, %while3A_268 : i32
          %while3A_270 = arith.constant 1 : i32
          scf.for %while3A_272 = %while3A_263 to %while3A_269 step %while3A_270  : i32 {
            %dma_wait3A_273 = arith.constant 0 : i32
            %dma_wait3A_274 = tpu.memref_slice %arg17[%dma_wait3A_273] : memref<1024xf32, #tpu.memory_space<vmem>> -> memref<64xf32, #tpu.memory_space<vmem>>
            %dma_wait3A_275 = arith.constant 0 : i32
            %dma_wait3A_276 = tpu.memref_slice %arg7[%dma_wait3A_275] : memref<1048576xf32, #tpu.memory_space<hbm>> -> memref<64xf32, #tpu.memory_space<hbm>>
            %dma_wait3A_277 = arith.constant 0 : i32
            %dma_wait3A_278 = tpu.memref_slice %arg7[%dma_wait3A_277] : memref<1048576xf32, #tpu.memory_space<hbm>> -> memref<64xf32, #tpu.memory_space<hbm>>
            %dma_wait3A_279 = arith.constant 0 : i32
            %dma_wait3A_280 = tpu.memref_slice %arg17[%dma_wait3A_279] : memref<1024xf32, #tpu.memory_space<vmem>> -> memref<64xf32, #tpu.memory_space<vmem>>
            tpu.wait_dma2 semaphore(%arg20 : memref<!tpu.dma_semaphore, #tpu.memory_space<semaphore_mem>>) src(%dma_wait3A_280 : memref<64xf32, #tpu.memory_space<vmem>>) dst(%dma_wait3A_278 : memref<64xf32, #tpu.memory_space<hbm>>)
          }
          %while3A_271 = arith.constant 1 : i32
          scf.for %while3A_272 = %while3A_269 to %while3A_265 step %while3A_271  : i32 {
            %dma_wait3A_273 = arith.constant 0 : i32
            %dma_wait3A_274 = tpu.memref_slice %arg17[%dma_wait3A_273] : memref<1024xf32, #tpu.memory_space<vmem>> -> memref<64xf32, #tpu.memory_space<vmem>>
            %dma_wait3A_275 = arith.constant 0 : i32
            %dma_wait3A_276 = tpu.memref_slice %arg7[%dma_wait3A_275] : memref<1048576xf32, #tpu.memory_space<hbm>> -> memref<64xf32, #tpu.memory_space<hbm>>
            %dma_wait3A_277 = arith.constant 0 : i32
            %dma_wait3A_278 = tpu.memref_slice %arg7[%dma_wait3A_277] : memref<1048576xf32, #tpu.memory_space<hbm>> -> memref<64xf32, #tpu.memory_space<hbm>>
            %dma_wait3A_279 = arith.constant 0 : i32
            %dma_wait3A_280 = tpu.memref_slice %arg17[%dma_wait3A_279] : memref<1024xf32, #tpu.memory_space<vmem>> -> memref<64xf32, #tpu.memory_space<vmem>>
            tpu.wait_dma2 semaphore(%arg20 : memref<!tpu.dma_semaphore, #tpu.memory_space<semaphore_mem>>) src(%dma_wait3A_280 : memref<64xf32, #tpu.memory_space<vmem>>) dst(%dma_wait3A_278 : memref<64xf32, #tpu.memory_space<hbm>>)
          }
        }
        %while3A_214 = arith.constant 1 : i32
        scf.for %while3A_215 = %while3A_212 to %while3A_208 step %while3A_214  : i32 {
          %mul3A_216 = arith.constant 4 : i32
          %mul3A_217 = arith.muli %while3A_215, %mul3A_216 : i32
          %add3A_218 = vector.broadcast %mul3A_217 : i32 to vector<16xi32>
          %add3A_219 = arith.addi %add3A_218, %shift_right_arithmetic3A_197 : vector<16xi32>
          %lt3A_220 = vector.broadcast %while3A_194 : i32 to vector<16xi32>
          %lt3A_221 = arith.cmpi slt, %add3A_219, %lt3A_220 : vector<16xi32>
          %gather3A = tpu.vector_load_idx %arg12[%add3A_219] masked %lt3A_221 : memref<1040xi32, #tpu.memory_space<vmem>>[vector<16xi32>], vector<16xi32>, vector<16xi1>
          %gather3A_222 = tpu.vector_load_idx %arg13[%add3A_219] masked %lt3A_221 : memref<1040xi32, #tpu.memory_space<vmem>>[vector<16xi32>], vector<16xi32>, vector<16xi1>
          %gather3A_223 = tpu.vector_load_idx %arg9[%gather3A_222] masked %lt3A_221 : memref<16384xi32, #tpu.memory_space<vmem>>[vector<16xi32>], vector<16xi32>, vector<16xi1>
          %mul3A_224 = arith.constant 64 : i32
          %mul3A_225 = vector.broadcast %mul3A_224 : i32 to vector<16xi32>
          %mul3A_226 = arith.muli %shift_right_arithmetic3A_197, %mul3A_225 : vector<16xi32>
          %add3A_227 = arith.addi %mul3A_226, %and3A_200 : vector<16xi32>
          %scan3A_228 = arith.constant 0 : i32
          %scan3A_229 = arith.constant 0 : i32
          %scan3A_230 = arith.constant 16 : i32
          %scan3A_231 = arith.addi %scan3A_229, %scan3A_230 : i32
          %scan3A_232 = arith.constant 1 : i32
          scf.for %scan3A_272 = %scan3A_229 to %scan3A_231 step %scan3A_232  : i32 {
            %mul3A_273 = arith.constant 4 : i32
            %mul3A_274 = arith.muli %scan3A_272, %mul3A_273 : i32
            %add3A_275 = vector.broadcast %mul3A_274 : i32 to vector<16xi32>
            %add3A_276 = arith.addi %and3A_200, %add3A_275 : vector<16xi32>
            %gather3A_277 = tpu.vector_load_idx %arg14[%add3A_176, %add3A_276, %gather3A] masked %lt3A_221 : memref<2x64x256xf32, #tpu.memory_space<vmem>>[vector<16xi32>, vector<16xi32>, vector<16xi32>], vector<16xf32>, vector<16xi1>
            %gather3A_278 = tpu.vector_load_idx %arg15[%add3A_276, %gather3A_223] masked %lt3A_221 : memref<64x1000xf32, #tpu.memory_space<vmem>>[vector<16xi32>, vector<16xi32>], vector<16xf32>, vector<16xi1>
            %mul3A_279 = arith.constant 4 : i32
            %mul3A_280 = arith.muli %scan3A_272, %mul3A_279 : i32
            %add3A_281 = vector.broadcast %mul3A_280 : i32 to vector<16xi32>
            %add3A_282 = arith.addi %add3A_227, %add3A_281 : vector<16xi32>
            %add3A_283 = arith.addf %gather3A_277, %gather3A_278 : vector<16xf32>
            tpu.vector_store_idx %arg17[%add3A_282], %add3A_283 masked %lt3A_221 : memref<1024xf32, #tpu.memory_space<vmem>>[vector<16xi32>], vector<16xf32>, vector<16xi1>
          }
          %scan3A_233 = arith.constant 16 : i32
          %sub3A_234 = arith.subi %while3A_194, %mul3A_217 : i32
          %min3A = arith.constant 4 : i32
          %min3A_235 = arith.minsi %min3A, %sub3A_234 : i32
          %slice3A = vector.extract_strided_slice %gather3A_222 {offsets = [0], sizes = [1], strides = [1]} : vector<16xi32> to vector<1xi32>
          %squeeze3A = vector.extract %slice3A[0] : i32 from vector<1xi32>
          %gt3A_236 = arith.constant 0 : i32
          %gt3A_237 = arith.cmpi sgt, %min3A_235, %gt3A_236 : i32
          %convert_element_type3A_238 = arith.extui %gt3A_237 : i1 to i32
          %cond3A_239 = arith.constant 0 : i32
          %cond3A_240 = arith.cmpi ne, %convert_element_type3A_238, %cond3A_239 : i32
          scf.if %cond3A_240 {
            %mul3A_272 = arith.constant 64 : i32
            %mul3A_273 = arith.muli %squeeze3A, %mul3A_272 : i32
            %dma_start3A = arith.constant 0 : i32
            %dma_start3A_274 = tpu.memref_slice %arg17[%dma_start3A] : memref<1024xf32, #tpu.memory_space<vmem>> -> memref<64xf32, #tpu.memory_space<vmem>>
            %dma_start3A_275 = tpu.memref_slice %arg7[%mul3A_273] : memref<1048576xf32, #tpu.memory_space<hbm>> -> memref<64xf32, #tpu.memory_space<hbm>>
            %dma_start3A_276 = tpu.memref_slice %arg7[%mul3A_273] : memref<1048576xf32, #tpu.memory_space<hbm>> -> memref<64xf32, #tpu.memory_space<hbm>>
            %dma_start3A_277 = arith.constant 0 : i32
            %dma_start3A_278 = tpu.memref_slice %arg17[%dma_start3A_277] : memref<1024xf32, #tpu.memory_space<vmem>> -> memref<64xf32, #tpu.memory_space<vmem>>
            tpu.enqueue_dma source(%dma_start3A_278 : memref<64xf32, #tpu.memory_space<vmem>>) target(%dma_start3A_276 : memref<64xf32, #tpu.memory_space<hbm>>) target_semaphore(%arg20 : memref<!tpu.dma_semaphore, #tpu.memory_space<semaphore_mem>>)
          } else {
          }
          %slice3A_241 = vector.extract_strided_slice %gather3A_222 {offsets = [4], sizes = [1], strides = [1]} : vector<16xi32> to vector<1xi32>
          %squeeze3A_242 = vector.extract %slice3A_241[0] : i32 from vector<1xi32>
          %gt3A_243 = arith.constant 1 : i32
          %gt3A_244 = arith.cmpi sgt, %min3A_235, %gt3A_243 : i32
          %convert_element_type3A_245 = arith.extui %gt3A_244 : i1 to i32
          %cond3A_246 = arith.constant 0 : i32
          %cond3A_247 = arith.cmpi ne, %convert_element_type3A_245, %cond3A_246 : i32
          scf.if %cond3A_247 {
            %mul3A_272 = arith.constant 64 : i32
            %mul3A_273 = arith.muli %squeeze3A_242, %mul3A_272 : i32
            %dma_start3A = arith.constant 64 : i32
            %dma_start3A_274 = tpu.memref_slice %arg17[%dma_start3A] : memref<1024xf32, #tpu.memory_space<vmem>> -> memref<64xf32, #tpu.memory_space<vmem>>
            %dma_start3A_275 = tpu.memref_slice %arg7[%mul3A_273] : memref<1048576xf32, #tpu.memory_space<hbm>> -> memref<64xf32, #tpu.memory_space<hbm>>
            %dma_start3A_276 = tpu.memref_slice %arg7[%mul3A_273] : memref<1048576xf32, #tpu.memory_space<hbm>> -> memref<64xf32, #tpu.memory_space<hbm>>
            %dma_start3A_277 = arith.constant 64 : i32
            %dma_start3A_278 = tpu.memref_slice %arg17[%dma_start3A_277] : memref<1024xf32, #tpu.memory_space<vmem>> -> memref<64xf32, #tpu.memory_space<vmem>>
            tpu.enqueue_dma source(%dma_start3A_278 : memref<64xf32, #tpu.memory_space<vmem>>) target(%dma_start3A_276 : memref<64xf32, #tpu.memory_space<hbm>>) target_semaphore(%arg20 : memref<!tpu.dma_semaphore, #tpu.memory_space<semaphore_mem>>)
          } else {
          }
          %slice3A_248 = vector.extract_strided_slice %gather3A_222 {offsets = [8], sizes = [1], strides = [1]} : vector<16xi32> to vector<1xi32>
          %squeeze3A_249 = vector.extract %slice3A_248[0] : i32 from vector<1xi32>
          %gt3A_250 = arith.constant 2 : i32
          %gt3A_251 = arith.cmpi sgt, %min3A_235, %gt3A_250 : i32
          %convert_element_type3A_252 = arith.extui %gt3A_251 : i1 to i32
          %cond3A_253 = arith.constant 0 : i32
          %cond3A_254 = arith.cmpi ne, %convert_element_type3A_252, %cond3A_253 : i32
          scf.if %cond3A_254 {
            %mul3A_272 = arith.constant 64 : i32
            %mul3A_273 = arith.muli %squeeze3A_249, %mul3A_272 : i32
            %dma_start3A = arith.constant 128 : i32
            %dma_start3A_274 = tpu.memref_slice %arg17[%dma_start3A] : memref<1024xf32, #tpu.memory_space<vmem>> -> memref<64xf32, #tpu.memory_space<vmem>>
            %dma_start3A_275 = tpu.memref_slice %arg7[%mul3A_273] : memref<1048576xf32, #tpu.memory_space<hbm>> -> memref<64xf32, #tpu.memory_space<hbm>>
            %dma_start3A_276 = tpu.memref_slice %arg7[%mul3A_273] : memref<1048576xf32, #tpu.memory_space<hbm>> -> memref<64xf32, #tpu.memory_space<hbm>>
            %dma_start3A_277 = arith.constant 128 : i32
            %dma_start3A_278 = tpu.memref_slice %arg17[%dma_start3A_277] : memref<1024xf32, #tpu.memory_space<vmem>> -> memref<64xf32, #tpu.memory_space<vmem>>
            tpu.enqueue_dma source(%dma_start3A_278 : memref<64xf32, #tpu.memory_space<vmem>>) target(%dma_start3A_276 : memref<64xf32, #tpu.memory_space<hbm>>) target_semaphore(%arg20 : memref<!tpu.dma_semaphore, #tpu.memory_space<semaphore_mem>>)
          } else {
          }
          %slice3A_255 = vector.extract_strided_slice %gather3A_222 {offsets = [12], sizes = [1], strides = [1]} : vector<16xi32> to vector<1xi32>
          %squeeze3A_256 = vector.extract %slice3A_255[0] : i32 from vector<1xi32>
          %gt3A_257 = arith.constant 3 : i32
          %gt3A_258 = arith.cmpi sgt, %min3A_235, %gt3A_257 : i32
          %convert_element_type3A_259 = arith.extui %gt3A_258 : i1 to i32
          %cond3A_260 = arith.constant 0 : i32
          %cond3A_261 = arith.cmpi ne, %convert_element_type3A_259, %cond3A_260 : i32
          scf.if %cond3A_261 {
            %mul3A_272 = arith.constant 64 : i32
            %mul3A_273 = arith.muli %squeeze3A_256, %mul3A_272 : i32
            %dma_start3A = arith.constant 192 : i32
            %dma_start3A_274 = tpu.memref_slice %arg17[%dma_start3A] : memref<1024xf32, #tpu.memory_space<vmem>> -> memref<64xf32, #tpu.memory_space<vmem>>
            %dma_start3A_275 = tpu.memref_slice %arg7[%mul3A_273] : memref<1048576xf32, #tpu.memory_space<hbm>> -> memref<64xf32, #tpu.memory_space<hbm>>
            %dma_start3A_276 = tpu.memref_slice %arg7[%mul3A_273] : memref<1048576xf32, #tpu.memory_space<hbm>> -> memref<64xf32, #tpu.memory_space<hbm>>
            %dma_start3A_277 = arith.constant 192 : i32
            %dma_start3A_278 = tpu.memref_slice %arg17[%dma_start3A_277] : memref<1024xf32, #tpu.memory_space<vmem>> -> memref<64xf32, #tpu.memory_space<vmem>>
            tpu.enqueue_dma source(%dma_start3A_278 : memref<64xf32, #tpu.memory_space<vmem>>) target(%dma_start3A_276 : memref<64xf32, #tpu.memory_space<hbm>>) target_semaphore(%arg20 : memref<!tpu.dma_semaphore, #tpu.memory_space<semaphore_mem>>)
          } else {
          }
          %while3A_262 = arith.constant 0 : i32
          %while3A_263 = arith.constant 0 : i32
          %while3A_264 = arith.subi %min3A_235, %while3A_263 : i32
          %while3A_265 = arith.addi %while3A_263, %while3A_264 : i32
          %while3A_266 = arith.constant 1 : i32
          %while3A_267 = arith.divsi %while3A_264, %while3A_266 : i32
          %while3A_268 = arith.muli %while3A_267, %while3A_266 : i32
          %while3A_269 = arith.addi %while3A_263, %while3A_268 : i32
          %while3A_270 = arith.constant 1 : i32
          scf.for %while3A_272 = %while3A_263 to %while3A_269 step %while3A_270  : i32 {
            %dma_wait3A_273 = arith.constant 0 : i32
            %dma_wait3A_274 = tpu.memref_slice %arg17[%dma_wait3A_273] : memref<1024xf32, #tpu.memory_space<vmem>> -> memref<64xf32, #tpu.memory_space<vmem>>
            %dma_wait3A_275 = arith.constant 0 : i32
            %dma_wait3A_276 = tpu.memref_slice %arg7[%dma_wait3A_275] : memref<1048576xf32, #tpu.memory_space<hbm>> -> memref<64xf32, #tpu.memory_space<hbm>>
            %dma_wait3A_277 = arith.constant 0 : i32
            %dma_wait3A_278 = tpu.memref_slice %arg7[%dma_wait3A_277] : memref<1048576xf32, #tpu.memory_space<hbm>> -> memref<64xf32, #tpu.memory_space<hbm>>
            %dma_wait3A_279 = arith.constant 0 : i32
            %dma_wait3A_280 = tpu.memref_slice %arg17[%dma_wait3A_279] : memref<1024xf32, #tpu.memory_space<vmem>> -> memref<64xf32, #tpu.memory_space<vmem>>
            tpu.wait_dma2 semaphore(%arg20 : memref<!tpu.dma_semaphore, #tpu.memory_space<semaphore_mem>>) src(%dma_wait3A_280 : memref<64xf32, #tpu.memory_space<vmem>>) dst(%dma_wait3A_278 : memref<64xf32, #tpu.memory_space<hbm>>)
          }
          %while3A_271 = arith.constant 1 : i32
          scf.for %while3A_272 = %while3A_269 to %while3A_265 step %while3A_271  : i32 {
            %dma_wait3A_273 = arith.constant 0 : i32
            %dma_wait3A_274 = tpu.memref_slice %arg17[%dma_wait3A_273] : memref<1024xf32, #tpu.memory_space<vmem>> -> memref<64xf32, #tpu.memory_space<vmem>>
            %dma_wait3A_275 = arith.constant 0 : i32
            %dma_wait3A_276 = tpu.memref_slice %arg7[%dma_wait3A_275] : memref<1048576xf32, #tpu.memory_space<hbm>> -> memref<64xf32, #tpu.memory_space<hbm>>
            %dma_wait3A_277 = arith.constant 0 : i32
            %dma_wait3A_278 = tpu.memref_slice %arg7[%dma_wait3A_277] : memref<1048576xf32, #tpu.memory_space<hbm>> -> memref<64xf32, #tpu.memory_space<hbm>>
            %dma_wait3A_279 = arith.constant 0 : i32
            %dma_wait3A_280 = tpu.memref_slice %arg17[%dma_wait3A_279] : memref<1024xf32, #tpu.memory_space<vmem>> -> memref<64xf32, #tpu.memory_space<vmem>>
            tpu.wait_dma2 semaphore(%arg20 : memref<!tpu.dma_semaphore, #tpu.memory_space<semaphore_mem>>) src(%dma_wait3A_280 : memref<64xf32, #tpu.memory_space<vmem>>) dst(%dma_wait3A_278 : memref<64xf32, #tpu.memory_space<hbm>>)
          }
        }
      } else {
      }
    }
    %while3A_42 = arith.constant 1 : i32
    scf.for %while3A_82 = %while3A_40 to %while3A_36 step %while3A_42  : i32 {
      %mul3A_83 = arith.constant 2 : i32
      %mul3A_84 = arith.muli %while3A_82, %mul3A_83 : i32
      %add3A_85 = arith.constant 1 : i32
      %add3A_86 = arith.addi %mul3A_84, %add3A_85 : i32
      %lt3A = arith.cmpi slt, %add3A_86, %sub3A : i32
      %convert_element_type3A_87 = arith.extui %lt3A : i1 to i32
      %cond3A_88 = arith.constant 0 : i32
      %cond3A_89 = arith.cmpi ne, %convert_element_type3A_87, %cond3A_88 : i32
      scf.if %cond3A_89 {
        %mul3A_151 = arith.constant 256 : i32
        %mul3A_152 = arith.muli %add3A_86, %mul3A_151 : i32
        %add3A_153 = arith.addi %shift_left3A_12, %mul3A_152 : i32
        %multiple_of3A = tpu.assume_multiple %add3A_153, 256 : i32
        %dma_start3A = arith.constant 1 : i32
        %dma_start3A_154 = arith.constant 0 : i32
        %dma_start3A_155 = arith.constant 0 : i32
        %dma_start3A_156 = tpu.memref_slice %arg14[%dma_start3A, %dma_start3A_154, %dma_start3A_155] : memref<2x64x256xf32, #tpu.memory_space<vmem>> -> memref<1x64x256xf32, #tpu.memory_space<vmem>>
        %dma_start3A_157 = tpu.memref_squeeze %dma_start3A_156 : memref<1x64x256xf32, #tpu.memory_space<vmem>> -> memref<64x256xf32, #tpu.memory_space<vmem>>
        %dma_start3A_158 = arith.constant 0 : i32
        %dma_start3A_159 = tpu.memref_slice %arg4[%dma_start3A_158, %multiple_of3A] : memref<64x1000000xf32, #tpu.memory_space<hbm>> -> memref<64x256xf32, #tpu.memory_space<hbm>>
        %dma_start3A_160 = arith.constant 0 : i32
        %dma_start3A_161 = arith.constant 0 : i32
        %dma_start3A_162 = tpu.memref_slice %arg14[%dma_start3A, %dma_start3A_160, %dma_start3A_161] : memref<2x64x256xf32, #tpu.memory_space<vmem>> -> memref<1x64x256xf32, #tpu.memory_space<vmem>>
        %dma_start3A_163 = tpu.memref_squeeze %dma_start3A_162 : memref<1x64x256xf32, #tpu.memory_space<vmem>> -> memref<64x256xf32, #tpu.memory_space<vmem>>
        %dma_start3A_164 = arith.constant 0 : i32
        %dma_start3A_165 = tpu.memref_slice %arg4[%dma_start3A_164, %multiple_of3A] : memref<64x1000000xf32, #tpu.memory_space<hbm>> -> memref<64x256xf32, #tpu.memory_space<hbm>>
        tpu.enqueue_dma source(%dma_start3A_165 : memref<64x256xf32, #tpu.memory_space<hbm>>) target(%dma_start3A_163 : memref<64x256xf32, #tpu.memory_space<vmem>>) target_semaphore(%arg19 : memref<!tpu.dma_semaphore, #tpu.memory_space<semaphore_mem>>)
      } else {
      }
      %dma_wait3A = arith.constant 0 : i32
      %dma_wait3A_90 = arith.constant 0 : i32
      %dma_wait3A_91 = arith.constant 0 : i32
      %dma_wait3A_92 = tpu.memref_slice %arg14[%dma_wait3A, %dma_wait3A_90, %dma_wait3A_91] : memref<2x64x256xf32, #tpu.memory_space<vmem>> -> memref<1x64x256xf32, #tpu.memory_space<vmem>>
      %dma_wait3A_93 = tpu.memref_squeeze %dma_wait3A_92 : memref<1x64x256xf32, #tpu.memory_space<vmem>> -> memref<64x256xf32, #tpu.memory_space<vmem>>
      %dma_wait3A_94 = arith.constant 0 : i32
      %dma_wait3A_95 = arith.constant 0 : i32
      %dma_wait3A_96 = tpu.memref_slice %arg4[%dma_wait3A_94, %dma_wait3A_95] : memref<64x1000000xf32, #tpu.memory_space<hbm>> -> memref<64x256xf32, #tpu.memory_space<hbm>>
      %dma_wait3A_97 = arith.constant 0 : i32
      %dma_wait3A_98 = arith.constant 0 : i32
      %dma_wait3A_99 = tpu.memref_slice %arg14[%dma_wait3A, %dma_wait3A_97, %dma_wait3A_98] : memref<2x64x256xf32, #tpu.memory_space<vmem>> -> memref<1x64x256xf32, #tpu.memory_space<vmem>>
      %dma_wait3A_100 = tpu.memref_squeeze %dma_wait3A_99 : memref<1x64x256xf32, #tpu.memory_space<vmem>> -> memref<64x256xf32, #tpu.memory_space<vmem>>
      %dma_wait3A_101 = arith.constant 0 : i32
      %dma_wait3A_102 = arith.constant 0 : i32
      %dma_wait3A_103 = tpu.memref_slice %arg4[%dma_wait3A_101, %dma_wait3A_102] : memref<64x1000000xf32, #tpu.memory_space<hbm>> -> memref<64x256xf32, #tpu.memory_space<hbm>>
      tpu.wait_dma2 semaphore(%arg18 : memref<!tpu.dma_semaphore, #tpu.memory_space<semaphore_mem>>) src(%dma_wait3A_103 : memref<64x256xf32, #tpu.memory_space<hbm>>) dst(%dma_wait3A_100 : memref<64x256xf32, #tpu.memory_space<vmem>>)
      %broadcast_in_dim3A_104 = arith.constant 0 : i32
      %broadcast_in_dim3A_105 = vector.broadcast %broadcast_in_dim3A_104 : i32 to vector<16xi32>
      %add3A_106 = arith.constant 0 : i32
      %add3A_107 = vector.broadcast %add3A_106 : i32 to vector<16xi32>
      %add3A_108 = arith.addi %broadcast_in_dim3A_105, %add3A_107 : vector<16xi32>
      %add3A_109 = arith.constant 16 : i32
      %add3A_110 = arith.addi %scan3A_26#1, %add3A_109 : i32
      %sub3A_111 = arith.constant 1 : i32
      %sub3A_112 = arith.subi %add3A_110, %sub3A_111 : i32
      %shift_right_arithmetic3A_113 = arith.constant 4 : i32
      %shift_right_arithmetic3A_114 = arith.shrsi %sub3A_112, %shift_right_arithmetic3A_113 : i32
      %while3A_115 = arith.constant 0 : i32
      %while3A_116 = arith.constant 0 : i32
      %while3A_117 = arith.subi %shift_right_arithmetic3A_114, %while3A_115 : i32
      %while3A_118 = arith.addi %while3A_115, %while3A_117 : i32
      %while3A_119 = arith.constant 1 : i32
      %while3A_120 = arith.divsi %while3A_117, %while3A_119 : i32
      %while3A_121 = arith.muli %while3A_120, %while3A_119 : i32
      %while3A_122 = arith.addi %while3A_115, %while3A_121 : i32
      %while3A_123 = arith.constant 1 : i32
      %while3A_124 = scf.for %while3A_151 = %while3A_115 to %while3A_122 step %while3A_123 iter_args(%while3A_152 = %while3A_116) -> (i32)  : i32 {
        %mul3A_153 = arith.constant 16 : i32
        %mul3A_154 = arith.muli %while3A_151, %mul3A_153 : i32
        %get3A = arith.index_cast %mul3A_154 : i32 to index
        %get3A_155 = tpu.vector_load %arg10[%get3A] {strides = array<i32>} : memref<1040xi32, #tpu.memory_space<vmem>>, vector<16xi32>,
        %get3A_156 = arith.index_cast %mul3A_154 : i32 to index
        %get3A_157 = tpu.vector_load %arg11[%get3A_156] {strides = array<i32>} : memref<1040xi32, #tpu.memory_space<vmem>>, vector<16xi32>,
        %shift_right_arithmetic3A_158 = arith.constant 8 : i32
        %shift_right_arithmetic3A_159 = vector.broadcast %shift_right_arithmetic3A_158 : i32 to vector<16xi32>
        %shift_right_arithmetic3A_160 = arith.shrsi %get3A_155, %shift_right_arithmetic3A_159 : vector<16xi32>
        %eq3A_161 = vector.broadcast %mul3A_84 : i32 to vector<16xi32>
        %eq3A_162 = arith.cmpi eq, %shift_right_arithmetic3A_160, %eq3A_161 : vector<16xi32>
        %and3A_163 = arith.constant 255 : i32
        %and3A_164 = vector.broadcast %and3A_163 : i32 to vector<16xi32>
        %and3A_165 = arith.andi %get3A_155, %and3A_164 : vector<16xi32>
        %swap3A_166 = arith.index_cast %while3A_152 : i32 to index
        %swap3A_167 = tpu.vector_load %arg12[%swap3A_166] masked %eq3A_162 {strides = array<i32>} : memref<1040xi32, #tpu.memory_space<vmem>>, vector<16xi32>, vector<16xi1>
        tpu.vector_store %arg12[%swap3A_166], %and3A_165 masked %eq3A_162 {strides = array<i32>} : memref<1040xi32, #tpu.memory_space<vmem>>, vector<16xi32>, vector<16xi1>
        %swap3A_168 = arith.index_cast %while3A_152 : i32 to index
        %swap3A_169 = tpu.vector_load %arg13[%swap3A_168] masked %eq3A_162 {strides = array<i32>} : memref<1040xi32, #tpu.memory_space<vmem>>, vector<16xi32>, vector<16xi1>
        tpu.vector_store %arg13[%swap3A_168], %get3A_157 masked %eq3A_162 {strides = array<i32>} : memref<1040xi32, #tpu.memory_space<vmem>>, vector<16xi32>, vector<16xi1>
        %all_reduce_population_count3A = tpu.all_reduce %eq3A_162 {dim = 0 : i64, kind = #tpu.reduction_kind<sum>} : vector<16xi1> -> vector<16xi32>
        %slice3A = vector.extract_strided_slice %all_reduce_population_count3A {offsets = [0], sizes = [1], strides = [1]} : vector<16xi32> to vector<1xi32>
        %squeeze3A = vector.extract %slice3A[0] : i32 from vector<1xi32>
        %add3A_170 = arith.addi %while3A_152, %squeeze3A : i32
        scf.yield %add3A_170 : i32
      }
      %while3A_125 = arith.constant 1 : i32
      %while3A_126 = scf.for %while3A_151 = %while3A_122 to %while3A_118 step %while3A_125 iter_args(%while3A_152 = %while3A_124) -> (i32)  : i32 {
        %mul3A_153 = arith.constant 16 : i32
        %mul3A_154 = arith.muli %while3A_151, %mul3A_153 : i32
        %get3A = arith.index_cast %mul3A_154 : i32 to index
        %get3A_155 = tpu.vector_load %arg10[%get3A] {strides = array<i32>} : memref<1040xi32, #tpu.memory_space<vmem>>, vector<16xi32>,
        %get3A_156 = arith.index_cast %mul3A_154 : i32 to index
        %get3A_157 = tpu.vector_load %arg11[%get3A_156] {strides = array<i32>} : memref<1040xi32, #tpu.memory_space<vmem>>, vector<16xi32>,
        %shift_right_arithmetic3A_158 = arith.constant 8 : i32
        %shift_right_arithmetic3A_159 = vector.broadcast %shift_right_arithmetic3A_158 : i32 to vector<16xi32>
        %shift_right_arithmetic3A_160 = arith.shrsi %get3A_155, %shift_right_arithmetic3A_159 : vector<16xi32>
        %eq3A_161 = vector.broadcast %mul3A_84 : i32 to vector<16xi32>
        %eq3A_162 = arith.cmpi eq, %shift_right_arithmetic3A_160, %eq3A_161 : vector<16xi32>
        %and3A_163 = arith.constant 255 : i32
        %and3A_164 = vector.broadcast %and3A_163 : i32 to vector<16xi32>
        %and3A_165 = arith.andi %get3A_155, %and3A_164 : vector<16xi32>
        %swap3A_166 = arith.index_cast %while3A_152 : i32 to index
        %swap3A_167 = tpu.vector_load %arg12[%swap3A_166] masked %eq3A_162 {strides = array<i32>} : memref<1040xi32, #tpu.memory_space<vmem>>, vector<16xi32>, vector<16xi1>
        tpu.vector_store %arg12[%swap3A_166], %and3A_165 masked %eq3A_162 {strides = array<i32>} : memref<1040xi32, #tpu.memory_space<vmem>>, vector<16xi32>, vector<16xi1>
        %swap3A_168 = arith.index_cast %while3A_152 : i32 to index
        %swap3A_169 = tpu.vector_load %arg13[%swap3A_168] masked %eq3A_162 {strides = array<i32>} : memref<1040xi32, #tpu.memory_space<vmem>>, vector<16xi32>, vector<16xi1>
        tpu.vector_store %arg13[%swap3A_168], %get3A_157 masked %eq3A_162 {strides = array<i32>} : memref<1040xi32, #tpu.memory_space<vmem>>, vector<16xi32>, vector<16xi1>
        %all_reduce_population_count3A = tpu.all_reduce %eq3A_162 {dim = 0 : i64, kind = #tpu.reduction_kind<sum>} : vector<16xi1> -> vector<16xi32>
        %slice3A = vector.extract_strided_slice %all_reduce_population_count3A {offsets = [0], sizes = [1], strides = [1]} : vector<16xi32> to vector<1xi32>
        %squeeze3A = vector.extract %slice3A[0] : i32 from vector<1xi32>
        %add3A_170 = arith.addi %while3A_152, %squeeze3A : i32
        scf.yield %add3A_170 : i32
      }
      %shift_right_arithmetic3A_127 = arith.constant 2 : i32
      %shift_right_arithmetic3A_128 = vector.broadcast %shift_right_arithmetic3A_127 : i32 to vector<16xi32>
      %shift_right_arithmetic3A_129 = arith.shrsi %iota3A, %shift_right_arithmetic3A_128 : vector<16xi32>
      %and3A_130 = arith.constant 3 : i32
      %and3A_131 = vector.broadcast %and3A_130 : i32 to vector<16xi32>
      %and3A_132 = arith.andi %iota3A, %and3A_131 : vector<16xi32>
      %add3A_133 = arith.constant 3 : i32
      %add3A_134 = arith.addi %while3A_126, %add3A_133 : i32
      %shift_right_arithmetic3A_135 = arith.constant 2 : i32
      %shift_right_arithmetic3A_136 = arith.shrsi %add3A_134, %shift_right_arithmetic3A_135 : i32
      %while3A_137 = arith.constant 0 : i32
      %while3A_138 = arith.constant 0 : i32
      %while3A_139 = arith.subi %shift_right_arithmetic3A_136, %while3A_138 : i32
      %while3A_140 = arith.addi %while3A_138, %while3A_139 : i32
      %while3A_141 = arith.constant 1 : i32
      %while3A_142 = arith.divsi %while3A_139, %while3A_141 : i32
      %while3A_143 = arith.muli %while3A_142, %while3A_141 : i32
      %while3A_144 = arith.addi %while3A_138, %while3A_143 : i32
      %while3A_145 = arith.constant 1 : i32
      scf.for %while3A_151 = %while3A_138 to %while3A_144 step %while3A_145  : i32 {
        %mul3A_152 = arith.constant 4 : i32
        %mul3A_153 = arith.muli %while3A_151, %mul3A_152 : i32
        %add3A_154 = vector.broadcast %mul3A_153 : i32 to vector<16xi32>
        %add3A_155 = arith.addi %add3A_154, %shift_right_arithmetic3A_129 : vector<16xi32>
        %lt3A_156 = vector.broadcast %while3A_126 : i32 to vector<16xi32>
        %lt3A_157 = arith.cmpi slt, %add3A_155, %lt3A_156 : vector<16xi32>
        %gather3A = tpu.vector_load_idx %arg12[%add3A_155] masked %lt3A_157 : memref<1040xi32, #tpu.memory_space<vmem>>[vector<16xi32>], vector<16xi32>, vector<16xi1>
        %gather3A_158 = tpu.vector_load_idx %arg13[%add3A_155] masked %lt3A_157 : memref<1040xi32, #tpu.memory_space<vmem>>[vector<16xi32>], vector<16xi32>, vector<16xi1>
        %gather3A_159 = tpu.vector_load_idx %arg9[%gather3A_158] masked %lt3A_157 : memref<16384xi32, #tpu.memory_space<vmem>>[vector<16xi32>], vector<16xi32>, vector<16xi1>
        %mul3A_160 = arith.constant 64 : i32
        %mul3A_161 = vector.broadcast %mul3A_160 : i32 to vector<16xi32>
        %mul3A_162 = arith.muli %shift_right_arithmetic3A_129, %mul3A_161 : vector<16xi32>
        %add3A_163 = arith.addi %mul3A_162, %and3A_132 : vector<16xi32>
        %scan3A_164 = arith.constant 0 : i32
        %scan3A_165 = arith.constant 0 : i32
        %scan3A_166 = arith.constant 16 : i32
        %scan3A_167 = arith.addi %scan3A_165, %scan3A_166 : i32
        %scan3A_168 = arith.constant 1 : i32
        scf.for %scan3A_208 = %scan3A_165 to %scan3A_167 step %scan3A_168  : i32 {
          %mul3A_209 = arith.constant 4 : i32
          %mul3A_210 = arith.muli %scan3A_208, %mul3A_209 : i32
          %add3A_211 = vector.broadcast %mul3A_210 : i32 to vector<16xi32>
          %add3A_212 = arith.addi %and3A_132, %add3A_211 : vector<16xi32>
          %gather3A_213 = tpu.vector_load_idx %arg14[%add3A_108, %add3A_212, %gather3A] masked %lt3A_157 : memref<2x64x256xf32, #tpu.memory_space<vmem>>[vector<16xi32>, vector<16xi32>, vector<16xi32>], vector<16xf32>, vector<16xi1>
          %gather3A_214 = tpu.vector_load_idx %arg15[%add3A_212, %gather3A_159] masked %lt3A_157 : memref<64x1000xf32, #tpu.memory_space<vmem>>[vector<16xi32>, vector<16xi32>], vector<16xf32>, vector<16xi1>
          %mul3A_215 = arith.constant 4 : i32
          %mul3A_216 = arith.muli %scan3A_208, %mul3A_215 : i32
          %add3A_217 = vector.broadcast %mul3A_216 : i32 to vector<16xi32>
          %add3A_218 = arith.addi %add3A_163, %add3A_217 : vector<16xi32>
          %add3A_219 = arith.addf %gather3A_213, %gather3A_214 : vector<16xf32>
          tpu.vector_store_idx %arg17[%add3A_218], %add3A_219 masked %lt3A_157 : memref<1024xf32, #tpu.memory_space<vmem>>[vector<16xi32>], vector<16xf32>, vector<16xi1>
        }
        %scan3A_169 = arith.constant 16 : i32
        %sub3A_170 = arith.subi %while3A_126, %mul3A_153 : i32
        %min3A = arith.constant 4 : i32
        %min3A_171 = arith.minsi %min3A, %sub3A_170 : i32
        %slice3A = vector.extract_strided_slice %gather3A_158 {offsets = [0], sizes = [1], strides = [1]} : vector<16xi32> to vector<1xi32>
        %squeeze3A = vector.extract %slice3A[0] : i32 from vector<1xi32>
        %gt3A_172 = arith.constant 0 : i32
        %gt3A_173 = arith.cmpi sgt, %min3A_171, %gt3A_172 : i32
        %convert_element_type3A_174 = arith.extui %gt3A_173 : i1 to i32
        %cond3A_175 = arith.constant 0 : i32
        %cond3A_176 = arith.cmpi ne, %convert_element_type3A_174, %cond3A_175 : i32
        scf.if %cond3A_176 {
          %mul3A_208 = arith.constant 64 : i32
          %mul3A_209 = arith.muli %squeeze3A, %mul3A_208 : i32
          %dma_start3A = arith.constant 0 : i32
          %dma_start3A_210 = tpu.memref_slice %arg17[%dma_start3A] : memref<1024xf32, #tpu.memory_space<vmem>> -> memref<64xf32, #tpu.memory_space<vmem>>
          %dma_start3A_211 = tpu.memref_slice %arg7[%mul3A_209] : memref<1048576xf32, #tpu.memory_space<hbm>> -> memref<64xf32, #tpu.memory_space<hbm>>
          %dma_start3A_212 = tpu.memref_slice %arg7[%mul3A_209] : memref<1048576xf32, #tpu.memory_space<hbm>> -> memref<64xf32, #tpu.memory_space<hbm>>
          %dma_start3A_213 = arith.constant 0 : i32
          %dma_start3A_214 = tpu.memref_slice %arg17[%dma_start3A_213] : memref<1024xf32, #tpu.memory_space<vmem>> -> memref<64xf32, #tpu.memory_space<vmem>>
          tpu.enqueue_dma source(%dma_start3A_214 : memref<64xf32, #tpu.memory_space<vmem>>) target(%dma_start3A_212 : memref<64xf32, #tpu.memory_space<hbm>>) target_semaphore(%arg20 : memref<!tpu.dma_semaphore, #tpu.memory_space<semaphore_mem>>)
        } else {
        }
        %slice3A_177 = vector.extract_strided_slice %gather3A_158 {offsets = [4], sizes = [1], strides = [1]} : vector<16xi32> to vector<1xi32>
        %squeeze3A_178 = vector.extract %slice3A_177[0] : i32 from vector<1xi32>
        %gt3A_179 = arith.constant 1 : i32
        %gt3A_180 = arith.cmpi sgt, %min3A_171, %gt3A_179 : i32
        %convert_element_type3A_181 = arith.extui %gt3A_180 : i1 to i32
        %cond3A_182 = arith.constant 0 : i32
        %cond3A_183 = arith.cmpi ne, %convert_element_type3A_181, %cond3A_182 : i32
        scf.if %cond3A_183 {
          %mul3A_208 = arith.constant 64 : i32
          %mul3A_209 = arith.muli %squeeze3A_178, %mul3A_208 : i32
          %dma_start3A = arith.constant 64 : i32
          %dma_start3A_210 = tpu.memref_slice %arg17[%dma_start3A] : memref<1024xf32, #tpu.memory_space<vmem>> -> memref<64xf32, #tpu.memory_space<vmem>>
          %dma_start3A_211 = tpu.memref_slice %arg7[%mul3A_209] : memref<1048576xf32, #tpu.memory_space<hbm>> -> memref<64xf32, #tpu.memory_space<hbm>>
          %dma_start3A_212 = tpu.memref_slice %arg7[%mul3A_209] : memref<1048576xf32, #tpu.memory_space<hbm>> -> memref<64xf32, #tpu.memory_space<hbm>>
          %dma_start3A_213 = arith.constant 64 : i32
          %dma_start3A_214 = tpu.memref_slice %arg17[%dma_start3A_213] : memref<1024xf32, #tpu.memory_space<vmem>> -> memref<64xf32, #tpu.memory_space<vmem>>
          tpu.enqueue_dma source(%dma_start3A_214 : memref<64xf32, #tpu.memory_space<vmem>>) target(%dma_start3A_212 : memref<64xf32, #tpu.memory_space<hbm>>) target_semaphore(%arg20 : memref<!tpu.dma_semaphore, #tpu.memory_space<semaphore_mem>>)
        } else {
        }
        %slice3A_184 = vector.extract_strided_slice %gather3A_158 {offsets = [8], sizes = [1], strides = [1]} : vector<16xi32> to vector<1xi32>
        %squeeze3A_185 = vector.extract %slice3A_184[0] : i32 from vector<1xi32>
        %gt3A_186 = arith.constant 2 : i32
        %gt3A_187 = arith.cmpi sgt, %min3A_171, %gt3A_186 : i32
        %convert_element_type3A_188 = arith.extui %gt3A_187 : i1 to i32
        %cond3A_189 = arith.constant 0 : i32
        %cond3A_190 = arith.cmpi ne, %convert_element_type3A_188, %cond3A_189 : i32
        scf.if %cond3A_190 {
          %mul3A_208 = arith.constant 64 : i32
          %mul3A_209 = arith.muli %squeeze3A_185, %mul3A_208 : i32
          %dma_start3A = arith.constant 128 : i32
          %dma_start3A_210 = tpu.memref_slice %arg17[%dma_start3A] : memref<1024xf32, #tpu.memory_space<vmem>> -> memref<64xf32, #tpu.memory_space<vmem>>
          %dma_start3A_211 = tpu.memref_slice %arg7[%mul3A_209] : memref<1048576xf32, #tpu.memory_space<hbm>> -> memref<64xf32, #tpu.memory_space<hbm>>
          %dma_start3A_212 = tpu.memref_slice %arg7[%mul3A_209] : memref<1048576xf32, #tpu.memory_space<hbm>> -> memref<64xf32, #tpu.memory_space<hbm>>
          %dma_start3A_213 = arith.constant 128 : i32
          %dma_start3A_214 = tpu.memref_slice %arg17[%dma_start3A_213] : memref<1024xf32, #tpu.memory_space<vmem>> -> memref<64xf32, #tpu.memory_space<vmem>>
          tpu.enqueue_dma source(%dma_start3A_214 : memref<64xf32, #tpu.memory_space<vmem>>) target(%dma_start3A_212 : memref<64xf32, #tpu.memory_space<hbm>>) target_semaphore(%arg20 : memref<!tpu.dma_semaphore, #tpu.memory_space<semaphore_mem>>)
        } else {
        }
        %slice3A_191 = vector.extract_strided_slice %gather3A_158 {offsets = [12], sizes = [1], strides = [1]} : vector<16xi32> to vector<1xi32>
        %squeeze3A_192 = vector.extract %slice3A_191[0] : i32 from vector<1xi32>
        %gt3A_193 = arith.constant 3 : i32
        %gt3A_194 = arith.cmpi sgt, %min3A_171, %gt3A_193 : i32
        %convert_element_type3A_195 = arith.extui %gt3A_194 : i1 to i32
        %cond3A_196 = arith.constant 0 : i32
        %cond3A_197 = arith.cmpi ne, %convert_element_type3A_195, %cond3A_196 : i32
        scf.if %cond3A_197 {
          %mul3A_208 = arith.constant 64 : i32
          %mul3A_209 = arith.muli %squeeze3A_192, %mul3A_208 : i32
          %dma_start3A = arith.constant 192 : i32
          %dma_start3A_210 = tpu.memref_slice %arg17[%dma_start3A] : memref<1024xf32, #tpu.memory_space<vmem>> -> memref<64xf32, #tpu.memory_space<vmem>>
          %dma_start3A_211 = tpu.memref_slice %arg7[%mul3A_209] : memref<1048576xf32, #tpu.memory_space<hbm>> -> memref<64xf32, #tpu.memory_space<hbm>>
          %dma_start3A_212 = tpu.memref_slice %arg7[%mul3A_209] : memref<1048576xf32, #tpu.memory_space<hbm>> -> memref<64xf32, #tpu.memory_space<hbm>>
          %dma_start3A_213 = arith.constant 192 : i32
          %dma_start3A_214 = tpu.memref_slice %arg17[%dma_start3A_213] : memref<1024xf32, #tpu.memory_space<vmem>> -> memref<64xf32, #tpu.memory_space<vmem>>
          tpu.enqueue_dma source(%dma_start3A_214 : memref<64xf32, #tpu.memory_space<vmem>>) target(%dma_start3A_212 : memref<64xf32, #tpu.memory_space<hbm>>) target_semaphore(%arg20 : memref<!tpu.dma_semaphore, #tpu.memory_space<semaphore_mem>>)
        } else {
        }
        %while3A_198 = arith.constant 0 : i32
        %while3A_199 = arith.constant 0 : i32
        %while3A_200 = arith.subi %min3A_171, %while3A_199 : i32
        %while3A_201 = arith.addi %while3A_199, %while3A_200 : i32
        %while3A_202 = arith.constant 1 : i32
        %while3A_203 = arith.divsi %while3A_200, %while3A_202 : i32
        %while3A_204 = arith.muli %while3A_203, %while3A_202 : i32
        %while3A_205 = arith.addi %while3A_199, %while3A_204 : i32
        %while3A_206 = arith.constant 1 : i32
        scf.for %while3A_208 = %while3A_199 to %while3A_205 step %while3A_206  : i32 {
          %dma_wait3A_209 = arith.constant 0 : i32
          %dma_wait3A_210 = tpu.memref_slice %arg17[%dma_wait3A_209] : memref<1024xf32, #tpu.memory_space<vmem>> -> memref<64xf32, #tpu.memory_space<vmem>>
          %dma_wait3A_211 = arith.constant 0 : i32
          %dma_wait3A_212 = tpu.memref_slice %arg7[%dma_wait3A_211] : memref<1048576xf32, #tpu.memory_space<hbm>> -> memref<64xf32, #tpu.memory_space<hbm>>
          %dma_wait3A_213 = arith.constant 0 : i32
          %dma_wait3A_214 = tpu.memref_slice %arg7[%dma_wait3A_213] : memref<1048576xf32, #tpu.memory_space<hbm>> -> memref<64xf32, #tpu.memory_space<hbm>>
          %dma_wait3A_215 = arith.constant 0 : i32
          %dma_wait3A_216 = tpu.memref_slice %arg17[%dma_wait3A_215] : memref<1024xf32, #tpu.memory_space<vmem>> -> memref<64xf32, #tpu.memory_space<vmem>>
          tpu.wait_dma2 semaphore(%arg20 : memref<!tpu.dma_semaphore, #tpu.memory_space<semaphore_mem>>) src(%dma_wait3A_216 : memref<64xf32, #tpu.memory_space<vmem>>) dst(%dma_wait3A_214 : memref<64xf32, #tpu.memory_space<hbm>>)
        }
        %while3A_207 = arith.constant 1 : i32
        scf.for %while3A_208 = %while3A_205 to %while3A_201 step %while3A_207  : i32 {
          %dma_wait3A_209 = arith.constant 0 : i32
          %dma_wait3A_210 = tpu.memref_slice %arg17[%dma_wait3A_209] : memref<1024xf32, #tpu.memory_space<vmem>> -> memref<64xf32, #tpu.memory_space<vmem>>
          %dma_wait3A_211 = arith.constant 0 : i32
          %dma_wait3A_212 = tpu.memref_slice %arg7[%dma_wait3A_211] : memref<1048576xf32, #tpu.memory_space<hbm>> -> memref<64xf32, #tpu.memory_space<hbm>>
          %dma_wait3A_213 = arith.constant 0 : i32
          %dma_wait3A_214 = tpu.memref_slice %arg7[%dma_wait3A_213] : memref<1048576xf32, #tpu.memory_space<hbm>> -> memref<64xf32, #tpu.memory_space<hbm>>
          %dma_wait3A_215 = arith.constant 0 : i32
          %dma_wait3A_216 = tpu.memref_slice %arg17[%dma_wait3A_215] : memref<1024xf32, #tpu.memory_space<vmem>> -> memref<64xf32, #tpu.memory_space<vmem>>
          tpu.wait_dma2 semaphore(%arg20 : memref<!tpu.dma_semaphore, #tpu.memory_space<semaphore_mem>>) src(%dma_wait3A_216 : memref<64xf32, #tpu.memory_space<vmem>>) dst(%dma_wait3A_214 : memref<64xf32, #tpu.memory_space<hbm>>)
        }
      }
      %while3A_146 = arith.constant 1 : i32
      scf.for %while3A_151 = %while3A_144 to %while3A_140 step %while3A_146  : i32 {
        %mul3A_152 = arith.constant 4 : i32
        %mul3A_153 = arith.muli %while3A_151, %mul3A_152 : i32
        %add3A_154 = vector.broadcast %mul3A_153 : i32 to vector<16xi32>
        %add3A_155 = arith.addi %add3A_154, %shift_right_arithmetic3A_129 : vector<16xi32>
        %lt3A_156 = vector.broadcast %while3A_126 : i32 to vector<16xi32>
        %lt3A_157 = arith.cmpi slt, %add3A_155, %lt3A_156 : vector<16xi32>
        %gather3A = tpu.vector_load_idx %arg12[%add3A_155] masked %lt3A_157 : memref<1040xi32, #tpu.memory_space<vmem>>[vector<16xi32>], vector<16xi32>, vector<16xi1>
        %gather3A_158 = tpu.vector_load_idx %arg13[%add3A_155] masked %lt3A_157 : memref<1040xi32, #tpu.memory_space<vmem>>[vector<16xi32>], vector<16xi32>, vector<16xi1>
        %gather3A_159 = tpu.vector_load_idx %arg9[%gather3A_158] masked %lt3A_157 : memref<16384xi32, #tpu.memory_space<vmem>>[vector<16xi32>], vector<16xi32>, vector<16xi1>
        %mul3A_160 = arith.constant 64 : i32
        %mul3A_161 = vector.broadcast %mul3A_160 : i32 to vector<16xi32>
        %mul3A_162 = arith.muli %shift_right_arithmetic3A_129, %mul3A_161 : vector<16xi32>
        %add3A_163 = arith.addi %mul3A_162, %and3A_132 : vector<16xi32>
        %scan3A_164 = arith.constant 0 : i32
        %scan3A_165 = arith.constant 0 : i32
        %scan3A_166 = arith.constant 16 : i32
        %scan3A_167 = arith.addi %scan3A_165, %scan3A_166 : i32
        %scan3A_168 = arith.constant 1 : i32
        scf.for %scan3A_208 = %scan3A_165 to %scan3A_167 step %scan3A_168  : i32 {
          %mul3A_209 = arith.constant 4 : i32
          %mul3A_210 = arith.muli %scan3A_208, %mul3A_209 : i32
          %add3A_211 = vector.broadcast %mul3A_210 : i32 to vector<16xi32>
          %add3A_212 = arith.addi %and3A_132, %add3A_211 : vector<16xi32>
          %gather3A_213 = tpu.vector_load_idx %arg14[%add3A_108, %add3A_212, %gather3A] masked %lt3A_157 : memref<2x64x256xf32, #tpu.memory_space<vmem>>[vector<16xi32>, vector<16xi32>, vector<16xi32>], vector<16xf32>, vector<16xi1>
          %gather3A_214 = tpu.vector_load_idx %arg15[%add3A_212, %gather3A_159] masked %lt3A_157 : memref<64x1000xf32, #tpu.memory_space<vmem>>[vector<16xi32>, vector<16xi32>], vector<16xf32>, vector<16xi1>
          %mul3A_215 = arith.constant 4 : i32
          %mul3A_216 = arith.muli %scan3A_208, %mul3A_215 : i32
          %add3A_217 = vector.broadcast %mul3A_216 : i32 to vector<16xi32>
          %add3A_218 = arith.addi %add3A_163, %add3A_217 : vector<16xi32>
          %add3A_219 = arith.addf %gather3A_213, %gather3A_214 : vector<16xf32>
          tpu.vector_store_idx %arg17[%add3A_218], %add3A_219 masked %lt3A_157 : memref<1024xf32, #tpu.memory_space<vmem>>[vector<16xi32>], vector<16xf32>, vector<16xi1>
        }
        %scan3A_169 = arith.constant 16 : i32
        %sub3A_170 = arith.subi %while3A_126, %mul3A_153 : i32
        %min3A = arith.constant 4 : i32
        %min3A_171 = arith.minsi %min3A, %sub3A_170 : i32
        %slice3A = vector.extract_strided_slice %gather3A_158 {offsets = [0], sizes = [1], strides = [1]} : vector<16xi32> to vector<1xi32>
        %squeeze3A = vector.extract %slice3A[0] : i32 from vector<1xi32>
        %gt3A_172 = arith.constant 0 : i32
        %gt3A_173 = arith.cmpi sgt, %min3A_171, %gt3A_172 : i32
        %convert_element_type3A_174 = arith.extui %gt3A_173 : i1 to i32
        %cond3A_175 = arith.constant 0 : i32
        %cond3A_176 = arith.cmpi ne, %convert_element_type3A_174, %cond3A_175 : i32
        scf.if %cond3A_176 {
          %mul3A_208 = arith.constant 64 : i32
          %mul3A_209 = arith.muli %squeeze3A, %mul3A_208 : i32
          %dma_start3A = arith.constant 0 : i32
          %dma_start3A_210 = tpu.memref_slice %arg17[%dma_start3A] : memref<1024xf32, #tpu.memory_space<vmem>> -> memref<64xf32, #tpu.memory_space<vmem>>
          %dma_start3A_211 = tpu.memref_slice %arg7[%mul3A_209] : memref<1048576xf32, #tpu.memory_space<hbm>> -> memref<64xf32, #tpu.memory_space<hbm>>
          %dma_start3A_212 = tpu.memref_slice %arg7[%mul3A_209] : memref<1048576xf32, #tpu.memory_space<hbm>> -> memref<64xf32, #tpu.memory_space<hbm>>
          %dma_start3A_213 = arith.constant 0 : i32
          %dma_start3A_214 = tpu.memref_slice %arg17[%dma_start3A_213] : memref<1024xf32, #tpu.memory_space<vmem>> -> memref<64xf32, #tpu.memory_space<vmem>>
          tpu.enqueue_dma source(%dma_start3A_214 : memref<64xf32, #tpu.memory_space<vmem>>) target(%dma_start3A_212 : memref<64xf32, #tpu.memory_space<hbm>>) target_semaphore(%arg20 : memref<!tpu.dma_semaphore, #tpu.memory_space<semaphore_mem>>)
        } else {
        }
        %slice3A_177 = vector.extract_strided_slice %gather3A_158 {offsets = [4], sizes = [1], strides = [1]} : vector<16xi32> to vector<1xi32>
        %squeeze3A_178 = vector.extract %slice3A_177[0] : i32 from vector<1xi32>
        %gt3A_179 = arith.constant 1 : i32
        %gt3A_180 = arith.cmpi sgt, %min3A_171, %gt3A_179 : i32
        %convert_element_type3A_181 = arith.extui %gt3A_180 : i1 to i32
        %cond3A_182 = arith.constant 0 : i32
        %cond3A_183 = arith.cmpi ne, %convert_element_type3A_181, %cond3A_182 : i32
        scf.if %cond3A_183 {
          %mul3A_208 = arith.constant 64 : i32
          %mul3A_209 = arith.muli %squeeze3A_178, %mul3A_208 : i32
          %dma_start3A = arith.constant 64 : i32
          %dma_start3A_210 = tpu.memref_slice %arg17[%dma_start3A] : memref<1024xf32, #tpu.memory_space<vmem>> -> memref<64xf32, #tpu.memory_space<vmem>>
          %dma_start3A_211 = tpu.memref_slice %arg7[%mul3A_209] : memref<1048576xf32, #tpu.memory_space<hbm>> -> memref<64xf32, #tpu.memory_space<hbm>>
          %dma_start3A_212 = tpu.memref_slice %arg7[%mul3A_209] : memref<1048576xf32, #tpu.memory_space<hbm>> -> memref<64xf32, #tpu.memory_space<hbm>>
          %dma_start3A_213 = arith.constant 64 : i32
          %dma_start3A_214 = tpu.memref_slice %arg17[%dma_start3A_213] : memref<1024xf32, #tpu.memory_space<vmem>> -> memref<64xf32, #tpu.memory_space<vmem>>
          tpu.enqueue_dma source(%dma_start3A_214 : memref<64xf32, #tpu.memory_space<vmem>>) target(%dma_start3A_212 : memref<64xf32, #tpu.memory_space<hbm>>) target_semaphore(%arg20 : memref<!tpu.dma_semaphore, #tpu.memory_space<semaphore_mem>>)
        } else {
        }
        %slice3A_184 = vector.extract_strided_slice %gather3A_158 {offsets = [8], sizes = [1], strides = [1]} : vector<16xi32> to vector<1xi32>
        %squeeze3A_185 = vector.extract %slice3A_184[0] : i32 from vector<1xi32>
        %gt3A_186 = arith.constant 2 : i32
        %gt3A_187 = arith.cmpi sgt, %min3A_171, %gt3A_186 : i32
        %convert_element_type3A_188 = arith.extui %gt3A_187 : i1 to i32
        %cond3A_189 = arith.constant 0 : i32
        %cond3A_190 = arith.cmpi ne, %convert_element_type3A_188, %cond3A_189 : i32
        scf.if %cond3A_190 {
          %mul3A_208 = arith.constant 64 : i32
          %mul3A_209 = arith.muli %squeeze3A_185, %mul3A_208 : i32
          %dma_start3A = arith.constant 128 : i32
          %dma_start3A_210 = tpu.memref_slice %arg17[%dma_start3A] : memref<1024xf32, #tpu.memory_space<vmem>> -> memref<64xf32, #tpu.memory_space<vmem>>
          %dma_start3A_211 = tpu.memref_slice %arg7[%mul3A_209] : memref<1048576xf32, #tpu.memory_space<hbm>> -> memref<64xf32, #tpu.memory_space<hbm>>
          %dma_start3A_212 = tpu.memref_slice %arg7[%mul3A_209] : memref<1048576xf32, #tpu.memory_space<hbm>> -> memref<64xf32, #tpu.memory_space<hbm>>
          %dma_start3A_213 = arith.constant 128 : i32
          %dma_start3A_214 = tpu.memref_slice %arg17[%dma_start3A_213] : memref<1024xf32, #tpu.memory_space<vmem>> -> memref<64xf32, #tpu.memory_space<vmem>>
          tpu.enqueue_dma source(%dma_start3A_214 : memref<64xf32, #tpu.memory_space<vmem>>) target(%dma_start3A_212 : memref<64xf32, #tpu.memory_space<hbm>>) target_semaphore(%arg20 : memref<!tpu.dma_semaphore, #tpu.memory_space<semaphore_mem>>)
        } else {
        }
        %slice3A_191 = vector.extract_strided_slice %gather3A_158 {offsets = [12], sizes = [1], strides = [1]} : vector<16xi32> to vector<1xi32>
        %squeeze3A_192 = vector.extract %slice3A_191[0] : i32 from vector<1xi32>
        %gt3A_193 = arith.constant 3 : i32
        %gt3A_194 = arith.cmpi sgt, %min3A_171, %gt3A_193 : i32
        %convert_element_type3A_195 = arith.extui %gt3A_194 : i1 to i32
        %cond3A_196 = arith.constant 0 : i32
        %cond3A_197 = arith.cmpi ne, %convert_element_type3A_195, %cond3A_196 : i32
        scf.if %cond3A_197 {
          %mul3A_208 = arith.constant 64 : i32
          %mul3A_209 = arith.muli %squeeze3A_192, %mul3A_208 : i32
          %dma_start3A = arith.constant 192 : i32
          %dma_start3A_210 = tpu.memref_slice %arg17[%dma_start3A] : memref<1024xf32, #tpu.memory_space<vmem>> -> memref<64xf32, #tpu.memory_space<vmem>>
          %dma_start3A_211 = tpu.memref_slice %arg7[%mul3A_209] : memref<1048576xf32, #tpu.memory_space<hbm>> -> memref<64xf32, #tpu.memory_space<hbm>>
          %dma_start3A_212 = tpu.memref_slice %arg7[%mul3A_209] : memref<1048576xf32, #tpu.memory_space<hbm>> -> memref<64xf32, #tpu.memory_space<hbm>>
          %dma_start3A_213 = arith.constant 192 : i32
          %dma_start3A_214 = tpu.memref_slice %arg17[%dma_start3A_213] : memref<1024xf32, #tpu.memory_space<vmem>> -> memref<64xf32, #tpu.memory_space<vmem>>
          tpu.enqueue_dma source(%dma_start3A_214 : memref<64xf32, #tpu.memory_space<vmem>>) target(%dma_start3A_212 : memref<64xf32, #tpu.memory_space<hbm>>) target_semaphore(%arg20 : memref<!tpu.dma_semaphore, #tpu.memory_space<semaphore_mem>>)
        } else {
        }
        %while3A_198 = arith.constant 0 : i32
        %while3A_199 = arith.constant 0 : i32
        %while3A_200 = arith.subi %min3A_171, %while3A_199 : i32
        %while3A_201 = arith.addi %while3A_199, %while3A_200 : i32
        %while3A_202 = arith.constant 1 : i32
        %while3A_203 = arith.divsi %while3A_200, %while3A_202 : i32
        %while3A_204 = arith.muli %while3A_203, %while3A_202 : i32
        %while3A_205 = arith.addi %while3A_199, %while3A_204 : i32
        %while3A_206 = arith.constant 1 : i32
        scf.for %while3A_208 = %while3A_199 to %while3A_205 step %while3A_206  : i32 {
          %dma_wait3A_209 = arith.constant 0 : i32
          %dma_wait3A_210 = tpu.memref_slice %arg17[%dma_wait3A_209] : memref<1024xf32, #tpu.memory_space<vmem>> -> memref<64xf32, #tpu.memory_space<vmem>>
          %dma_wait3A_211 = arith.constant 0 : i32
          %dma_wait3A_212 = tpu.memref_slice %arg7[%dma_wait3A_211] : memref<1048576xf32, #tpu.memory_space<hbm>> -> memref<64xf32, #tpu.memory_space<hbm>>
          %dma_wait3A_213 = arith.constant 0 : i32
          %dma_wait3A_214 = tpu.memref_slice %arg7[%dma_wait3A_213] : memref<1048576xf32, #tpu.memory_space<hbm>> -> memref<64xf32, #tpu.memory_space<hbm>>
          %dma_wait3A_215 = arith.constant 0 : i32
          %dma_wait3A_216 = tpu.memref_slice %arg17[%dma_wait3A_215] : memref<1024xf32, #tpu.memory_space<vmem>> -> memref<64xf32, #tpu.memory_space<vmem>>
          tpu.wait_dma2 semaphore(%arg20 : memref<!tpu.dma_semaphore, #tpu.memory_space<semaphore_mem>>) src(%dma_wait3A_216 : memref<64xf32, #tpu.memory_space<vmem>>) dst(%dma_wait3A_214 : memref<64xf32, #tpu.memory_space<hbm>>)
        }
        %while3A_207 = arith.constant 1 : i32
        scf.for %while3A_208 = %while3A_205 to %while3A_201 step %while3A_207  : i32 {
          %dma_wait3A_209 = arith.constant 0 : i32
          %dma_wait3A_210 = tpu.memref_slice %arg17[%dma_wait3A_209] : memref<1024xf32, #tpu.memory_space<vmem>> -> memref<64xf32, #tpu.memory_space<vmem>>
          %dma_wait3A_211 = arith.constant 0 : i32
          %dma_wait3A_212 = tpu.memref_slice %arg7[%dma_wait3A_211] : memref<1048576xf32, #tpu.memory_space<hbm>> -> memref<64xf32, #tpu.memory_space<hbm>>
          %dma_wait3A_213 = arith.constant 0 : i32
          %dma_wait3A_214 = tpu.memref_slice %arg7[%dma_wait3A_213] : memref<1048576xf32, #tpu.memory_space<hbm>> -> memref<64xf32, #tpu.memory_space<hbm>>
          %dma_wait3A_215 = arith.constant 0 : i32
          %dma_wait3A_216 = tpu.memref_slice %arg17[%dma_wait3A_215] : memref<1024xf32, #tpu.memory_space<vmem>> -> memref<64xf32, #tpu.memory_space<vmem>>
          tpu.wait_dma2 semaphore(%arg20 : memref<!tpu.dma_semaphore, #tpu.memory_space<semaphore_mem>>) src(%dma_wait3A_216 : memref<64xf32, #tpu.memory_space<vmem>>) dst(%dma_wait3A_214 : memref<64xf32, #tpu.memory_space<hbm>>)
        }
      }
      %lt3A_147 = arith.cmpi slt, %add3A_86, %sub3A : i32
      %convert_element_type3A_148 = arith.extui %lt3A_147 : i1 to i32
      %cond3A_149 = arith.constant 0 : i32
      %cond3A_150 = arith.cmpi ne, %convert_element_type3A_148, %cond3A_149 : i32
      scf.if %cond3A_150 {
        %add3A_151 = arith.constant 1 : i32
        %add3A_152 = arith.addi %add3A_86, %add3A_151 : i32
        %lt3A_153 = arith.cmpi slt, %add3A_152, %sub3A : i32
        %convert_element_type3A_154 = arith.extui %lt3A_153 : i1 to i32
        %cond3A_155 = arith.constant 0 : i32
        %cond3A_156 = arith.cmpi ne, %convert_element_type3A_154, %cond3A_155 : i32
        scf.if %cond3A_156 {
          %add3A_215 = arith.constant 1 : i32
          %add3A_216 = arith.addi %add3A_86, %add3A_215 : i32
          %mul3A_217 = arith.constant 256 : i32
          %mul3A_218 = arith.muli %add3A_216, %mul3A_217 : i32
          %add3A_219 = arith.addi %shift_left3A_12, %mul3A_218 : i32
          %multiple_of3A = tpu.assume_multiple %add3A_219, 256 : i32
          %dma_start3A = arith.constant 0 : i32
          %dma_start3A_220 = arith.constant 0 : i32
          %dma_start3A_221 = arith.constant 0 : i32
          %dma_start3A_222 = tpu.memref_slice %arg14[%dma_start3A, %dma_start3A_220, %dma_start3A_221] : memref<2x64x256xf32, #tpu.memory_space<vmem>> -> memref<1x64x256xf32, #tpu.memory_space<vmem>>
          %dma_start3A_223 = tpu.memref_squeeze %dma_start3A_222 : memref<1x64x256xf32, #tpu.memory_space<vmem>> -> memref<64x256xf32, #tpu.memory_space<vmem>>
          %dma_start3A_224 = arith.constant 0 : i32
          %dma_start3A_225 = tpu.memref_slice %arg4[%dma_start3A_224, %multiple_of3A] : memref<64x1000000xf32, #tpu.memory_space<hbm>> -> memref<64x256xf32, #tpu.memory_space<hbm>>
          %dma_start3A_226 = arith.constant 0 : i32
          %dma_start3A_227 = arith.constant 0 : i32
          %dma_start3A_228 = tpu.memref_slice %arg14[%dma_start3A, %dma_start3A_226, %dma_start3A_227] : memref<2x64x256xf32, #tpu.memory_space<vmem>> -> memref<1x64x256xf32, #tpu.memory_space<vmem>>
          %dma_start3A_229 = tpu.memref_squeeze %dma_start3A_228 : memref<1x64x256xf32, #tpu.memory_space<vmem>> -> memref<64x256xf32, #tpu.memory_space<vmem>>
          %dma_start3A_230 = arith.constant 0 : i32
          %dma_start3A_231 = tpu.memref_slice %arg4[%dma_start3A_230, %multiple_of3A] : memref<64x1000000xf32, #tpu.memory_space<hbm>> -> memref<64x256xf32, #tpu.memory_space<hbm>>
          tpu.enqueue_dma source(%dma_start3A_231 : memref<64x256xf32, #tpu.memory_space<hbm>>) target(%dma_start3A_229 : memref<64x256xf32, #tpu.memory_space<vmem>>) target_semaphore(%arg18 : memref<!tpu.dma_semaphore, #tpu.memory_space<semaphore_mem>>)
        } else {
        }
        %dma_wait3A_157 = arith.constant 1 : i32
        %dma_wait3A_158 = arith.constant 0 : i32
        %dma_wait3A_159 = arith.constant 0 : i32
        %dma_wait3A_160 = tpu.memref_slice %arg14[%dma_wait3A_157, %dma_wait3A_158, %dma_wait3A_159] : memref<2x64x256xf32, #tpu.memory_space<vmem>> -> memref<1x64x256xf32, #tpu.memory_space<vmem>>
        %dma_wait3A_161 = tpu.memref_squeeze %dma_wait3A_160 : memref<1x64x256xf32, #tpu.memory_space<vmem>> -> memref<64x256xf32, #tpu.memory_space<vmem>>
        %dma_wait3A_162 = arith.constant 0 : i32
        %dma_wait3A_163 = arith.constant 0 : i32
        %dma_wait3A_164 = tpu.memref_slice %arg4[%dma_wait3A_162, %dma_wait3A_163] : memref<64x1000000xf32, #tpu.memory_space<hbm>> -> memref<64x256xf32, #tpu.memory_space<hbm>>
        %dma_wait3A_165 = arith.constant 0 : i32
        %dma_wait3A_166 = arith.constant 0 : i32
        %dma_wait3A_167 = tpu.memref_slice %arg14[%dma_wait3A_157, %dma_wait3A_165, %dma_wait3A_166] : memref<2x64x256xf32, #tpu.memory_space<vmem>> -> memref<1x64x256xf32, #tpu.memory_space<vmem>>
        %dma_wait3A_168 = tpu.memref_squeeze %dma_wait3A_167 : memref<1x64x256xf32, #tpu.memory_space<vmem>> -> memref<64x256xf32, #tpu.memory_space<vmem>>
        %dma_wait3A_169 = arith.constant 0 : i32
        %dma_wait3A_170 = arith.constant 0 : i32
        %dma_wait3A_171 = tpu.memref_slice %arg4[%dma_wait3A_169, %dma_wait3A_170] : memref<64x1000000xf32, #tpu.memory_space<hbm>> -> memref<64x256xf32, #tpu.memory_space<hbm>>
        tpu.wait_dma2 semaphore(%arg19 : memref<!tpu.dma_semaphore, #tpu.memory_space<semaphore_mem>>) src(%dma_wait3A_171 : memref<64x256xf32, #tpu.memory_space<hbm>>) dst(%dma_wait3A_168 : memref<64x256xf32, #tpu.memory_space<vmem>>)
        %broadcast_in_dim3A_172 = arith.constant 0 : i32
        %broadcast_in_dim3A_173 = vector.broadcast %broadcast_in_dim3A_172 : i32 to vector<16xi32>
        %add3A_174 = arith.constant 1 : i32
        %add3A_175 = vector.broadcast %add3A_174 : i32 to vector<16xi32>
        %add3A_176 = arith.addi %broadcast_in_dim3A_173, %add3A_175 : vector<16xi32>
        %add3A_177 = arith.constant 16 : i32
        %add3A_178 = arith.addi %scan3A_26#1, %add3A_177 : i32
        %sub3A_179 = arith.constant 1 : i32
        %sub3A_180 = arith.subi %add3A_178, %sub3A_179 : i32
        %shift_right_arithmetic3A_181 = arith.constant 4 : i32
        %shift_right_arithmetic3A_182 = arith.shrsi %sub3A_180, %shift_right_arithmetic3A_181 : i32
        %while3A_183 = arith.constant 0 : i32
        %while3A_184 = arith.constant 0 : i32
        %while3A_185 = arith.subi %shift_right_arithmetic3A_182, %while3A_183 : i32
        %while3A_186 = arith.addi %while3A_183, %while3A_185 : i32
        %while3A_187 = arith.constant 1 : i32
        %while3A_188 = arith.divsi %while3A_185, %while3A_187 : i32
        %while3A_189 = arith.muli %while3A_188, %while3A_187 : i32
        %while3A_190 = arith.addi %while3A_183, %while3A_189 : i32
        %while3A_191 = arith.constant 1 : i32
        %while3A_192 = scf.for %while3A_215 = %while3A_183 to %while3A_190 step %while3A_191 iter_args(%while3A_216 = %while3A_184) -> (i32)  : i32 {
          %mul3A_217 = arith.constant 16 : i32
          %mul3A_218 = arith.muli %while3A_215, %mul3A_217 : i32
          %get3A = arith.index_cast %mul3A_218 : i32 to index
          %get3A_219 = tpu.vector_load %arg10[%get3A] {strides = array<i32>} : memref<1040xi32, #tpu.memory_space<vmem>>, vector<16xi32>,
          %get3A_220 = arith.index_cast %mul3A_218 : i32 to index
          %get3A_221 = tpu.vector_load %arg11[%get3A_220] {strides = array<i32>} : memref<1040xi32, #tpu.memory_space<vmem>>, vector<16xi32>,
          %shift_right_arithmetic3A_222 = arith.constant 8 : i32
          %shift_right_arithmetic3A_223 = vector.broadcast %shift_right_arithmetic3A_222 : i32 to vector<16xi32>
          %shift_right_arithmetic3A_224 = arith.shrsi %get3A_219, %shift_right_arithmetic3A_223 : vector<16xi32>
          %eq3A_225 = vector.broadcast %add3A_86 : i32 to vector<16xi32>
          %eq3A_226 = arith.cmpi eq, %shift_right_arithmetic3A_224, %eq3A_225 : vector<16xi32>
          %and3A_227 = arith.constant 255 : i32
          %and3A_228 = vector.broadcast %and3A_227 : i32 to vector<16xi32>
          %and3A_229 = arith.andi %get3A_219, %and3A_228 : vector<16xi32>
          %swap3A_230 = arith.index_cast %while3A_216 : i32 to index
          %swap3A_231 = tpu.vector_load %arg12[%swap3A_230] masked %eq3A_226 {strides = array<i32>} : memref<1040xi32, #tpu.memory_space<vmem>>, vector<16xi32>, vector<16xi1>
          tpu.vector_store %arg12[%swap3A_230], %and3A_229 masked %eq3A_226 {strides = array<i32>} : memref<1040xi32, #tpu.memory_space<vmem>>, vector<16xi32>, vector<16xi1>
          %swap3A_232 = arith.index_cast %while3A_216 : i32 to index
          %swap3A_233 = tpu.vector_load %arg13[%swap3A_232] masked %eq3A_226 {strides = array<i32>} : memref<1040xi32, #tpu.memory_space<vmem>>, vector<16xi32>, vector<16xi1>
          tpu.vector_store %arg13[%swap3A_232], %get3A_221 masked %eq3A_226 {strides = array<i32>} : memref<1040xi32, #tpu.memory_space<vmem>>, vector<16xi32>, vector<16xi1>
          %all_reduce_population_count3A = tpu.all_reduce %eq3A_226 {dim = 0 : i64, kind = #tpu.reduction_kind<sum>} : vector<16xi1> -> vector<16xi32>
          %slice3A = vector.extract_strided_slice %all_reduce_population_count3A {offsets = [0], sizes = [1], strides = [1]} : vector<16xi32> to vector<1xi32>
          %squeeze3A = vector.extract %slice3A[0] : i32 from vector<1xi32>
          %add3A_234 = arith.addi %while3A_216, %squeeze3A : i32
          scf.yield %add3A_234 : i32
        }
        %while3A_193 = arith.constant 1 : i32
        %while3A_194 = scf.for %while3A_215 = %while3A_190 to %while3A_186 step %while3A_193 iter_args(%while3A_216 = %while3A_192) -> (i32)  : i32 {
          %mul3A_217 = arith.constant 16 : i32
          %mul3A_218 = arith.muli %while3A_215, %mul3A_217 : i32
          %get3A = arith.index_cast %mul3A_218 : i32 to index
          %get3A_219 = tpu.vector_load %arg10[%get3A] {strides = array<i32>} : memref<1040xi32, #tpu.memory_space<vmem>>, vector<16xi32>,
          %get3A_220 = arith.index_cast %mul3A_218 : i32 to index
          %get3A_221 = tpu.vector_load %arg11[%get3A_220] {strides = array<i32>} : memref<1040xi32, #tpu.memory_space<vmem>>, vector<16xi32>,
          %shift_right_arithmetic3A_222 = arith.constant 8 : i32
          %shift_right_arithmetic3A_223 = vector.broadcast %shift_right_arithmetic3A_222 : i32 to vector<16xi32>
          %shift_right_arithmetic3A_224 = arith.shrsi %get3A_219, %shift_right_arithmetic3A_223 : vector<16xi32>
          %eq3A_225 = vector.broadcast %add3A_86 : i32 to vector<16xi32>
          %eq3A_226 = arith.cmpi eq, %shift_right_arithmetic3A_224, %eq3A_225 : vector<16xi32>
          %and3A_227 = arith.constant 255 : i32
          %and3A_228 = vector.broadcast %and3A_227 : i32 to vector<16xi32>
          %and3A_229 = arith.andi %get3A_219, %and3A_228 : vector<16xi32>
          %swap3A_230 = arith.index_cast %while3A_216 : i32 to index
          %swap3A_231 = tpu.vector_load %arg12[%swap3A_230] masked %eq3A_226 {strides = array<i32>} : memref<1040xi32, #tpu.memory_space<vmem>>, vector<16xi32>, vector<16xi1>
          tpu.vector_store %arg12[%swap3A_230], %and3A_229 masked %eq3A_226 {strides = array<i32>} : memref<1040xi32, #tpu.memory_space<vmem>>, vector<16xi32>, vector<16xi1>
          %swap3A_232 = arith.index_cast %while3A_216 : i32 to index
          %swap3A_233 = tpu.vector_load %arg13[%swap3A_232] masked %eq3A_226 {strides = array<i32>} : memref<1040xi32, #tpu.memory_space<vmem>>, vector<16xi32>, vector<16xi1>
          tpu.vector_store %arg13[%swap3A_232], %get3A_221 masked %eq3A_226 {strides = array<i32>} : memref<1040xi32, #tpu.memory_space<vmem>>, vector<16xi32>, vector<16xi1>
          %all_reduce_population_count3A = tpu.all_reduce %eq3A_226 {dim = 0 : i64, kind = #tpu.reduction_kind<sum>} : vector<16xi1> -> vector<16xi32>
          %slice3A = vector.extract_strided_slice %all_reduce_population_count3A {offsets = [0], sizes = [1], strides = [1]} : vector<16xi32> to vector<1xi32>
          %squeeze3A = vector.extract %slice3A[0] : i32 from vector<1xi32>
          %add3A_234 = arith.addi %while3A_216, %squeeze3A : i32
          scf.yield %add3A_234 : i32
        }
        %shift_right_arithmetic3A_195 = arith.constant 2 : i32
        %shift_right_arithmetic3A_196 = vector.broadcast %shift_right_arithmetic3A_195 : i32 to vector<16xi32>
        %shift_right_arithmetic3A_197 = arith.shrsi %iota3A, %shift_right_arithmetic3A_196 : vector<16xi32>
        %and3A_198 = arith.constant 3 : i32
        %and3A_199 = vector.broadcast %and3A_198 : i32 to vector<16xi32>
        %and3A_200 = arith.andi %iota3A, %and3A_199 : vector<16xi32>
        %add3A_201 = arith.constant 3 : i32
        %add3A_202 = arith.addi %while3A_194, %add3A_201 : i32
        %shift_right_arithmetic3A_203 = arith.constant 2 : i32
        %shift_right_arithmetic3A_204 = arith.shrsi %add3A_202, %shift_right_arithmetic3A_203 : i32
        %while3A_205 = arith.constant 0 : i32
        %while3A_206 = arith.constant 0 : i32
        %while3A_207 = arith.subi %shift_right_arithmetic3A_204, %while3A_206 : i32
        %while3A_208 = arith.addi %while3A_206, %while3A_207 : i32
        %while3A_209 = arith.constant 1 : i32
        %while3A_210 = arith.divsi %while3A_207, %while3A_209 : i32
        %while3A_211 = arith.muli %while3A_210, %while3A_209 : i32
        %while3A_212 = arith.addi %while3A_206, %while3A_211 : i32
        %while3A_213 = arith.constant 1 : i32
        scf.for %while3A_215 = %while3A_206 to %while3A_212 step %while3A_213  : i32 {
          %mul3A_216 = arith.constant 4 : i32
          %mul3A_217 = arith.muli %while3A_215, %mul3A_216 : i32
          %add3A_218 = vector.broadcast %mul3A_217 : i32 to vector<16xi32>
          %add3A_219 = arith.addi %add3A_218, %shift_right_arithmetic3A_197 : vector<16xi32>
          %lt3A_220 = vector.broadcast %while3A_194 : i32 to vector<16xi32>
          %lt3A_221 = arith.cmpi slt, %add3A_219, %lt3A_220 : vector<16xi32>
          %gather3A = tpu.vector_load_idx %arg12[%add3A_219] masked %lt3A_221 : memref<1040xi32, #tpu.memory_space<vmem>>[vector<16xi32>], vector<16xi32>, vector<16xi1>
          %gather3A_222 = tpu.vector_load_idx %arg13[%add3A_219] masked %lt3A_221 : memref<1040xi32, #tpu.memory_space<vmem>>[vector<16xi32>], vector<16xi32>, vector<16xi1>
          %gather3A_223 = tpu.vector_load_idx %arg9[%gather3A_222] masked %lt3A_221 : memref<16384xi32, #tpu.memory_space<vmem>>[vector<16xi32>], vector<16xi32>, vector<16xi1>
          %mul3A_224 = arith.constant 64 : i32
          %mul3A_225 = vector.broadcast %mul3A_224 : i32 to vector<16xi32>
          %mul3A_226 = arith.muli %shift_right_arithmetic3A_197, %mul3A_225 : vector<16xi32>
          %add3A_227 = arith.addi %mul3A_226, %and3A_200 : vector<16xi32>
          %scan3A_228 = arith.constant 0 : i32
          %scan3A_229 = arith.constant 0 : i32
          %scan3A_230 = arith.constant 16 : i32
          %scan3A_231 = arith.addi %scan3A_229, %scan3A_230 : i32
          %scan3A_232 = arith.constant 1 : i32
          scf.for %scan3A_272 = %scan3A_229 to %scan3A_231 step %scan3A_232  : i32 {
            %mul3A_273 = arith.constant 4 : i32
            %mul3A_274 = arith.muli %scan3A_272, %mul3A_273 : i32
            %add3A_275 = vector.broadcast %mul3A_274 : i32 to vector<16xi32>
            %add3A_276 = arith.addi %and3A_200, %add3A_275 : vector<16xi32>
            %gather3A_277 = tpu.vector_load_idx %arg14[%add3A_176, %add3A_276, %gather3A] masked %lt3A_221 : memref<2x64x256xf32, #tpu.memory_space<vmem>>[vector<16xi32>, vector<16xi32>, vector<16xi32>], vector<16xf32>, vector<16xi1>
            %gather3A_278 = tpu.vector_load_idx %arg15[%add3A_276, %gather3A_223] masked %lt3A_221 : memref<64x1000xf32, #tpu.memory_space<vmem>>[vector<16xi32>, vector<16xi32>], vector<16xf32>, vector<16xi1>
            %mul3A_279 = arith.constant 4 : i32
            %mul3A_280 = arith.muli %scan3A_272, %mul3A_279 : i32
            %add3A_281 = vector.broadcast %mul3A_280 : i32 to vector<16xi32>
            %add3A_282 = arith.addi %add3A_227, %add3A_281 : vector<16xi32>
            %add3A_283 = arith.addf %gather3A_277, %gather3A_278 : vector<16xf32>
            tpu.vector_store_idx %arg17[%add3A_282], %add3A_283 masked %lt3A_221 : memref<1024xf32, #tpu.memory_space<vmem>>[vector<16xi32>], vector<16xf32>, vector<16xi1>
          }
          %scan3A_233 = arith.constant 16 : i32
          %sub3A_234 = arith.subi %while3A_194, %mul3A_217 : i32
          %min3A = arith.constant 4 : i32
          %min3A_235 = arith.minsi %min3A, %sub3A_234 : i32
          %slice3A = vector.extract_strided_slice %gather3A_222 {offsets = [0], sizes = [1], strides = [1]} : vector<16xi32> to vector<1xi32>
          %squeeze3A = vector.extract %slice3A[0] : i32 from vector<1xi32>
          %gt3A_236 = arith.constant 0 : i32
          %gt3A_237 = arith.cmpi sgt, %min3A_235, %gt3A_236 : i32
          %convert_element_type3A_238 = arith.extui %gt3A_237 : i1 to i32
          %cond3A_239 = arith.constant 0 : i32
          %cond3A_240 = arith.cmpi ne, %convert_element_type3A_238, %cond3A_239 : i32
          scf.if %cond3A_240 {
            %mul3A_272 = arith.constant 64 : i32
            %mul3A_273 = arith.muli %squeeze3A, %mul3A_272 : i32
            %dma_start3A = arith.constant 0 : i32
            %dma_start3A_274 = tpu.memref_slice %arg17[%dma_start3A] : memref<1024xf32, #tpu.memory_space<vmem>> -> memref<64xf32, #tpu.memory_space<vmem>>
            %dma_start3A_275 = tpu.memref_slice %arg7[%mul3A_273] : memref<1048576xf32, #tpu.memory_space<hbm>> -> memref<64xf32, #tpu.memory_space<hbm>>
            %dma_start3A_276 = tpu.memref_slice %arg7[%mul3A_273] : memref<1048576xf32, #tpu.memory_space<hbm>> -> memref<64xf32, #tpu.memory_space<hbm>>
            %dma_start3A_277 = arith.constant 0 : i32
            %dma_start3A_278 = tpu.memref_slice %arg17[%dma_start3A_277] : memref<1024xf32, #tpu.memory_space<vmem>> -> memref<64xf32, #tpu.memory_space<vmem>>
            tpu.enqueue_dma source(%dma_start3A_278 : memref<64xf32, #tpu.memory_space<vmem>>) target(%dma_start3A_276 : memref<64xf32, #tpu.memory_space<hbm>>) target_semaphore(%arg20 : memref<!tpu.dma_semaphore, #tpu.memory_space<semaphore_mem>>)
          } else {
          }
          %slice3A_241 = vector.extract_strided_slice %gather3A_222 {offsets = [4], sizes = [1], strides = [1]} : vector<16xi32> to vector<1xi32>
          %squeeze3A_242 = vector.extract %slice3A_241[0] : i32 from vector<1xi32>
          %gt3A_243 = arith.constant 1 : i32
          %gt3A_244 = arith.cmpi sgt, %min3A_235, %gt3A_243 : i32
          %convert_element_type3A_245 = arith.extui %gt3A_244 : i1 to i32
          %cond3A_246 = arith.constant 0 : i32
          %cond3A_247 = arith.cmpi ne, %convert_element_type3A_245, %cond3A_246 : i32
          scf.if %cond3A_247 {
            %mul3A_272 = arith.constant 64 : i32
            %mul3A_273 = arith.muli %squeeze3A_242, %mul3A_272 : i32
            %dma_start3A = arith.constant 64 : i32
            %dma_start3A_274 = tpu.memref_slice %arg17[%dma_start3A] : memref<1024xf32, #tpu.memory_space<vmem>> -> memref<64xf32, #tpu.memory_space<vmem>>
            %dma_start3A_275 = tpu.memref_slice %arg7[%mul3A_273] : memref<1048576xf32, #tpu.memory_space<hbm>> -> memref<64xf32, #tpu.memory_space<hbm>>
            %dma_start3A_276 = tpu.memref_slice %arg7[%mul3A_273] : memref<1048576xf32, #tpu.memory_space<hbm>> -> memref<64xf32, #tpu.memory_space<hbm>>
            %dma_start3A_277 = arith.constant 64 : i32
            %dma_start3A_278 = tpu.memref_slice %arg17[%dma_start3A_277] : memref<1024xf32, #tpu.memory_space<vmem>> -> memref<64xf32, #tpu.memory_space<vmem>>
            tpu.enqueue_dma source(%dma_start3A_278 : memref<64xf32, #tpu.memory_space<vmem>>) target(%dma_start3A_276 : memref<64xf32, #tpu.memory_space<hbm>>) target_semaphore(%arg20 : memref<!tpu.dma_semaphore, #tpu.memory_space<semaphore_mem>>)
          } else {
          }
          %slice3A_248 = vector.extract_strided_slice %gather3A_222 {offsets = [8], sizes = [1], strides = [1]} : vector<16xi32> to vector<1xi32>
          %squeeze3A_249 = vector.extract %slice3A_248[0] : i32 from vector<1xi32>
          %gt3A_250 = arith.constant 2 : i32
          %gt3A_251 = arith.cmpi sgt, %min3A_235, %gt3A_250 : i32
          %convert_element_type3A_252 = arith.extui %gt3A_251 : i1 to i32
          %cond3A_253 = arith.constant 0 : i32
          %cond3A_254 = arith.cmpi ne, %convert_element_type3A_252, %cond3A_253 : i32
          scf.if %cond3A_254 {
            %mul3A_272 = arith.constant 64 : i32
            %mul3A_273 = arith.muli %squeeze3A_249, %mul3A_272 : i32
            %dma_start3A = arith.constant 128 : i32
            %dma_start3A_274 = tpu.memref_slice %arg17[%dma_start3A] : memref<1024xf32, #tpu.memory_space<vmem>> -> memref<64xf32, #tpu.memory_space<vmem>>
            %dma_start3A_275 = tpu.memref_slice %arg7[%mul3A_273] : memref<1048576xf32, #tpu.memory_space<hbm>> -> memref<64xf32, #tpu.memory_space<hbm>>
            %dma_start3A_276 = tpu.memref_slice %arg7[%mul3A_273] : memref<1048576xf32, #tpu.memory_space<hbm>> -> memref<64xf32, #tpu.memory_space<hbm>>
            %dma_start3A_277 = arith.constant 128 : i32
            %dma_start3A_278 = tpu.memref_slice %arg17[%dma_start3A_277] : memref<1024xf32, #tpu.memory_space<vmem>> -> memref<64xf32, #tpu.memory_space<vmem>>
            tpu.enqueue_dma source(%dma_start3A_278 : memref<64xf32, #tpu.memory_space<vmem>>) target(%dma_start3A_276 : memref<64xf32, #tpu.memory_space<hbm>>) target_semaphore(%arg20 : memref<!tpu.dma_semaphore, #tpu.memory_space<semaphore_mem>>)
          } else {
          }
          %slice3A_255 = vector.extract_strided_slice %gather3A_222 {offsets = [12], sizes = [1], strides = [1]} : vector<16xi32> to vector<1xi32>
          %squeeze3A_256 = vector.extract %slice3A_255[0] : i32 from vector<1xi32>
          %gt3A_257 = arith.constant 3 : i32
          %gt3A_258 = arith.cmpi sgt, %min3A_235, %gt3A_257 : i32
          %convert_element_type3A_259 = arith.extui %gt3A_258 : i1 to i32
          %cond3A_260 = arith.constant 0 : i32
          %cond3A_261 = arith.cmpi ne, %convert_element_type3A_259, %cond3A_260 : i32
          scf.if %cond3A_261 {
            %mul3A_272 = arith.constant 64 : i32
            %mul3A_273 = arith.muli %squeeze3A_256, %mul3A_272 : i32
            %dma_start3A = arith.constant 192 : i32
            %dma_start3A_274 = tpu.memref_slice %arg17[%dma_start3A] : memref<1024xf32, #tpu.memory_space<vmem>> -> memref<64xf32, #tpu.memory_space<vmem>>
            %dma_start3A_275 = tpu.memref_slice %arg7[%mul3A_273] : memref<1048576xf32, #tpu.memory_space<hbm>> -> memref<64xf32, #tpu.memory_space<hbm>>
            %dma_start3A_276 = tpu.memref_slice %arg7[%mul3A_273] : memref<1048576xf32, #tpu.memory_space<hbm>> -> memref<64xf32, #tpu.memory_space<hbm>>
            %dma_start3A_277 = arith.constant 192 : i32
            %dma_start3A_278 = tpu.memref_slice %arg17[%dma_start3A_277] : memref<1024xf32, #tpu.memory_space<vmem>> -> memref<64xf32, #tpu.memory_space<vmem>>
            tpu.enqueue_dma source(%dma_start3A_278 : memref<64xf32, #tpu.memory_space<vmem>>) target(%dma_start3A_276 : memref<64xf32, #tpu.memory_space<hbm>>) target_semaphore(%arg20 : memref<!tpu.dma_semaphore, #tpu.memory_space<semaphore_mem>>)
          } else {
          }
          %while3A_262 = arith.constant 0 : i32
          %while3A_263 = arith.constant 0 : i32
          %while3A_264 = arith.subi %min3A_235, %while3A_263 : i32
          %while3A_265 = arith.addi %while3A_263, %while3A_264 : i32
          %while3A_266 = arith.constant 1 : i32
          %while3A_267 = arith.divsi %while3A_264, %while3A_266 : i32
          %while3A_268 = arith.muli %while3A_267, %while3A_266 : i32
          %while3A_269 = arith.addi %while3A_263, %while3A_268 : i32
          %while3A_270 = arith.constant 1 : i32
          scf.for %while3A_272 = %while3A_263 to %while3A_269 step %while3A_270  : i32 {
            %dma_wait3A_273 = arith.constant 0 : i32
            %dma_wait3A_274 = tpu.memref_slice %arg17[%dma_wait3A_273] : memref<1024xf32, #tpu.memory_space<vmem>> -> memref<64xf32, #tpu.memory_space<vmem>>
            %dma_wait3A_275 = arith.constant 0 : i32
            %dma_wait3A_276 = tpu.memref_slice %arg7[%dma_wait3A_275] : memref<1048576xf32, #tpu.memory_space<hbm>> -> memref<64xf32, #tpu.memory_space<hbm>>
            %dma_wait3A_277 = arith.constant 0 : i32
            %dma_wait3A_278 = tpu.memref_slice %arg7[%dma_wait3A_277] : memref<1048576xf32, #tpu.memory_space<hbm>> -> memref<64xf32, #tpu.memory_space<hbm>>
            %dma_wait3A_279 = arith.constant 0 : i32
            %dma_wait3A_280 = tpu.memref_slice %arg17[%dma_wait3A_279] : memref<1024xf32, #tpu.memory_space<vmem>> -> memref<64xf32, #tpu.memory_space<vmem>>
            tpu.wait_dma2 semaphore(%arg20 : memref<!tpu.dma_semaphore, #tpu.memory_space<semaphore_mem>>) src(%dma_wait3A_280 : memref<64xf32, #tpu.memory_space<vmem>>) dst(%dma_wait3A_278 : memref<64xf32, #tpu.memory_space<hbm>>)
          }
          %while3A_271 = arith.constant 1 : i32
          scf.for %while3A_272 = %while3A_269 to %while3A_265 step %while3A_271  : i32 {
            %dma_wait3A_273 = arith.constant 0 : i32
            %dma_wait3A_274 = tpu.memref_slice %arg17[%dma_wait3A_273] : memref<1024xf32, #tpu.memory_space<vmem>> -> memref<64xf32, #tpu.memory_space<vmem>>
            %dma_wait3A_275 = arith.constant 0 : i32
            %dma_wait3A_276 = tpu.memref_slice %arg7[%dma_wait3A_275] : memref<1048576xf32, #tpu.memory_space<hbm>> -> memref<64xf32, #tpu.memory_space<hbm>>
            %dma_wait3A_277 = arith.constant 0 : i32
            %dma_wait3A_278 = tpu.memref_slice %arg7[%dma_wait3A_277] : memref<1048576xf32, #tpu.memory_space<hbm>> -> memref<64xf32, #tpu.memory_space<hbm>>
            %dma_wait3A_279 = arith.constant 0 : i32
            %dma_wait3A_280 = tpu.memref_slice %arg17[%dma_wait3A_279] : memref<1024xf32, #tpu.memory_space<vmem>> -> memref<64xf32, #tpu.memory_space<vmem>>
            tpu.wait_dma2 semaphore(%arg20 : memref<!tpu.dma_semaphore, #tpu.memory_space<semaphore_mem>>) src(%dma_wait3A_280 : memref<64xf32, #tpu.memory_space<vmem>>) dst(%dma_wait3A_278 : memref<64xf32, #tpu.memory_space<hbm>>)
          }
        }
        %while3A_214 = arith.constant 1 : i32
        scf.for %while3A_215 = %while3A_212 to %while3A_208 step %while3A_214  : i32 {
          %mul3A_216 = arith.constant 4 : i32
          %mul3A_217 = arith.muli %while3A_215, %mul3A_216 : i32
          %add3A_218 = vector.broadcast %mul3A_217 : i32 to vector<16xi32>
          %add3A_219 = arith.addi %add3A_218, %shift_right_arithmetic3A_197 : vector<16xi32>
          %lt3A_220 = vector.broadcast %while3A_194 : i32 to vector<16xi32>
          %lt3A_221 = arith.cmpi slt, %add3A_219, %lt3A_220 : vector<16xi32>
          %gather3A = tpu.vector_load_idx %arg12[%add3A_219] masked %lt3A_221 : memref<1040xi32, #tpu.memory_space<vmem>>[vector<16xi32>], vector<16xi32>, vector<16xi1>
          %gather3A_222 = tpu.vector_load_idx %arg13[%add3A_219] masked %lt3A_221 : memref<1040xi32, #tpu.memory_space<vmem>>[vector<16xi32>], vector<16xi32>, vector<16xi1>
          %gather3A_223 = tpu.vector_load_idx %arg9[%gather3A_222] masked %lt3A_221 : memref<16384xi32, #tpu.memory_space<vmem>>[vector<16xi32>], vector<16xi32>, vector<16xi1>
          %mul3A_224 = arith.constant 64 : i32
          %mul3A_225 = vector.broadcast %mul3A_224 : i32 to vector<16xi32>
          %mul3A_226 = arith.muli %shift_right_arithmetic3A_197, %mul3A_225 : vector<16xi32>
          %add3A_227 = arith.addi %mul3A_226, %and3A_200 : vector<16xi32>
          %scan3A_228 = arith.constant 0 : i32
          %scan3A_229 = arith.constant 0 : i32
          %scan3A_230 = arith.constant 16 : i32
          %scan3A_231 = arith.addi %scan3A_229, %scan3A_230 : i32
          %scan3A_232 = arith.constant 1 : i32
          scf.for %scan3A_272 = %scan3A_229 to %scan3A_231 step %scan3A_232  : i32 {
            %mul3A_273 = arith.constant 4 : i32
            %mul3A_274 = arith.muli %scan3A_272, %mul3A_273 : i32
            %add3A_275 = vector.broadcast %mul3A_274 : i32 to vector<16xi32>
            %add3A_276 = arith.addi %and3A_200, %add3A_275 : vector<16xi32>
            %gather3A_277 = tpu.vector_load_idx %arg14[%add3A_176, %add3A_276, %gather3A] masked %lt3A_221 : memref<2x64x256xf32, #tpu.memory_space<vmem>>[vector<16xi32>, vector<16xi32>, vector<16xi32>], vector<16xf32>, vector<16xi1>
            %gather3A_278 = tpu.vector_load_idx %arg15[%add3A_276, %gather3A_223] masked %lt3A_221 : memref<64x1000xf32, #tpu.memory_space<vmem>>[vector<16xi32>, vector<16xi32>], vector<16xf32>, vector<16xi1>
            %mul3A_279 = arith.constant 4 : i32
            %mul3A_280 = arith.muli %scan3A_272, %mul3A_279 : i32
            %add3A_281 = vector.broadcast %mul3A_280 : i32 to vector<16xi32>
            %add3A_282 = arith.addi %add3A_227, %add3A_281 : vector<16xi32>
            %add3A_283 = arith.addf %gather3A_277, %gather3A_278 : vector<16xf32>
            tpu.vector_store_idx %arg17[%add3A_282], %add3A_283 masked %lt3A_221 : memref<1024xf32, #tpu.memory_space<vmem>>[vector<16xi32>], vector<16xf32>, vector<16xi1>
          }
          %scan3A_233 = arith.constant 16 : i32
          %sub3A_234 = arith.subi %while3A_194, %mul3A_217 : i32
          %min3A = arith.constant 4 : i32
          %min3A_235 = arith.minsi %min3A, %sub3A_234 : i32
          %slice3A = vector.extract_strided_slice %gather3A_222 {offsets = [0], sizes = [1], strides = [1]} : vector<16xi32> to vector<1xi32>
          %squeeze3A = vector.extract %slice3A[0] : i32 from vector<1xi32>
          %gt3A_236 = arith.constant 0 : i32
          %gt3A_237 = arith.cmpi sgt, %min3A_235, %gt3A_236 : i32
          %convert_element_type3A_238 = arith.extui %gt3A_237 : i1 to i32
          %cond3A_239 = arith.constant 0 : i32
          %cond3A_240 = arith.cmpi ne, %convert_element_type3A_238, %cond3A_239 : i32
          scf.if %cond3A_240 {
            %mul3A_272 = arith.constant 64 : i32
            %mul3A_273 = arith.muli %squeeze3A, %mul3A_272 : i32
            %dma_start3A = arith.constant 0 : i32
            %dma_start3A_274 = tpu.memref_slice %arg17[%dma_start3A] : memref<1024xf32, #tpu.memory_space<vmem>> -> memref<64xf32, #tpu.memory_space<vmem>>
            %dma_start3A_275 = tpu.memref_slice %arg7[%mul3A_273] : memref<1048576xf32, #tpu.memory_space<hbm>> -> memref<64xf32, #tpu.memory_space<hbm>>
            %dma_start3A_276 = tpu.memref_slice %arg7[%mul3A_273] : memref<1048576xf32, #tpu.memory_space<hbm>> -> memref<64xf32, #tpu.memory_space<hbm>>
            %dma_start3A_277 = arith.constant 0 : i32
            %dma_start3A_278 = tpu.memref_slice %arg17[%dma_start3A_277] : memref<1024xf32, #tpu.memory_space<vmem>> -> memref<64xf32, #tpu.memory_space<vmem>>
            tpu.enqueue_dma source(%dma_start3A_278 : memref<64xf32, #tpu.memory_space<vmem>>) target(%dma_start3A_276 : memref<64xf32, #tpu.memory_space<hbm>>) target_semaphore(%arg20 : memref<!tpu.dma_semaphore, #tpu.memory_space<semaphore_mem>>)
          } else {
          }
          %slice3A_241 = vector.extract_strided_slice %gather3A_222 {offsets = [4], sizes = [1], strides = [1]} : vector<16xi32> to vector<1xi32>
          %squeeze3A_242 = vector.extract %slice3A_241[0] : i32 from vector<1xi32>
          %gt3A_243 = arith.constant 1 : i32
          %gt3A_244 = arith.cmpi sgt, %min3A_235, %gt3A_243 : i32
          %convert_element_type3A_245 = arith.extui %gt3A_244 : i1 to i32
          %cond3A_246 = arith.constant 0 : i32
          %cond3A_247 = arith.cmpi ne, %convert_element_type3A_245, %cond3A_246 : i32
          scf.if %cond3A_247 {
            %mul3A_272 = arith.constant 64 : i32
            %mul3A_273 = arith.muli %squeeze3A_242, %mul3A_272 : i32
            %dma_start3A = arith.constant 64 : i32
            %dma_start3A_274 = tpu.memref_slice %arg17[%dma_start3A] : memref<1024xf32, #tpu.memory_space<vmem>> -> memref<64xf32, #tpu.memory_space<vmem>>
            %dma_start3A_275 = tpu.memref_slice %arg7[%mul3A_273] : memref<1048576xf32, #tpu.memory_space<hbm>> -> memref<64xf32, #tpu.memory_space<hbm>>
            %dma_start3A_276 = tpu.memref_slice %arg7[%mul3A_273] : memref<1048576xf32, #tpu.memory_space<hbm>> -> memref<64xf32, #tpu.memory_space<hbm>>
            %dma_start3A_277 = arith.constant 64 : i32
            %dma_start3A_278 = tpu.memref_slice %arg17[%dma_start3A_277] : memref<1024xf32, #tpu.memory_space<vmem>> -> memref<64xf32, #tpu.memory_space<vmem>>
            tpu.enqueue_dma source(%dma_start3A_278 : memref<64xf32, #tpu.memory_space<vmem>>) target(%dma_start3A_276 : memref<64xf32, #tpu.memory_space<hbm>>) target_semaphore(%arg20 : memref<!tpu.dma_semaphore, #tpu.memory_space<semaphore_mem>>)
          } else {
          }
          %slice3A_248 = vector.extract_strided_slice %gather3A_222 {offsets = [8], sizes = [1], strides = [1]} : vector<16xi32> to vector<1xi32>
          %squeeze3A_249 = vector.extract %slice3A_248[0] : i32 from vector<1xi32>
          %gt3A_250 = arith.constant 2 : i32
          %gt3A_251 = arith.cmpi sgt, %min3A_235, %gt3A_250 : i32
          %convert_element_type3A_252 = arith.extui %gt3A_251 : i1 to i32
          %cond3A_253 = arith.constant 0 : i32
          %cond3A_254 = arith.cmpi ne, %convert_element_type3A_252, %cond3A_253 : i32
          scf.if %cond3A_254 {
            %mul3A_272 = arith.constant 64 : i32
            %mul3A_273 = arith.muli %squeeze3A_249, %mul3A_272 : i32
            %dma_start3A = arith.constant 128 : i32
            %dma_start3A_274 = tpu.memref_slice %arg17[%dma_start3A] : memref<1024xf32, #tpu.memory_space<vmem>> -> memref<64xf32, #tpu.memory_space<vmem>>
            %dma_start3A_275 = tpu.memref_slice %arg7[%mul3A_273] : memref<1048576xf32, #tpu.memory_space<hbm>> -> memref<64xf32, #tpu.memory_space<hbm>>
            %dma_start3A_276 = tpu.memref_slice %arg7[%mul3A_273] : memref<1048576xf32, #tpu.memory_space<hbm>> -> memref<64xf32, #tpu.memory_space<hbm>>
            %dma_start3A_277 = arith.constant 128 : i32
            %dma_start3A_278 = tpu.memref_slice %arg17[%dma_start3A_277] : memref<1024xf32, #tpu.memory_space<vmem>> -> memref<64xf32, #tpu.memory_space<vmem>>
            tpu.enqueue_dma source(%dma_start3A_278 : memref<64xf32, #tpu.memory_space<vmem>>) target(%dma_start3A_276 : memref<64xf32, #tpu.memory_space<hbm>>) target_semaphore(%arg20 : memref<!tpu.dma_semaphore, #tpu.memory_space<semaphore_mem>>)
          } else {
          }
          %slice3A_255 = vector.extract_strided_slice %gather3A_222 {offsets = [12], sizes = [1], strides = [1]} : vector<16xi32> to vector<1xi32>
          %squeeze3A_256 = vector.extract %slice3A_255[0] : i32 from vector<1xi32>
          %gt3A_257 = arith.constant 3 : i32
          %gt3A_258 = arith.cmpi sgt, %min3A_235, %gt3A_257 : i32
          %convert_element_type3A_259 = arith.extui %gt3A_258 : i1 to i32
          %cond3A_260 = arith.constant 0 : i32
          %cond3A_261 = arith.cmpi ne, %convert_element_type3A_259, %cond3A_260 : i32
          scf.if %cond3A_261 {
            %mul3A_272 = arith.constant 64 : i32
            %mul3A_273 = arith.muli %squeeze3A_256, %mul3A_272 : i32
            %dma_start3A = arith.constant 192 : i32
            %dma_start3A_274 = tpu.memref_slice %arg17[%dma_start3A] : memref<1024xf32, #tpu.memory_space<vmem>> -> memref<64xf32, #tpu.memory_space<vmem>>
            %dma_start3A_275 = tpu.memref_slice %arg7[%mul3A_273] : memref<1048576xf32, #tpu.memory_space<hbm>> -> memref<64xf32, #tpu.memory_space<hbm>>
            %dma_start3A_276 = tpu.memref_slice %arg7[%mul3A_273] : memref<1048576xf32, #tpu.memory_space<hbm>> -> memref<64xf32, #tpu.memory_space<hbm>>
            %dma_start3A_277 = arith.constant 192 : i32
            %dma_start3A_278 = tpu.memref_slice %arg17[%dma_start3A_277] : memref<1024xf32, #tpu.memory_space<vmem>> -> memref<64xf32, #tpu.memory_space<vmem>>
            tpu.enqueue_dma source(%dma_start3A_278 : memref<64xf32, #tpu.memory_space<vmem>>) target(%dma_start3A_276 : memref<64xf32, #tpu.memory_space<hbm>>) target_semaphore(%arg20 : memref<!tpu.dma_semaphore, #tpu.memory_space<semaphore_mem>>)
          } else {
          }
          %while3A_262 = arith.constant 0 : i32
          %while3A_263 = arith.constant 0 : i32
          %while3A_264 = arith.subi %min3A_235, %while3A_263 : i32
          %while3A_265 = arith.addi %while3A_263, %while3A_264 : i32
          %while3A_266 = arith.constant 1 : i32
          %while3A_267 = arith.divsi %while3A_264, %while3A_266 : i32
          %while3A_268 = arith.muli %while3A_267, %while3A_266 : i32
          %while3A_269 = arith.addi %while3A_263, %while3A_268 : i32
          %while3A_270 = arith.constant 1 : i32
          scf.for %while3A_272 = %while3A_263 to %while3A_269 step %while3A_270  : i32 {
            %dma_wait3A_273 = arith.constant 0 : i32
            %dma_wait3A_274 = tpu.memref_slice %arg17[%dma_wait3A_273] : memref<1024xf32, #tpu.memory_space<vmem>> -> memref<64xf32, #tpu.memory_space<vmem>>
            %dma_wait3A_275 = arith.constant 0 : i32
            %dma_wait3A_276 = tpu.memref_slice %arg7[%dma_wait3A_275] : memref<1048576xf32, #tpu.memory_space<hbm>> -> memref<64xf32, #tpu.memory_space<hbm>>
            %dma_wait3A_277 = arith.constant 0 : i32
            %dma_wait3A_278 = tpu.memref_slice %arg7[%dma_wait3A_277] : memref<1048576xf32, #tpu.memory_space<hbm>> -> memref<64xf32, #tpu.memory_space<hbm>>
            %dma_wait3A_279 = arith.constant 0 : i32
            %dma_wait3A_280 = tpu.memref_slice %arg17[%dma_wait3A_279] : memref<1024xf32, #tpu.memory_space<vmem>> -> memref<64xf32, #tpu.memory_space<vmem>>
            tpu.wait_dma2 semaphore(%arg20 : memref<!tpu.dma_semaphore, #tpu.memory_space<semaphore_mem>>) src(%dma_wait3A_280 : memref<64xf32, #tpu.memory_space<vmem>>) dst(%dma_wait3A_278 : memref<64xf32, #tpu.memory_space<hbm>>)
          }
          %while3A_271 = arith.constant 1 : i32
          scf.for %while3A_272 = %while3A_269 to %while3A_265 step %while3A_271  : i32 {
            %dma_wait3A_273 = arith.constant 0 : i32
            %dma_wait3A_274 = tpu.memref_slice %arg17[%dma_wait3A_273] : memref<1024xf32, #tpu.memory_space<vmem>> -> memref<64xf32, #tpu.memory_space<vmem>>
            %dma_wait3A_275 = arith.constant 0 : i32
            %dma_wait3A_276 = tpu.memref_slice %arg7[%dma_wait3A_275] : memref<1048576xf32, #tpu.memory_space<hbm>> -> memref<64xf32, #tpu.memory_space<hbm>>
            %dma_wait3A_277 = arith.constant 0 : i32
            %dma_wait3A_278 = tpu.memref_slice %arg7[%dma_wait3A_277] : memref<1048576xf32, #tpu.memory_space<hbm>> -> memref<64xf32, #tpu.memory_space<hbm>>
            %dma_wait3A_279 = arith.constant 0 : i32
            %dma_wait3A_280 = tpu.memref_slice %arg17[%dma_wait3A_279] : memref<1024xf32, #tpu.memory_space<vmem>> -> memref<64xf32, #tpu.memory_space<vmem>>
            tpu.wait_dma2 semaphore(%arg20 : memref<!tpu.dma_semaphore, #tpu.memory_space<semaphore_mem>>) src(%dma_wait3A_280 : memref<64xf32, #tpu.memory_space<vmem>>) dst(%dma_wait3A_278 : memref<64xf32, #tpu.memory_space<hbm>>)
          }
        }
      } else {
      }
    }
    %add3A_43 = arith.constant 16 : i32
    %add3A_44 = arith.addi %scan3A_26#1, %add3A_43 : i32
    %sub3A_45 = arith.constant 1 : i32
    %sub3A_46 = arith.subi %add3A_44, %sub3A_45 : i32
    %shift_right_arithmetic3A_47 = arith.constant 4 : i32
    %shift_right_arithmetic3A_48 = arith.shrsi %sub3A_46, %shift_right_arithmetic3A_47 : i32
    %while3A_49 = arith.constant 0 : i32
    %while3A_50 = arith.constant 0 : i32
    %while3A_51 = arith.subi %shift_right_arithmetic3A_48, %while3A_49 : i32
    %while3A_52 = arith.addi %while3A_49, %while3A_51 : i32
    %while3A_53 = arith.constant 1 : i32
    %while3A_54 = arith.divsi %while3A_51, %while3A_53 : i32
    %while3A_55 = arith.muli %while3A_54, %while3A_53 : i32
    %while3A_56 = arith.addi %while3A_49, %while3A_55 : i32
    %while3A_57 = arith.constant 1 : i32
    %while3A_58 = scf.for %while3A_82 = %while3A_49 to %while3A_56 step %while3A_57 iter_args(%while3A_83 = %while3A_50) -> (i32)  : i32 {
      %mul3A_84 = arith.constant 16 : i32
      %mul3A_85 = arith.muli %while3A_82, %mul3A_84 : i32
      %get3A = arith.index_cast %mul3A_85 : i32 to index
      %get3A_86 = tpu.vector_load %arg10[%get3A] {strides = array<i32>} : memref<1040xi32, #tpu.memory_space<vmem>>, vector<16xi32>,
      %get3A_87 = arith.index_cast %mul3A_85 : i32 to index
      %get3A_88 = tpu.vector_load %arg11[%get3A_87] {strides = array<i32>} : memref<1040xi32, #tpu.memory_space<vmem>>, vector<16xi32>,
      %shift_right_arithmetic3A_89 = arith.constant 8 : i32
      %shift_right_arithmetic3A_90 = vector.broadcast %shift_right_arithmetic3A_89 : i32 to vector<16xi32>
      %shift_right_arithmetic3A_91 = arith.shrsi %get3A_86, %shift_right_arithmetic3A_90 : vector<16xi32>
      %eq3A_92 = vector.broadcast %sub3A : i32 to vector<16xi32>
      %eq3A_93 = arith.cmpi eq, %shift_right_arithmetic3A_91, %eq3A_92 : vector<16xi32>
      %and3A_94 = arith.constant 255 : i32
      %and3A_95 = vector.broadcast %and3A_94 : i32 to vector<16xi32>
      %and3A_96 = arith.andi %get3A_86, %and3A_95 : vector<16xi32>
      %swap3A_97 = arith.index_cast %while3A_83 : i32 to index
      %swap3A_98 = tpu.vector_load %arg12[%swap3A_97] masked %eq3A_93 {strides = array<i32>} : memref<1040xi32, #tpu.memory_space<vmem>>, vector<16xi32>, vector<16xi1>
      tpu.vector_store %arg12[%swap3A_97], %and3A_96 masked %eq3A_93 {strides = array<i32>} : memref<1040xi32, #tpu.memory_space<vmem>>, vector<16xi32>, vector<16xi1>
      %swap3A_99 = arith.index_cast %while3A_83 : i32 to index
      %swap3A_100 = tpu.vector_load %arg13[%swap3A_99] masked %eq3A_93 {strides = array<i32>} : memref<1040xi32, #tpu.memory_space<vmem>>, vector<16xi32>, vector<16xi1>
      tpu.vector_store %arg13[%swap3A_99], %get3A_88 masked %eq3A_93 {strides = array<i32>} : memref<1040xi32, #tpu.memory_space<vmem>>, vector<16xi32>, vector<16xi1>
      %all_reduce_population_count3A = tpu.all_reduce %eq3A_93 {dim = 0 : i64, kind = #tpu.reduction_kind<sum>} : vector<16xi1> -> vector<16xi32>
      %slice3A = vector.extract_strided_slice %all_reduce_population_count3A {offsets = [0], sizes = [1], strides = [1]} : vector<16xi32> to vector<1xi32>
      %squeeze3A = vector.extract %slice3A[0] : i32 from vector<1xi32>
      %add3A_101 = arith.addi %while3A_83, %squeeze3A : i32
      scf.yield %add3A_101 : i32
    }
    %while3A_59 = arith.constant 1 : i32
    %while3A_60 = scf.for %while3A_82 = %while3A_56 to %while3A_52 step %while3A_59 iter_args(%while3A_83 = %while3A_58) -> (i32)  : i32 {
      %mul3A_84 = arith.constant 16 : i32
      %mul3A_85 = arith.muli %while3A_82, %mul3A_84 : i32
      %get3A = arith.index_cast %mul3A_85 : i32 to index
      %get3A_86 = tpu.vector_load %arg10[%get3A] {strides = array<i32>} : memref<1040xi32, #tpu.memory_space<vmem>>, vector<16xi32>,
      %get3A_87 = arith.index_cast %mul3A_85 : i32 to index
      %get3A_88 = tpu.vector_load %arg11[%get3A_87] {strides = array<i32>} : memref<1040xi32, #tpu.memory_space<vmem>>, vector<16xi32>,
      %shift_right_arithmetic3A_89 = arith.constant 8 : i32
      %shift_right_arithmetic3A_90 = vector.broadcast %shift_right_arithmetic3A_89 : i32 to vector<16xi32>
      %shift_right_arithmetic3A_91 = arith.shrsi %get3A_86, %shift_right_arithmetic3A_90 : vector<16xi32>
      %eq3A_92 = vector.broadcast %sub3A : i32 to vector<16xi32>
      %eq3A_93 = arith.cmpi eq, %shift_right_arithmetic3A_91, %eq3A_92 : vector<16xi32>
      %and3A_94 = arith.constant 255 : i32
      %and3A_95 = vector.broadcast %and3A_94 : i32 to vector<16xi32>
      %and3A_96 = arith.andi %get3A_86, %and3A_95 : vector<16xi32>
      %swap3A_97 = arith.index_cast %while3A_83 : i32 to index
      %swap3A_98 = tpu.vector_load %arg12[%swap3A_97] masked %eq3A_93 {strides = array<i32>} : memref<1040xi32, #tpu.memory_space<vmem>>, vector<16xi32>, vector<16xi1>
      tpu.vector_store %arg12[%swap3A_97], %and3A_96 masked %eq3A_93 {strides = array<i32>} : memref<1040xi32, #tpu.memory_space<vmem>>, vector<16xi32>, vector<16xi1>
      %swap3A_99 = arith.index_cast %while3A_83 : i32 to index
      %swap3A_100 = tpu.vector_load %arg13[%swap3A_99] masked %eq3A_93 {strides = array<i32>} : memref<1040xi32, #tpu.memory_space<vmem>>, vector<16xi32>, vector<16xi1>
      tpu.vector_store %arg13[%swap3A_99], %get3A_88 masked %eq3A_93 {strides = array<i32>} : memref<1040xi32, #tpu.memory_space<vmem>>, vector<16xi32>, vector<16xi1>
      %all_reduce_population_count3A = tpu.all_reduce %eq3A_93 {dim = 0 : i64, kind = #tpu.reduction_kind<sum>} : vector<16xi1> -> vector<16xi32>
      %slice3A = vector.extract_strided_slice %all_reduce_population_count3A {offsets = [0], sizes = [1], strides = [1]} : vector<16xi32> to vector<1xi32>
      %squeeze3A = vector.extract %slice3A[0] : i32 from vector<1xi32>
      %add3A_101 = arith.addi %while3A_83, %squeeze3A : i32
      scf.yield %add3A_101 : i32
    }
    %shift_right_arithmetic3A_61 = arith.constant 2 : i32
    %shift_right_arithmetic3A_62 = vector.broadcast %shift_right_arithmetic3A_61 : i32 to vector<16xi32>
    %shift_right_arithmetic3A_63 = arith.shrsi %iota3A, %shift_right_arithmetic3A_62 : vector<16xi32>
    %and3A = arith.constant 3 : i32
    %and3A_64 = vector.broadcast %and3A : i32 to vector<16xi32>
    %and3A_65 = arith.andi %iota3A, %and3A_64 : vector<16xi32>
    %add3A_66 = arith.constant 3 : i32
    %add3A_67 = arith.addi %while3A_60, %add3A_66 : i32
    %shift_right_arithmetic3A_68 = arith.constant 2 : i32
    %shift_right_arithmetic3A_69 = arith.shrsi %add3A_67, %shift_right_arithmetic3A_68 : i32
    %while3A_70 = arith.constant 0 : i32
    %while3A_71 = arith.constant 0 : i32
    %while3A_72 = arith.subi %shift_right_arithmetic3A_69, %while3A_71 : i32
    %while3A_73 = arith.addi %while3A_71, %while3A_72 : i32
    %while3A_74 = arith.constant 1 : i32
    %while3A_75 = arith.divsi %while3A_72, %while3A_74 : i32
    %while3A_76 = arith.muli %while3A_75, %while3A_74 : i32
    %while3A_77 = arith.addi %while3A_71, %while3A_76 : i32
    %while3A_78 = arith.constant 1 : i32
    scf.for %while3A_82 = %while3A_71 to %while3A_77 step %while3A_78  : i32 {
      %mul3A_83 = arith.constant 4 : i32
      %mul3A_84 = arith.muli %while3A_82, %mul3A_83 : i32
      %add3A_85 = vector.broadcast %mul3A_84 : i32 to vector<16xi32>
      %add3A_86 = arith.addi %add3A_85, %shift_right_arithmetic3A_63 : vector<16xi32>
      %lt3A = vector.broadcast %while3A_60 : i32 to vector<16xi32>
      %lt3A_87 = arith.cmpi slt, %add3A_86, %lt3A : vector<16xi32>
      %gather3A = tpu.vector_load_idx %arg12[%add3A_86] masked %lt3A_87 : memref<1040xi32, #tpu.memory_space<vmem>>[vector<16xi32>], vector<16xi32>, vector<16xi1>
      %gather3A_88 = tpu.vector_load_idx %arg13[%add3A_86] masked %lt3A_87 : memref<1040xi32, #tpu.memory_space<vmem>>[vector<16xi32>], vector<16xi32>, vector<16xi1>
      %gather3A_89 = tpu.vector_load_idx %arg9[%gather3A_88] masked %lt3A_87 : memref<16384xi32, #tpu.memory_space<vmem>>[vector<16xi32>], vector<16xi32>, vector<16xi1>
      %mul3A_90 = arith.constant 64 : i32
      %mul3A_91 = vector.broadcast %mul3A_90 : i32 to vector<16xi32>
      %mul3A_92 = arith.muli %shift_right_arithmetic3A_63, %mul3A_91 : vector<16xi32>
      %add3A_93 = arith.addi %mul3A_92, %and3A_65 : vector<16xi32>
      %scan3A_94 = arith.constant 0 : i32
      %scan3A_95 = arith.constant 0 : i32
      %scan3A_96 = arith.constant 16 : i32
      %scan3A_97 = arith.addi %scan3A_95, %scan3A_96 : i32
      %scan3A_98 = arith.constant 1 : i32
      scf.for %scan3A_138 = %scan3A_95 to %scan3A_97 step %scan3A_98  : i32 {
        %mul3A_139 = arith.constant 4 : i32
        %mul3A_140 = arith.muli %scan3A_138, %mul3A_139 : i32
        %add3A_141 = vector.broadcast %mul3A_140 : i32 to vector<16xi32>
        %add3A_142 = arith.addi %and3A_65, %add3A_141 : vector<16xi32>
        %gather3A_143 = tpu.vector_load_idx %arg16[%add3A_142, %gather3A] masked %lt3A_87 : memref<64x64xf32, #tpu.memory_space<vmem>>[vector<16xi32>, vector<16xi32>], vector<16xf32>, vector<16xi1>
        %gather3A_144 = tpu.vector_load_idx %arg15[%add3A_142, %gather3A_89] masked %lt3A_87 : memref<64x1000xf32, #tpu.memory_space<vmem>>[vector<16xi32>, vector<16xi32>], vector<16xf32>, vector<16xi1>
        %mul3A_145 = arith.constant 4 : i32
        %mul3A_146 = arith.muli %scan3A_138, %mul3A_145 : i32
        %add3A_147 = vector.broadcast %mul3A_146 : i32 to vector<16xi32>
        %add3A_148 = arith.addi %add3A_93, %add3A_147 : vector<16xi32>
        %add3A_149 = arith.addf %gather3A_143, %gather3A_144 : vector<16xf32>
        tpu.vector_store_idx %arg17[%add3A_148], %add3A_149 masked %lt3A_87 : memref<1024xf32, #tpu.memory_space<vmem>>[vector<16xi32>], vector<16xf32>, vector<16xi1>
      }
      %scan3A_99 = arith.constant 16 : i32
      %sub3A_100 = arith.subi %while3A_60, %mul3A_84 : i32
      %min3A = arith.constant 4 : i32
      %min3A_101 = arith.minsi %min3A, %sub3A_100 : i32
      %slice3A = vector.extract_strided_slice %gather3A_88 {offsets = [0], sizes = [1], strides = [1]} : vector<16xi32> to vector<1xi32>
      %squeeze3A = vector.extract %slice3A[0] : i32 from vector<1xi32>
      %gt3A_102 = arith.constant 0 : i32
      %gt3A_103 = arith.cmpi sgt, %min3A_101, %gt3A_102 : i32
      %convert_element_type3A_104 = arith.extui %gt3A_103 : i1 to i32
      %cond3A_105 = arith.constant 0 : i32
      %cond3A_106 = arith.cmpi ne, %convert_element_type3A_104, %cond3A_105 : i32
      scf.if %cond3A_106 {
        %mul3A_138 = arith.constant 64 : i32
        %mul3A_139 = arith.muli %squeeze3A, %mul3A_138 : i32
        %dma_start3A = arith.constant 0 : i32
        %dma_start3A_140 = tpu.memref_slice %arg17[%dma_start3A] : memref<1024xf32, #tpu.memory_space<vmem>> -> memref<64xf32, #tpu.memory_space<vmem>>
        %dma_start3A_141 = tpu.memref_slice %arg7[%mul3A_139] : memref<1048576xf32, #tpu.memory_space<hbm>> -> memref<64xf32, #tpu.memory_space<hbm>>
        %dma_start3A_142 = tpu.memref_slice %arg7[%mul3A_139] : memref<1048576xf32, #tpu.memory_space<hbm>> -> memref<64xf32, #tpu.memory_space<hbm>>
        %dma_start3A_143 = arith.constant 0 : i32
        %dma_start3A_144 = tpu.memref_slice %arg17[%dma_start3A_143] : memref<1024xf32, #tpu.memory_space<vmem>> -> memref<64xf32, #tpu.memory_space<vmem>>
        tpu.enqueue_dma source(%dma_start3A_144 : memref<64xf32, #tpu.memory_space<vmem>>) target(%dma_start3A_142 : memref<64xf32, #tpu.memory_space<hbm>>) target_semaphore(%arg20 : memref<!tpu.dma_semaphore, #tpu.memory_space<semaphore_mem>>)
      } else {
      }
      %slice3A_107 = vector.extract_strided_slice %gather3A_88 {offsets = [4], sizes = [1], strides = [1]} : vector<16xi32> to vector<1xi32>
      %squeeze3A_108 = vector.extract %slice3A_107[0] : i32 from vector<1xi32>
      %gt3A_109 = arith.constant 1 : i32
      %gt3A_110 = arith.cmpi sgt, %min3A_101, %gt3A_109 : i32
      %convert_element_type3A_111 = arith.extui %gt3A_110 : i1 to i32
      %cond3A_112 = arith.constant 0 : i32
      %cond3A_113 = arith.cmpi ne, %convert_element_type3A_111, %cond3A_112 : i32
      scf.if %cond3A_113 {
        %mul3A_138 = arith.constant 64 : i32
        %mul3A_139 = arith.muli %squeeze3A_108, %mul3A_138 : i32
        %dma_start3A = arith.constant 64 : i32
        %dma_start3A_140 = tpu.memref_slice %arg17[%dma_start3A] : memref<1024xf32, #tpu.memory_space<vmem>> -> memref<64xf32, #tpu.memory_space<vmem>>
        %dma_start3A_141 = tpu.memref_slice %arg7[%mul3A_139] : memref<1048576xf32, #tpu.memory_space<hbm>> -> memref<64xf32, #tpu.memory_space<hbm>>
        %dma_start3A_142 = tpu.memref_slice %arg7[%mul3A_139] : memref<1048576xf32, #tpu.memory_space<hbm>> -> memref<64xf32, #tpu.memory_space<hbm>>
        %dma_start3A_143 = arith.constant 64 : i32
        %dma_start3A_144 = tpu.memref_slice %arg17[%dma_start3A_143] : memref<1024xf32, #tpu.memory_space<vmem>> -> memref<64xf32, #tpu.memory_space<vmem>>
        tpu.enqueue_dma source(%dma_start3A_144 : memref<64xf32, #tpu.memory_space<vmem>>) target(%dma_start3A_142 : memref<64xf32, #tpu.memory_space<hbm>>) target_semaphore(%arg20 : memref<!tpu.dma_semaphore, #tpu.memory_space<semaphore_mem>>)
      } else {
      }
      %slice3A_114 = vector.extract_strided_slice %gather3A_88 {offsets = [8], sizes = [1], strides = [1]} : vector<16xi32> to vector<1xi32>
      %squeeze3A_115 = vector.extract %slice3A_114[0] : i32 from vector<1xi32>
      %gt3A_116 = arith.constant 2 : i32
      %gt3A_117 = arith.cmpi sgt, %min3A_101, %gt3A_116 : i32
      %convert_element_type3A_118 = arith.extui %gt3A_117 : i1 to i32
      %cond3A_119 = arith.constant 0 : i32
      %cond3A_120 = arith.cmpi ne, %convert_element_type3A_118, %cond3A_119 : i32
      scf.if %cond3A_120 {
        %mul3A_138 = arith.constant 64 : i32
        %mul3A_139 = arith.muli %squeeze3A_115, %mul3A_138 : i32
        %dma_start3A = arith.constant 128 : i32
        %dma_start3A_140 = tpu.memref_slice %arg17[%dma_start3A] : memref<1024xf32, #tpu.memory_space<vmem>> -> memref<64xf32, #tpu.memory_space<vmem>>
        %dma_start3A_141 = tpu.memref_slice %arg7[%mul3A_139] : memref<1048576xf32, #tpu.memory_space<hbm>> -> memref<64xf32, #tpu.memory_space<hbm>>
        %dma_start3A_142 = tpu.memref_slice %arg7[%mul3A_139] : memref<1048576xf32, #tpu.memory_space<hbm>> -> memref<64xf32, #tpu.memory_space<hbm>>
        %dma_start3A_143 = arith.constant 128 : i32
        %dma_start3A_144 = tpu.memref_slice %arg17[%dma_start3A_143] : memref<1024xf32, #tpu.memory_space<vmem>> -> memref<64xf32, #tpu.memory_space<vmem>>
        tpu.enqueue_dma source(%dma_start3A_144 : memref<64xf32, #tpu.memory_space<vmem>>) target(%dma_start3A_142 : memref<64xf32, #tpu.memory_space<hbm>>) target_semaphore(%arg20 : memref<!tpu.dma_semaphore, #tpu.memory_space<semaphore_mem>>)
      } else {
      }
      %slice3A_121 = vector.extract_strided_slice %gather3A_88 {offsets = [12], sizes = [1], strides = [1]} : vector<16xi32> to vector<1xi32>
      %squeeze3A_122 = vector.extract %slice3A_121[0] : i32 from vector<1xi32>
      %gt3A_123 = arith.constant 3 : i32
      %gt3A_124 = arith.cmpi sgt, %min3A_101, %gt3A_123 : i32
      %convert_element_type3A_125 = arith.extui %gt3A_124 : i1 to i32
      %cond3A_126 = arith.constant 0 : i32
      %cond3A_127 = arith.cmpi ne, %convert_element_type3A_125, %cond3A_126 : i32
      scf.if %cond3A_127 {
        %mul3A_138 = arith.constant 64 : i32
        %mul3A_139 = arith.muli %squeeze3A_122, %mul3A_138 : i32
        %dma_start3A = arith.constant 192 : i32
        %dma_start3A_140 = tpu.memref_slice %arg17[%dma_start3A] : memref<1024xf32, #tpu.memory_space<vmem>> -> memref<64xf32, #tpu.memory_space<vmem>>
        %dma_start3A_141 = tpu.memref_slice %arg7[%mul3A_139] : memref<1048576xf32, #tpu.memory_space<hbm>> -> memref<64xf32, #tpu.memory_space<hbm>>
        %dma_start3A_142 = tpu.memref_slice %arg7[%mul3A_139] : memref<1048576xf32, #tpu.memory_space<hbm>> -> memref<64xf32, #tpu.memory_space<hbm>>
        %dma_start3A_143 = arith.constant 192 : i32
        %dma_start3A_144 = tpu.memref_slice %arg17[%dma_start3A_143] : memref<1024xf32, #tpu.memory_space<vmem>> -> memref<64xf32, #tpu.memory_space<vmem>>
        tpu.enqueue_dma source(%dma_start3A_144 : memref<64xf32, #tpu.memory_space<vmem>>) target(%dma_start3A_142 : memref<64xf32, #tpu.memory_space<hbm>>) target_semaphore(%arg20 : memref<!tpu.dma_semaphore, #tpu.memory_space<semaphore_mem>>)
      } else {
      }
      %while3A_128 = arith.constant 0 : i32
      %while3A_129 = arith.constant 0 : i32
      %while3A_130 = arith.subi %min3A_101, %while3A_129 : i32
      %while3A_131 = arith.addi %while3A_129, %while3A_130 : i32
      %while3A_132 = arith.constant 1 : i32
      %while3A_133 = arith.divsi %while3A_130, %while3A_132 : i32
      %while3A_134 = arith.muli %while3A_133, %while3A_132 : i32
      %while3A_135 = arith.addi %while3A_129, %while3A_134 : i32
      %while3A_136 = arith.constant 1 : i32
      scf.for %while3A_138 = %while3A_129 to %while3A_135 step %while3A_136  : i32 {
        %dma_wait3A = arith.constant 0 : i32
        %dma_wait3A_139 = tpu.memref_slice %arg17[%dma_wait3A] : memref<1024xf32, #tpu.memory_space<vmem>> -> memref<64xf32, #tpu.memory_space<vmem>>
        %dma_wait3A_140 = arith.constant 0 : i32
        %dma_wait3A_141 = tpu.memref_slice %arg7[%dma_wait3A_140] : memref<1048576xf32, #tpu.memory_space<hbm>> -> memref<64xf32, #tpu.memory_space<hbm>>
        %dma_wait3A_142 = arith.constant 0 : i32
        %dma_wait3A_143 = tpu.memref_slice %arg7[%dma_wait3A_142] : memref<1048576xf32, #tpu.memory_space<hbm>> -> memref<64xf32, #tpu.memory_space<hbm>>
        %dma_wait3A_144 = arith.constant 0 : i32
        %dma_wait3A_145 = tpu.memref_slice %arg17[%dma_wait3A_144] : memref<1024xf32, #tpu.memory_space<vmem>> -> memref<64xf32, #tpu.memory_space<vmem>>
        tpu.wait_dma2 semaphore(%arg20 : memref<!tpu.dma_semaphore, #tpu.memory_space<semaphore_mem>>) src(%dma_wait3A_145 : memref<64xf32, #tpu.memory_space<vmem>>) dst(%dma_wait3A_143 : memref<64xf32, #tpu.memory_space<hbm>>)
      }
      %while3A_137 = arith.constant 1 : i32
      scf.for %while3A_138 = %while3A_135 to %while3A_131 step %while3A_137  : i32 {
        %dma_wait3A = arith.constant 0 : i32
        %dma_wait3A_139 = tpu.memref_slice %arg17[%dma_wait3A] : memref<1024xf32, #tpu.memory_space<vmem>> -> memref<64xf32, #tpu.memory_space<vmem>>
        %dma_wait3A_140 = arith.constant 0 : i32
        %dma_wait3A_141 = tpu.memref_slice %arg7[%dma_wait3A_140] : memref<1048576xf32, #tpu.memory_space<hbm>> -> memref<64xf32, #tpu.memory_space<hbm>>
        %dma_wait3A_142 = arith.constant 0 : i32
        %dma_wait3A_143 = tpu.memref_slice %arg7[%dma_wait3A_142] : memref<1048576xf32, #tpu.memory_space<hbm>> -> memref<64xf32, #tpu.memory_space<hbm>>
        %dma_wait3A_144 = arith.constant 0 : i32
        %dma_wait3A_145 = tpu.memref_slice %arg17[%dma_wait3A_144] : memref<1024xf32, #tpu.memory_space<vmem>> -> memref<64xf32, #tpu.memory_space<vmem>>
        tpu.wait_dma2 semaphore(%arg20 : memref<!tpu.dma_semaphore, #tpu.memory_space<semaphore_mem>>) src(%dma_wait3A_145 : memref<64xf32, #tpu.memory_space<vmem>>) dst(%dma_wait3A_143 : memref<64xf32, #tpu.memory_space<hbm>>)
      }
    }
    %while3A_79 = arith.constant 1 : i32
    scf.for %while3A_82 = %while3A_77 to %while3A_73 step %while3A_79  : i32 {
      %mul3A_83 = arith.constant 4 : i32
      %mul3A_84 = arith.muli %while3A_82, %mul3A_83 : i32
      %add3A_85 = vector.broadcast %mul3A_84 : i32 to vector<16xi32>
      %add3A_86 = arith.addi %add3A_85, %shift_right_arithmetic3A_63 : vector<16xi32>
      %lt3A = vector.broadcast %while3A_60 : i32 to vector<16xi32>
      %lt3A_87 = arith.cmpi slt, %add3A_86, %lt3A : vector<16xi32>
      %gather3A = tpu.vector_load_idx %arg12[%add3A_86] masked %lt3A_87 : memref<1040xi32, #tpu.memory_space<vmem>>[vector<16xi32>], vector<16xi32>, vector<16xi1>
      %gather3A_88 = tpu.vector_load_idx %arg13[%add3A_86] masked %lt3A_87 : memref<1040xi32, #tpu.memory_space<vmem>>[vector<16xi32>], vector<16xi32>, vector<16xi1>
      %gather3A_89 = tpu.vector_load_idx %arg9[%gather3A_88] masked %lt3A_87 : memref<16384xi32, #tpu.memory_space<vmem>>[vector<16xi32>], vector<16xi32>, vector<16xi1>
      %mul3A_90 = arith.constant 64 : i32
      %mul3A_91 = vector.broadcast %mul3A_90 : i32 to vector<16xi32>
      %mul3A_92 = arith.muli %shift_right_arithmetic3A_63, %mul3A_91 : vector<16xi32>
      %add3A_93 = arith.addi %mul3A_92, %and3A_65 : vector<16xi32>
      %scan3A_94 = arith.constant 0 : i32
      %scan3A_95 = arith.constant 0 : i32
      %scan3A_96 = arith.constant 16 : i32
      %scan3A_97 = arith.addi %scan3A_95, %scan3A_96 : i32
      %scan3A_98 = arith.constant 1 : i32
      scf.for %scan3A_138 = %scan3A_95 to %scan3A_97 step %scan3A_98  : i32 {
        %mul3A_139 = arith.constant 4 : i32
        %mul3A_140 = arith.muli %scan3A_138, %mul3A_139 : i32
        %add3A_141 = vector.broadcast %mul3A_140 : i32 to vector<16xi32>
        %add3A_142 = arith.addi %and3A_65, %add3A_141 : vector<16xi32>
        %gather3A_143 = tpu.vector_load_idx %arg16[%add3A_142, %gather3A] masked %lt3A_87 : memref<64x64xf32, #tpu.memory_space<vmem>>[vector<16xi32>, vector<16xi32>], vector<16xf32>, vector<16xi1>
        %gather3A_144 = tpu.vector_load_idx %arg15[%add3A_142, %gather3A_89] masked %lt3A_87 : memref<64x1000xf32, #tpu.memory_space<vmem>>[vector<16xi32>, vector<16xi32>], vector<16xf32>, vector<16xi1>
        %mul3A_145 = arith.constant 4 : i32
        %mul3A_146 = arith.muli %scan3A_138, %mul3A_145 : i32
        %add3A_147 = vector.broadcast %mul3A_146 : i32 to vector<16xi32>
        %add3A_148 = arith.addi %add3A_93, %add3A_147 : vector<16xi32>
        %add3A_149 = arith.addf %gather3A_143, %gather3A_144 : vector<16xf32>
        tpu.vector_store_idx %arg17[%add3A_148], %add3A_149 masked %lt3A_87 : memref<1024xf32, #tpu.memory_space<vmem>>[vector<16xi32>], vector<16xf32>, vector<16xi1>
      }
      %scan3A_99 = arith.constant 16 : i32
      %sub3A_100 = arith.subi %while3A_60, %mul3A_84 : i32
      %min3A = arith.constant 4 : i32
      %min3A_101 = arith.minsi %min3A, %sub3A_100 : i32
      %slice3A = vector.extract_strided_slice %gather3A_88 {offsets = [0], sizes = [1], strides = [1]} : vector<16xi32> to vector<1xi32>
      %squeeze3A = vector.extract %slice3A[0] : i32 from vector<1xi32>
      %gt3A_102 = arith.constant 0 : i32
      %gt3A_103 = arith.cmpi sgt, %min3A_101, %gt3A_102 : i32
      %convert_element_type3A_104 = arith.extui %gt3A_103 : i1 to i32
      %cond3A_105 = arith.constant 0 : i32
      %cond3A_106 = arith.cmpi ne, %convert_element_type3A_104, %cond3A_105 : i32
      scf.if %cond3A_106 {
        %mul3A_138 = arith.constant 64 : i32
        %mul3A_139 = arith.muli %squeeze3A, %mul3A_138 : i32
        %dma_start3A = arith.constant 0 : i32
        %dma_start3A_140 = tpu.memref_slice %arg17[%dma_start3A] : memref<1024xf32, #tpu.memory_space<vmem>> -> memref<64xf32, #tpu.memory_space<vmem>>
        %dma_start3A_141 = tpu.memref_slice %arg7[%mul3A_139] : memref<1048576xf32, #tpu.memory_space<hbm>> -> memref<64xf32, #tpu.memory_space<hbm>>
        %dma_start3A_142 = tpu.memref_slice %arg7[%mul3A_139] : memref<1048576xf32, #tpu.memory_space<hbm>> -> memref<64xf32, #tpu.memory_space<hbm>>
        %dma_start3A_143 = arith.constant 0 : i32
        %dma_start3A_144 = tpu.memref_slice %arg17[%dma_start3A_143] : memref<1024xf32, #tpu.memory_space<vmem>> -> memref<64xf32, #tpu.memory_space<vmem>>
        tpu.enqueue_dma source(%dma_start3A_144 : memref<64xf32, #tpu.memory_space<vmem>>) target(%dma_start3A_142 : memref<64xf32, #tpu.memory_space<hbm>>) target_semaphore(%arg20 : memref<!tpu.dma_semaphore, #tpu.memory_space<semaphore_mem>>)
      } else {
      }
      %slice3A_107 = vector.extract_strided_slice %gather3A_88 {offsets = [4], sizes = [1], strides = [1]} : vector<16xi32> to vector<1xi32>
      %squeeze3A_108 = vector.extract %slice3A_107[0] : i32 from vector<1xi32>
      %gt3A_109 = arith.constant 1 : i32
      %gt3A_110 = arith.cmpi sgt, %min3A_101, %gt3A_109 : i32
      %convert_element_type3A_111 = arith.extui %gt3A_110 : i1 to i32
      %cond3A_112 = arith.constant 0 : i32
      %cond3A_113 = arith.cmpi ne, %convert_element_type3A_111, %cond3A_112 : i32
      scf.if %cond3A_113 {
        %mul3A_138 = arith.constant 64 : i32
        %mul3A_139 = arith.muli %squeeze3A_108, %mul3A_138 : i32
        %dma_start3A = arith.constant 64 : i32
        %dma_start3A_140 = tpu.memref_slice %arg17[%dma_start3A] : memref<1024xf32, #tpu.memory_space<vmem>> -> memref<64xf32, #tpu.memory_space<vmem>>
        %dma_start3A_141 = tpu.memref_slice %arg7[%mul3A_139] : memref<1048576xf32, #tpu.memory_space<hbm>> -> memref<64xf32, #tpu.memory_space<hbm>>
        %dma_start3A_142 = tpu.memref_slice %arg7[%mul3A_139] : memref<1048576xf32, #tpu.memory_space<hbm>> -> memref<64xf32, #tpu.memory_space<hbm>>
        %dma_start3A_143 = arith.constant 64 : i32
        %dma_start3A_144 = tpu.memref_slice %arg17[%dma_start3A_143] : memref<1024xf32, #tpu.memory_space<vmem>> -> memref<64xf32, #tpu.memory_space<vmem>>
        tpu.enqueue_dma source(%dma_start3A_144 : memref<64xf32, #tpu.memory_space<vmem>>) target(%dma_start3A_142 : memref<64xf32, #tpu.memory_space<hbm>>) target_semaphore(%arg20 : memref<!tpu.dma_semaphore, #tpu.memory_space<semaphore_mem>>)
      } else {
      }
      %slice3A_114 = vector.extract_strided_slice %gather3A_88 {offsets = [8], sizes = [1], strides = [1]} : vector<16xi32> to vector<1xi32>
      %squeeze3A_115 = vector.extract %slice3A_114[0] : i32 from vector<1xi32>
      %gt3A_116 = arith.constant 2 : i32
      %gt3A_117 = arith.cmpi sgt, %min3A_101, %gt3A_116 : i32
      %convert_element_type3A_118 = arith.extui %gt3A_117 : i1 to i32
      %cond3A_119 = arith.constant 0 : i32
      %cond3A_120 = arith.cmpi ne, %convert_element_type3A_118, %cond3A_119 : i32
      scf.if %cond3A_120 {
        %mul3A_138 = arith.constant 64 : i32
        %mul3A_139 = arith.muli %squeeze3A_115, %mul3A_138 : i32
        %dma_start3A = arith.constant 128 : i32
        %dma_start3A_140 = tpu.memref_slice %arg17[%dma_start3A] : memref<1024xf32, #tpu.memory_space<vmem>> -> memref<64xf32, #tpu.memory_space<vmem>>
        %dma_start3A_141 = tpu.memref_slice %arg7[%mul3A_139] : memref<1048576xf32, #tpu.memory_space<hbm>> -> memref<64xf32, #tpu.memory_space<hbm>>
        %dma_start3A_142 = tpu.memref_slice %arg7[%mul3A_139] : memref<1048576xf32, #tpu.memory_space<hbm>> -> memref<64xf32, #tpu.memory_space<hbm>>
        %dma_start3A_143 = arith.constant 128 : i32
        %dma_start3A_144 = tpu.memref_slice %arg17[%dma_start3A_143] : memref<1024xf32, #tpu.memory_space<vmem>> -> memref<64xf32, #tpu.memory_space<vmem>>
        tpu.enqueue_dma source(%dma_start3A_144 : memref<64xf32, #tpu.memory_space<vmem>>) target(%dma_start3A_142 : memref<64xf32, #tpu.memory_space<hbm>>) target_semaphore(%arg20 : memref<!tpu.dma_semaphore, #tpu.memory_space<semaphore_mem>>)
      } else {
      }
      %slice3A_121 = vector.extract_strided_slice %gather3A_88 {offsets = [12], sizes = [1], strides = [1]} : vector<16xi32> to vector<1xi32>
      %squeeze3A_122 = vector.extract %slice3A_121[0] : i32 from vector<1xi32>
      %gt3A_123 = arith.constant 3 : i32
      %gt3A_124 = arith.cmpi sgt, %min3A_101, %gt3A_123 : i32
      %convert_element_type3A_125 = arith.extui %gt3A_124 : i1 to i32
      %cond3A_126 = arith.constant 0 : i32
      %cond3A_127 = arith.cmpi ne, %convert_element_type3A_125, %cond3A_126 : i32
      scf.if %cond3A_127 {
        %mul3A_138 = arith.constant 64 : i32
        %mul3A_139 = arith.muli %squeeze3A_122, %mul3A_138 : i32
        %dma_start3A = arith.constant 192 : i32
        %dma_start3A_140 = tpu.memref_slice %arg17[%dma_start3A] : memref<1024xf32, #tpu.memory_space<vmem>> -> memref<64xf32, #tpu.memory_space<vmem>>
        %dma_start3A_141 = tpu.memref_slice %arg7[%mul3A_139] : memref<1048576xf32, #tpu.memory_space<hbm>> -> memref<64xf32, #tpu.memory_space<hbm>>
        %dma_start3A_142 = tpu.memref_slice %arg7[%mul3A_139] : memref<1048576xf32, #tpu.memory_space<hbm>> -> memref<64xf32, #tpu.memory_space<hbm>>
        %dma_start3A_143 = arith.constant 192 : i32
        %dma_start3A_144 = tpu.memref_slice %arg17[%dma_start3A_143] : memref<1024xf32, #tpu.memory_space<vmem>> -> memref<64xf32, #tpu.memory_space<vmem>>
        tpu.enqueue_dma source(%dma_start3A_144 : memref<64xf32, #tpu.memory_space<vmem>>) target(%dma_start3A_142 : memref<64xf32, #tpu.memory_space<hbm>>) target_semaphore(%arg20 : memref<!tpu.dma_semaphore, #tpu.memory_space<semaphore_mem>>)
      } else {
      }
      %while3A_128 = arith.constant 0 : i32
      %while3A_129 = arith.constant 0 : i32
      %while3A_130 = arith.subi %min3A_101, %while3A_129 : i32
      %while3A_131 = arith.addi %while3A_129, %while3A_130 : i32
      %while3A_132 = arith.constant 1 : i32
      %while3A_133 = arith.divsi %while3A_130, %while3A_132 : i32
      %while3A_134 = arith.muli %while3A_133, %while3A_132 : i32
      %while3A_135 = arith.addi %while3A_129, %while3A_134 : i32
      %while3A_136 = arith.constant 1 : i32
      scf.for %while3A_138 = %while3A_129 to %while3A_135 step %while3A_136  : i32 {
        %dma_wait3A = arith.constant 0 : i32
        %dma_wait3A_139 = tpu.memref_slice %arg17[%dma_wait3A] : memref<1024xf32, #tpu.memory_space<vmem>> -> memref<64xf32, #tpu.memory_space<vmem>>
        %dma_wait3A_140 = arith.constant 0 : i32
        %dma_wait3A_141 = tpu.memref_slice %arg7[%dma_wait3A_140] : memref<1048576xf32, #tpu.memory_space<hbm>> -> memref<64xf32, #tpu.memory_space<hbm>>
        %dma_wait3A_142 = arith.constant 0 : i32
        %dma_wait3A_143 = tpu.memref_slice %arg7[%dma_wait3A_142] : memref<1048576xf32, #tpu.memory_space<hbm>> -> memref<64xf32, #tpu.memory_space<hbm>>
        %dma_wait3A_144 = arith.constant 0 : i32
        %dma_wait3A_145 = tpu.memref_slice %arg17[%dma_wait3A_144] : memref<1024xf32, #tpu.memory_space<vmem>> -> memref<64xf32, #tpu.memory_space<vmem>>
        tpu.wait_dma2 semaphore(%arg20 : memref<!tpu.dma_semaphore, #tpu.memory_space<semaphore_mem>>) src(%dma_wait3A_145 : memref<64xf32, #tpu.memory_space<vmem>>) dst(%dma_wait3A_143 : memref<64xf32, #tpu.memory_space<hbm>>)
      }
      %while3A_137 = arith.constant 1 : i32
      scf.for %while3A_138 = %while3A_135 to %while3A_131 step %while3A_137  : i32 {
        %dma_wait3A = arith.constant 0 : i32
        %dma_wait3A_139 = tpu.memref_slice %arg17[%dma_wait3A] : memref<1024xf32, #tpu.memory_space<vmem>> -> memref<64xf32, #tpu.memory_space<vmem>>
        %dma_wait3A_140 = arith.constant 0 : i32
        %dma_wait3A_141 = tpu.memref_slice %arg7[%dma_wait3A_140] : memref<1048576xf32, #tpu.memory_space<hbm>> -> memref<64xf32, #tpu.memory_space<hbm>>
        %dma_wait3A_142 = arith.constant 0 : i32
        %dma_wait3A_143 = tpu.memref_slice %arg7[%dma_wait3A_142] : memref<1048576xf32, #tpu.memory_space<hbm>> -> memref<64xf32, #tpu.memory_space<hbm>>
        %dma_wait3A_144 = arith.constant 0 : i32
        %dma_wait3A_145 = tpu.memref_slice %arg17[%dma_wait3A_144] : memref<1024xf32, #tpu.memory_space<vmem>> -> memref<64xf32, #tpu.memory_space<vmem>>
        tpu.wait_dma2 semaphore(%arg20 : memref<!tpu.dma_semaphore, #tpu.memory_space<semaphore_mem>>) src(%dma_wait3A_145 : memref<64xf32, #tpu.memory_space<vmem>>) dst(%dma_wait3A_143 : memref<64xf32, #tpu.memory_space<hbm>>)
      }
    }
    %while3A_80 = arith.constant 1 : i32
    %while3A_81:2 = scf.while (%while3A_82 = %while3A_80, %while3A_83 = %scan3A_26#0) : (i32, i32) -> (i32, i32) {
      %mul3A_84 = arith.constant 1024 : i32
      %mul3A_85 = arith.muli %while3A_82, %mul3A_84 : i32
      %lt3A = arith.cmpi slt, %mul3A_85, %while3A_83 : i32
      scf.condition(%lt3A) %while3A_82, %while3A_83 : i32, i32
    } do {
    ^bb0(%while3A_82: i32, %while3A_83: i32):
      %mul3A_84 = arith.constant 1024 : i32
      %mul3A_85 = arith.muli %while3A_82, %mul3A_84 : i32
      %add3A_86 = arith.constant 1024 : i32
      %add3A_87 = arith.addi %mul3A_85, %add3A_86 : i32
      %scan3A_88 = arith.constant 0 : i32
      %scan3A_89 = arith.constant 0 : i32
      %scan3A_90 = arith.constant 0 : i32
      %scan3A_91 = arith.constant 8 : i32
      %scan3A_92 = arith.addi %scan3A_90, %scan3A_91 : i32
      %scan3A_93 = arith.constant 1 : i32
      %scan3A_94:2 = scf.for %scan3A_159 = %scan3A_90 to %scan3A_92 step %scan3A_93 iter_args(%scan3A_160 = %scan3A_88, %scan3A_161 = %scan3A_89) -> (i32, i32)  : i32 {
        %mul3A_162 = arith.constant 2048 : i32
        %mul3A_163 = arith.muli %scan3A_159, %mul3A_162 : i32
        "tpu.region"() ({
          %run_scoped3A = tpu.sem_alloc : memref<!tpu.dma_semaphore, #tpu.memory_space<semaphore_mem>>
          %dma_start3A = tpu.memref_slice %arg2[%mul3A_163] : memref<16384xi32, #tpu.memory_space<hbm>> -> memref<2048xi32, #tpu.memory_space<hbm>>
          %dma_start3A_170 = tpu.memref_slice %arg2[%mul3A_163] : memref<16384xi32, #tpu.memory_space<hbm>> -> memref<2048xi32, #tpu.memory_space<hbm>>
          tpu.enqueue_dma source(%dma_start3A_170 : memref<2048xi32, #tpu.memory_space<hbm>>) target(%arg8 : memref<2048xi32, #tpu.memory_space<vmem>>) target_semaphore(%run_scoped3A : memref<!tpu.dma_semaphore, #tpu.memory_space<semaphore_mem>>)
          %dma_wait3A = tpu.memref_slice %arg2[%mul3A_163] : memref<16384xi32, #tpu.memory_space<hbm>> -> memref<2048xi32, #tpu.memory_space<hbm>>
          %dma_wait3A_171 = tpu.memref_slice %arg2[%mul3A_163] : memref<16384xi32, #tpu.memory_space<hbm>> -> memref<2048xi32, #tpu.memory_space<hbm>>
          tpu.wait_dma2 semaphore(%run_scoped3A : memref<!tpu.dma_semaphore, #tpu.memory_space<semaphore_mem>>) src(%dma_wait3A_171 : memref<2048xi32, #tpu.memory_space<hbm>>) dst(%arg8 : memref<2048xi32, #tpu.memory_space<vmem>>)
          tpu.yield
        }) : () -> ()
        %scan3A_164 = arith.constant 0 : i32
        %scan3A_165 = arith.constant 128 : i32
        %scan3A_166 = arith.addi %scan3A_164, %scan3A_165 : i32
        %scan3A_167 = arith.constant 1 : i32
        %scan3A_168:2 = scf.for %scan3A_170 = %scan3A_164 to %scan3A_166 step %scan3A_167 iter_args(%scan3A_171 = %scan3A_160, %scan3A_172 = %scan3A_161) -> (i32, i32)  : i32 {
          %mul3A_173 = arith.constant 16 : i32
          %mul3A_174 = arith.muli %scan3A_170, %mul3A_173 : i32
          %get3A = arith.index_cast %mul3A_174 : i32 to index
          %get3A_175 = tpu.vector_load %arg8[%get3A] {strides = array<i32>} : memref<2048xi32, #tpu.memory_space<vmem>>, vector<16xi32>,
          %shift_right_arithmetic3A_176 = arith.constant 8 : i32
          %shift_right_arithmetic3A_177 = vector.broadcast %shift_right_arithmetic3A_176 : i32 to vector<16xi32>
          %shift_right_arithmetic3A_178 = arith.shrsi %get3A_175, %shift_right_arithmetic3A_177 : vector<16xi32>
          %ge3A = vector.broadcast %shift_right_arithmetic3A_3 : i32 to vector<16xi32>
          %ge3A_179 = arith.cmpi sge, %shift_right_arithmetic3A_178, %ge3A : vector<16xi32>
          %lt3A = vector.broadcast %add3A_11 : i32 to vector<16xi32>
          %lt3A_180 = arith.cmpi slt, %shift_right_arithmetic3A_178, %lt3A : vector<16xi32>
          %and3A_181 = arith.andi %ge3A_179, %lt3A_180 : vector<16xi1>
          %convert_element_type3A_182 = arith.extui %and3A_181 : vector<16xi1> to vector<16xi32>
          %broadcast_in_dim3A_183 = arith.constant true
          %broadcast_in_dim3A_184 = vector.broadcast %broadcast_in_dim3A_183 : i1 to vector<16xi1>
          %masked_cumsum3A = tpu.scan <sum>, %convert_element_type3A_182 masked %broadcast_in_dim3A_184 : vector<16xi32>, vector<16xi1> -> vector<16xi32>
          %sub3A_185 = arith.subi %masked_cumsum3A, %convert_element_type3A_182 : vector<16xi32>
          %add3A_186 = vector.broadcast %scan3A_171 : i32 to vector<16xi32>
          %add3A_187 = arith.addi %add3A_186, %sub3A_185 : vector<16xi32>
          %ge3A_188 = vector.broadcast %mul3A_85 : i32 to vector<16xi32>
          %ge3A_189 = arith.cmpi sge, %add3A_187, %ge3A_188 : vector<16xi32>
          %and3A_190 = arith.andi %and3A_181, %ge3A_189 : vector<16xi1>
          %lt3A_191 = vector.broadcast %add3A_87 : i32 to vector<16xi32>
          %lt3A_192 = arith.cmpi slt, %add3A_187, %lt3A_191 : vector<16xi32>
          %and3A_193 = arith.andi %and3A_190, %lt3A_192 : vector<16xi1>
          %sub3A_194 = vector.broadcast %shift_left3A_12 : i32 to vector<16xi32>
          %sub3A_195 = arith.subi %get3A_175, %sub3A_194 : vector<16xi32>
          %swap3A_196 = arith.index_cast %scan3A_172 : i32 to index
          %swap3A_197 = tpu.vector_load %arg10[%swap3A_196] masked %and3A_193 {strides = array<i32>} : memref<1040xi32, #tpu.memory_space<vmem>>, vector<16xi32>, vector<16xi1>
          tpu.vector_store %arg10[%swap3A_196], %sub3A_195 masked %and3A_193 {strides = array<i32>} : memref<1040xi32, #tpu.memory_space<vmem>>, vector<16xi32>, vector<16xi1>
          %mul3A_198 = arith.constant 2048 : i32
          %mul3A_199 = arith.muli %scan3A_159, %mul3A_198 : i32
          %mul3A_200 = arith.constant 16 : i32
          %mul3A_201 = arith.muli %scan3A_170, %mul3A_200 : i32
          %add3A_202 = arith.addi %mul3A_199, %mul3A_201 : i32
          %add3A_203 = vector.broadcast %add3A_202 : i32 to vector<16xi32>
          %add3A_204 = arith.addi %iota3A, %add3A_203 : vector<16xi32>
          %swap3A_205 = arith.index_cast %scan3A_172 : i32 to index
          %swap3A_206 = tpu.vector_load %arg11[%swap3A_205] masked %and3A_193 {strides = array<i32>} : memref<1040xi32, #tpu.memory_space<vmem>>, vector<16xi32>, vector<16xi1>
          tpu.vector_store %arg11[%swap3A_205], %add3A_204 masked %and3A_193 {strides = array<i32>} : memref<1040xi32, #tpu.memory_space<vmem>>, vector<16xi32>, vector<16xi1>
          %all_reduce_population_count3A = tpu.all_reduce %and3A_181 {dim = 0 : i64, kind = #tpu.reduction_kind<sum>} : vector<16xi1> -> vector<16xi32>
          %slice3A = vector.extract_strided_slice %all_reduce_population_count3A {offsets = [0], sizes = [1], strides = [1]} : vector<16xi32> to vector<1xi32>
          %squeeze3A = vector.extract %slice3A[0] : i32 from vector<1xi32>
          %add3A_207 = arith.addi %scan3A_171, %squeeze3A : i32
          %all_reduce_population_count3A_208 = tpu.all_reduce %and3A_193 {dim = 0 : i64, kind = #tpu.reduction_kind<sum>} : vector<16xi1> -> vector<16xi32>
          %slice3A_209 = vector.extract_strided_slice %all_reduce_population_count3A_208 {offsets = [0], sizes = [1], strides = [1]} : vector<16xi32> to vector<1xi32>
          %squeeze3A_210 = vector.extract %slice3A_209[0] : i32 from vector<1xi32>
          %add3A_211 = arith.addi %scan3A_172, %squeeze3A_210 : i32
          scf.yield %add3A_207, %add3A_211 : i32, i32
        }
        %scan3A_169 = arith.constant 128 : i32
        scf.yield %scan3A_168#0, %scan3A_168#1 : i32, i32
      }
      %scan3A_95 = arith.constant 8 : i32
      %broadcast_in_dim3A_96 = arith.constant -1 : i32
      %broadcast_in_dim3A_97 = vector.broadcast %broadcast_in_dim3A_96 : i32 to vector<16xi32>
      %swap3A_98 = arith.index_cast %scan3A_94#1 : i32 to index
      %swap3A_99 = tpu.vector_load %arg10[%swap3A_98] {strides = array<i32>} : memref<1040xi32, #tpu.memory_space<vmem>>, vector<16xi32>,
      tpu.vector_store %arg10[%swap3A_98], %broadcast_in_dim3A_97 {strides = array<i32>} : memref<1040xi32, #tpu.memory_space<vmem>>, vector<16xi32>,
      %gt3A_100 = arith.constant 0 : i32
      %gt3A_101 = arith.cmpi sgt, %sub3A, %gt3A_100 : i32
      %convert_element_type3A_102 = arith.extui %gt3A_101 : i1 to i32
      %cond3A_103 = arith.constant 0 : i32
      %cond3A_104 = arith.cmpi ne, %convert_element_type3A_102, %cond3A_103 : i32
      scf.if %cond3A_104 {
        %mul3A_159 = arith.constant 0 : i32
        %mul3A_160 = arith.constant 256 : i32
        %mul3A_161 = arith.muli %mul3A_159, %mul3A_160 : i32
        %add3A_162 = arith.addi %shift_left3A_12, %mul3A_161 : i32
        %multiple_of3A = tpu.assume_multiple %add3A_162, 256 : i32
        %dma_start3A = arith.constant 0 : i32
        %dma_start3A_163 = arith.constant 0 : i32
        %dma_start3A_164 = arith.constant 0 : i32
        %dma_start3A_165 = tpu.memref_slice %arg14[%dma_start3A, %dma_start3A_163, %dma_start3A_164] : memref<2x64x256xf32, #tpu.memory_space<vmem>> -> memref<1x64x256xf32, #tpu.memory_space<vmem>>
        %dma_start3A_166 = tpu.memref_squeeze %dma_start3A_165 : memref<1x64x256xf32, #tpu.memory_space<vmem>> -> memref<64x256xf32, #tpu.memory_space<vmem>>
        %dma_start3A_167 = arith.constant 0 : i32
        %dma_start3A_168 = tpu.memref_slice %arg4[%dma_start3A_167, %multiple_of3A] : memref<64x1000000xf32, #tpu.memory_space<hbm>> -> memref<64x256xf32, #tpu.memory_space<hbm>>
        %dma_start3A_169 = arith.constant 0 : i32
        %dma_start3A_170 = arith.constant 0 : i32
        %dma_start3A_171 = tpu.memref_slice %arg14[%dma_start3A, %dma_start3A_169, %dma_start3A_170] : memref<2x64x256xf32, #tpu.memory_space<vmem>> -> memref<1x64x256xf32, #tpu.memory_space<vmem>>
        %dma_start3A_172 = tpu.memref_squeeze %dma_start3A_171 : memref<1x64x256xf32, #tpu.memory_space<vmem>> -> memref<64x256xf32, #tpu.memory_space<vmem>>
        %dma_start3A_173 = arith.constant 0 : i32
        %dma_start3A_174 = tpu.memref_slice %arg4[%dma_start3A_173, %multiple_of3A] : memref<64x1000000xf32, #tpu.memory_space<hbm>> -> memref<64x256xf32, #tpu.memory_space<hbm>>
        tpu.enqueue_dma source(%dma_start3A_174 : memref<64x256xf32, #tpu.memory_space<hbm>>) target(%dma_start3A_172 : memref<64x256xf32, #tpu.memory_space<vmem>>) target_semaphore(%arg18 : memref<!tpu.dma_semaphore, #tpu.memory_space<semaphore_mem>>)
      } else {
      }
      %add3A_105 = arith.constant 1 : i32
      %add3A_106 = arith.addi %sub3A, %add3A_105 : i32
      %shift_right_arithmetic3A_107 = arith.constant 1 : i32
      %shift_right_arithmetic3A_108 = arith.shrsi %add3A_106, %shift_right_arithmetic3A_107 : i32
      %while3A_109 = arith.constant 0 : i32
      %while3A_110 = arith.constant 0 : i32
      %while3A_111 = arith.subi %shift_right_arithmetic3A_108, %while3A_110 : i32
      %while3A_112 = arith.addi %while3A_110, %while3A_111 : i32
      %while3A_113 = arith.constant 1 : i32
      %while3A_114 = arith.divsi %while3A_111, %while3A_113 : i32
      %while3A_115 = arith.muli %while3A_114, %while3A_113 : i32
      %while3A_116 = arith.addi %while3A_110, %while3A_115 : i32
      %while3A_117 = arith.constant 1 : i32
      scf.for %while3A_159 = %while3A_110 to %while3A_116 step %while3A_117  : i32 {
        %mul3A_160 = arith.constant 2 : i32
        %mul3A_161 = arith.muli %while3A_159, %mul3A_160 : i32
        %add3A_162 = arith.constant 1 : i32
        %add3A_163 = arith.addi %mul3A_161, %add3A_162 : i32
        %lt3A = arith.cmpi slt, %add3A_163, %sub3A : i32
        %convert_element_type3A_164 = arith.extui %lt3A : i1 to i32
        %cond3A_165 = arith.constant 0 : i32
        %cond3A_166 = arith.cmpi ne, %convert_element_type3A_164, %cond3A_165 : i32
        scf.if %cond3A_166 {
          %mul3A_228 = arith.constant 256 : i32
          %mul3A_229 = arith.muli %add3A_163, %mul3A_228 : i32
          %add3A_230 = arith.addi %shift_left3A_12, %mul3A_229 : i32
          %multiple_of3A = tpu.assume_multiple %add3A_230, 256 : i32
          %dma_start3A = arith.constant 1 : i32
          %dma_start3A_231 = arith.constant 0 : i32
          %dma_start3A_232 = arith.constant 0 : i32
          %dma_start3A_233 = tpu.memref_slice %arg14[%dma_start3A, %dma_start3A_231, %dma_start3A_232] : memref<2x64x256xf32, #tpu.memory_space<vmem>> -> memref<1x64x256xf32, #tpu.memory_space<vmem>>
          %dma_start3A_234 = tpu.memref_squeeze %dma_start3A_233 : memref<1x64x256xf32, #tpu.memory_space<vmem>> -> memref<64x256xf32, #tpu.memory_space<vmem>>
          %dma_start3A_235 = arith.constant 0 : i32
          %dma_start3A_236 = tpu.memref_slice %arg4[%dma_start3A_235, %multiple_of3A] : memref<64x1000000xf32, #tpu.memory_space<hbm>> -> memref<64x256xf32, #tpu.memory_space<hbm>>
          %dma_start3A_237 = arith.constant 0 : i32
          %dma_start3A_238 = arith.constant 0 : i32
          %dma_start3A_239 = tpu.memref_slice %arg14[%dma_start3A, %dma_start3A_237, %dma_start3A_238] : memref<2x64x256xf32, #tpu.memory_space<vmem>> -> memref<1x64x256xf32, #tpu.memory_space<vmem>>
          %dma_start3A_240 = tpu.memref_squeeze %dma_start3A_239 : memref<1x64x256xf32, #tpu.memory_space<vmem>> -> memref<64x256xf32, #tpu.memory_space<vmem>>
          %dma_start3A_241 = arith.constant 0 : i32
          %dma_start3A_242 = tpu.memref_slice %arg4[%dma_start3A_241, %multiple_of3A] : memref<64x1000000xf32, #tpu.memory_space<hbm>> -> memref<64x256xf32, #tpu.memory_space<hbm>>
          tpu.enqueue_dma source(%dma_start3A_242 : memref<64x256xf32, #tpu.memory_space<hbm>>) target(%dma_start3A_240 : memref<64x256xf32, #tpu.memory_space<vmem>>) target_semaphore(%arg19 : memref<!tpu.dma_semaphore, #tpu.memory_space<semaphore_mem>>)
        } else {
        }
        %dma_wait3A = arith.constant 0 : i32
        %dma_wait3A_167 = arith.constant 0 : i32
        %dma_wait3A_168 = arith.constant 0 : i32
        %dma_wait3A_169 = tpu.memref_slice %arg14[%dma_wait3A, %dma_wait3A_167, %dma_wait3A_168] : memref<2x64x256xf32, #tpu.memory_space<vmem>> -> memref<1x64x256xf32, #tpu.memory_space<vmem>>
        %dma_wait3A_170 = tpu.memref_squeeze %dma_wait3A_169 : memref<1x64x256xf32, #tpu.memory_space<vmem>> -> memref<64x256xf32, #tpu.memory_space<vmem>>
        %dma_wait3A_171 = arith.constant 0 : i32
        %dma_wait3A_172 = arith.constant 0 : i32
        %dma_wait3A_173 = tpu.memref_slice %arg4[%dma_wait3A_171, %dma_wait3A_172] : memref<64x1000000xf32, #tpu.memory_space<hbm>> -> memref<64x256xf32, #tpu.memory_space<hbm>>
        %dma_wait3A_174 = arith.constant 0 : i32
        %dma_wait3A_175 = arith.constant 0 : i32
        %dma_wait3A_176 = tpu.memref_slice %arg14[%dma_wait3A, %dma_wait3A_174, %dma_wait3A_175] : memref<2x64x256xf32, #tpu.memory_space<vmem>> -> memref<1x64x256xf32, #tpu.memory_space<vmem>>
        %dma_wait3A_177 = tpu.memref_squeeze %dma_wait3A_176 : memref<1x64x256xf32, #tpu.memory_space<vmem>> -> memref<64x256xf32, #tpu.memory_space<vmem>>
        %dma_wait3A_178 = arith.constant 0 : i32
        %dma_wait3A_179 = arith.constant 0 : i32
        %dma_wait3A_180 = tpu.memref_slice %arg4[%dma_wait3A_178, %dma_wait3A_179] : memref<64x1000000xf32, #tpu.memory_space<hbm>> -> memref<64x256xf32, #tpu.memory_space<hbm>>
        tpu.wait_dma2 semaphore(%arg18 : memref<!tpu.dma_semaphore, #tpu.memory_space<semaphore_mem>>) src(%dma_wait3A_180 : memref<64x256xf32, #tpu.memory_space<hbm>>) dst(%dma_wait3A_177 : memref<64x256xf32, #tpu.memory_space<vmem>>)
        %broadcast_in_dim3A_181 = arith.constant 0 : i32
        %broadcast_in_dim3A_182 = vector.broadcast %broadcast_in_dim3A_181 : i32 to vector<16xi32>
        %add3A_183 = arith.constant 0 : i32
        %add3A_184 = vector.broadcast %add3A_183 : i32 to vector<16xi32>
        %add3A_185 = arith.addi %broadcast_in_dim3A_182, %add3A_184 : vector<16xi32>
        %add3A_186 = arith.constant 16 : i32
        %add3A_187 = arith.addi %scan3A_94#1, %add3A_186 : i32
        %sub3A_188 = arith.constant 1 : i32
        %sub3A_189 = arith.subi %add3A_187, %sub3A_188 : i32
        %shift_right_arithmetic3A_190 = arith.constant 4 : i32
        %shift_right_arithmetic3A_191 = arith.shrsi %sub3A_189, %shift_right_arithmetic3A_190 : i32
        %while3A_192 = arith.constant 0 : i32
        %while3A_193 = arith.constant 0 : i32
        %while3A_194 = arith.subi %shift_right_arithmetic3A_191, %while3A_192 : i32
        %while3A_195 = arith.addi %while3A_192, %while3A_194 : i32
        %while3A_196 = arith.constant 1 : i32
        %while3A_197 = arith.divsi %while3A_194, %while3A_196 : i32
        %while3A_198 = arith.muli %while3A_197, %while3A_196 : i32
        %while3A_199 = arith.addi %while3A_192, %while3A_198 : i32
        %while3A_200 = arith.constant 1 : i32
        %while3A_201 = scf.for %while3A_228 = %while3A_192 to %while3A_199 step %while3A_200 iter_args(%while3A_229 = %while3A_193) -> (i32)  : i32 {
          %mul3A_230 = arith.constant 16 : i32
          %mul3A_231 = arith.muli %while3A_228, %mul3A_230 : i32
          %get3A = arith.index_cast %mul3A_231 : i32 to index
          %get3A_232 = tpu.vector_load %arg10[%get3A] {strides = array<i32>} : memref<1040xi32, #tpu.memory_space<vmem>>, vector<16xi32>,
          %get3A_233 = arith.index_cast %mul3A_231 : i32 to index
          %get3A_234 = tpu.vector_load %arg11[%get3A_233] {strides = array<i32>} : memref<1040xi32, #tpu.memory_space<vmem>>, vector<16xi32>,
          %shift_right_arithmetic3A_235 = arith.constant 8 : i32
          %shift_right_arithmetic3A_236 = vector.broadcast %shift_right_arithmetic3A_235 : i32 to vector<16xi32>
          %shift_right_arithmetic3A_237 = arith.shrsi %get3A_232, %shift_right_arithmetic3A_236 : vector<16xi32>
          %eq3A_238 = vector.broadcast %mul3A_161 : i32 to vector<16xi32>
          %eq3A_239 = arith.cmpi eq, %shift_right_arithmetic3A_237, %eq3A_238 : vector<16xi32>
          %and3A_240 = arith.constant 255 : i32
          %and3A_241 = vector.broadcast %and3A_240 : i32 to vector<16xi32>
          %and3A_242 = arith.andi %get3A_232, %and3A_241 : vector<16xi32>
          %swap3A_243 = arith.index_cast %while3A_229 : i32 to index
          %swap3A_244 = tpu.vector_load %arg12[%swap3A_243] masked %eq3A_239 {strides = array<i32>} : memref<1040xi32, #tpu.memory_space<vmem>>, vector<16xi32>, vector<16xi1>
          tpu.vector_store %arg12[%swap3A_243], %and3A_242 masked %eq3A_239 {strides = array<i32>} : memref<1040xi32, #tpu.memory_space<vmem>>, vector<16xi32>, vector<16xi1>
          %swap3A_245 = arith.index_cast %while3A_229 : i32 to index
          %swap3A_246 = tpu.vector_load %arg13[%swap3A_245] masked %eq3A_239 {strides = array<i32>} : memref<1040xi32, #tpu.memory_space<vmem>>, vector<16xi32>, vector<16xi1>
          tpu.vector_store %arg13[%swap3A_245], %get3A_234 masked %eq3A_239 {strides = array<i32>} : memref<1040xi32, #tpu.memory_space<vmem>>, vector<16xi32>, vector<16xi1>
          %all_reduce_population_count3A = tpu.all_reduce %eq3A_239 {dim = 0 : i64, kind = #tpu.reduction_kind<sum>} : vector<16xi1> -> vector<16xi32>
          %slice3A = vector.extract_strided_slice %all_reduce_population_count3A {offsets = [0], sizes = [1], strides = [1]} : vector<16xi32> to vector<1xi32>
          %squeeze3A = vector.extract %slice3A[0] : i32 from vector<1xi32>
          %add3A_247 = arith.addi %while3A_229, %squeeze3A : i32
          scf.yield %add3A_247 : i32
        }
        %while3A_202 = arith.constant 1 : i32
        %while3A_203 = scf.for %while3A_228 = %while3A_199 to %while3A_195 step %while3A_202 iter_args(%while3A_229 = %while3A_201) -> (i32)  : i32 {
          %mul3A_230 = arith.constant 16 : i32
          %mul3A_231 = arith.muli %while3A_228, %mul3A_230 : i32
          %get3A = arith.index_cast %mul3A_231 : i32 to index
          %get3A_232 = tpu.vector_load %arg10[%get3A] {strides = array<i32>} : memref<1040xi32, #tpu.memory_space<vmem>>, vector<16xi32>,
          %get3A_233 = arith.index_cast %mul3A_231 : i32 to index
          %get3A_234 = tpu.vector_load %arg11[%get3A_233] {strides = array<i32>} : memref<1040xi32, #tpu.memory_space<vmem>>, vector<16xi32>,
          %shift_right_arithmetic3A_235 = arith.constant 8 : i32
          %shift_right_arithmetic3A_236 = vector.broadcast %shift_right_arithmetic3A_235 : i32 to vector<16xi32>
          %shift_right_arithmetic3A_237 = arith.shrsi %get3A_232, %shift_right_arithmetic3A_236 : vector<16xi32>
          %eq3A_238 = vector.broadcast %mul3A_161 : i32 to vector<16xi32>
          %eq3A_239 = arith.cmpi eq, %shift_right_arithmetic3A_237, %eq3A_238 : vector<16xi32>
          %and3A_240 = arith.constant 255 : i32
          %and3A_241 = vector.broadcast %and3A_240 : i32 to vector<16xi32>
          %and3A_242 = arith.andi %get3A_232, %and3A_241 : vector<16xi32>
          %swap3A_243 = arith.index_cast %while3A_229 : i32 to index
          %swap3A_244 = tpu.vector_load %arg12[%swap3A_243] masked %eq3A_239 {strides = array<i32>} : memref<1040xi32, #tpu.memory_space<vmem>>, vector<16xi32>, vector<16xi1>
          tpu.vector_store %arg12[%swap3A_243], %and3A_242 masked %eq3A_239 {strides = array<i32>} : memref<1040xi32, #tpu.memory_space<vmem>>, vector<16xi32>, vector<16xi1>
          %swap3A_245 = arith.index_cast %while3A_229 : i32 to index
          %swap3A_246 = tpu.vector_load %arg13[%swap3A_245] masked %eq3A_239 {strides = array<i32>} : memref<1040xi32, #tpu.memory_space<vmem>>, vector<16xi32>, vector<16xi1>
          tpu.vector_store %arg13[%swap3A_245], %get3A_234 masked %eq3A_239 {strides = array<i32>} : memref<1040xi32, #tpu.memory_space<vmem>>, vector<16xi32>, vector<16xi1>
          %all_reduce_population_count3A = tpu.all_reduce %eq3A_239 {dim = 0 : i64, kind = #tpu.reduction_kind<sum>} : vector<16xi1> -> vector<16xi32>
          %slice3A = vector.extract_strided_slice %all_reduce_population_count3A {offsets = [0], sizes = [1], strides = [1]} : vector<16xi32> to vector<1xi32>
          %squeeze3A = vector.extract %slice3A[0] : i32 from vector<1xi32>
          %add3A_247 = arith.addi %while3A_229, %squeeze3A : i32
          scf.yield %add3A_247 : i32
        }
        %shift_right_arithmetic3A_204 = arith.constant 2 : i32
        %shift_right_arithmetic3A_205 = vector.broadcast %shift_right_arithmetic3A_204 : i32 to vector<16xi32>
        %shift_right_arithmetic3A_206 = arith.shrsi %iota3A, %shift_right_arithmetic3A_205 : vector<16xi32>
        %and3A_207 = arith.constant 3 : i32
        %and3A_208 = vector.broadcast %and3A_207 : i32 to vector<16xi32>
        %and3A_209 = arith.andi %iota3A, %and3A_208 : vector<16xi32>
        %add3A_210 = arith.constant 3 : i32
        %add3A_211 = arith.addi %while3A_203, %add3A_210 : i32
        %shift_right_arithmetic3A_212 = arith.constant 2 : i32
        %shift_right_arithmetic3A_213 = arith.shrsi %add3A_211, %shift_right_arithmetic3A_212 : i32
        %while3A_214 = arith.constant 0 : i32
        %while3A_215 = arith.constant 0 : i32
        %while3A_216 = arith.subi %shift_right_arithmetic3A_213, %while3A_215 : i32
        %while3A_217 = arith.addi %while3A_215, %while3A_216 : i32
        %while3A_218 = arith.constant 1 : i32
        %while3A_219 = arith.divsi %while3A_216, %while3A_218 : i32
        %while3A_220 = arith.muli %while3A_219, %while3A_218 : i32
        %while3A_221 = arith.addi %while3A_215, %while3A_220 : i32
        %while3A_222 = arith.constant 1 : i32
        scf.for %while3A_228 = %while3A_215 to %while3A_221 step %while3A_222  : i32 {
          %mul3A_229 = arith.constant 4 : i32
          %mul3A_230 = arith.muli %while3A_228, %mul3A_229 : i32
          %add3A_231 = vector.broadcast %mul3A_230 : i32 to vector<16xi32>
          %add3A_232 = arith.addi %add3A_231, %shift_right_arithmetic3A_206 : vector<16xi32>
          %lt3A_233 = vector.broadcast %while3A_203 : i32 to vector<16xi32>
          %lt3A_234 = arith.cmpi slt, %add3A_232, %lt3A_233 : vector<16xi32>
          %gather3A = tpu.vector_load_idx %arg12[%add3A_232] masked %lt3A_234 : memref<1040xi32, #tpu.memory_space<vmem>>[vector<16xi32>], vector<16xi32>, vector<16xi1>
          %gather3A_235 = tpu.vector_load_idx %arg13[%add3A_232] masked %lt3A_234 : memref<1040xi32, #tpu.memory_space<vmem>>[vector<16xi32>], vector<16xi32>, vector<16xi1>
          %gather3A_236 = tpu.vector_load_idx %arg9[%gather3A_235] masked %lt3A_234 : memref<16384xi32, #tpu.memory_space<vmem>>[vector<16xi32>], vector<16xi32>, vector<16xi1>
          %mul3A_237 = arith.constant 64 : i32
          %mul3A_238 = vector.broadcast %mul3A_237 : i32 to vector<16xi32>
          %mul3A_239 = arith.muli %shift_right_arithmetic3A_206, %mul3A_238 : vector<16xi32>
          %add3A_240 = arith.addi %mul3A_239, %and3A_209 : vector<16xi32>
          %scan3A_241 = arith.constant 0 : i32
          %scan3A_242 = arith.constant 0 : i32
          %scan3A_243 = arith.constant 16 : i32
          %scan3A_244 = arith.addi %scan3A_242, %scan3A_243 : i32
          %scan3A_245 = arith.constant 1 : i32
          scf.for %scan3A_285 = %scan3A_242 to %scan3A_244 step %scan3A_245  : i32 {
            %mul3A_286 = arith.constant 4 : i32
            %mul3A_287 = arith.muli %scan3A_285, %mul3A_286 : i32
            %add3A_288 = vector.broadcast %mul3A_287 : i32 to vector<16xi32>
            %add3A_289 = arith.addi %and3A_209, %add3A_288 : vector<16xi32>
            %gather3A_290 = tpu.vector_load_idx %arg14[%add3A_185, %add3A_289, %gather3A] masked %lt3A_234 : memref<2x64x256xf32, #tpu.memory_space<vmem>>[vector<16xi32>, vector<16xi32>, vector<16xi32>], vector<16xf32>, vector<16xi1>
            %gather3A_291 = tpu.vector_load_idx %arg15[%add3A_289, %gather3A_236] masked %lt3A_234 : memref<64x1000xf32, #tpu.memory_space<vmem>>[vector<16xi32>, vector<16xi32>], vector<16xf32>, vector<16xi1>
            %mul3A_292 = arith.constant 4 : i32
            %mul3A_293 = arith.muli %scan3A_285, %mul3A_292 : i32
            %add3A_294 = vector.broadcast %mul3A_293 : i32 to vector<16xi32>
            %add3A_295 = arith.addi %add3A_240, %add3A_294 : vector<16xi32>
            %add3A_296 = arith.addf %gather3A_290, %gather3A_291 : vector<16xf32>
            tpu.vector_store_idx %arg17[%add3A_295], %add3A_296 masked %lt3A_234 : memref<1024xf32, #tpu.memory_space<vmem>>[vector<16xi32>], vector<16xf32>, vector<16xi1>
          }
          %scan3A_246 = arith.constant 16 : i32
          %sub3A_247 = arith.subi %while3A_203, %mul3A_230 : i32
          %min3A = arith.constant 4 : i32
          %min3A_248 = arith.minsi %min3A, %sub3A_247 : i32
          %slice3A = vector.extract_strided_slice %gather3A_235 {offsets = [0], sizes = [1], strides = [1]} : vector<16xi32> to vector<1xi32>
          %squeeze3A = vector.extract %slice3A[0] : i32 from vector<1xi32>
          %gt3A_249 = arith.constant 0 : i32
          %gt3A_250 = arith.cmpi sgt, %min3A_248, %gt3A_249 : i32
          %convert_element_type3A_251 = arith.extui %gt3A_250 : i1 to i32
          %cond3A_252 = arith.constant 0 : i32
          %cond3A_253 = arith.cmpi ne, %convert_element_type3A_251, %cond3A_252 : i32
          scf.if %cond3A_253 {
            %mul3A_285 = arith.constant 64 : i32
            %mul3A_286 = arith.muli %squeeze3A, %mul3A_285 : i32
            %dma_start3A = arith.constant 0 : i32
            %dma_start3A_287 = tpu.memref_slice %arg17[%dma_start3A] : memref<1024xf32, #tpu.memory_space<vmem>> -> memref<64xf32, #tpu.memory_space<vmem>>
            %dma_start3A_288 = tpu.memref_slice %arg7[%mul3A_286] : memref<1048576xf32, #tpu.memory_space<hbm>> -> memref<64xf32, #tpu.memory_space<hbm>>
            %dma_start3A_289 = tpu.memref_slice %arg7[%mul3A_286] : memref<1048576xf32, #tpu.memory_space<hbm>> -> memref<64xf32, #tpu.memory_space<hbm>>
            %dma_start3A_290 = arith.constant 0 : i32
            %dma_start3A_291 = tpu.memref_slice %arg17[%dma_start3A_290] : memref<1024xf32, #tpu.memory_space<vmem>> -> memref<64xf32, #tpu.memory_space<vmem>>
            tpu.enqueue_dma source(%dma_start3A_291 : memref<64xf32, #tpu.memory_space<vmem>>) target(%dma_start3A_289 : memref<64xf32, #tpu.memory_space<hbm>>) target_semaphore(%arg20 : memref<!tpu.dma_semaphore, #tpu.memory_space<semaphore_mem>>)
          } else {
          }
          %slice3A_254 = vector.extract_strided_slice %gather3A_235 {offsets = [4], sizes = [1], strides = [1]} : vector<16xi32> to vector<1xi32>
          %squeeze3A_255 = vector.extract %slice3A_254[0] : i32 from vector<1xi32>
          %gt3A_256 = arith.constant 1 : i32
          %gt3A_257 = arith.cmpi sgt, %min3A_248, %gt3A_256 : i32
          %convert_element_type3A_258 = arith.extui %gt3A_257 : i1 to i32
          %cond3A_259 = arith.constant 0 : i32
          %cond3A_260 = arith.cmpi ne, %convert_element_type3A_258, %cond3A_259 : i32
          scf.if %cond3A_260 {
            %mul3A_285 = arith.constant 64 : i32
            %mul3A_286 = arith.muli %squeeze3A_255, %mul3A_285 : i32
            %dma_start3A = arith.constant 64 : i32
            %dma_start3A_287 = tpu.memref_slice %arg17[%dma_start3A] : memref<1024xf32, #tpu.memory_space<vmem>> -> memref<64xf32, #tpu.memory_space<vmem>>
            %dma_start3A_288 = tpu.memref_slice %arg7[%mul3A_286] : memref<1048576xf32, #tpu.memory_space<hbm>> -> memref<64xf32, #tpu.memory_space<hbm>>
            %dma_start3A_289 = tpu.memref_slice %arg7[%mul3A_286] : memref<1048576xf32, #tpu.memory_space<hbm>> -> memref<64xf32, #tpu.memory_space<hbm>>
            %dma_start3A_290 = arith.constant 64 : i32
            %dma_start3A_291 = tpu.memref_slice %arg17[%dma_start3A_290] : memref<1024xf32, #tpu.memory_space<vmem>> -> memref<64xf32, #tpu.memory_space<vmem>>
            tpu.enqueue_dma source(%dma_start3A_291 : memref<64xf32, #tpu.memory_space<vmem>>) target(%dma_start3A_289 : memref<64xf32, #tpu.memory_space<hbm>>) target_semaphore(%arg20 : memref<!tpu.dma_semaphore, #tpu.memory_space<semaphore_mem>>)
          } else {
          }
          %slice3A_261 = vector.extract_strided_slice %gather3A_235 {offsets = [8], sizes = [1], strides = [1]} : vector<16xi32> to vector<1xi32>
          %squeeze3A_262 = vector.extract %slice3A_261[0] : i32 from vector<1xi32>
          %gt3A_263 = arith.constant 2 : i32
          %gt3A_264 = arith.cmpi sgt, %min3A_248, %gt3A_263 : i32
          %convert_element_type3A_265 = arith.extui %gt3A_264 : i1 to i32
          %cond3A_266 = arith.constant 0 : i32
          %cond3A_267 = arith.cmpi ne, %convert_element_type3A_265, %cond3A_266 : i32
          scf.if %cond3A_267 {
            %mul3A_285 = arith.constant 64 : i32
            %mul3A_286 = arith.muli %squeeze3A_262, %mul3A_285 : i32
            %dma_start3A = arith.constant 128 : i32
            %dma_start3A_287 = tpu.memref_slice %arg17[%dma_start3A] : memref<1024xf32, #tpu.memory_space<vmem>> -> memref<64xf32, #tpu.memory_space<vmem>>
            %dma_start3A_288 = tpu.memref_slice %arg7[%mul3A_286] : memref<1048576xf32, #tpu.memory_space<hbm>> -> memref<64xf32, #tpu.memory_space<hbm>>
            %dma_start3A_289 = tpu.memref_slice %arg7[%mul3A_286] : memref<1048576xf32, #tpu.memory_space<hbm>> -> memref<64xf32, #tpu.memory_space<hbm>>
            %dma_start3A_290 = arith.constant 128 : i32
            %dma_start3A_291 = tpu.memref_slice %arg17[%dma_start3A_290] : memref<1024xf32, #tpu.memory_space<vmem>> -> memref<64xf32, #tpu.memory_space<vmem>>
            tpu.enqueue_dma source(%dma_start3A_291 : memref<64xf32, #tpu.memory_space<vmem>>) target(%dma_start3A_289 : memref<64xf32, #tpu.memory_space<hbm>>) target_semaphore(%arg20 : memref<!tpu.dma_semaphore, #tpu.memory_space<semaphore_mem>>)
          } else {
          }
          %slice3A_268 = vector.extract_strided_slice %gather3A_235 {offsets = [12], sizes = [1], strides = [1]} : vector<16xi32> to vector<1xi32>
          %squeeze3A_269 = vector.extract %slice3A_268[0] : i32 from vector<1xi32>
          %gt3A_270 = arith.constant 3 : i32
          %gt3A_271 = arith.cmpi sgt, %min3A_248, %gt3A_270 : i32
          %convert_element_type3A_272 = arith.extui %gt3A_271 : i1 to i32
          %cond3A_273 = arith.constant 0 : i32
          %cond3A_274 = arith.cmpi ne, %convert_element_type3A_272, %cond3A_273 : i32
          scf.if %cond3A_274 {
            %mul3A_285 = arith.constant 64 : i32
            %mul3A_286 = arith.muli %squeeze3A_269, %mul3A_285 : i32
            %dma_start3A = arith.constant 192 : i32
            %dma_start3A_287 = tpu.memref_slice %arg17[%dma_start3A] : memref<1024xf32, #tpu.memory_space<vmem>> -> memref<64xf32, #tpu.memory_space<vmem>>
            %dma_start3A_288 = tpu.memref_slice %arg7[%mul3A_286] : memref<1048576xf32, #tpu.memory_space<hbm>> -> memref<64xf32, #tpu.memory_space<hbm>>
            %dma_start3A_289 = tpu.memref_slice %arg7[%mul3A_286] : memref<1048576xf32, #tpu.memory_space<hbm>> -> memref<64xf32, #tpu.memory_space<hbm>>
            %dma_start3A_290 = arith.constant 192 : i32
            %dma_start3A_291 = tpu.memref_slice %arg17[%dma_start3A_290] : memref<1024xf32, #tpu.memory_space<vmem>> -> memref<64xf32, #tpu.memory_space<vmem>>
            tpu.enqueue_dma source(%dma_start3A_291 : memref<64xf32, #tpu.memory_space<vmem>>) target(%dma_start3A_289 : memref<64xf32, #tpu.memory_space<hbm>>) target_semaphore(%arg20 : memref<!tpu.dma_semaphore, #tpu.memory_space<semaphore_mem>>)
          } else {
          }
          %while3A_275 = arith.constant 0 : i32
          %while3A_276 = arith.constant 0 : i32
          %while3A_277 = arith.subi %min3A_248, %while3A_276 : i32
          %while3A_278 = arith.addi %while3A_276, %while3A_277 : i32
          %while3A_279 = arith.constant 1 : i32
          %while3A_280 = arith.divsi %while3A_277, %while3A_279 : i32
          %while3A_281 = arith.muli %while3A_280, %while3A_279 : i32
          %while3A_282 = arith.addi %while3A_276, %while3A_281 : i32
          %while3A_283 = arith.constant 1 : i32
          scf.for %while3A_285 = %while3A_276 to %while3A_282 step %while3A_283  : i32 {
            %dma_wait3A_286 = arith.constant 0 : i32
            %dma_wait3A_287 = tpu.memref_slice %arg17[%dma_wait3A_286] : memref<1024xf32, #tpu.memory_space<vmem>> -> memref<64xf32, #tpu.memory_space<vmem>>
            %dma_wait3A_288 = arith.constant 0 : i32
            %dma_wait3A_289 = tpu.memref_slice %arg7[%dma_wait3A_288] : memref<1048576xf32, #tpu.memory_space<hbm>> -> memref<64xf32, #tpu.memory_space<hbm>>
            %dma_wait3A_290 = arith.constant 0 : i32
            %dma_wait3A_291 = tpu.memref_slice %arg7[%dma_wait3A_290] : memref<1048576xf32, #tpu.memory_space<hbm>> -> memref<64xf32, #tpu.memory_space<hbm>>
            %dma_wait3A_292 = arith.constant 0 : i32
            %dma_wait3A_293 = tpu.memref_slice %arg17[%dma_wait3A_292] : memref<1024xf32, #tpu.memory_space<vmem>> -> memref<64xf32, #tpu.memory_space<vmem>>
            tpu.wait_dma2 semaphore(%arg20 : memref<!tpu.dma_semaphore, #tpu.memory_space<semaphore_mem>>) src(%dma_wait3A_293 : memref<64xf32, #tpu.memory_space<vmem>>) dst(%dma_wait3A_291 : memref<64xf32, #tpu.memory_space<hbm>>)
          }
          %while3A_284 = arith.constant 1 : i32
          scf.for %while3A_285 = %while3A_282 to %while3A_278 step %while3A_284  : i32 {
            %dma_wait3A_286 = arith.constant 0 : i32
            %dma_wait3A_287 = tpu.memref_slice %arg17[%dma_wait3A_286] : memref<1024xf32, #tpu.memory_space<vmem>> -> memref<64xf32, #tpu.memory_space<vmem>>
            %dma_wait3A_288 = arith.constant 0 : i32
            %dma_wait3A_289 = tpu.memref_slice %arg7[%dma_wait3A_288] : memref<1048576xf32, #tpu.memory_space<hbm>> -> memref<64xf32, #tpu.memory_space<hbm>>
            %dma_wait3A_290 = arith.constant 0 : i32
            %dma_wait3A_291 = tpu.memref_slice %arg7[%dma_wait3A_290] : memref<1048576xf32, #tpu.memory_space<hbm>> -> memref<64xf32, #tpu.memory_space<hbm>>
            %dma_wait3A_292 = arith.constant 0 : i32
            %dma_wait3A_293 = tpu.memref_slice %arg17[%dma_wait3A_292] : memref<1024xf32, #tpu.memory_space<vmem>> -> memref<64xf32, #tpu.memory_space<vmem>>
            tpu.wait_dma2 semaphore(%arg20 : memref<!tpu.dma_semaphore, #tpu.memory_space<semaphore_mem>>) src(%dma_wait3A_293 : memref<64xf32, #tpu.memory_space<vmem>>) dst(%dma_wait3A_291 : memref<64xf32, #tpu.memory_space<hbm>>)
          }
        }
        %while3A_223 = arith.constant 1 : i32
        scf.for %while3A_228 = %while3A_221 to %while3A_217 step %while3A_223  : i32 {
          %mul3A_229 = arith.constant 4 : i32
          %mul3A_230 = arith.muli %while3A_228, %mul3A_229 : i32
          %add3A_231 = vector.broadcast %mul3A_230 : i32 to vector<16xi32>
          %add3A_232 = arith.addi %add3A_231, %shift_right_arithmetic3A_206 : vector<16xi32>
          %lt3A_233 = vector.broadcast %while3A_203 : i32 to vector<16xi32>
          %lt3A_234 = arith.cmpi slt, %add3A_232, %lt3A_233 : vector<16xi32>
          %gather3A = tpu.vector_load_idx %arg12[%add3A_232] masked %lt3A_234 : memref<1040xi32, #tpu.memory_space<vmem>>[vector<16xi32>], vector<16xi32>, vector<16xi1>
          %gather3A_235 = tpu.vector_load_idx %arg13[%add3A_232] masked %lt3A_234 : memref<1040xi32, #tpu.memory_space<vmem>>[vector<16xi32>], vector<16xi32>, vector<16xi1>
          %gather3A_236 = tpu.vector_load_idx %arg9[%gather3A_235] masked %lt3A_234 : memref<16384xi32, #tpu.memory_space<vmem>>[vector<16xi32>], vector<16xi32>, vector<16xi1>
          %mul3A_237 = arith.constant 64 : i32
          %mul3A_238 = vector.broadcast %mul3A_237 : i32 to vector<16xi32>
          %mul3A_239 = arith.muli %shift_right_arithmetic3A_206, %mul3A_238 : vector<16xi32>
          %add3A_240 = arith.addi %mul3A_239, %and3A_209 : vector<16xi32>
          %scan3A_241 = arith.constant 0 : i32
          %scan3A_242 = arith.constant 0 : i32
          %scan3A_243 = arith.constant 16 : i32
          %scan3A_244 = arith.addi %scan3A_242, %scan3A_243 : i32
          %scan3A_245 = arith.constant 1 : i32
          scf.for %scan3A_285 = %scan3A_242 to %scan3A_244 step %scan3A_245  : i32 {
            %mul3A_286 = arith.constant 4 : i32
            %mul3A_287 = arith.muli %scan3A_285, %mul3A_286 : i32
            %add3A_288 = vector.broadcast %mul3A_287 : i32 to vector<16xi32>
            %add3A_289 = arith.addi %and3A_209, %add3A_288 : vector<16xi32>
            %gather3A_290 = tpu.vector_load_idx %arg14[%add3A_185, %add3A_289, %gather3A] masked %lt3A_234 : memref<2x64x256xf32, #tpu.memory_space<vmem>>[vector<16xi32>, vector<16xi32>, vector<16xi32>], vector<16xf32>, vector<16xi1>
            %gather3A_291 = tpu.vector_load_idx %arg15[%add3A_289, %gather3A_236] masked %lt3A_234 : memref<64x1000xf32, #tpu.memory_space<vmem>>[vector<16xi32>, vector<16xi32>], vector<16xf32>, vector<16xi1>
            %mul3A_292 = arith.constant 4 : i32
            %mul3A_293 = arith.muli %scan3A_285, %mul3A_292 : i32
            %add3A_294 = vector.broadcast %mul3A_293 : i32 to vector<16xi32>
            %add3A_295 = arith.addi %add3A_240, %add3A_294 : vector<16xi32>
            %add3A_296 = arith.addf %gather3A_290, %gather3A_291 : vector<16xf32>
            tpu.vector_store_idx %arg17[%add3A_295], %add3A_296 masked %lt3A_234 : memref<1024xf32, #tpu.memory_space<vmem>>[vector<16xi32>], vector<16xf32>, vector<16xi1>
          }
          %scan3A_246 = arith.constant 16 : i32
          %sub3A_247 = arith.subi %while3A_203, %mul3A_230 : i32
          %min3A = arith.constant 4 : i32
          %min3A_248 = arith.minsi %min3A, %sub3A_247 : i32
          %slice3A = vector.extract_strided_slice %gather3A_235 {offsets = [0], sizes = [1], strides = [1]} : vector<16xi32> to vector<1xi32>
          %squeeze3A = vector.extract %slice3A[0] : i32 from vector<1xi32>
          %gt3A_249 = arith.constant 0 : i32
          %gt3A_250 = arith.cmpi sgt, %min3A_248, %gt3A_249 : i32
          %convert_element_type3A_251 = arith.extui %gt3A_250 : i1 to i32
          %cond3A_252 = arith.constant 0 : i32
          %cond3A_253 = arith.cmpi ne, %convert_element_type3A_251, %cond3A_252 : i32
          scf.if %cond3A_253 {
            %mul3A_285 = arith.constant 64 : i32
            %mul3A_286 = arith.muli %squeeze3A, %mul3A_285 : i32
            %dma_start3A = arith.constant 0 : i32
            %dma_start3A_287 = tpu.memref_slice %arg17[%dma_start3A] : memref<1024xf32, #tpu.memory_space<vmem>> -> memref<64xf32, #tpu.memory_space<vmem>>
            %dma_start3A_288 = tpu.memref_slice %arg7[%mul3A_286] : memref<1048576xf32, #tpu.memory_space<hbm>> -> memref<64xf32, #tpu.memory_space<hbm>>
            %dma_start3A_289 = tpu.memref_slice %arg7[%mul3A_286] : memref<1048576xf32, #tpu.memory_space<hbm>> -> memref<64xf32, #tpu.memory_space<hbm>>
            %dma_start3A_290 = arith.constant 0 : i32
            %dma_start3A_291 = tpu.memref_slice %arg17[%dma_start3A_290] : memref<1024xf32, #tpu.memory_space<vmem>> -> memref<64xf32, #tpu.memory_space<vmem>>
            tpu.enqueue_dma source(%dma_start3A_291 : memref<64xf32, #tpu.memory_space<vmem>>) target(%dma_start3A_289 : memref<64xf32, #tpu.memory_space<hbm>>) target_semaphore(%arg20 : memref<!tpu.dma_semaphore, #tpu.memory_space<semaphore_mem>>)
          } else {
          }
          %slice3A_254 = vector.extract_strided_slice %gather3A_235 {offsets = [4], sizes = [1], strides = [1]} : vector<16xi32> to vector<1xi32>
          %squeeze3A_255 = vector.extract %slice3A_254[0] : i32 from vector<1xi32>
          %gt3A_256 = arith.constant 1 : i32
          %gt3A_257 = arith.cmpi sgt, %min3A_248, %gt3A_256 : i32
          %convert_element_type3A_258 = arith.extui %gt3A_257 : i1 to i32
          %cond3A_259 = arith.constant 0 : i32
          %cond3A_260 = arith.cmpi ne, %convert_element_type3A_258, %cond3A_259 : i32
          scf.if %cond3A_260 {
            %mul3A_285 = arith.constant 64 : i32
            %mul3A_286 = arith.muli %squeeze3A_255, %mul3A_285 : i32
            %dma_start3A = arith.constant 64 : i32
            %dma_start3A_287 = tpu.memref_slice %arg17[%dma_start3A] : memref<1024xf32, #tpu.memory_space<vmem>> -> memref<64xf32, #tpu.memory_space<vmem>>
            %dma_start3A_288 = tpu.memref_slice %arg7[%mul3A_286] : memref<1048576xf32, #tpu.memory_space<hbm>> -> memref<64xf32, #tpu.memory_space<hbm>>
            %dma_start3A_289 = tpu.memref_slice %arg7[%mul3A_286] : memref<1048576xf32, #tpu.memory_space<hbm>> -> memref<64xf32, #tpu.memory_space<hbm>>
            %dma_start3A_290 = arith.constant 64 : i32
            %dma_start3A_291 = tpu.memref_slice %arg17[%dma_start3A_290] : memref<1024xf32, #tpu.memory_space<vmem>> -> memref<64xf32, #tpu.memory_space<vmem>>
            tpu.enqueue_dma source(%dma_start3A_291 : memref<64xf32, #tpu.memory_space<vmem>>) target(%dma_start3A_289 : memref<64xf32, #tpu.memory_space<hbm>>) target_semaphore(%arg20 : memref<!tpu.dma_semaphore, #tpu.memory_space<semaphore_mem>>)
          } else {
          }
          %slice3A_261 = vector.extract_strided_slice %gather3A_235 {offsets = [8], sizes = [1], strides = [1]} : vector<16xi32> to vector<1xi32>
          %squeeze3A_262 = vector.extract %slice3A_261[0] : i32 from vector<1xi32>
          %gt3A_263 = arith.constant 2 : i32
          %gt3A_264 = arith.cmpi sgt, %min3A_248, %gt3A_263 : i32
          %convert_element_type3A_265 = arith.extui %gt3A_264 : i1 to i32
          %cond3A_266 = arith.constant 0 : i32
          %cond3A_267 = arith.cmpi ne, %convert_element_type3A_265, %cond3A_266 : i32
          scf.if %cond3A_267 {
            %mul3A_285 = arith.constant 64 : i32
            %mul3A_286 = arith.muli %squeeze3A_262, %mul3A_285 : i32
            %dma_start3A = arith.constant 128 : i32
            %dma_start3A_287 = tpu.memref_slice %arg17[%dma_start3A] : memref<1024xf32, #tpu.memory_space<vmem>> -> memref<64xf32, #tpu.memory_space<vmem>>
            %dma_start3A_288 = tpu.memref_slice %arg7[%mul3A_286] : memref<1048576xf32, #tpu.memory_space<hbm>> -> memref<64xf32, #tpu.memory_space<hbm>>
            %dma_start3A_289 = tpu.memref_slice %arg7[%mul3A_286] : memref<1048576xf32, #tpu.memory_space<hbm>> -> memref<64xf32, #tpu.memory_space<hbm>>
            %dma_start3A_290 = arith.constant 128 : i32
            %dma_start3A_291 = tpu.memref_slice %arg17[%dma_start3A_290] : memref<1024xf32, #tpu.memory_space<vmem>> -> memref<64xf32, #tpu.memory_space<vmem>>
            tpu.enqueue_dma source(%dma_start3A_291 : memref<64xf32, #tpu.memory_space<vmem>>) target(%dma_start3A_289 : memref<64xf32, #tpu.memory_space<hbm>>) target_semaphore(%arg20 : memref<!tpu.dma_semaphore, #tpu.memory_space<semaphore_mem>>)
          } else {
          }
          %slice3A_268 = vector.extract_strided_slice %gather3A_235 {offsets = [12], sizes = [1], strides = [1]} : vector<16xi32> to vector<1xi32>
          %squeeze3A_269 = vector.extract %slice3A_268[0] : i32 from vector<1xi32>
          %gt3A_270 = arith.constant 3 : i32
          %gt3A_271 = arith.cmpi sgt, %min3A_248, %gt3A_270 : i32
          %convert_element_type3A_272 = arith.extui %gt3A_271 : i1 to i32
          %cond3A_273 = arith.constant 0 : i32
          %cond3A_274 = arith.cmpi ne, %convert_element_type3A_272, %cond3A_273 : i32
          scf.if %cond3A_274 {
            %mul3A_285 = arith.constant 64 : i32
            %mul3A_286 = arith.muli %squeeze3A_269, %mul3A_285 : i32
            %dma_start3A = arith.constant 192 : i32
            %dma_start3A_287 = tpu.memref_slice %arg17[%dma_start3A] : memref<1024xf32, #tpu.memory_space<vmem>> -> memref<64xf32, #tpu.memory_space<vmem>>
            %dma_start3A_288 = tpu.memref_slice %arg7[%mul3A_286] : memref<1048576xf32, #tpu.memory_space<hbm>> -> memref<64xf32, #tpu.memory_space<hbm>>
            %dma_start3A_289 = tpu.memref_slice %arg7[%mul3A_286] : memref<1048576xf32, #tpu.memory_space<hbm>> -> memref<64xf32, #tpu.memory_space<hbm>>
            %dma_start3A_290 = arith.constant 192 : i32
            %dma_start3A_291 = tpu.memref_slice %arg17[%dma_start3A_290] : memref<1024xf32, #tpu.memory_space<vmem>> -> memref<64xf32, #tpu.memory_space<vmem>>
            tpu.enqueue_dma source(%dma_start3A_291 : memref<64xf32, #tpu.memory_space<vmem>>) target(%dma_start3A_289 : memref<64xf32, #tpu.memory_space<hbm>>) target_semaphore(%arg20 : memref<!tpu.dma_semaphore, #tpu.memory_space<semaphore_mem>>)
          } else {
          }
          %while3A_275 = arith.constant 0 : i32
          %while3A_276 = arith.constant 0 : i32
          %while3A_277 = arith.subi %min3A_248, %while3A_276 : i32
          %while3A_278 = arith.addi %while3A_276, %while3A_277 : i32
          %while3A_279 = arith.constant 1 : i32
          %while3A_280 = arith.divsi %while3A_277, %while3A_279 : i32
          %while3A_281 = arith.muli %while3A_280, %while3A_279 : i32
          %while3A_282 = arith.addi %while3A_276, %while3A_281 : i32
          %while3A_283 = arith.constant 1 : i32
          scf.for %while3A_285 = %while3A_276 to %while3A_282 step %while3A_283  : i32 {
            %dma_wait3A_286 = arith.constant 0 : i32
            %dma_wait3A_287 = tpu.memref_slice %arg17[%dma_wait3A_286] : memref<1024xf32, #tpu.memory_space<vmem>> -> memref<64xf32, #tpu.memory_space<vmem>>
            %dma_wait3A_288 = arith.constant 0 : i32
            %dma_wait3A_289 = tpu.memref_slice %arg7[%dma_wait3A_288] : memref<1048576xf32, #tpu.memory_space<hbm>> -> memref<64xf32, #tpu.memory_space<hbm>>
            %dma_wait3A_290 = arith.constant 0 : i32
            %dma_wait3A_291 = tpu.memref_slice %arg7[%dma_wait3A_290] : memref<1048576xf32, #tpu.memory_space<hbm>> -> memref<64xf32, #tpu.memory_space<hbm>>
            %dma_wait3A_292 = arith.constant 0 : i32
            %dma_wait3A_293 = tpu.memref_slice %arg17[%dma_wait3A_292] : memref<1024xf32, #tpu.memory_space<vmem>> -> memref<64xf32, #tpu.memory_space<vmem>>
            tpu.wait_dma2 semaphore(%arg20 : memref<!tpu.dma_semaphore, #tpu.memory_space<semaphore_mem>>) src(%dma_wait3A_293 : memref<64xf32, #tpu.memory_space<vmem>>) dst(%dma_wait3A_291 : memref<64xf32, #tpu.memory_space<hbm>>)
          }
          %while3A_284 = arith.constant 1 : i32
          scf.for %while3A_285 = %while3A_282 to %while3A_278 step %while3A_284  : i32 {
            %dma_wait3A_286 = arith.constant 0 : i32
            %dma_wait3A_287 = tpu.memref_slice %arg17[%dma_wait3A_286] : memref<1024xf32, #tpu.memory_space<vmem>> -> memref<64xf32, #tpu.memory_space<vmem>>
            %dma_wait3A_288 = arith.constant 0 : i32
            %dma_wait3A_289 = tpu.memref_slice %arg7[%dma_wait3A_288] : memref<1048576xf32, #tpu.memory_space<hbm>> -> memref<64xf32, #tpu.memory_space<hbm>>
            %dma_wait3A_290 = arith.constant 0 : i32
            %dma_wait3A_291 = tpu.memref_slice %arg7[%dma_wait3A_290] : memref<1048576xf32, #tpu.memory_space<hbm>> -> memref<64xf32, #tpu.memory_space<hbm>>
            %dma_wait3A_292 = arith.constant 0 : i32
            %dma_wait3A_293 = tpu.memref_slice %arg17[%dma_wait3A_292] : memref<1024xf32, #tpu.memory_space<vmem>> -> memref<64xf32, #tpu.memory_space<vmem>>
            tpu.wait_dma2 semaphore(%arg20 : memref<!tpu.dma_semaphore, #tpu.memory_space<semaphore_mem>>) src(%dma_wait3A_293 : memref<64xf32, #tpu.memory_space<vmem>>) dst(%dma_wait3A_291 : memref<64xf32, #tpu.memory_space<hbm>>)
          }
        }
        %lt3A_224 = arith.cmpi slt, %add3A_163, %sub3A : i32
        %convert_element_type3A_225 = arith.extui %lt3A_224 : i1 to i32
        %cond3A_226 = arith.constant 0 : i32
        %cond3A_227 = arith.cmpi ne, %convert_element_type3A_225, %cond3A_226 : i32
        scf.if %cond3A_227 {
          %add3A_228 = arith.constant 1 : i32
          %add3A_229 = arith.addi %add3A_163, %add3A_228 : i32
          %lt3A_230 = arith.cmpi slt, %add3A_229, %sub3A : i32
          %convert_element_type3A_231 = arith.extui %lt3A_230 : i1 to i32
          %cond3A_232 = arith.constant 0 : i32
          %cond3A_233 = arith.cmpi ne, %convert_element_type3A_231, %cond3A_232 : i32
          scf.if %cond3A_233 {
            %add3A_292 = arith.constant 1 : i32
            %add3A_293 = arith.addi %add3A_163, %add3A_292 : i32
            %mul3A_294 = arith.constant 256 : i32
            %mul3A_295 = arith.muli %add3A_293, %mul3A_294 : i32
            %add3A_296 = arith.addi %shift_left3A_12, %mul3A_295 : i32
            %multiple_of3A = tpu.assume_multiple %add3A_296, 256 : i32
            %dma_start3A = arith.constant 0 : i32
            %dma_start3A_297 = arith.constant 0 : i32
            %dma_start3A_298 = arith.constant 0 : i32
            %dma_start3A_299 = tpu.memref_slice %arg14[%dma_start3A, %dma_start3A_297, %dma_start3A_298] : memref<2x64x256xf32, #tpu.memory_space<vmem>> -> memref<1x64x256xf32, #tpu.memory_space<vmem>>
            %dma_start3A_300 = tpu.memref_squeeze %dma_start3A_299 : memref<1x64x256xf32, #tpu.memory_space<vmem>> -> memref<64x256xf32, #tpu.memory_space<vmem>>
            %dma_start3A_301 = arith.constant 0 : i32
            %dma_start3A_302 = tpu.memref_slice %arg4[%dma_start3A_301, %multiple_of3A] : memref<64x1000000xf32, #tpu.memory_space<hbm>> -> memref<64x256xf32, #tpu.memory_space<hbm>>
            %dma_start3A_303 = arith.constant 0 : i32
            %dma_start3A_304 = arith.constant 0 : i32
            %dma_start3A_305 = tpu.memref_slice %arg14[%dma_start3A, %dma_start3A_303, %dma_start3A_304] : memref<2x64x256xf32, #tpu.memory_space<vmem>> -> memref<1x64x256xf32, #tpu.memory_space<vmem>>
            %dma_start3A_306 = tpu.memref_squeeze %dma_start3A_305 : memref<1x64x256xf32, #tpu.memory_space<vmem>> -> memref<64x256xf32, #tpu.memory_space<vmem>>
            %dma_start3A_307 = arith.constant 0 : i32
            %dma_start3A_308 = tpu.memref_slice %arg4[%dma_start3A_307, %multiple_of3A] : memref<64x1000000xf32, #tpu.memory_space<hbm>> -> memref<64x256xf32, #tpu.memory_space<hbm>>
            tpu.enqueue_dma source(%dma_start3A_308 : memref<64x256xf32, #tpu.memory_space<hbm>>) target(%dma_start3A_306 : memref<64x256xf32, #tpu.memory_space<vmem>>) target_semaphore(%arg18 : memref<!tpu.dma_semaphore, #tpu.memory_space<semaphore_mem>>)
          } else {
          }
          %dma_wait3A_234 = arith.constant 1 : i32
          %dma_wait3A_235 = arith.constant 0 : i32
          %dma_wait3A_236 = arith.constant 0 : i32
          %dma_wait3A_237 = tpu.memref_slice %arg14[%dma_wait3A_234, %dma_wait3A_235, %dma_wait3A_236] : memref<2x64x256xf32, #tpu.memory_space<vmem>> -> memref<1x64x256xf32, #tpu.memory_space<vmem>>
          %dma_wait3A_238 = tpu.memref_squeeze %dma_wait3A_237 : memref<1x64x256xf32, #tpu.memory_space<vmem>> -> memref<64x256xf32, #tpu.memory_space<vmem>>
          %dma_wait3A_239 = arith.constant 0 : i32
          %dma_wait3A_240 = arith.constant 0 : i32
          %dma_wait3A_241 = tpu.memref_slice %arg4[%dma_wait3A_239, %dma_wait3A_240] : memref<64x1000000xf32, #tpu.memory_space<hbm>> -> memref<64x256xf32, #tpu.memory_space<hbm>>
          %dma_wait3A_242 = arith.constant 0 : i32
          %dma_wait3A_243 = arith.constant 0 : i32
          %dma_wait3A_244 = tpu.memref_slice %arg14[%dma_wait3A_234, %dma_wait3A_242, %dma_wait3A_243] : memref<2x64x256xf32, #tpu.memory_space<vmem>> -> memref<1x64x256xf32, #tpu.memory_space<vmem>>
          %dma_wait3A_245 = tpu.memref_squeeze %dma_wait3A_244 : memref<1x64x256xf32, #tpu.memory_space<vmem>> -> memref<64x256xf32, #tpu.memory_space<vmem>>
          %dma_wait3A_246 = arith.constant 0 : i32
          %dma_wait3A_247 = arith.constant 0 : i32
          %dma_wait3A_248 = tpu.memref_slice %arg4[%dma_wait3A_246, %dma_wait3A_247] : memref<64x1000000xf32, #tpu.memory_space<hbm>> -> memref<64x256xf32, #tpu.memory_space<hbm>>
          tpu.wait_dma2 semaphore(%arg19 : memref<!tpu.dma_semaphore, #tpu.memory_space<semaphore_mem>>) src(%dma_wait3A_248 : memref<64x256xf32, #tpu.memory_space<hbm>>) dst(%dma_wait3A_245 : memref<64x256xf32, #tpu.memory_space<vmem>>)
          %broadcast_in_dim3A_249 = arith.constant 0 : i32
          %broadcast_in_dim3A_250 = vector.broadcast %broadcast_in_dim3A_249 : i32 to vector<16xi32>
          %add3A_251 = arith.constant 1 : i32
          %add3A_252 = vector.broadcast %add3A_251 : i32 to vector<16xi32>
          %add3A_253 = arith.addi %broadcast_in_dim3A_250, %add3A_252 : vector<16xi32>
          %add3A_254 = arith.constant 16 : i32
          %add3A_255 = arith.addi %scan3A_94#1, %add3A_254 : i32
          %sub3A_256 = arith.constant 1 : i32
          %sub3A_257 = arith.subi %add3A_255, %sub3A_256 : i32
          %shift_right_arithmetic3A_258 = arith.constant 4 : i32
          %shift_right_arithmetic3A_259 = arith.shrsi %sub3A_257, %shift_right_arithmetic3A_258 : i32
          %while3A_260 = arith.constant 0 : i32
          %while3A_261 = arith.constant 0 : i32
          %while3A_262 = arith.subi %shift_right_arithmetic3A_259, %while3A_260 : i32
          %while3A_263 = arith.addi %while3A_260, %while3A_262 : i32
          %while3A_264 = arith.constant 1 : i32
          %while3A_265 = arith.divsi %while3A_262, %while3A_264 : i32
          %while3A_266 = arith.muli %while3A_265, %while3A_264 : i32
          %while3A_267 = arith.addi %while3A_260, %while3A_266 : i32
          %while3A_268 = arith.constant 1 : i32
          %while3A_269 = scf.for %while3A_292 = %while3A_260 to %while3A_267 step %while3A_268 iter_args(%while3A_293 = %while3A_261) -> (i32)  : i32 {
            %mul3A_294 = arith.constant 16 : i32
            %mul3A_295 = arith.muli %while3A_292, %mul3A_294 : i32
            %get3A = arith.index_cast %mul3A_295 : i32 to index
            %get3A_296 = tpu.vector_load %arg10[%get3A] {strides = array<i32>} : memref<1040xi32, #tpu.memory_space<vmem>>, vector<16xi32>,
            %get3A_297 = arith.index_cast %mul3A_295 : i32 to index
            %get3A_298 = tpu.vector_load %arg11[%get3A_297] {strides = array<i32>} : memref<1040xi32, #tpu.memory_space<vmem>>, vector<16xi32>,
            %shift_right_arithmetic3A_299 = arith.constant 8 : i32
            %shift_right_arithmetic3A_300 = vector.broadcast %shift_right_arithmetic3A_299 : i32 to vector<16xi32>
            %shift_right_arithmetic3A_301 = arith.shrsi %get3A_296, %shift_right_arithmetic3A_300 : vector<16xi32>
            %eq3A_302 = vector.broadcast %add3A_163 : i32 to vector<16xi32>
            %eq3A_303 = arith.cmpi eq, %shift_right_arithmetic3A_301, %eq3A_302 : vector<16xi32>
            %and3A_304 = arith.constant 255 : i32
            %and3A_305 = vector.broadcast %and3A_304 : i32 to vector<16xi32>
            %and3A_306 = arith.andi %get3A_296, %and3A_305 : vector<16xi32>
            %swap3A_307 = arith.index_cast %while3A_293 : i32 to index
            %swap3A_308 = tpu.vector_load %arg12[%swap3A_307] masked %eq3A_303 {strides = array<i32>} : memref<1040xi32, #tpu.memory_space<vmem>>, vector<16xi32>, vector<16xi1>
            tpu.vector_store %arg12[%swap3A_307], %and3A_306 masked %eq3A_303 {strides = array<i32>} : memref<1040xi32, #tpu.memory_space<vmem>>, vector<16xi32>, vector<16xi1>
            %swap3A_309 = arith.index_cast %while3A_293 : i32 to index
            %swap3A_310 = tpu.vector_load %arg13[%swap3A_309] masked %eq3A_303 {strides = array<i32>} : memref<1040xi32, #tpu.memory_space<vmem>>, vector<16xi32>, vector<16xi1>
            tpu.vector_store %arg13[%swap3A_309], %get3A_298 masked %eq3A_303 {strides = array<i32>} : memref<1040xi32, #tpu.memory_space<vmem>>, vector<16xi32>, vector<16xi1>
            %all_reduce_population_count3A = tpu.all_reduce %eq3A_303 {dim = 0 : i64, kind = #tpu.reduction_kind<sum>} : vector<16xi1> -> vector<16xi32>
            %slice3A = vector.extract_strided_slice %all_reduce_population_count3A {offsets = [0], sizes = [1], strides = [1]} : vector<16xi32> to vector<1xi32>
            %squeeze3A = vector.extract %slice3A[0] : i32 from vector<1xi32>
            %add3A_311 = arith.addi %while3A_293, %squeeze3A : i32
            scf.yield %add3A_311 : i32
          }
          %while3A_270 = arith.constant 1 : i32
          %while3A_271 = scf.for %while3A_292 = %while3A_267 to %while3A_263 step %while3A_270 iter_args(%while3A_293 = %while3A_269) -> (i32)  : i32 {
            %mul3A_294 = arith.constant 16 : i32
            %mul3A_295 = arith.muli %while3A_292, %mul3A_294 : i32
            %get3A = arith.index_cast %mul3A_295 : i32 to index
            %get3A_296 = tpu.vector_load %arg10[%get3A] {strides = array<i32>} : memref<1040xi32, #tpu.memory_space<vmem>>, vector<16xi32>,
            %get3A_297 = arith.index_cast %mul3A_295 : i32 to index
            %get3A_298 = tpu.vector_load %arg11[%get3A_297] {strides = array<i32>} : memref<1040xi32, #tpu.memory_space<vmem>>, vector<16xi32>,
            %shift_right_arithmetic3A_299 = arith.constant 8 : i32
            %shift_right_arithmetic3A_300 = vector.broadcast %shift_right_arithmetic3A_299 : i32 to vector<16xi32>
            %shift_right_arithmetic3A_301 = arith.shrsi %get3A_296, %shift_right_arithmetic3A_300 : vector<16xi32>
            %eq3A_302 = vector.broadcast %add3A_163 : i32 to vector<16xi32>
            %eq3A_303 = arith.cmpi eq, %shift_right_arithmetic3A_301, %eq3A_302 : vector<16xi32>
            %and3A_304 = arith.constant 255 : i32
            %and3A_305 = vector.broadcast %and3A_304 : i32 to vector<16xi32>
            %and3A_306 = arith.andi %get3A_296, %and3A_305 : vector<16xi32>
            %swap3A_307 = arith.index_cast %while3A_293 : i32 to index
            %swap3A_308 = tpu.vector_load %arg12[%swap3A_307] masked %eq3A_303 {strides = array<i32>} : memref<1040xi32, #tpu.memory_space<vmem>>, vector<16xi32>, vector<16xi1>
            tpu.vector_store %arg12[%swap3A_307], %and3A_306 masked %eq3A_303 {strides = array<i32>} : memref<1040xi32, #tpu.memory_space<vmem>>, vector<16xi32>, vector<16xi1>
            %swap3A_309 = arith.index_cast %while3A_293 : i32 to index
            %swap3A_310 = tpu.vector_load %arg13[%swap3A_309] masked %eq3A_303 {strides = array<i32>} : memref<1040xi32, #tpu.memory_space<vmem>>, vector<16xi32>, vector<16xi1>
            tpu.vector_store %arg13[%swap3A_309], %get3A_298 masked %eq3A_303 {strides = array<i32>} : memref<1040xi32, #tpu.memory_space<vmem>>, vector<16xi32>, vector<16xi1>
            %all_reduce_population_count3A = tpu.all_reduce %eq3A_303 {dim = 0 : i64, kind = #tpu.reduction_kind<sum>} : vector<16xi1> -> vector<16xi32>
            %slice3A = vector.extract_strided_slice %all_reduce_population_count3A {offsets = [0], sizes = [1], strides = [1]} : vector<16xi32> to vector<1xi32>
            %squeeze3A = vector.extract %slice3A[0] : i32 from vector<1xi32>
            %add3A_311 = arith.addi %while3A_293, %squeeze3A : i32
            scf.yield %add3A_311 : i32
          }
          %shift_right_arithmetic3A_272 = arith.constant 2 : i32
          %shift_right_arithmetic3A_273 = vector.broadcast %shift_right_arithmetic3A_272 : i32 to vector<16xi32>
          %shift_right_arithmetic3A_274 = arith.shrsi %iota3A, %shift_right_arithmetic3A_273 : vector<16xi32>
          %and3A_275 = arith.constant 3 : i32
          %and3A_276 = vector.broadcast %and3A_275 : i32 to vector<16xi32>
          %and3A_277 = arith.andi %iota3A, %and3A_276 : vector<16xi32>
          %add3A_278 = arith.constant 3 : i32
          %add3A_279 = arith.addi %while3A_271, %add3A_278 : i32
          %shift_right_arithmetic3A_280 = arith.constant 2 : i32
          %shift_right_arithmetic3A_281 = arith.shrsi %add3A_279, %shift_right_arithmetic3A_280 : i32
          %while3A_282 = arith.constant 0 : i32
          %while3A_283 = arith.constant 0 : i32
          %while3A_284 = arith.subi %shift_right_arithmetic3A_281, %while3A_283 : i32
          %while3A_285 = arith.addi %while3A_283, %while3A_284 : i32
          %while3A_286 = arith.constant 1 : i32
          %while3A_287 = arith.divsi %while3A_284, %while3A_286 : i32
          %while3A_288 = arith.muli %while3A_287, %while3A_286 : i32
          %while3A_289 = arith.addi %while3A_283, %while3A_288 : i32
          %while3A_290 = arith.constant 1 : i32
          scf.for %while3A_292 = %while3A_283 to %while3A_289 step %while3A_290  : i32 {
            %mul3A_293 = arith.constant 4 : i32
            %mul3A_294 = arith.muli %while3A_292, %mul3A_293 : i32
            %add3A_295 = vector.broadcast %mul3A_294 : i32 to vector<16xi32>
            %add3A_296 = arith.addi %add3A_295, %shift_right_arithmetic3A_274 : vector<16xi32>
            %lt3A_297 = vector.broadcast %while3A_271 : i32 to vector<16xi32>
            %lt3A_298 = arith.cmpi slt, %add3A_296, %lt3A_297 : vector<16xi32>
            %gather3A = tpu.vector_load_idx %arg12[%add3A_296] masked %lt3A_298 : memref<1040xi32, #tpu.memory_space<vmem>>[vector<16xi32>], vector<16xi32>, vector<16xi1>
            %gather3A_299 = tpu.vector_load_idx %arg13[%add3A_296] masked %lt3A_298 : memref<1040xi32, #tpu.memory_space<vmem>>[vector<16xi32>], vector<16xi32>, vector<16xi1>
            %gather3A_300 = tpu.vector_load_idx %arg9[%gather3A_299] masked %lt3A_298 : memref<16384xi32, #tpu.memory_space<vmem>>[vector<16xi32>], vector<16xi32>, vector<16xi1>
            %mul3A_301 = arith.constant 64 : i32
            %mul3A_302 = vector.broadcast %mul3A_301 : i32 to vector<16xi32>
            %mul3A_303 = arith.muli %shift_right_arithmetic3A_274, %mul3A_302 : vector<16xi32>
            %add3A_304 = arith.addi %mul3A_303, %and3A_277 : vector<16xi32>
            %scan3A_305 = arith.constant 0 : i32
            %scan3A_306 = arith.constant 0 : i32
            %scan3A_307 = arith.constant 16 : i32
            %scan3A_308 = arith.addi %scan3A_306, %scan3A_307 : i32
            %scan3A_309 = arith.constant 1 : i32
            scf.for %scan3A_349 = %scan3A_306 to %scan3A_308 step %scan3A_309  : i32 {
              %mul3A_350 = arith.constant 4 : i32
              %mul3A_351 = arith.muli %scan3A_349, %mul3A_350 : i32
              %add3A_352 = vector.broadcast %mul3A_351 : i32 to vector<16xi32>
              %add3A_353 = arith.addi %and3A_277, %add3A_352 : vector<16xi32>
              %gather3A_354 = tpu.vector_load_idx %arg14[%add3A_253, %add3A_353, %gather3A] masked %lt3A_298 : memref<2x64x256xf32, #tpu.memory_space<vmem>>[vector<16xi32>, vector<16xi32>, vector<16xi32>], vector<16xf32>, vector<16xi1>
              %gather3A_355 = tpu.vector_load_idx %arg15[%add3A_353, %gather3A_300] masked %lt3A_298 : memref<64x1000xf32, #tpu.memory_space<vmem>>[vector<16xi32>, vector<16xi32>], vector<16xf32>, vector<16xi1>
              %mul3A_356 = arith.constant 4 : i32
              %mul3A_357 = arith.muli %scan3A_349, %mul3A_356 : i32
              %add3A_358 = vector.broadcast %mul3A_357 : i32 to vector<16xi32>
              %add3A_359 = arith.addi %add3A_304, %add3A_358 : vector<16xi32>
              %add3A_360 = arith.addf %gather3A_354, %gather3A_355 : vector<16xf32>
              tpu.vector_store_idx %arg17[%add3A_359], %add3A_360 masked %lt3A_298 : memref<1024xf32, #tpu.memory_space<vmem>>[vector<16xi32>], vector<16xf32>, vector<16xi1>
            }
            %scan3A_310 = arith.constant 16 : i32
            %sub3A_311 = arith.subi %while3A_271, %mul3A_294 : i32
            %min3A = arith.constant 4 : i32
            %min3A_312 = arith.minsi %min3A, %sub3A_311 : i32
            %slice3A = vector.extract_strided_slice %gather3A_299 {offsets = [0], sizes = [1], strides = [1]} : vector<16xi32> to vector<1xi32>
            %squeeze3A = vector.extract %slice3A[0] : i32 from vector<1xi32>
            %gt3A_313 = arith.constant 0 : i32
            %gt3A_314 = arith.cmpi sgt, %min3A_312, %gt3A_313 : i32
            %convert_element_type3A_315 = arith.extui %gt3A_314 : i1 to i32
            %cond3A_316 = arith.constant 0 : i32
            %cond3A_317 = arith.cmpi ne, %convert_element_type3A_315, %cond3A_316 : i32
            scf.if %cond3A_317 {
              %mul3A_349 = arith.constant 64 : i32
              %mul3A_350 = arith.muli %squeeze3A, %mul3A_349 : i32
              %dma_start3A = arith.constant 0 : i32
              %dma_start3A_351 = tpu.memref_slice %arg17[%dma_start3A] : memref<1024xf32, #tpu.memory_space<vmem>> -> memref<64xf32, #tpu.memory_space<vmem>>
              %dma_start3A_352 = tpu.memref_slice %arg7[%mul3A_350] : memref<1048576xf32, #tpu.memory_space<hbm>> -> memref<64xf32, #tpu.memory_space<hbm>>
              %dma_start3A_353 = tpu.memref_slice %arg7[%mul3A_350] : memref<1048576xf32, #tpu.memory_space<hbm>> -> memref<64xf32, #tpu.memory_space<hbm>>
              %dma_start3A_354 = arith.constant 0 : i32
              %dma_start3A_355 = tpu.memref_slice %arg17[%dma_start3A_354] : memref<1024xf32, #tpu.memory_space<vmem>> -> memref<64xf32, #tpu.memory_space<vmem>>
              tpu.enqueue_dma source(%dma_start3A_355 : memref<64xf32, #tpu.memory_space<vmem>>) target(%dma_start3A_353 : memref<64xf32, #tpu.memory_space<hbm>>) target_semaphore(%arg20 : memref<!tpu.dma_semaphore, #tpu.memory_space<semaphore_mem>>)
            } else {
            }
            %slice3A_318 = vector.extract_strided_slice %gather3A_299 {offsets = [4], sizes = [1], strides = [1]} : vector<16xi32> to vector<1xi32>
            %squeeze3A_319 = vector.extract %slice3A_318[0] : i32 from vector<1xi32>
            %gt3A_320 = arith.constant 1 : i32
            %gt3A_321 = arith.cmpi sgt, %min3A_312, %gt3A_320 : i32
            %convert_element_type3A_322 = arith.extui %gt3A_321 : i1 to i32
            %cond3A_323 = arith.constant 0 : i32
            %cond3A_324 = arith.cmpi ne, %convert_element_type3A_322, %cond3A_323 : i32
            scf.if %cond3A_324 {
              %mul3A_349 = arith.constant 64 : i32
              %mul3A_350 = arith.muli %squeeze3A_319, %mul3A_349 : i32
              %dma_start3A = arith.constant 64 : i32
              %dma_start3A_351 = tpu.memref_slice %arg17[%dma_start3A] : memref<1024xf32, #tpu.memory_space<vmem>> -> memref<64xf32, #tpu.memory_space<vmem>>
              %dma_start3A_352 = tpu.memref_slice %arg7[%mul3A_350] : memref<1048576xf32, #tpu.memory_space<hbm>> -> memref<64xf32, #tpu.memory_space<hbm>>
              %dma_start3A_353 = tpu.memref_slice %arg7[%mul3A_350] : memref<1048576xf32, #tpu.memory_space<hbm>> -> memref<64xf32, #tpu.memory_space<hbm>>
              %dma_start3A_354 = arith.constant 64 : i32
              %dma_start3A_355 = tpu.memref_slice %arg17[%dma_start3A_354] : memref<1024xf32, #tpu.memory_space<vmem>> -> memref<64xf32, #tpu.memory_space<vmem>>
              tpu.enqueue_dma source(%dma_start3A_355 : memref<64xf32, #tpu.memory_space<vmem>>) target(%dma_start3A_353 : memref<64xf32, #tpu.memory_space<hbm>>) target_semaphore(%arg20 : memref<!tpu.dma_semaphore, #tpu.memory_space<semaphore_mem>>)
            } else {
            }
            %slice3A_325 = vector.extract_strided_slice %gather3A_299 {offsets = [8], sizes = [1], strides = [1]} : vector<16xi32> to vector<1xi32>
            %squeeze3A_326 = vector.extract %slice3A_325[0] : i32 from vector<1xi32>
            %gt3A_327 = arith.constant 2 : i32
            %gt3A_328 = arith.cmpi sgt, %min3A_312, %gt3A_327 : i32
            %convert_element_type3A_329 = arith.extui %gt3A_328 : i1 to i32
            %cond3A_330 = arith.constant 0 : i32
            %cond3A_331 = arith.cmpi ne, %convert_element_type3A_329, %cond3A_330 : i32
            scf.if %cond3A_331 {
              %mul3A_349 = arith.constant 64 : i32
              %mul3A_350 = arith.muli %squeeze3A_326, %mul3A_349 : i32
              %dma_start3A = arith.constant 128 : i32
              %dma_start3A_351 = tpu.memref_slice %arg17[%dma_start3A] : memref<1024xf32, #tpu.memory_space<vmem>> -> memref<64xf32, #tpu.memory_space<vmem>>
              %dma_start3A_352 = tpu.memref_slice %arg7[%mul3A_350] : memref<1048576xf32, #tpu.memory_space<hbm>> -> memref<64xf32, #tpu.memory_space<hbm>>
              %dma_start3A_353 = tpu.memref_slice %arg7[%mul3A_350] : memref<1048576xf32, #tpu.memory_space<hbm>> -> memref<64xf32, #tpu.memory_space<hbm>>
              %dma_start3A_354 = arith.constant 128 : i32
              %dma_start3A_355 = tpu.memref_slice %arg17[%dma_start3A_354] : memref<1024xf32, #tpu.memory_space<vmem>> -> memref<64xf32, #tpu.memory_space<vmem>>
              tpu.enqueue_dma source(%dma_start3A_355 : memref<64xf32, #tpu.memory_space<vmem>>) target(%dma_start3A_353 : memref<64xf32, #tpu.memory_space<hbm>>) target_semaphore(%arg20 : memref<!tpu.dma_semaphore, #tpu.memory_space<semaphore_mem>>)
            } else {
            }
            %slice3A_332 = vector.extract_strided_slice %gather3A_299 {offsets = [12], sizes = [1], strides = [1]} : vector<16xi32> to vector<1xi32>
            %squeeze3A_333 = vector.extract %slice3A_332[0] : i32 from vector<1xi32>
            %gt3A_334 = arith.constant 3 : i32
            %gt3A_335 = arith.cmpi sgt, %min3A_312, %gt3A_334 : i32
            %convert_element_type3A_336 = arith.extui %gt3A_335 : i1 to i32
            %cond3A_337 = arith.constant 0 : i32
            %cond3A_338 = arith.cmpi ne, %convert_element_type3A_336, %cond3A_337 : i32
            scf.if %cond3A_338 {
              %mul3A_349 = arith.constant 64 : i32
              %mul3A_350 = arith.muli %squeeze3A_333, %mul3A_349 : i32
              %dma_start3A = arith.constant 192 : i32
              %dma_start3A_351 = tpu.memref_slice %arg17[%dma_start3A] : memref<1024xf32, #tpu.memory_space<vmem>> -> memref<64xf32, #tpu.memory_space<vmem>>
              %dma_start3A_352 = tpu.memref_slice %arg7[%mul3A_350] : memref<1048576xf32, #tpu.memory_space<hbm>> -> memref<64xf32, #tpu.memory_space<hbm>>
              %dma_start3A_353 = tpu.memref_slice %arg7[%mul3A_350] : memref<1048576xf32, #tpu.memory_space<hbm>> -> memref<64xf32, #tpu.memory_space<hbm>>
              %dma_start3A_354 = arith.constant 192 : i32
              %dma_start3A_355 = tpu.memref_slice %arg17[%dma_start3A_354] : memref<1024xf32, #tpu.memory_space<vmem>> -> memref<64xf32, #tpu.memory_space<vmem>>
              tpu.enqueue_dma source(%dma_start3A_355 : memref<64xf32, #tpu.memory_space<vmem>>) target(%dma_start3A_353 : memref<64xf32, #tpu.memory_space<hbm>>) target_semaphore(%arg20 : memref<!tpu.dma_semaphore, #tpu.memory_space<semaphore_mem>>)
            } else {
            }
            %while3A_339 = arith.constant 0 : i32
            %while3A_340 = arith.constant 0 : i32
            %while3A_341 = arith.subi %min3A_312, %while3A_340 : i32
            %while3A_342 = arith.addi %while3A_340, %while3A_341 : i32
            %while3A_343 = arith.constant 1 : i32
            %while3A_344 = arith.divsi %while3A_341, %while3A_343 : i32
            %while3A_345 = arith.muli %while3A_344, %while3A_343 : i32
            %while3A_346 = arith.addi %while3A_340, %while3A_345 : i32
            %while3A_347 = arith.constant 1 : i32
            scf.for %while3A_349 = %while3A_340 to %while3A_346 step %while3A_347  : i32 {
              %dma_wait3A_350 = arith.constant 0 : i32
              %dma_wait3A_351 = tpu.memref_slice %arg17[%dma_wait3A_350] : memref<1024xf32, #tpu.memory_space<vmem>> -> memref<64xf32, #tpu.memory_space<vmem>>
              %dma_wait3A_352 = arith.constant 0 : i32
              %dma_wait3A_353 = tpu.memref_slice %arg7[%dma_wait3A_352] : memref<1048576xf32, #tpu.memory_space<hbm>> -> memref<64xf32, #tpu.memory_space<hbm>>
              %dma_wait3A_354 = arith.constant 0 : i32
              %dma_wait3A_355 = tpu.memref_slice %arg7[%dma_wait3A_354] : memref<1048576xf32, #tpu.memory_space<hbm>> -> memref<64xf32, #tpu.memory_space<hbm>>
              %dma_wait3A_356 = arith.constant 0 : i32
              %dma_wait3A_357 = tpu.memref_slice %arg17[%dma_wait3A_356] : memref<1024xf32, #tpu.memory_space<vmem>> -> memref<64xf32, #tpu.memory_space<vmem>>
              tpu.wait_dma2 semaphore(%arg20 : memref<!tpu.dma_semaphore, #tpu.memory_space<semaphore_mem>>) src(%dma_wait3A_357 : memref<64xf32, #tpu.memory_space<vmem>>) dst(%dma_wait3A_355 : memref<64xf32, #tpu.memory_space<hbm>>)
            }
            %while3A_348 = arith.constant 1 : i32
            scf.for %while3A_349 = %while3A_346 to %while3A_342 step %while3A_348  : i32 {
              %dma_wait3A_350 = arith.constant 0 : i32
              %dma_wait3A_351 = tpu.memref_slice %arg17[%dma_wait3A_350] : memref<1024xf32, #tpu.memory_space<vmem>> -> memref<64xf32, #tpu.memory_space<vmem>>
              %dma_wait3A_352 = arith.constant 0 : i32
              %dma_wait3A_353 = tpu.memref_slice %arg7[%dma_wait3A_352] : memref<1048576xf32, #tpu.memory_space<hbm>> -> memref<64xf32, #tpu.memory_space<hbm>>
              %dma_wait3A_354 = arith.constant 0 : i32
              %dma_wait3A_355 = tpu.memref_slice %arg7[%dma_wait3A_354] : memref<1048576xf32, #tpu.memory_space<hbm>> -> memref<64xf32, #tpu.memory_space<hbm>>
              %dma_wait3A_356 = arith.constant 0 : i32
              %dma_wait3A_357 = tpu.memref_slice %arg17[%dma_wait3A_356] : memref<1024xf32, #tpu.memory_space<vmem>> -> memref<64xf32, #tpu.memory_space<vmem>>
              tpu.wait_dma2 semaphore(%arg20 : memref<!tpu.dma_semaphore, #tpu.memory_space<semaphore_mem>>) src(%dma_wait3A_357 : memref<64xf32, #tpu.memory_space<vmem>>) dst(%dma_wait3A_355 : memref<64xf32, #tpu.memory_space<hbm>>)
            }
          }
          %while3A_291 = arith.constant 1 : i32
          scf.for %while3A_292 = %while3A_289 to %while3A_285 step %while3A_291  : i32 {
            %mul3A_293 = arith.constant 4 : i32
            %mul3A_294 = arith.muli %while3A_292, %mul3A_293 : i32
            %add3A_295 = vector.broadcast %mul3A_294 : i32 to vector<16xi32>
            %add3A_296 = arith.addi %add3A_295, %shift_right_arithmetic3A_274 : vector<16xi32>
            %lt3A_297 = vector.broadcast %while3A_271 : i32 to vector<16xi32>
            %lt3A_298 = arith.cmpi slt, %add3A_296, %lt3A_297 : vector<16xi32>
            %gather3A = tpu.vector_load_idx %arg12[%add3A_296] masked %lt3A_298 : memref<1040xi32, #tpu.memory_space<vmem>>[vector<16xi32>], vector<16xi32>, vector<16xi1>
            %gather3A_299 = tpu.vector_load_idx %arg13[%add3A_296] masked %lt3A_298 : memref<1040xi32, #tpu.memory_space<vmem>>[vector<16xi32>], vector<16xi32>, vector<16xi1>
            %gather3A_300 = tpu.vector_load_idx %arg9[%gather3A_299] masked %lt3A_298 : memref<16384xi32, #tpu.memory_space<vmem>>[vector<16xi32>], vector<16xi32>, vector<16xi1>
            %mul3A_301 = arith.constant 64 : i32
            %mul3A_302 = vector.broadcast %mul3A_301 : i32 to vector<16xi32>
            %mul3A_303 = arith.muli %shift_right_arithmetic3A_274, %mul3A_302 : vector<16xi32>
            %add3A_304 = arith.addi %mul3A_303, %and3A_277 : vector<16xi32>
            %scan3A_305 = arith.constant 0 : i32
            %scan3A_306 = arith.constant 0 : i32
            %scan3A_307 = arith.constant 16 : i32
            %scan3A_308 = arith.addi %scan3A_306, %scan3A_307 : i32
            %scan3A_309 = arith.constant 1 : i32
            scf.for %scan3A_349 = %scan3A_306 to %scan3A_308 step %scan3A_309  : i32 {
              %mul3A_350 = arith.constant 4 : i32
              %mul3A_351 = arith.muli %scan3A_349, %mul3A_350 : i32
              %add3A_352 = vector.broadcast %mul3A_351 : i32 to vector<16xi32>
              %add3A_353 = arith.addi %and3A_277, %add3A_352 : vector<16xi32>
              %gather3A_354 = tpu.vector_load_idx %arg14[%add3A_253, %add3A_353, %gather3A] masked %lt3A_298 : memref<2x64x256xf32, #tpu.memory_space<vmem>>[vector<16xi32>, vector<16xi32>, vector<16xi32>], vector<16xf32>, vector<16xi1>
              %gather3A_355 = tpu.vector_load_idx %arg15[%add3A_353, %gather3A_300] masked %lt3A_298 : memref<64x1000xf32, #tpu.memory_space<vmem>>[vector<16xi32>, vector<16xi32>], vector<16xf32>, vector<16xi1>
              %mul3A_356 = arith.constant 4 : i32
              %mul3A_357 = arith.muli %scan3A_349, %mul3A_356 : i32
              %add3A_358 = vector.broadcast %mul3A_357 : i32 to vector<16xi32>
              %add3A_359 = arith.addi %add3A_304, %add3A_358 : vector<16xi32>
              %add3A_360 = arith.addf %gather3A_354, %gather3A_355 : vector<16xf32>
              tpu.vector_store_idx %arg17[%add3A_359], %add3A_360 masked %lt3A_298 : memref<1024xf32, #tpu.memory_space<vmem>>[vector<16xi32>], vector<16xf32>, vector<16xi1>
            }
            %scan3A_310 = arith.constant 16 : i32
            %sub3A_311 = arith.subi %while3A_271, %mul3A_294 : i32
            %min3A = arith.constant 4 : i32
            %min3A_312 = arith.minsi %min3A, %sub3A_311 : i32
            %slice3A = vector.extract_strided_slice %gather3A_299 {offsets = [0], sizes = [1], strides = [1]} : vector<16xi32> to vector<1xi32>
            %squeeze3A = vector.extract %slice3A[0] : i32 from vector<1xi32>
            %gt3A_313 = arith.constant 0 : i32
            %gt3A_314 = arith.cmpi sgt, %min3A_312, %gt3A_313 : i32
            %convert_element_type3A_315 = arith.extui %gt3A_314 : i1 to i32
            %cond3A_316 = arith.constant 0 : i32
            %cond3A_317 = arith.cmpi ne, %convert_element_type3A_315, %cond3A_316 : i32
            scf.if %cond3A_317 {
              %mul3A_349 = arith.constant 64 : i32
              %mul3A_350 = arith.muli %squeeze3A, %mul3A_349 : i32
              %dma_start3A = arith.constant 0 : i32
              %dma_start3A_351 = tpu.memref_slice %arg17[%dma_start3A] : memref<1024xf32, #tpu.memory_space<vmem>> -> memref<64xf32, #tpu.memory_space<vmem>>
              %dma_start3A_352 = tpu.memref_slice %arg7[%mul3A_350] : memref<1048576xf32, #tpu.memory_space<hbm>> -> memref<64xf32, #tpu.memory_space<hbm>>
              %dma_start3A_353 = tpu.memref_slice %arg7[%mul3A_350] : memref<1048576xf32, #tpu.memory_space<hbm>> -> memref<64xf32, #tpu.memory_space<hbm>>
              %dma_start3A_354 = arith.constant 0 : i32
              %dma_start3A_355 = tpu.memref_slice %arg17[%dma_start3A_354] : memref<1024xf32, #tpu.memory_space<vmem>> -> memref<64xf32, #tpu.memory_space<vmem>>
              tpu.enqueue_dma source(%dma_start3A_355 : memref<64xf32, #tpu.memory_space<vmem>>) target(%dma_start3A_353 : memref<64xf32, #tpu.memory_space<hbm>>) target_semaphore(%arg20 : memref<!tpu.dma_semaphore, #tpu.memory_space<semaphore_mem>>)
            } else {
            }
            %slice3A_318 = vector.extract_strided_slice %gather3A_299 {offsets = [4], sizes = [1], strides = [1]} : vector<16xi32> to vector<1xi32>
            %squeeze3A_319 = vector.extract %slice3A_318[0] : i32 from vector<1xi32>
            %gt3A_320 = arith.constant 1 : i32
            %gt3A_321 = arith.cmpi sgt, %min3A_312, %gt3A_320 : i32
            %convert_element_type3A_322 = arith.extui %gt3A_321 : i1 to i32
            %cond3A_323 = arith.constant 0 : i32
            %cond3A_324 = arith.cmpi ne, %convert_element_type3A_322, %cond3A_323 : i32
            scf.if %cond3A_324 {
              %mul3A_349 = arith.constant 64 : i32
              %mul3A_350 = arith.muli %squeeze3A_319, %mul3A_349 : i32
              %dma_start3A = arith.constant 64 : i32
              %dma_start3A_351 = tpu.memref_slice %arg17[%dma_start3A] : memref<1024xf32, #tpu.memory_space<vmem>> -> memref<64xf32, #tpu.memory_space<vmem>>
              %dma_start3A_352 = tpu.memref_slice %arg7[%mul3A_350] : memref<1048576xf32, #tpu.memory_space<hbm>> -> memref<64xf32, #tpu.memory_space<hbm>>
              %dma_start3A_353 = tpu.memref_slice %arg7[%mul3A_350] : memref<1048576xf32, #tpu.memory_space<hbm>> -> memref<64xf32, #tpu.memory_space<hbm>>
              %dma_start3A_354 = arith.constant 64 : i32
              %dma_start3A_355 = tpu.memref_slice %arg17[%dma_start3A_354] : memref<1024xf32, #tpu.memory_space<vmem>> -> memref<64xf32, #tpu.memory_space<vmem>>
              tpu.enqueue_dma source(%dma_start3A_355 : memref<64xf32, #tpu.memory_space<vmem>>) target(%dma_start3A_353 : memref<64xf32, #tpu.memory_space<hbm>>) target_semaphore(%arg20 : memref<!tpu.dma_semaphore, #tpu.memory_space<semaphore_mem>>)
            } else {
            }
            %slice3A_325 = vector.extract_strided_slice %gather3A_299 {offsets = [8], sizes = [1], strides = [1]} : vector<16xi32> to vector<1xi32>
            %squeeze3A_326 = vector.extract %slice3A_325[0] : i32 from vector<1xi32>
            %gt3A_327 = arith.constant 2 : i32
            %gt3A_328 = arith.cmpi sgt, %min3A_312, %gt3A_327 : i32
            %convert_element_type3A_329 = arith.extui %gt3A_328 : i1 to i32
            %cond3A_330 = arith.constant 0 : i32
            %cond3A_331 = arith.cmpi ne, %convert_element_type3A_329, %cond3A_330 : i32
            scf.if %cond3A_331 {
              %mul3A_349 = arith.constant 64 : i32
              %mul3A_350 = arith.muli %squeeze3A_326, %mul3A_349 : i32
              %dma_start3A = arith.constant 128 : i32
              %dma_start3A_351 = tpu.memref_slice %arg17[%dma_start3A] : memref<1024xf32, #tpu.memory_space<vmem>> -> memref<64xf32, #tpu.memory_space<vmem>>
              %dma_start3A_352 = tpu.memref_slice %arg7[%mul3A_350] : memref<1048576xf32, #tpu.memory_space<hbm>> -> memref<64xf32, #tpu.memory_space<hbm>>
              %dma_start3A_353 = tpu.memref_slice %arg7[%mul3A_350] : memref<1048576xf32, #tpu.memory_space<hbm>> -> memref<64xf32, #tpu.memory_space<hbm>>
              %dma_start3A_354 = arith.constant 128 : i32
              %dma_start3A_355 = tpu.memref_slice %arg17[%dma_start3A_354] : memref<1024xf32, #tpu.memory_space<vmem>> -> memref<64xf32, #tpu.memory_space<vmem>>
              tpu.enqueue_dma source(%dma_start3A_355 : memref<64xf32, #tpu.memory_space<vmem>>) target(%dma_start3A_353 : memref<64xf32, #tpu.memory_space<hbm>>) target_semaphore(%arg20 : memref<!tpu.dma_semaphore, #tpu.memory_space<semaphore_mem>>)
            } else {
            }
            %slice3A_332 = vector.extract_strided_slice %gather3A_299 {offsets = [12], sizes = [1], strides = [1]} : vector<16xi32> to vector<1xi32>
            %squeeze3A_333 = vector.extract %slice3A_332[0] : i32 from vector<1xi32>
            %gt3A_334 = arith.constant 3 : i32
            %gt3A_335 = arith.cmpi sgt, %min3A_312, %gt3A_334 : i32
            %convert_element_type3A_336 = arith.extui %gt3A_335 : i1 to i32
            %cond3A_337 = arith.constant 0 : i32
            %cond3A_338 = arith.cmpi ne, %convert_element_type3A_336, %cond3A_337 : i32
            scf.if %cond3A_338 {
              %mul3A_349 = arith.constant 64 : i32
              %mul3A_350 = arith.muli %squeeze3A_333, %mul3A_349 : i32
              %dma_start3A = arith.constant 192 : i32
              %dma_start3A_351 = tpu.memref_slice %arg17[%dma_start3A] : memref<1024xf32, #tpu.memory_space<vmem>> -> memref<64xf32, #tpu.memory_space<vmem>>
              %dma_start3A_352 = tpu.memref_slice %arg7[%mul3A_350] : memref<1048576xf32, #tpu.memory_space<hbm>> -> memref<64xf32, #tpu.memory_space<hbm>>
              %dma_start3A_353 = tpu.memref_slice %arg7[%mul3A_350] : memref<1048576xf32, #tpu.memory_space<hbm>> -> memref<64xf32, #tpu.memory_space<hbm>>
              %dma_start3A_354 = arith.constant 192 : i32
              %dma_start3A_355 = tpu.memref_slice %arg17[%dma_start3A_354] : memref<1024xf32, #tpu.memory_space<vmem>> -> memref<64xf32, #tpu.memory_space<vmem>>
              tpu.enqueue_dma source(%dma_start3A_355 : memref<64xf32, #tpu.memory_space<vmem>>) target(%dma_start3A_353 : memref<64xf32, #tpu.memory_space<hbm>>) target_semaphore(%arg20 : memref<!tpu.dma_semaphore, #tpu.memory_space<semaphore_mem>>)
            } else {
            }
            %while3A_339 = arith.constant 0 : i32
            %while3A_340 = arith.constant 0 : i32
            %while3A_341 = arith.subi %min3A_312, %while3A_340 : i32
            %while3A_342 = arith.addi %while3A_340, %while3A_341 : i32
            %while3A_343 = arith.constant 1 : i32
            %while3A_344 = arith.divsi %while3A_341, %while3A_343 : i32
            %while3A_345 = arith.muli %while3A_344, %while3A_343 : i32
            %while3A_346 = arith.addi %while3A_340, %while3A_345 : i32
            %while3A_347 = arith.constant 1 : i32
            scf.for %while3A_349 = %while3A_340 to %while3A_346 step %while3A_347  : i32 {
              %dma_wait3A_350 = arith.constant 0 : i32
              %dma_wait3A_351 = tpu.memref_slice %arg17[%dma_wait3A_350] : memref<1024xf32, #tpu.memory_space<vmem>> -> memref<64xf32, #tpu.memory_space<vmem>>
              %dma_wait3A_352 = arith.constant 0 : i32
              %dma_wait3A_353 = tpu.memref_slice %arg7[%dma_wait3A_352] : memref<1048576xf32, #tpu.memory_space<hbm>> -> memref<64xf32, #tpu.memory_space<hbm>>
              %dma_wait3A_354 = arith.constant 0 : i32
              %dma_wait3A_355 = tpu.memref_slice %arg7[%dma_wait3A_354] : memref<1048576xf32, #tpu.memory_space<hbm>> -> memref<64xf32, #tpu.memory_space<hbm>>
              %dma_wait3A_356 = arith.constant 0 : i32
              %dma_wait3A_357 = tpu.memref_slice %arg17[%dma_wait3A_356] : memref<1024xf32, #tpu.memory_space<vmem>> -> memref<64xf32, #tpu.memory_space<vmem>>
              tpu.wait_dma2 semaphore(%arg20 : memref<!tpu.dma_semaphore, #tpu.memory_space<semaphore_mem>>) src(%dma_wait3A_357 : memref<64xf32, #tpu.memory_space<vmem>>) dst(%dma_wait3A_355 : memref<64xf32, #tpu.memory_space<hbm>>)
            }
            %while3A_348 = arith.constant 1 : i32
            scf.for %while3A_349 = %while3A_346 to %while3A_342 step %while3A_348  : i32 {
              %dma_wait3A_350 = arith.constant 0 : i32
              %dma_wait3A_351 = tpu.memref_slice %arg17[%dma_wait3A_350] : memref<1024xf32, #tpu.memory_space<vmem>> -> memref<64xf32, #tpu.memory_space<vmem>>
              %dma_wait3A_352 = arith.constant 0 : i32
              %dma_wait3A_353 = tpu.memref_slice %arg7[%dma_wait3A_352] : memref<1048576xf32, #tpu.memory_space<hbm>> -> memref<64xf32, #tpu.memory_space<hbm>>
              %dma_wait3A_354 = arith.constant 0 : i32
              %dma_wait3A_355 = tpu.memref_slice %arg7[%dma_wait3A_354] : memref<1048576xf32, #tpu.memory_space<hbm>> -> memref<64xf32, #tpu.memory_space<hbm>>
              %dma_wait3A_356 = arith.constant 0 : i32
              %dma_wait3A_357 = tpu.memref_slice %arg17[%dma_wait3A_356] : memref<1024xf32, #tpu.memory_space<vmem>> -> memref<64xf32, #tpu.memory_space<vmem>>
              tpu.wait_dma2 semaphore(%arg20 : memref<!tpu.dma_semaphore, #tpu.memory_space<semaphore_mem>>) src(%dma_wait3A_357 : memref<64xf32, #tpu.memory_space<vmem>>) dst(%dma_wait3A_355 : memref<64xf32, #tpu.memory_space<hbm>>)
            }
          }
        } else {
        }
      }
      %while3A_118 = arith.constant 1 : i32
      scf.for %while3A_159 = %while3A_116 to %while3A_112 step %while3A_118  : i32 {
        %mul3A_160 = arith.constant 2 : i32
        %mul3A_161 = arith.muli %while3A_159, %mul3A_160 : i32
        %add3A_162 = arith.constant 1 : i32
        %add3A_163 = arith.addi %mul3A_161, %add3A_162 : i32
        %lt3A = arith.cmpi slt, %add3A_163, %sub3A : i32
        %convert_element_type3A_164 = arith.extui %lt3A : i1 to i32
        %cond3A_165 = arith.constant 0 : i32
        %cond3A_166 = arith.cmpi ne, %convert_element_type3A_164, %cond3A_165 : i32
        scf.if %cond3A_166 {
          %mul3A_228 = arith.constant 256 : i32
          %mul3A_229 = arith.muli %add3A_163, %mul3A_228 : i32
          %add3A_230 = arith.addi %shift_left3A_12, %mul3A_229 : i32
          %multiple_of3A = tpu.assume_multiple %add3A_230, 256 : i32
          %dma_start3A = arith.constant 1 : i32
          %dma_start3A_231 = arith.constant 0 : i32
          %dma_start3A_232 = arith.constant 0 : i32
          %dma_start3A_233 = tpu.memref_slice %arg14[%dma_start3A, %dma_start3A_231, %dma_start3A_232] : memref<2x64x256xf32, #tpu.memory_space<vmem>> -> memref<1x64x256xf32, #tpu.memory_space<vmem>>
          %dma_start3A_234 = tpu.memref_squeeze %dma_start3A_233 : memref<1x64x256xf32, #tpu.memory_space<vmem>> -> memref<64x256xf32, #tpu.memory_space<vmem>>
          %dma_start3A_235 = arith.constant 0 : i32
          %dma_start3A_236 = tpu.memref_slice %arg4[%dma_start3A_235, %multiple_of3A] : memref<64x1000000xf32, #tpu.memory_space<hbm>> -> memref<64x256xf32, #tpu.memory_space<hbm>>
          %dma_start3A_237 = arith.constant 0 : i32
          %dma_start3A_238 = arith.constant 0 : i32
          %dma_start3A_239 = tpu.memref_slice %arg14[%dma_start3A, %dma_start3A_237, %dma_start3A_238] : memref<2x64x256xf32, #tpu.memory_space<vmem>> -> memref<1x64x256xf32, #tpu.memory_space<vmem>>
          %dma_start3A_240 = tpu.memref_squeeze %dma_start3A_239 : memref<1x64x256xf32, #tpu.memory_space<vmem>> -> memref<64x256xf32, #tpu.memory_space<vmem>>
          %dma_start3A_241 = arith.constant 0 : i32
          %dma_start3A_242 = tpu.memref_slice %arg4[%dma_start3A_241, %multiple_of3A] : memref<64x1000000xf32, #tpu.memory_space<hbm>> -> memref<64x256xf32, #tpu.memory_space<hbm>>
          tpu.enqueue_dma source(%dma_start3A_242 : memref<64x256xf32, #tpu.memory_space<hbm>>) target(%dma_start3A_240 : memref<64x256xf32, #tpu.memory_space<vmem>>) target_semaphore(%arg19 : memref<!tpu.dma_semaphore, #tpu.memory_space<semaphore_mem>>)
        } else {
        }
        %dma_wait3A = arith.constant 0 : i32
        %dma_wait3A_167 = arith.constant 0 : i32
        %dma_wait3A_168 = arith.constant 0 : i32
        %dma_wait3A_169 = tpu.memref_slice %arg14[%dma_wait3A, %dma_wait3A_167, %dma_wait3A_168] : memref<2x64x256xf32, #tpu.memory_space<vmem>> -> memref<1x64x256xf32, #tpu.memory_space<vmem>>
        %dma_wait3A_170 = tpu.memref_squeeze %dma_wait3A_169 : memref<1x64x256xf32, #tpu.memory_space<vmem>> -> memref<64x256xf32, #tpu.memory_space<vmem>>
        %dma_wait3A_171 = arith.constant 0 : i32
        %dma_wait3A_172 = arith.constant 0 : i32
        %dma_wait3A_173 = tpu.memref_slice %arg4[%dma_wait3A_171, %dma_wait3A_172] : memref<64x1000000xf32, #tpu.memory_space<hbm>> -> memref<64x256xf32, #tpu.memory_space<hbm>>
        %dma_wait3A_174 = arith.constant 0 : i32
        %dma_wait3A_175 = arith.constant 0 : i32
        %dma_wait3A_176 = tpu.memref_slice %arg14[%dma_wait3A, %dma_wait3A_174, %dma_wait3A_175] : memref<2x64x256xf32, #tpu.memory_space<vmem>> -> memref<1x64x256xf32, #tpu.memory_space<vmem>>
        %dma_wait3A_177 = tpu.memref_squeeze %dma_wait3A_176 : memref<1x64x256xf32, #tpu.memory_space<vmem>> -> memref<64x256xf32, #tpu.memory_space<vmem>>
        %dma_wait3A_178 = arith.constant 0 : i32
        %dma_wait3A_179 = arith.constant 0 : i32
        %dma_wait3A_180 = tpu.memref_slice %arg4[%dma_wait3A_178, %dma_wait3A_179] : memref<64x1000000xf32, #tpu.memory_space<hbm>> -> memref<64x256xf32, #tpu.memory_space<hbm>>
        tpu.wait_dma2 semaphore(%arg18 : memref<!tpu.dma_semaphore, #tpu.memory_space<semaphore_mem>>) src(%dma_wait3A_180 : memref<64x256xf32, #tpu.memory_space<hbm>>) dst(%dma_wait3A_177 : memref<64x256xf32, #tpu.memory_space<vmem>>)
        %broadcast_in_dim3A_181 = arith.constant 0 : i32
        %broadcast_in_dim3A_182 = vector.broadcast %broadcast_in_dim3A_181 : i32 to vector<16xi32>
        %add3A_183 = arith.constant 0 : i32
        %add3A_184 = vector.broadcast %add3A_183 : i32 to vector<16xi32>
        %add3A_185 = arith.addi %broadcast_in_dim3A_182, %add3A_184 : vector<16xi32>
        %add3A_186 = arith.constant 16 : i32
        %add3A_187 = arith.addi %scan3A_94#1, %add3A_186 : i32
        %sub3A_188 = arith.constant 1 : i32
        %sub3A_189 = arith.subi %add3A_187, %sub3A_188 : i32
        %shift_right_arithmetic3A_190 = arith.constant 4 : i32
        %shift_right_arithmetic3A_191 = arith.shrsi %sub3A_189, %shift_right_arithmetic3A_190 : i32
        %while3A_192 = arith.constant 0 : i32
        %while3A_193 = arith.constant 0 : i32
        %while3A_194 = arith.subi %shift_right_arithmetic3A_191, %while3A_192 : i32
        %while3A_195 = arith.addi %while3A_192, %while3A_194 : i32
        %while3A_196 = arith.constant 1 : i32
        %while3A_197 = arith.divsi %while3A_194, %while3A_196 : i32
        %while3A_198 = arith.muli %while3A_197, %while3A_196 : i32
        %while3A_199 = arith.addi %while3A_192, %while3A_198 : i32
        %while3A_200 = arith.constant 1 : i32
        %while3A_201 = scf.for %while3A_228 = %while3A_192 to %while3A_199 step %while3A_200 iter_args(%while3A_229 = %while3A_193) -> (i32)  : i32 {
          %mul3A_230 = arith.constant 16 : i32
          %mul3A_231 = arith.muli %while3A_228, %mul3A_230 : i32
          %get3A = arith.index_cast %mul3A_231 : i32 to index
          %get3A_232 = tpu.vector_load %arg10[%get3A] {strides = array<i32>} : memref<1040xi32, #tpu.memory_space<vmem>>, vector<16xi32>,
          %get3A_233 = arith.index_cast %mul3A_231 : i32 to index
          %get3A_234 = tpu.vector_load %arg11[%get3A_233] {strides = array<i32>} : memref<1040xi32, #tpu.memory_space<vmem>>, vector<16xi32>,
          %shift_right_arithmetic3A_235 = arith.constant 8 : i32
          %shift_right_arithmetic3A_236 = vector.broadcast %shift_right_arithmetic3A_235 : i32 to vector<16xi32>
          %shift_right_arithmetic3A_237 = arith.shrsi %get3A_232, %shift_right_arithmetic3A_236 : vector<16xi32>
          %eq3A_238 = vector.broadcast %mul3A_161 : i32 to vector<16xi32>
          %eq3A_239 = arith.cmpi eq, %shift_right_arithmetic3A_237, %eq3A_238 : vector<16xi32>
          %and3A_240 = arith.constant 255 : i32
          %and3A_241 = vector.broadcast %and3A_240 : i32 to vector<16xi32>
          %and3A_242 = arith.andi %get3A_232, %and3A_241 : vector<16xi32>
          %swap3A_243 = arith.index_cast %while3A_229 : i32 to index
          %swap3A_244 = tpu.vector_load %arg12[%swap3A_243] masked %eq3A_239 {strides = array<i32>} : memref<1040xi32, #tpu.memory_space<vmem>>, vector<16xi32>, vector<16xi1>
          tpu.vector_store %arg12[%swap3A_243], %and3A_242 masked %eq3A_239 {strides = array<i32>} : memref<1040xi32, #tpu.memory_space<vmem>>, vector<16xi32>, vector<16xi1>
          %swap3A_245 = arith.index_cast %while3A_229 : i32 to index
          %swap3A_246 = tpu.vector_load %arg13[%swap3A_245] masked %eq3A_239 {strides = array<i32>} : memref<1040xi32, #tpu.memory_space<vmem>>, vector<16xi32>, vector<16xi1>
          tpu.vector_store %arg13[%swap3A_245], %get3A_234 masked %eq3A_239 {strides = array<i32>} : memref<1040xi32, #tpu.memory_space<vmem>>, vector<16xi32>, vector<16xi1>
          %all_reduce_population_count3A = tpu.all_reduce %eq3A_239 {dim = 0 : i64, kind = #tpu.reduction_kind<sum>} : vector<16xi1> -> vector<16xi32>
          %slice3A = vector.extract_strided_slice %all_reduce_population_count3A {offsets = [0], sizes = [1], strides = [1]} : vector<16xi32> to vector<1xi32>
          %squeeze3A = vector.extract %slice3A[0] : i32 from vector<1xi32>
          %add3A_247 = arith.addi %while3A_229, %squeeze3A : i32
          scf.yield %add3A_247 : i32
        }
        %while3A_202 = arith.constant 1 : i32
        %while3A_203 = scf.for %while3A_228 = %while3A_199 to %while3A_195 step %while3A_202 iter_args(%while3A_229 = %while3A_201) -> (i32)  : i32 {
          %mul3A_230 = arith.constant 16 : i32
          %mul3A_231 = arith.muli %while3A_228, %mul3A_230 : i32
          %get3A = arith.index_cast %mul3A_231 : i32 to index
          %get3A_232 = tpu.vector_load %arg10[%get3A] {strides = array<i32>} : memref<1040xi32, #tpu.memory_space<vmem>>, vector<16xi32>,
          %get3A_233 = arith.index_cast %mul3A_231 : i32 to index
          %get3A_234 = tpu.vector_load %arg11[%get3A_233] {strides = array<i32>} : memref<1040xi32, #tpu.memory_space<vmem>>, vector<16xi32>,
          %shift_right_arithmetic3A_235 = arith.constant 8 : i32
          %shift_right_arithmetic3A_236 = vector.broadcast %shift_right_arithmetic3A_235 : i32 to vector<16xi32>
          %shift_right_arithmetic3A_237 = arith.shrsi %get3A_232, %shift_right_arithmetic3A_236 : vector<16xi32>
          %eq3A_238 = vector.broadcast %mul3A_161 : i32 to vector<16xi32>
          %eq3A_239 = arith.cmpi eq, %shift_right_arithmetic3A_237, %eq3A_238 : vector<16xi32>
          %and3A_240 = arith.constant 255 : i32
          %and3A_241 = vector.broadcast %and3A_240 : i32 to vector<16xi32>
          %and3A_242 = arith.andi %get3A_232, %and3A_241 : vector<16xi32>
          %swap3A_243 = arith.index_cast %while3A_229 : i32 to index
          %swap3A_244 = tpu.vector_load %arg12[%swap3A_243] masked %eq3A_239 {strides = array<i32>} : memref<1040xi32, #tpu.memory_space<vmem>>, vector<16xi32>, vector<16xi1>
          tpu.vector_store %arg12[%swap3A_243], %and3A_242 masked %eq3A_239 {strides = array<i32>} : memref<1040xi32, #tpu.memory_space<vmem>>, vector<16xi32>, vector<16xi1>
          %swap3A_245 = arith.index_cast %while3A_229 : i32 to index
          %swap3A_246 = tpu.vector_load %arg13[%swap3A_245] masked %eq3A_239 {strides = array<i32>} : memref<1040xi32, #tpu.memory_space<vmem>>, vector<16xi32>, vector<16xi1>
          tpu.vector_store %arg13[%swap3A_245], %get3A_234 masked %eq3A_239 {strides = array<i32>} : memref<1040xi32, #tpu.memory_space<vmem>>, vector<16xi32>, vector<16xi1>
          %all_reduce_population_count3A = tpu.all_reduce %eq3A_239 {dim = 0 : i64, kind = #tpu.reduction_kind<sum>} : vector<16xi1> -> vector<16xi32>
          %slice3A = vector.extract_strided_slice %all_reduce_population_count3A {offsets = [0], sizes = [1], strides = [1]} : vector<16xi32> to vector<1xi32>
          %squeeze3A = vector.extract %slice3A[0] : i32 from vector<1xi32>
          %add3A_247 = arith.addi %while3A_229, %squeeze3A : i32
          scf.yield %add3A_247 : i32
        }
        %shift_right_arithmetic3A_204 = arith.constant 2 : i32
        %shift_right_arithmetic3A_205 = vector.broadcast %shift_right_arithmetic3A_204 : i32 to vector<16xi32>
        %shift_right_arithmetic3A_206 = arith.shrsi %iota3A, %shift_right_arithmetic3A_205 : vector<16xi32>
        %and3A_207 = arith.constant 3 : i32
        %and3A_208 = vector.broadcast %and3A_207 : i32 to vector<16xi32>
        %and3A_209 = arith.andi %iota3A, %and3A_208 : vector<16xi32>
        %add3A_210 = arith.constant 3 : i32
        %add3A_211 = arith.addi %while3A_203, %add3A_210 : i32
        %shift_right_arithmetic3A_212 = arith.constant 2 : i32
        %shift_right_arithmetic3A_213 = arith.shrsi %add3A_211, %shift_right_arithmetic3A_212 : i32
        %while3A_214 = arith.constant 0 : i32
        %while3A_215 = arith.constant 0 : i32
        %while3A_216 = arith.subi %shift_right_arithmetic3A_213, %while3A_215 : i32
        %while3A_217 = arith.addi %while3A_215, %while3A_216 : i32
        %while3A_218 = arith.constant 1 : i32
        %while3A_219 = arith.divsi %while3A_216, %while3A_218 : i32
        %while3A_220 = arith.muli %while3A_219, %while3A_218 : i32
        %while3A_221 = arith.addi %while3A_215, %while3A_220 : i32
        %while3A_222 = arith.constant 1 : i32
        scf.for %while3A_228 = %while3A_215 to %while3A_221 step %while3A_222  : i32 {
          %mul3A_229 = arith.constant 4 : i32
          %mul3A_230 = arith.muli %while3A_228, %mul3A_229 : i32
          %add3A_231 = vector.broadcast %mul3A_230 : i32 to vector<16xi32>
          %add3A_232 = arith.addi %add3A_231, %shift_right_arithmetic3A_206 : vector<16xi32>
          %lt3A_233 = vector.broadcast %while3A_203 : i32 to vector<16xi32>
          %lt3A_234 = arith.cmpi slt, %add3A_232, %lt3A_233 : vector<16xi32>
          %gather3A = tpu.vector_load_idx %arg12[%add3A_232] masked %lt3A_234 : memref<1040xi32, #tpu.memory_space<vmem>>[vector<16xi32>], vector<16xi32>, vector<16xi1>
          %gather3A_235 = tpu.vector_load_idx %arg13[%add3A_232] masked %lt3A_234 : memref<1040xi32, #tpu.memory_space<vmem>>[vector<16xi32>], vector<16xi32>, vector<16xi1>
          %gather3A_236 = tpu.vector_load_idx %arg9[%gather3A_235] masked %lt3A_234 : memref<16384xi32, #tpu.memory_space<vmem>>[vector<16xi32>], vector<16xi32>, vector<16xi1>
          %mul3A_237 = arith.constant 64 : i32
          %mul3A_238 = vector.broadcast %mul3A_237 : i32 to vector<16xi32>
          %mul3A_239 = arith.muli %shift_right_arithmetic3A_206, %mul3A_238 : vector<16xi32>
          %add3A_240 = arith.addi %mul3A_239, %and3A_209 : vector<16xi32>
          %scan3A_241 = arith.constant 0 : i32
          %scan3A_242 = arith.constant 0 : i32
          %scan3A_243 = arith.constant 16 : i32
          %scan3A_244 = arith.addi %scan3A_242, %scan3A_243 : i32
          %scan3A_245 = arith.constant 1 : i32
          scf.for %scan3A_285 = %scan3A_242 to %scan3A_244 step %scan3A_245  : i32 {
            %mul3A_286 = arith.constant 4 : i32
            %mul3A_287 = arith.muli %scan3A_285, %mul3A_286 : i32
            %add3A_288 = vector.broadcast %mul3A_287 : i32 to vector<16xi32>
            %add3A_289 = arith.addi %and3A_209, %add3A_288 : vector<16xi32>
            %gather3A_290 = tpu.vector_load_idx %arg14[%add3A_185, %add3A_289, %gather3A] masked %lt3A_234 : memref<2x64x256xf32, #tpu.memory_space<vmem>>[vector<16xi32>, vector<16xi32>, vector<16xi32>], vector<16xf32>, vector<16xi1>
            %gather3A_291 = tpu.vector_load_idx %arg15[%add3A_289, %gather3A_236] masked %lt3A_234 : memref<64x1000xf32, #tpu.memory_space<vmem>>[vector<16xi32>, vector<16xi32>], vector<16xf32>, vector<16xi1>
            %mul3A_292 = arith.constant 4 : i32
            %mul3A_293 = arith.muli %scan3A_285, %mul3A_292 : i32
            %add3A_294 = vector.broadcast %mul3A_293 : i32 to vector<16xi32>
            %add3A_295 = arith.addi %add3A_240, %add3A_294 : vector<16xi32>
            %add3A_296 = arith.addf %gather3A_290, %gather3A_291 : vector<16xf32>
            tpu.vector_store_idx %arg17[%add3A_295], %add3A_296 masked %lt3A_234 : memref<1024xf32, #tpu.memory_space<vmem>>[vector<16xi32>], vector<16xf32>, vector<16xi1>
          }
          %scan3A_246 = arith.constant 16 : i32
          %sub3A_247 = arith.subi %while3A_203, %mul3A_230 : i32
          %min3A = arith.constant 4 : i32
          %min3A_248 = arith.minsi %min3A, %sub3A_247 : i32
          %slice3A = vector.extract_strided_slice %gather3A_235 {offsets = [0], sizes = [1], strides = [1]} : vector<16xi32> to vector<1xi32>
          %squeeze3A = vector.extract %slice3A[0] : i32 from vector<1xi32>
          %gt3A_249 = arith.constant 0 : i32
          %gt3A_250 = arith.cmpi sgt, %min3A_248, %gt3A_249 : i32
          %convert_element_type3A_251 = arith.extui %gt3A_250 : i1 to i32
          %cond3A_252 = arith.constant 0 : i32
          %cond3A_253 = arith.cmpi ne, %convert_element_type3A_251, %cond3A_252 : i32
          scf.if %cond3A_253 {
            %mul3A_285 = arith.constant 64 : i32
            %mul3A_286 = arith.muli %squeeze3A, %mul3A_285 : i32
            %dma_start3A = arith.constant 0 : i32
            %dma_start3A_287 = tpu.memref_slice %arg17[%dma_start3A] : memref<1024xf32, #tpu.memory_space<vmem>> -> memref<64xf32, #tpu.memory_space<vmem>>
            %dma_start3A_288 = tpu.memref_slice %arg7[%mul3A_286] : memref<1048576xf32, #tpu.memory_space<hbm>> -> memref<64xf32, #tpu.memory_space<hbm>>
            %dma_start3A_289 = tpu.memref_slice %arg7[%mul3A_286] : memref<1048576xf32, #tpu.memory_space<hbm>> -> memref<64xf32, #tpu.memory_space<hbm>>
            %dma_start3A_290 = arith.constant 0 : i32
            %dma_start3A_291 = tpu.memref_slice %arg17[%dma_start3A_290] : memref<1024xf32, #tpu.memory_space<vmem>> -> memref<64xf32, #tpu.memory_space<vmem>>
            tpu.enqueue_dma source(%dma_start3A_291 : memref<64xf32, #tpu.memory_space<vmem>>) target(%dma_start3A_289 : memref<64xf32, #tpu.memory_space<hbm>>) target_semaphore(%arg20 : memref<!tpu.dma_semaphore, #tpu.memory_space<semaphore_mem>>)
          } else {
          }
          %slice3A_254 = vector.extract_strided_slice %gather3A_235 {offsets = [4], sizes = [1], strides = [1]} : vector<16xi32> to vector<1xi32>
          %squeeze3A_255 = vector.extract %slice3A_254[0] : i32 from vector<1xi32>
          %gt3A_256 = arith.constant 1 : i32
          %gt3A_257 = arith.cmpi sgt, %min3A_248, %gt3A_256 : i32
          %convert_element_type3A_258 = arith.extui %gt3A_257 : i1 to i32
          %cond3A_259 = arith.constant 0 : i32
          %cond3A_260 = arith.cmpi ne, %convert_element_type3A_258, %cond3A_259 : i32
          scf.if %cond3A_260 {
            %mul3A_285 = arith.constant 64 : i32
            %mul3A_286 = arith.muli %squeeze3A_255, %mul3A_285 : i32
            %dma_start3A = arith.constant 64 : i32
            %dma_start3A_287 = tpu.memref_slice %arg17[%dma_start3A] : memref<1024xf32, #tpu.memory_space<vmem>> -> memref<64xf32, #tpu.memory_space<vmem>>
            %dma_start3A_288 = tpu.memref_slice %arg7[%mul3A_286] : memref<1048576xf32, #tpu.memory_space<hbm>> -> memref<64xf32, #tpu.memory_space<hbm>>
            %dma_start3A_289 = tpu.memref_slice %arg7[%mul3A_286] : memref<1048576xf32, #tpu.memory_space<hbm>> -> memref<64xf32, #tpu.memory_space<hbm>>
            %dma_start3A_290 = arith.constant 64 : i32
            %dma_start3A_291 = tpu.memref_slice %arg17[%dma_start3A_290] : memref<1024xf32, #tpu.memory_space<vmem>> -> memref<64xf32, #tpu.memory_space<vmem>>
            tpu.enqueue_dma source(%dma_start3A_291 : memref<64xf32, #tpu.memory_space<vmem>>) target(%dma_start3A_289 : memref<64xf32, #tpu.memory_space<hbm>>) target_semaphore(%arg20 : memref<!tpu.dma_semaphore, #tpu.memory_space<semaphore_mem>>)
          } else {
          }
          %slice3A_261 = vector.extract_strided_slice %gather3A_235 {offsets = [8], sizes = [1], strides = [1]} : vector<16xi32> to vector<1xi32>
          %squeeze3A_262 = vector.extract %slice3A_261[0] : i32 from vector<1xi32>
          %gt3A_263 = arith.constant 2 : i32
          %gt3A_264 = arith.cmpi sgt, %min3A_248, %gt3A_263 : i32
          %convert_element_type3A_265 = arith.extui %gt3A_264 : i1 to i32
          %cond3A_266 = arith.constant 0 : i32
          %cond3A_267 = arith.cmpi ne, %convert_element_type3A_265, %cond3A_266 : i32
          scf.if %cond3A_267 {
            %mul3A_285 = arith.constant 64 : i32
            %mul3A_286 = arith.muli %squeeze3A_262, %mul3A_285 : i32
            %dma_start3A = arith.constant 128 : i32
            %dma_start3A_287 = tpu.memref_slice %arg17[%dma_start3A] : memref<1024xf32, #tpu.memory_space<vmem>> -> memref<64xf32, #tpu.memory_space<vmem>>
            %dma_start3A_288 = tpu.memref_slice %arg7[%mul3A_286] : memref<1048576xf32, #tpu.memory_space<hbm>> -> memref<64xf32, #tpu.memory_space<hbm>>
            %dma_start3A_289 = tpu.memref_slice %arg7[%mul3A_286] : memref<1048576xf32, #tpu.memory_space<hbm>> -> memref<64xf32, #tpu.memory_space<hbm>>
            %dma_start3A_290 = arith.constant 128 : i32
            %dma_start3A_291 = tpu.memref_slice %arg17[%dma_start3A_290] : memref<1024xf32, #tpu.memory_space<vmem>> -> memref<64xf32, #tpu.memory_space<vmem>>
            tpu.enqueue_dma source(%dma_start3A_291 : memref<64xf32, #tpu.memory_space<vmem>>) target(%dma_start3A_289 : memref<64xf32, #tpu.memory_space<hbm>>) target_semaphore(%arg20 : memref<!tpu.dma_semaphore, #tpu.memory_space<semaphore_mem>>)
          } else {
          }
          %slice3A_268 = vector.extract_strided_slice %gather3A_235 {offsets = [12], sizes = [1], strides = [1]} : vector<16xi32> to vector<1xi32>
          %squeeze3A_269 = vector.extract %slice3A_268[0] : i32 from vector<1xi32>
          %gt3A_270 = arith.constant 3 : i32
          %gt3A_271 = arith.cmpi sgt, %min3A_248, %gt3A_270 : i32
          %convert_element_type3A_272 = arith.extui %gt3A_271 : i1 to i32
          %cond3A_273 = arith.constant 0 : i32
          %cond3A_274 = arith.cmpi ne, %convert_element_type3A_272, %cond3A_273 : i32
          scf.if %cond3A_274 {
            %mul3A_285 = arith.constant 64 : i32
            %mul3A_286 = arith.muli %squeeze3A_269, %mul3A_285 : i32
            %dma_start3A = arith.constant 192 : i32
            %dma_start3A_287 = tpu.memref_slice %arg17[%dma_start3A] : memref<1024xf32, #tpu.memory_space<vmem>> -> memref<64xf32, #tpu.memory_space<vmem>>
            %dma_start3A_288 = tpu.memref_slice %arg7[%mul3A_286] : memref<1048576xf32, #tpu.memory_space<hbm>> -> memref<64xf32, #tpu.memory_space<hbm>>
            %dma_start3A_289 = tpu.memref_slice %arg7[%mul3A_286] : memref<1048576xf32, #tpu.memory_space<hbm>> -> memref<64xf32, #tpu.memory_space<hbm>>
            %dma_start3A_290 = arith.constant 192 : i32
            %dma_start3A_291 = tpu.memref_slice %arg17[%dma_start3A_290] : memref<1024xf32, #tpu.memory_space<vmem>> -> memref<64xf32, #tpu.memory_space<vmem>>
            tpu.enqueue_dma source(%dma_start3A_291 : memref<64xf32, #tpu.memory_space<vmem>>) target(%dma_start3A_289 : memref<64xf32, #tpu.memory_space<hbm>>) target_semaphore(%arg20 : memref<!tpu.dma_semaphore, #tpu.memory_space<semaphore_mem>>)
          } else {
          }
          %while3A_275 = arith.constant 0 : i32
          %while3A_276 = arith.constant 0 : i32
          %while3A_277 = arith.subi %min3A_248, %while3A_276 : i32
          %while3A_278 = arith.addi %while3A_276, %while3A_277 : i32
          %while3A_279 = arith.constant 1 : i32
          %while3A_280 = arith.divsi %while3A_277, %while3A_279 : i32
          %while3A_281 = arith.muli %while3A_280, %while3A_279 : i32
          %while3A_282 = arith.addi %while3A_276, %while3A_281 : i32
          %while3A_283 = arith.constant 1 : i32
          scf.for %while3A_285 = %while3A_276 to %while3A_282 step %while3A_283  : i32 {
            %dma_wait3A_286 = arith.constant 0 : i32
            %dma_wait3A_287 = tpu.memref_slice %arg17[%dma_wait3A_286] : memref<1024xf32, #tpu.memory_space<vmem>> -> memref<64xf32, #tpu.memory_space<vmem>>
            %dma_wait3A_288 = arith.constant 0 : i32
            %dma_wait3A_289 = tpu.memref_slice %arg7[%dma_wait3A_288] : memref<1048576xf32, #tpu.memory_space<hbm>> -> memref<64xf32, #tpu.memory_space<hbm>>
            %dma_wait3A_290 = arith.constant 0 : i32
            %dma_wait3A_291 = tpu.memref_slice %arg7[%dma_wait3A_290] : memref<1048576xf32, #tpu.memory_space<hbm>> -> memref<64xf32, #tpu.memory_space<hbm>>
            %dma_wait3A_292 = arith.constant 0 : i32
            %dma_wait3A_293 = tpu.memref_slice %arg17[%dma_wait3A_292] : memref<1024xf32, #tpu.memory_space<vmem>> -> memref<64xf32, #tpu.memory_space<vmem>>
            tpu.wait_dma2 semaphore(%arg20 : memref<!tpu.dma_semaphore, #tpu.memory_space<semaphore_mem>>) src(%dma_wait3A_293 : memref<64xf32, #tpu.memory_space<vmem>>) dst(%dma_wait3A_291 : memref<64xf32, #tpu.memory_space<hbm>>)
          }
          %while3A_284 = arith.constant 1 : i32
          scf.for %while3A_285 = %while3A_282 to %while3A_278 step %while3A_284  : i32 {
            %dma_wait3A_286 = arith.constant 0 : i32
            %dma_wait3A_287 = tpu.memref_slice %arg17[%dma_wait3A_286] : memref<1024xf32, #tpu.memory_space<vmem>> -> memref<64xf32, #tpu.memory_space<vmem>>
            %dma_wait3A_288 = arith.constant 0 : i32
            %dma_wait3A_289 = tpu.memref_slice %arg7[%dma_wait3A_288] : memref<1048576xf32, #tpu.memory_space<hbm>> -> memref<64xf32, #tpu.memory_space<hbm>>
            %dma_wait3A_290 = arith.constant 0 : i32
            %dma_wait3A_291 = tpu.memref_slice %arg7[%dma_wait3A_290] : memref<1048576xf32, #tpu.memory_space<hbm>> -> memref<64xf32, #tpu.memory_space<hbm>>
            %dma_wait3A_292 = arith.constant 0 : i32
            %dma_wait3A_293 = tpu.memref_slice %arg17[%dma_wait3A_292] : memref<1024xf32, #tpu.memory_space<vmem>> -> memref<64xf32, #tpu.memory_space<vmem>>
            tpu.wait_dma2 semaphore(%arg20 : memref<!tpu.dma_semaphore, #tpu.memory_space<semaphore_mem>>) src(%dma_wait3A_293 : memref<64xf32, #tpu.memory_space<vmem>>) dst(%dma_wait3A_291 : memref<64xf32, #tpu.memory_space<hbm>>)
          }
        }
        %while3A_223 = arith.constant 1 : i32
        scf.for %while3A_228 = %while3A_221 to %while3A_217 step %while3A_223  : i32 {
          %mul3A_229 = arith.constant 4 : i32
          %mul3A_230 = arith.muli %while3A_228, %mul3A_229 : i32
          %add3A_231 = vector.broadcast %mul3A_230 : i32 to vector<16xi32>
          %add3A_232 = arith.addi %add3A_231, %shift_right_arithmetic3A_206 : vector<16xi32>
          %lt3A_233 = vector.broadcast %while3A_203 : i32 to vector<16xi32>
          %lt3A_234 = arith.cmpi slt, %add3A_232, %lt3A_233 : vector<16xi32>
          %gather3A = tpu.vector_load_idx %arg12[%add3A_232] masked %lt3A_234 : memref<1040xi32, #tpu.memory_space<vmem>>[vector<16xi32>], vector<16xi32>, vector<16xi1>
          %gather3A_235 = tpu.vector_load_idx %arg13[%add3A_232] masked %lt3A_234 : memref<1040xi32, #tpu.memory_space<vmem>>[vector<16xi32>], vector<16xi32>, vector<16xi1>
          %gather3A_236 = tpu.vector_load_idx %arg9[%gather3A_235] masked %lt3A_234 : memref<16384xi32, #tpu.memory_space<vmem>>[vector<16xi32>], vector<16xi32>, vector<16xi1>
          %mul3A_237 = arith.constant 64 : i32
          %mul3A_238 = vector.broadcast %mul3A_237 : i32 to vector<16xi32>
          %mul3A_239 = arith.muli %shift_right_arithmetic3A_206, %mul3A_238 : vector<16xi32>
          %add3A_240 = arith.addi %mul3A_239, %and3A_209 : vector<16xi32>
          %scan3A_241 = arith.constant 0 : i32
          %scan3A_242 = arith.constant 0 : i32
          %scan3A_243 = arith.constant 16 : i32
          %scan3A_244 = arith.addi %scan3A_242, %scan3A_243 : i32
          %scan3A_245 = arith.constant 1 : i32
          scf.for %scan3A_285 = %scan3A_242 to %scan3A_244 step %scan3A_245  : i32 {
            %mul3A_286 = arith.constant 4 : i32
            %mul3A_287 = arith.muli %scan3A_285, %mul3A_286 : i32
            %add3A_288 = vector.broadcast %mul3A_287 : i32 to vector<16xi32>
            %add3A_289 = arith.addi %and3A_209, %add3A_288 : vector<16xi32>
            %gather3A_290 = tpu.vector_load_idx %arg14[%add3A_185, %add3A_289, %gather3A] masked %lt3A_234 : memref<2x64x256xf32, #tpu.memory_space<vmem>>[vector<16xi32>, vector<16xi32>, vector<16xi32>], vector<16xf32>, vector<16xi1>
            %gather3A_291 = tpu.vector_load_idx %arg15[%add3A_289, %gather3A_236] masked %lt3A_234 : memref<64x1000xf32, #tpu.memory_space<vmem>>[vector<16xi32>, vector<16xi32>], vector<16xf32>, vector<16xi1>
            %mul3A_292 = arith.constant 4 : i32
            %mul3A_293 = arith.muli %scan3A_285, %mul3A_292 : i32
            %add3A_294 = vector.broadcast %mul3A_293 : i32 to vector<16xi32>
            %add3A_295 = arith.addi %add3A_240, %add3A_294 : vector<16xi32>
            %add3A_296 = arith.addf %gather3A_290, %gather3A_291 : vector<16xf32>
            tpu.vector_store_idx %arg17[%add3A_295], %add3A_296 masked %lt3A_234 : memref<1024xf32, #tpu.memory_space<vmem>>[vector<16xi32>], vector<16xf32>, vector<16xi1>
          }
          %scan3A_246 = arith.constant 16 : i32
          %sub3A_247 = arith.subi %while3A_203, %mul3A_230 : i32
          %min3A = arith.constant 4 : i32
          %min3A_248 = arith.minsi %min3A, %sub3A_247 : i32
          %slice3A = vector.extract_strided_slice %gather3A_235 {offsets = [0], sizes = [1], strides = [1]} : vector<16xi32> to vector<1xi32>
          %squeeze3A = vector.extract %slice3A[0] : i32 from vector<1xi32>
          %gt3A_249 = arith.constant 0 : i32
          %gt3A_250 = arith.cmpi sgt, %min3A_248, %gt3A_249 : i32
          %convert_element_type3A_251 = arith.extui %gt3A_250 : i1 to i32
          %cond3A_252 = arith.constant 0 : i32
          %cond3A_253 = arith.cmpi ne, %convert_element_type3A_251, %cond3A_252 : i32
          scf.if %cond3A_253 {
            %mul3A_285 = arith.constant 64 : i32
            %mul3A_286 = arith.muli %squeeze3A, %mul3A_285 : i32
            %dma_start3A = arith.constant 0 : i32
            %dma_start3A_287 = tpu.memref_slice %arg17[%dma_start3A] : memref<1024xf32, #tpu.memory_space<vmem>> -> memref<64xf32, #tpu.memory_space<vmem>>
            %dma_start3A_288 = tpu.memref_slice %arg7[%mul3A_286] : memref<1048576xf32, #tpu.memory_space<hbm>> -> memref<64xf32, #tpu.memory_space<hbm>>
            %dma_start3A_289 = tpu.memref_slice %arg7[%mul3A_286] : memref<1048576xf32, #tpu.memory_space<hbm>> -> memref<64xf32, #tpu.memory_space<hbm>>
            %dma_start3A_290 = arith.constant 0 : i32
            %dma_start3A_291 = tpu.memref_slice %arg17[%dma_start3A_290] : memref<1024xf32, #tpu.memory_space<vmem>> -> memref<64xf32, #tpu.memory_space<vmem>>
            tpu.enqueue_dma source(%dma_start3A_291 : memref<64xf32, #tpu.memory_space<vmem>>) target(%dma_start3A_289 : memref<64xf32, #tpu.memory_space<hbm>>) target_semaphore(%arg20 : memref<!tpu.dma_semaphore, #tpu.memory_space<semaphore_mem>>)
          } else {
          }
          %slice3A_254 = vector.extract_strided_slice %gather3A_235 {offsets = [4], sizes = [1], strides = [1]} : vector<16xi32> to vector<1xi32>
          %squeeze3A_255 = vector.extract %slice3A_254[0] : i32 from vector<1xi32>
          %gt3A_256 = arith.constant 1 : i32
          %gt3A_257 = arith.cmpi sgt, %min3A_248, %gt3A_256 : i32
          %convert_element_type3A_258 = arith.extui %gt3A_257 : i1 to i32
          %cond3A_259 = arith.constant 0 : i32
          %cond3A_260 = arith.cmpi ne, %convert_element_type3A_258, %cond3A_259 : i32
          scf.if %cond3A_260 {
            %mul3A_285 = arith.constant 64 : i32
            %mul3A_286 = arith.muli %squeeze3A_255, %mul3A_285 : i32
            %dma_start3A = arith.constant 64 : i32
            %dma_start3A_287 = tpu.memref_slice %arg17[%dma_start3A] : memref<1024xf32, #tpu.memory_space<vmem>> -> memref<64xf32, #tpu.memory_space<vmem>>
            %dma_start3A_288 = tpu.memref_slice %arg7[%mul3A_286] : memref<1048576xf32, #tpu.memory_space<hbm>> -> memref<64xf32, #tpu.memory_space<hbm>>
            %dma_start3A_289 = tpu.memref_slice %arg7[%mul3A_286] : memref<1048576xf32, #tpu.memory_space<hbm>> -> memref<64xf32, #tpu.memory_space<hbm>>
            %dma_start3A_290 = arith.constant 64 : i32
            %dma_start3A_291 = tpu.memref_slice %arg17[%dma_start3A_290] : memref<1024xf32, #tpu.memory_space<vmem>> -> memref<64xf32, #tpu.memory_space<vmem>>
            tpu.enqueue_dma source(%dma_start3A_291 : memref<64xf32, #tpu.memory_space<vmem>>) target(%dma_start3A_289 : memref<64xf32, #tpu.memory_space<hbm>>) target_semaphore(%arg20 : memref<!tpu.dma_semaphore, #tpu.memory_space<semaphore_mem>>)
          } else {
          }
          %slice3A_261 = vector.extract_strided_slice %gather3A_235 {offsets = [8], sizes = [1], strides = [1]} : vector<16xi32> to vector<1xi32>
          %squeeze3A_262 = vector.extract %slice3A_261[0] : i32 from vector<1xi32>
          %gt3A_263 = arith.constant 2 : i32
          %gt3A_264 = arith.cmpi sgt, %min3A_248, %gt3A_263 : i32
          %convert_element_type3A_265 = arith.extui %gt3A_264 : i1 to i32
          %cond3A_266 = arith.constant 0 : i32
          %cond3A_267 = arith.cmpi ne, %convert_element_type3A_265, %cond3A_266 : i32
          scf.if %cond3A_267 {
            %mul3A_285 = arith.constant 64 : i32
            %mul3A_286 = arith.muli %squeeze3A_262, %mul3A_285 : i32
            %dma_start3A = arith.constant 128 : i32
            %dma_start3A_287 = tpu.memref_slice %arg17[%dma_start3A] : memref<1024xf32, #tpu.memory_space<vmem>> -> memref<64xf32, #tpu.memory_space<vmem>>
            %dma_start3A_288 = tpu.memref_slice %arg7[%mul3A_286] : memref<1048576xf32, #tpu.memory_space<hbm>> -> memref<64xf32, #tpu.memory_space<hbm>>
            %dma_start3A_289 = tpu.memref_slice %arg7[%mul3A_286] : memref<1048576xf32, #tpu.memory_space<hbm>> -> memref<64xf32, #tpu.memory_space<hbm>>
            %dma_start3A_290 = arith.constant 128 : i32
            %dma_start3A_291 = tpu.memref_slice %arg17[%dma_start3A_290] : memref<1024xf32, #tpu.memory_space<vmem>> -> memref<64xf32, #tpu.memory_space<vmem>>
            tpu.enqueue_dma source(%dma_start3A_291 : memref<64xf32, #tpu.memory_space<vmem>>) target(%dma_start3A_289 : memref<64xf32, #tpu.memory_space<hbm>>) target_semaphore(%arg20 : memref<!tpu.dma_semaphore, #tpu.memory_space<semaphore_mem>>)
          } else {
          }
          %slice3A_268 = vector.extract_strided_slice %gather3A_235 {offsets = [12], sizes = [1], strides = [1]} : vector<16xi32> to vector<1xi32>
          %squeeze3A_269 = vector.extract %slice3A_268[0] : i32 from vector<1xi32>
          %gt3A_270 = arith.constant 3 : i32
          %gt3A_271 = arith.cmpi sgt, %min3A_248, %gt3A_270 : i32
          %convert_element_type3A_272 = arith.extui %gt3A_271 : i1 to i32
          %cond3A_273 = arith.constant 0 : i32
          %cond3A_274 = arith.cmpi ne, %convert_element_type3A_272, %cond3A_273 : i32
          scf.if %cond3A_274 {
            %mul3A_285 = arith.constant 64 : i32
            %mul3A_286 = arith.muli %squeeze3A_269, %mul3A_285 : i32
            %dma_start3A = arith.constant 192 : i32
            %dma_start3A_287 = tpu.memref_slice %arg17[%dma_start3A] : memref<1024xf32, #tpu.memory_space<vmem>> -> memref<64xf32, #tpu.memory_space<vmem>>
            %dma_start3A_288 = tpu.memref_slice %arg7[%mul3A_286] : memref<1048576xf32, #tpu.memory_space<hbm>> -> memref<64xf32, #tpu.memory_space<hbm>>
            %dma_start3A_289 = tpu.memref_slice %arg7[%mul3A_286] : memref<1048576xf32, #tpu.memory_space<hbm>> -> memref<64xf32, #tpu.memory_space<hbm>>
            %dma_start3A_290 = arith.constant 192 : i32
            %dma_start3A_291 = tpu.memref_slice %arg17[%dma_start3A_290] : memref<1024xf32, #tpu.memory_space<vmem>> -> memref<64xf32, #tpu.memory_space<vmem>>
            tpu.enqueue_dma source(%dma_start3A_291 : memref<64xf32, #tpu.memory_space<vmem>>) target(%dma_start3A_289 : memref<64xf32, #tpu.memory_space<hbm>>) target_semaphore(%arg20 : memref<!tpu.dma_semaphore, #tpu.memory_space<semaphore_mem>>)
          } else {
          }
          %while3A_275 = arith.constant 0 : i32
          %while3A_276 = arith.constant 0 : i32
          %while3A_277 = arith.subi %min3A_248, %while3A_276 : i32
          %while3A_278 = arith.addi %while3A_276, %while3A_277 : i32
          %while3A_279 = arith.constant 1 : i32
          %while3A_280 = arith.divsi %while3A_277, %while3A_279 : i32
          %while3A_281 = arith.muli %while3A_280, %while3A_279 : i32
          %while3A_282 = arith.addi %while3A_276, %while3A_281 : i32
          %while3A_283 = arith.constant 1 : i32
          scf.for %while3A_285 = %while3A_276 to %while3A_282 step %while3A_283  : i32 {
            %dma_wait3A_286 = arith.constant 0 : i32
            %dma_wait3A_287 = tpu.memref_slice %arg17[%dma_wait3A_286] : memref<1024xf32, #tpu.memory_space<vmem>> -> memref<64xf32, #tpu.memory_space<vmem>>
            %dma_wait3A_288 = arith.constant 0 : i32
            %dma_wait3A_289 = tpu.memref_slice %arg7[%dma_wait3A_288] : memref<1048576xf32, #tpu.memory_space<hbm>> -> memref<64xf32, #tpu.memory_space<hbm>>
            %dma_wait3A_290 = arith.constant 0 : i32
            %dma_wait3A_291 = tpu.memref_slice %arg7[%dma_wait3A_290] : memref<1048576xf32, #tpu.memory_space<hbm>> -> memref<64xf32, #tpu.memory_space<hbm>>
            %dma_wait3A_292 = arith.constant 0 : i32
            %dma_wait3A_293 = tpu.memref_slice %arg17[%dma_wait3A_292] : memref<1024xf32, #tpu.memory_space<vmem>> -> memref<64xf32, #tpu.memory_space<vmem>>
            tpu.wait_dma2 semaphore(%arg20 : memref<!tpu.dma_semaphore, #tpu.memory_space<semaphore_mem>>) src(%dma_wait3A_293 : memref<64xf32, #tpu.memory_space<vmem>>) dst(%dma_wait3A_291 : memref<64xf32, #tpu.memory_space<hbm>>)
          }
          %while3A_284 = arith.constant 1 : i32
          scf.for %while3A_285 = %while3A_282 to %while3A_278 step %while3A_284  : i32 {
            %dma_wait3A_286 = arith.constant 0 : i32
            %dma_wait3A_287 = tpu.memref_slice %arg17[%dma_wait3A_286] : memref<1024xf32, #tpu.memory_space<vmem>> -> memref<64xf32, #tpu.memory_space<vmem>>
            %dma_wait3A_288 = arith.constant 0 : i32
            %dma_wait3A_289 = tpu.memref_slice %arg7[%dma_wait3A_288] : memref<1048576xf32, #tpu.memory_space<hbm>> -> memref<64xf32, #tpu.memory_space<hbm>>
            %dma_wait3A_290 = arith.constant 0 : i32
            %dma_wait3A_291 = tpu.memref_slice %arg7[%dma_wait3A_290] : memref<1048576xf32, #tpu.memory_space<hbm>> -> memref<64xf32, #tpu.memory_space<hbm>>
            %dma_wait3A_292 = arith.constant 0 : i32
            %dma_wait3A_293 = tpu.memref_slice %arg17[%dma_wait3A_292] : memref<1024xf32, #tpu.memory_space<vmem>> -> memref<64xf32, #tpu.memory_space<vmem>>
            tpu.wait_dma2 semaphore(%arg20 : memref<!tpu.dma_semaphore, #tpu.memory_space<semaphore_mem>>) src(%dma_wait3A_293 : memref<64xf32, #tpu.memory_space<vmem>>) dst(%dma_wait3A_291 : memref<64xf32, #tpu.memory_space<hbm>>)
          }
        }
        %lt3A_224 = arith.cmpi slt, %add3A_163, %sub3A : i32
        %convert_element_type3A_225 = arith.extui %lt3A_224 : i1 to i32
        %cond3A_226 = arith.constant 0 : i32
        %cond3A_227 = arith.cmpi ne, %convert_element_type3A_225, %cond3A_226 : i32
        scf.if %cond3A_227 {
          %add3A_228 = arith.constant 1 : i32
          %add3A_229 = arith.addi %add3A_163, %add3A_228 : i32
          %lt3A_230 = arith.cmpi slt, %add3A_229, %sub3A : i32
          %convert_element_type3A_231 = arith.extui %lt3A_230 : i1 to i32
          %cond3A_232 = arith.constant 0 : i32
          %cond3A_233 = arith.cmpi ne, %convert_element_type3A_231, %cond3A_232 : i32
          scf.if %cond3A_233 {
            %add3A_292 = arith.constant 1 : i32
            %add3A_293 = arith.addi %add3A_163, %add3A_292 : i32
            %mul3A_294 = arith.constant 256 : i32
            %mul3A_295 = arith.muli %add3A_293, %mul3A_294 : i32
            %add3A_296 = arith.addi %shift_left3A_12, %mul3A_295 : i32
            %multiple_of3A = tpu.assume_multiple %add3A_296, 256 : i32
            %dma_start3A = arith.constant 0 : i32
            %dma_start3A_297 = arith.constant 0 : i32
            %dma_start3A_298 = arith.constant 0 : i32
            %dma_start3A_299 = tpu.memref_slice %arg14[%dma_start3A, %dma_start3A_297, %dma_start3A_298] : memref<2x64x256xf32, #tpu.memory_space<vmem>> -> memref<1x64x256xf32, #tpu.memory_space<vmem>>
            %dma_start3A_300 = tpu.memref_squeeze %dma_start3A_299 : memref<1x64x256xf32, #tpu.memory_space<vmem>> -> memref<64x256xf32, #tpu.memory_space<vmem>>
            %dma_start3A_301 = arith.constant 0 : i32
            %dma_start3A_302 = tpu.memref_slice %arg4[%dma_start3A_301, %multiple_of3A] : memref<64x1000000xf32, #tpu.memory_space<hbm>> -> memref<64x256xf32, #tpu.memory_space<hbm>>
            %dma_start3A_303 = arith.constant 0 : i32
            %dma_start3A_304 = arith.constant 0 : i32
            %dma_start3A_305 = tpu.memref_slice %arg14[%dma_start3A, %dma_start3A_303, %dma_start3A_304] : memref<2x64x256xf32, #tpu.memory_space<vmem>> -> memref<1x64x256xf32, #tpu.memory_space<vmem>>
            %dma_start3A_306 = tpu.memref_squeeze %dma_start3A_305 : memref<1x64x256xf32, #tpu.memory_space<vmem>> -> memref<64x256xf32, #tpu.memory_space<vmem>>
            %dma_start3A_307 = arith.constant 0 : i32
            %dma_start3A_308 = tpu.memref_slice %arg4[%dma_start3A_307, %multiple_of3A] : memref<64x1000000xf32, #tpu.memory_space<hbm>> -> memref<64x256xf32, #tpu.memory_space<hbm>>
            tpu.enqueue_dma source(%dma_start3A_308 : memref<64x256xf32, #tpu.memory_space<hbm>>) target(%dma_start3A_306 : memref<64x256xf32, #tpu.memory_space<vmem>>) target_semaphore(%arg18 : memref<!tpu.dma_semaphore, #tpu.memory_space<semaphore_mem>>)
          } else {
          }
          %dma_wait3A_234 = arith.constant 1 : i32
          %dma_wait3A_235 = arith.constant 0 : i32
          %dma_wait3A_236 = arith.constant 0 : i32
          %dma_wait3A_237 = tpu.memref_slice %arg14[%dma_wait3A_234, %dma_wait3A_235, %dma_wait3A_236] : memref<2x64x256xf32, #tpu.memory_space<vmem>> -> memref<1x64x256xf32, #tpu.memory_space<vmem>>
          %dma_wait3A_238 = tpu.memref_squeeze %dma_wait3A_237 : memref<1x64x256xf32, #tpu.memory_space<vmem>> -> memref<64x256xf32, #tpu.memory_space<vmem>>
          %dma_wait3A_239 = arith.constant 0 : i32
          %dma_wait3A_240 = arith.constant 0 : i32
          %dma_wait3A_241 = tpu.memref_slice %arg4[%dma_wait3A_239, %dma_wait3A_240] : memref<64x1000000xf32, #tpu.memory_space<hbm>> -> memref<64x256xf32, #tpu.memory_space<hbm>>
          %dma_wait3A_242 = arith.constant 0 : i32
          %dma_wait3A_243 = arith.constant 0 : i32
          %dma_wait3A_244 = tpu.memref_slice %arg14[%dma_wait3A_234, %dma_wait3A_242, %dma_wait3A_243] : memref<2x64x256xf32, #tpu.memory_space<vmem>> -> memref<1x64x256xf32, #tpu.memory_space<vmem>>
          %dma_wait3A_245 = tpu.memref_squeeze %dma_wait3A_244 : memref<1x64x256xf32, #tpu.memory_space<vmem>> -> memref<64x256xf32, #tpu.memory_space<vmem>>
          %dma_wait3A_246 = arith.constant 0 : i32
          %dma_wait3A_247 = arith.constant 0 : i32
          %dma_wait3A_248 = tpu.memref_slice %arg4[%dma_wait3A_246, %dma_wait3A_247] : memref<64x1000000xf32, #tpu.memory_space<hbm>> -> memref<64x256xf32, #tpu.memory_space<hbm>>
          tpu.wait_dma2 semaphore(%arg19 : memref<!tpu.dma_semaphore, #tpu.memory_space<semaphore_mem>>) src(%dma_wait3A_248 : memref<64x256xf32, #tpu.memory_space<hbm>>) dst(%dma_wait3A_245 : memref<64x256xf32, #tpu.memory_space<vmem>>)
          %broadcast_in_dim3A_249 = arith.constant 0 : i32
          %broadcast_in_dim3A_250 = vector.broadcast %broadcast_in_dim3A_249 : i32 to vector<16xi32>
          %add3A_251 = arith.constant 1 : i32
          %add3A_252 = vector.broadcast %add3A_251 : i32 to vector<16xi32>
          %add3A_253 = arith.addi %broadcast_in_dim3A_250, %add3A_252 : vector<16xi32>
          %add3A_254 = arith.constant 16 : i32
          %add3A_255 = arith.addi %scan3A_94#1, %add3A_254 : i32
          %sub3A_256 = arith.constant 1 : i32
          %sub3A_257 = arith.subi %add3A_255, %sub3A_256 : i32
          %shift_right_arithmetic3A_258 = arith.constant 4 : i32
          %shift_right_arithmetic3A_259 = arith.shrsi %sub3A_257, %shift_right_arithmetic3A_258 : i32
          %while3A_260 = arith.constant 0 : i32
          %while3A_261 = arith.constant 0 : i32
          %while3A_262 = arith.subi %shift_right_arithmetic3A_259, %while3A_260 : i32
          %while3A_263 = arith.addi %while3A_260, %while3A_262 : i32
          %while3A_264 = arith.constant 1 : i32
          %while3A_265 = arith.divsi %while3A_262, %while3A_264 : i32
          %while3A_266 = arith.muli %while3A_265, %while3A_264 : i32
          %while3A_267 = arith.addi %while3A_260, %while3A_266 : i32
          %while3A_268 = arith.constant 1 : i32
          %while3A_269 = scf.for %while3A_292 = %while3A_260 to %while3A_267 step %while3A_268 iter_args(%while3A_293 = %while3A_261) -> (i32)  : i32 {
            %mul3A_294 = arith.constant 16 : i32
            %mul3A_295 = arith.muli %while3A_292, %mul3A_294 : i32
            %get3A = arith.index_cast %mul3A_295 : i32 to index
            %get3A_296 = tpu.vector_load %arg10[%get3A] {strides = array<i32>} : memref<1040xi32, #tpu.memory_space<vmem>>, vector<16xi32>,
            %get3A_297 = arith.index_cast %mul3A_295 : i32 to index
            %get3A_298 = tpu.vector_load %arg11[%get3A_297] {strides = array<i32>} : memref<1040xi32, #tpu.memory_space<vmem>>, vector<16xi32>,
            %shift_right_arithmetic3A_299 = arith.constant 8 : i32
            %shift_right_arithmetic3A_300 = vector.broadcast %shift_right_arithmetic3A_299 : i32 to vector<16xi32>
            %shift_right_arithmetic3A_301 = arith.shrsi %get3A_296, %shift_right_arithmetic3A_300 : vector<16xi32>
            %eq3A_302 = vector.broadcast %add3A_163 : i32 to vector<16xi32>
            %eq3A_303 = arith.cmpi eq, %shift_right_arithmetic3A_301, %eq3A_302 : vector<16xi32>
            %and3A_304 = arith.constant 255 : i32
            %and3A_305 = vector.broadcast %and3A_304 : i32 to vector<16xi32>
            %and3A_306 = arith.andi %get3A_296, %and3A_305 : vector<16xi32>
            %swap3A_307 = arith.index_cast %while3A_293 : i32 to index
            %swap3A_308 = tpu.vector_load %arg12[%swap3A_307] masked %eq3A_303 {strides = array<i32>} : memref<1040xi32, #tpu.memory_space<vmem>>, vector<16xi32>, vector<16xi1>
            tpu.vector_store %arg12[%swap3A_307], %and3A_306 masked %eq3A_303 {strides = array<i32>} : memref<1040xi32, #tpu.memory_space<vmem>>, vector<16xi32>, vector<16xi1>
            %swap3A_309 = arith.index_cast %while3A_293 : i32 to index
            %swap3A_310 = tpu.vector_load %arg13[%swap3A_309] masked %eq3A_303 {strides = array<i32>} : memref<1040xi32, #tpu.memory_space<vmem>>, vector<16xi32>, vector<16xi1>
            tpu.vector_store %arg13[%swap3A_309], %get3A_298 masked %eq3A_303 {strides = array<i32>} : memref<1040xi32, #tpu.memory_space<vmem>>, vector<16xi32>, vector<16xi1>
            %all_reduce_population_count3A = tpu.all_reduce %eq3A_303 {dim = 0 : i64, kind = #tpu.reduction_kind<sum>} : vector<16xi1> -> vector<16xi32>
            %slice3A = vector.extract_strided_slice %all_reduce_population_count3A {offsets = [0], sizes = [1], strides = [1]} : vector<16xi32> to vector<1xi32>
            %squeeze3A = vector.extract %slice3A[0] : i32 from vector<1xi32>
            %add3A_311 = arith.addi %while3A_293, %squeeze3A : i32
            scf.yield %add3A_311 : i32
          }
          %while3A_270 = arith.constant 1 : i32
          %while3A_271 = scf.for %while3A_292 = %while3A_267 to %while3A_263 step %while3A_270 iter_args(%while3A_293 = %while3A_269) -> (i32)  : i32 {
            %mul3A_294 = arith.constant 16 : i32
            %mul3A_295 = arith.muli %while3A_292, %mul3A_294 : i32
            %get3A = arith.index_cast %mul3A_295 : i32 to index
            %get3A_296 = tpu.vector_load %arg10[%get3A] {strides = array<i32>} : memref<1040xi32, #tpu.memory_space<vmem>>, vector<16xi32>,
            %get3A_297 = arith.index_cast %mul3A_295 : i32 to index
            %get3A_298 = tpu.vector_load %arg11[%get3A_297] {strides = array<i32>} : memref<1040xi32, #tpu.memory_space<vmem>>, vector<16xi32>,
            %shift_right_arithmetic3A_299 = arith.constant 8 : i32
            %shift_right_arithmetic3A_300 = vector.broadcast %shift_right_arithmetic3A_299 : i32 to vector<16xi32>
            %shift_right_arithmetic3A_301 = arith.shrsi %get3A_296, %shift_right_arithmetic3A_300 : vector<16xi32>
            %eq3A_302 = vector.broadcast %add3A_163 : i32 to vector<16xi32>
            %eq3A_303 = arith.cmpi eq, %shift_right_arithmetic3A_301, %eq3A_302 : vector<16xi32>
            %and3A_304 = arith.constant 255 : i32
            %and3A_305 = vector.broadcast %and3A_304 : i32 to vector<16xi32>
            %and3A_306 = arith.andi %get3A_296, %and3A_305 : vector<16xi32>
            %swap3A_307 = arith.index_cast %while3A_293 : i32 to index
            %swap3A_308 = tpu.vector_load %arg12[%swap3A_307] masked %eq3A_303 {strides = array<i32>} : memref<1040xi32, #tpu.memory_space<vmem>>, vector<16xi32>, vector<16xi1>
            tpu.vector_store %arg12[%swap3A_307], %and3A_306 masked %eq3A_303 {strides = array<i32>} : memref<1040xi32, #tpu.memory_space<vmem>>, vector<16xi32>, vector<16xi1>
            %swap3A_309 = arith.index_cast %while3A_293 : i32 to index
            %swap3A_310 = tpu.vector_load %arg13[%swap3A_309] masked %eq3A_303 {strides = array<i32>} : memref<1040xi32, #tpu.memory_space<vmem>>, vector<16xi32>, vector<16xi1>
            tpu.vector_store %arg13[%swap3A_309], %get3A_298 masked %eq3A_303 {strides = array<i32>} : memref<1040xi32, #tpu.memory_space<vmem>>, vector<16xi32>, vector<16xi1>
            %all_reduce_population_count3A = tpu.all_reduce %eq3A_303 {dim = 0 : i64, kind = #tpu.reduction_kind<sum>} : vector<16xi1> -> vector<16xi32>
            %slice3A = vector.extract_strided_slice %all_reduce_population_count3A {offsets = [0], sizes = [1], strides = [1]} : vector<16xi32> to vector<1xi32>
            %squeeze3A = vector.extract %slice3A[0] : i32 from vector<1xi32>
            %add3A_311 = arith.addi %while3A_293, %squeeze3A : i32
            scf.yield %add3A_311 : i32
          }
          %shift_right_arithmetic3A_272 = arith.constant 2 : i32
          %shift_right_arithmetic3A_273 = vector.broadcast %shift_right_arithmetic3A_272 : i32 to vector<16xi32>
          %shift_right_arithmetic3A_274 = arith.shrsi %iota3A, %shift_right_arithmetic3A_273 : vector<16xi32>
          %and3A_275 = arith.constant 3 : i32
          %and3A_276 = vector.broadcast %and3A_275 : i32 to vector<16xi32>
          %and3A_277 = arith.andi %iota3A, %and3A_276 : vector<16xi32>
          %add3A_278 = arith.constant 3 : i32
          %add3A_279 = arith.addi %while3A_271, %add3A_278 : i32
          %shift_right_arithmetic3A_280 = arith.constant 2 : i32
          %shift_right_arithmetic3A_281 = arith.shrsi %add3A_279, %shift_right_arithmetic3A_280 : i32
          %while3A_282 = arith.constant 0 : i32
          %while3A_283 = arith.constant 0 : i32
          %while3A_284 = arith.subi %shift_right_arithmetic3A_281, %while3A_283 : i32
          %while3A_285 = arith.addi %while3A_283, %while3A_284 : i32
          %while3A_286 = arith.constant 1 : i32
          %while3A_287 = arith.divsi %while3A_284, %while3A_286 : i32
          %while3A_288 = arith.muli %while3A_287, %while3A_286 : i32
          %while3A_289 = arith.addi %while3A_283, %while3A_288 : i32
          %while3A_290 = arith.constant 1 : i32
          scf.for %while3A_292 = %while3A_283 to %while3A_289 step %while3A_290  : i32 {
            %mul3A_293 = arith.constant 4 : i32
            %mul3A_294 = arith.muli %while3A_292, %mul3A_293 : i32
            %add3A_295 = vector.broadcast %mul3A_294 : i32 to vector<16xi32>
            %add3A_296 = arith.addi %add3A_295, %shift_right_arithmetic3A_274 : vector<16xi32>
            %lt3A_297 = vector.broadcast %while3A_271 : i32 to vector<16xi32>
            %lt3A_298 = arith.cmpi slt, %add3A_296, %lt3A_297 : vector<16xi32>
            %gather3A = tpu.vector_load_idx %arg12[%add3A_296] masked %lt3A_298 : memref<1040xi32, #tpu.memory_space<vmem>>[vector<16xi32>], vector<16xi32>, vector<16xi1>
            %gather3A_299 = tpu.vector_load_idx %arg13[%add3A_296] masked %lt3A_298 : memref<1040xi32, #tpu.memory_space<vmem>>[vector<16xi32>], vector<16xi32>, vector<16xi1>
            %gather3A_300 = tpu.vector_load_idx %arg9[%gather3A_299] masked %lt3A_298 : memref<16384xi32, #tpu.memory_space<vmem>>[vector<16xi32>], vector<16xi32>, vector<16xi1>
            %mul3A_301 = arith.constant 64 : i32
            %mul3A_302 = vector.broadcast %mul3A_301 : i32 to vector<16xi32>
            %mul3A_303 = arith.muli %shift_right_arithmetic3A_274, %mul3A_302 : vector<16xi32>
            %add3A_304 = arith.addi %mul3A_303, %and3A_277 : vector<16xi32>
            %scan3A_305 = arith.constant 0 : i32
            %scan3A_306 = arith.constant 0 : i32
            %scan3A_307 = arith.constant 16 : i32
            %scan3A_308 = arith.addi %scan3A_306, %scan3A_307 : i32
            %scan3A_309 = arith.constant 1 : i32
            scf.for %scan3A_349 = %scan3A_306 to %scan3A_308 step %scan3A_309  : i32 {
              %mul3A_350 = arith.constant 4 : i32
              %mul3A_351 = arith.muli %scan3A_349, %mul3A_350 : i32
              %add3A_352 = vector.broadcast %mul3A_351 : i32 to vector<16xi32>
              %add3A_353 = arith.addi %and3A_277, %add3A_352 : vector<16xi32>
              %gather3A_354 = tpu.vector_load_idx %arg14[%add3A_253, %add3A_353, %gather3A] masked %lt3A_298 : memref<2x64x256xf32, #tpu.memory_space<vmem>>[vector<16xi32>, vector<16xi32>, vector<16xi32>], vector<16xf32>, vector<16xi1>
              %gather3A_355 = tpu.vector_load_idx %arg15[%add3A_353, %gather3A_300] masked %lt3A_298 : memref<64x1000xf32, #tpu.memory_space<vmem>>[vector<16xi32>, vector<16xi32>], vector<16xf32>, vector<16xi1>
              %mul3A_356 = arith.constant 4 : i32
              %mul3A_357 = arith.muli %scan3A_349, %mul3A_356 : i32
              %add3A_358 = vector.broadcast %mul3A_357 : i32 to vector<16xi32>
              %add3A_359 = arith.addi %add3A_304, %add3A_358 : vector<16xi32>
              %add3A_360 = arith.addf %gather3A_354, %gather3A_355 : vector<16xf32>
              tpu.vector_store_idx %arg17[%add3A_359], %add3A_360 masked %lt3A_298 : memref<1024xf32, #tpu.memory_space<vmem>>[vector<16xi32>], vector<16xf32>, vector<16xi1>
            }
            %scan3A_310 = arith.constant 16 : i32
            %sub3A_311 = arith.subi %while3A_271, %mul3A_294 : i32
            %min3A = arith.constant 4 : i32
            %min3A_312 = arith.minsi %min3A, %sub3A_311 : i32
            %slice3A = vector.extract_strided_slice %gather3A_299 {offsets = [0], sizes = [1], strides = [1]} : vector<16xi32> to vector<1xi32>
            %squeeze3A = vector.extract %slice3A[0] : i32 from vector<1xi32>
            %gt3A_313 = arith.constant 0 : i32
            %gt3A_314 = arith.cmpi sgt, %min3A_312, %gt3A_313 : i32
            %convert_element_type3A_315 = arith.extui %gt3A_314 : i1 to i32
            %cond3A_316 = arith.constant 0 : i32
            %cond3A_317 = arith.cmpi ne, %convert_element_type3A_315, %cond3A_316 : i32
            scf.if %cond3A_317 {
              %mul3A_349 = arith.constant 64 : i32
              %mul3A_350 = arith.muli %squeeze3A, %mul3A_349 : i32
              %dma_start3A = arith.constant 0 : i32
              %dma_start3A_351 = tpu.memref_slice %arg17[%dma_start3A] : memref<1024xf32, #tpu.memory_space<vmem>> -> memref<64xf32, #tpu.memory_space<vmem>>
              %dma_start3A_352 = tpu.memref_slice %arg7[%mul3A_350] : memref<1048576xf32, #tpu.memory_space<hbm>> -> memref<64xf32, #tpu.memory_space<hbm>>
              %dma_start3A_353 = tpu.memref_slice %arg7[%mul3A_350] : memref<1048576xf32, #tpu.memory_space<hbm>> -> memref<64xf32, #tpu.memory_space<hbm>>
              %dma_start3A_354 = arith.constant 0 : i32
              %dma_start3A_355 = tpu.memref_slice %arg17[%dma_start3A_354] : memref<1024xf32, #tpu.memory_space<vmem>> -> memref<64xf32, #tpu.memory_space<vmem>>
              tpu.enqueue_dma source(%dma_start3A_355 : memref<64xf32, #tpu.memory_space<vmem>>) target(%dma_start3A_353 : memref<64xf32, #tpu.memory_space<hbm>>) target_semaphore(%arg20 : memref<!tpu.dma_semaphore, #tpu.memory_space<semaphore_mem>>)
            } else {
            }
            %slice3A_318 = vector.extract_strided_slice %gather3A_299 {offsets = [4], sizes = [1], strides = [1]} : vector<16xi32> to vector<1xi32>
            %squeeze3A_319 = vector.extract %slice3A_318[0] : i32 from vector<1xi32>
            %gt3A_320 = arith.constant 1 : i32
            %gt3A_321 = arith.cmpi sgt, %min3A_312, %gt3A_320 : i32
            %convert_element_type3A_322 = arith.extui %gt3A_321 : i1 to i32
            %cond3A_323 = arith.constant 0 : i32
            %cond3A_324 = arith.cmpi ne, %convert_element_type3A_322, %cond3A_323 : i32
            scf.if %cond3A_324 {
              %mul3A_349 = arith.constant 64 : i32
              %mul3A_350 = arith.muli %squeeze3A_319, %mul3A_349 : i32
              %dma_start3A = arith.constant 64 : i32
              %dma_start3A_351 = tpu.memref_slice %arg17[%dma_start3A] : memref<1024xf32, #tpu.memory_space<vmem>> -> memref<64xf32, #tpu.memory_space<vmem>>
              %dma_start3A_352 = tpu.memref_slice %arg7[%mul3A_350] : memref<1048576xf32, #tpu.memory_space<hbm>> -> memref<64xf32, #tpu.memory_space<hbm>>
              %dma_start3A_353 = tpu.memref_slice %arg7[%mul3A_350] : memref<1048576xf32, #tpu.memory_space<hbm>> -> memref<64xf32, #tpu.memory_space<hbm>>
              %dma_start3A_354 = arith.constant 64 : i32
              %dma_start3A_355 = tpu.memref_slice %arg17[%dma_start3A_354] : memref<1024xf32, #tpu.memory_space<vmem>> -> memref<64xf32, #tpu.memory_space<vmem>>
              tpu.enqueue_dma source(%dma_start3A_355 : memref<64xf32, #tpu.memory_space<vmem>>) target(%dma_start3A_353 : memref<64xf32, #tpu.memory_space<hbm>>) target_semaphore(%arg20 : memref<!tpu.dma_semaphore, #tpu.memory_space<semaphore_mem>>)
            } else {
            }
            %slice3A_325 = vector.extract_strided_slice %gather3A_299 {offsets = [8], sizes = [1], strides = [1]} : vector<16xi32> to vector<1xi32>
            %squeeze3A_326 = vector.extract %slice3A_325[0] : i32 from vector<1xi32>
            %gt3A_327 = arith.constant 2 : i32
            %gt3A_328 = arith.cmpi sgt, %min3A_312, %gt3A_327 : i32
            %convert_element_type3A_329 = arith.extui %gt3A_328 : i1 to i32
            %cond3A_330 = arith.constant 0 : i32
            %cond3A_331 = arith.cmpi ne, %convert_element_type3A_329, %cond3A_330 : i32
            scf.if %cond3A_331 {
              %mul3A_349 = arith.constant 64 : i32
              %mul3A_350 = arith.muli %squeeze3A_326, %mul3A_349 : i32
              %dma_start3A = arith.constant 128 : i32
              %dma_start3A_351 = tpu.memref_slice %arg17[%dma_start3A] : memref<1024xf32, #tpu.memory_space<vmem>> -> memref<64xf32, #tpu.memory_space<vmem>>
              %dma_start3A_352 = tpu.memref_slice %arg7[%mul3A_350] : memref<1048576xf32, #tpu.memory_space<hbm>> -> memref<64xf32, #tpu.memory_space<hbm>>
              %dma_start3A_353 = tpu.memref_slice %arg7[%mul3A_350] : memref<1048576xf32, #tpu.memory_space<hbm>> -> memref<64xf32, #tpu.memory_space<hbm>>
              %dma_start3A_354 = arith.constant 128 : i32
              %dma_start3A_355 = tpu.memref_slice %arg17[%dma_start3A_354] : memref<1024xf32, #tpu.memory_space<vmem>> -> memref<64xf32, #tpu.memory_space<vmem>>
              tpu.enqueue_dma source(%dma_start3A_355 : memref<64xf32, #tpu.memory_space<vmem>>) target(%dma_start3A_353 : memref<64xf32, #tpu.memory_space<hbm>>) target_semaphore(%arg20 : memref<!tpu.dma_semaphore, #tpu.memory_space<semaphore_mem>>)
            } else {
            }
            %slice3A_332 = vector.extract_strided_slice %gather3A_299 {offsets = [12], sizes = [1], strides = [1]} : vector<16xi32> to vector<1xi32>
            %squeeze3A_333 = vector.extract %slice3A_332[0] : i32 from vector<1xi32>
            %gt3A_334 = arith.constant 3 : i32
            %gt3A_335 = arith.cmpi sgt, %min3A_312, %gt3A_334 : i32
            %convert_element_type3A_336 = arith.extui %gt3A_335 : i1 to i32
            %cond3A_337 = arith.constant 0 : i32
            %cond3A_338 = arith.cmpi ne, %convert_element_type3A_336, %cond3A_337 : i32
            scf.if %cond3A_338 {
              %mul3A_349 = arith.constant 64 : i32
              %mul3A_350 = arith.muli %squeeze3A_333, %mul3A_349 : i32
              %dma_start3A = arith.constant 192 : i32
              %dma_start3A_351 = tpu.memref_slice %arg17[%dma_start3A] : memref<1024xf32, #tpu.memory_space<vmem>> -> memref<64xf32, #tpu.memory_space<vmem>>
              %dma_start3A_352 = tpu.memref_slice %arg7[%mul3A_350] : memref<1048576xf32, #tpu.memory_space<hbm>> -> memref<64xf32, #tpu.memory_space<hbm>>
              %dma_start3A_353 = tpu.memref_slice %arg7[%mul3A_350] : memref<1048576xf32, #tpu.memory_space<hbm>> -> memref<64xf32, #tpu.memory_space<hbm>>
              %dma_start3A_354 = arith.constant 192 : i32
              %dma_start3A_355 = tpu.memref_slice %arg17[%dma_start3A_354] : memref<1024xf32, #tpu.memory_space<vmem>> -> memref<64xf32, #tpu.memory_space<vmem>>
              tpu.enqueue_dma source(%dma_start3A_355 : memref<64xf32, #tpu.memory_space<vmem>>) target(%dma_start3A_353 : memref<64xf32, #tpu.memory_space<hbm>>) target_semaphore(%arg20 : memref<!tpu.dma_semaphore, #tpu.memory_space<semaphore_mem>>)
            } else {
            }
            %while3A_339 = arith.constant 0 : i32
            %while3A_340 = arith.constant 0 : i32
            %while3A_341 = arith.subi %min3A_312, %while3A_340 : i32
            %while3A_342 = arith.addi %while3A_340, %while3A_341 : i32
            %while3A_343 = arith.constant 1 : i32
            %while3A_344 = arith.divsi %while3A_341, %while3A_343 : i32
            %while3A_345 = arith.muli %while3A_344, %while3A_343 : i32
            %while3A_346 = arith.addi %while3A_340, %while3A_345 : i32
            %while3A_347 = arith.constant 1 : i32
            scf.for %while3A_349 = %while3A_340 to %while3A_346 step %while3A_347  : i32 {
              %dma_wait3A_350 = arith.constant 0 : i32
              %dma_wait3A_351 = tpu.memref_slice %arg17[%dma_wait3A_350] : memref<1024xf32, #tpu.memory_space<vmem>> -> memref<64xf32, #tpu.memory_space<vmem>>
              %dma_wait3A_352 = arith.constant 0 : i32
              %dma_wait3A_353 = tpu.memref_slice %arg7[%dma_wait3A_352] : memref<1048576xf32, #tpu.memory_space<hbm>> -> memref<64xf32, #tpu.memory_space<hbm>>
              %dma_wait3A_354 = arith.constant 0 : i32
              %dma_wait3A_355 = tpu.memref_slice %arg7[%dma_wait3A_354] : memref<1048576xf32, #tpu.memory_space<hbm>> -> memref<64xf32, #tpu.memory_space<hbm>>
              %dma_wait3A_356 = arith.constant 0 : i32
              %dma_wait3A_357 = tpu.memref_slice %arg17[%dma_wait3A_356] : memref<1024xf32, #tpu.memory_space<vmem>> -> memref<64xf32, #tpu.memory_space<vmem>>
              tpu.wait_dma2 semaphore(%arg20 : memref<!tpu.dma_semaphore, #tpu.memory_space<semaphore_mem>>) src(%dma_wait3A_357 : memref<64xf32, #tpu.memory_space<vmem>>) dst(%dma_wait3A_355 : memref<64xf32, #tpu.memory_space<hbm>>)
            }
            %while3A_348 = arith.constant 1 : i32
            scf.for %while3A_349 = %while3A_346 to %while3A_342 step %while3A_348  : i32 {
              %dma_wait3A_350 = arith.constant 0 : i32
              %dma_wait3A_351 = tpu.memref_slice %arg17[%dma_wait3A_350] : memref<1024xf32, #tpu.memory_space<vmem>> -> memref<64xf32, #tpu.memory_space<vmem>>
              %dma_wait3A_352 = arith.constant 0 : i32
              %dma_wait3A_353 = tpu.memref_slice %arg7[%dma_wait3A_352] : memref<1048576xf32, #tpu.memory_space<hbm>> -> memref<64xf32, #tpu.memory_space<hbm>>
              %dma_wait3A_354 = arith.constant 0 : i32
              %dma_wait3A_355 = tpu.memref_slice %arg7[%dma_wait3A_354] : memref<1048576xf32, #tpu.memory_space<hbm>> -> memref<64xf32, #tpu.memory_space<hbm>>
              %dma_wait3A_356 = arith.constant 0 : i32
              %dma_wait3A_357 = tpu.memref_slice %arg17[%dma_wait3A_356] : memref<1024xf32, #tpu.memory_space<vmem>> -> memref<64xf32, #tpu.memory_space<vmem>>
              tpu.wait_dma2 semaphore(%arg20 : memref<!tpu.dma_semaphore, #tpu.memory_space<semaphore_mem>>) src(%dma_wait3A_357 : memref<64xf32, #tpu.memory_space<vmem>>) dst(%dma_wait3A_355 : memref<64xf32, #tpu.memory_space<hbm>>)
            }
          }
          %while3A_291 = arith.constant 1 : i32
          scf.for %while3A_292 = %while3A_289 to %while3A_285 step %while3A_291  : i32 {
            %mul3A_293 = arith.constant 4 : i32
            %mul3A_294 = arith.muli %while3A_292, %mul3A_293 : i32
            %add3A_295 = vector.broadcast %mul3A_294 : i32 to vector<16xi32>
            %add3A_296 = arith.addi %add3A_295, %shift_right_arithmetic3A_274 : vector<16xi32>
            %lt3A_297 = vector.broadcast %while3A_271 : i32 to vector<16xi32>
            %lt3A_298 = arith.cmpi slt, %add3A_296, %lt3A_297 : vector<16xi32>
            %gather3A = tpu.vector_load_idx %arg12[%add3A_296] masked %lt3A_298 : memref<1040xi32, #tpu.memory_space<vmem>>[vector<16xi32>], vector<16xi32>, vector<16xi1>
            %gather3A_299 = tpu.vector_load_idx %arg13[%add3A_296] masked %lt3A_298 : memref<1040xi32, #tpu.memory_space<vmem>>[vector<16xi32>], vector<16xi32>, vector<16xi1>
            %gather3A_300 = tpu.vector_load_idx %arg9[%gather3A_299] masked %lt3A_298 : memref<16384xi32, #tpu.memory_space<vmem>>[vector<16xi32>], vector<16xi32>, vector<16xi1>
            %mul3A_301 = arith.constant 64 : i32
            %mul3A_302 = vector.broadcast %mul3A_301 : i32 to vector<16xi32>
            %mul3A_303 = arith.muli %shift_right_arithmetic3A_274, %mul3A_302 : vector<16xi32>
            %add3A_304 = arith.addi %mul3A_303, %and3A_277 : vector<16xi32>
            %scan3A_305 = arith.constant 0 : i32
            %scan3A_306 = arith.constant 0 : i32
            %scan3A_307 = arith.constant 16 : i32
            %scan3A_308 = arith.addi %scan3A_306, %scan3A_307 : i32
            %scan3A_309 = arith.constant 1 : i32
            scf.for %scan3A_349 = %scan3A_306 to %scan3A_308 step %scan3A_309  : i32 {
              %mul3A_350 = arith.constant 4 : i32
              %mul3A_351 = arith.muli %scan3A_349, %mul3A_350 : i32
              %add3A_352 = vector.broadcast %mul3A_351 : i32 to vector<16xi32>
              %add3A_353 = arith.addi %and3A_277, %add3A_352 : vector<16xi32>
              %gather3A_354 = tpu.vector_load_idx %arg14[%add3A_253, %add3A_353, %gather3A] masked %lt3A_298 : memref<2x64x256xf32, #tpu.memory_space<vmem>>[vector<16xi32>, vector<16xi32>, vector<16xi32>], vector<16xf32>, vector<16xi1>
              %gather3A_355 = tpu.vector_load_idx %arg15[%add3A_353, %gather3A_300] masked %lt3A_298 : memref<64x1000xf32, #tpu.memory_space<vmem>>[vector<16xi32>, vector<16xi32>], vector<16xf32>, vector<16xi1>
              %mul3A_356 = arith.constant 4 : i32
              %mul3A_357 = arith.muli %scan3A_349, %mul3A_356 : i32
              %add3A_358 = vector.broadcast %mul3A_357 : i32 to vector<16xi32>
              %add3A_359 = arith.addi %add3A_304, %add3A_358 : vector<16xi32>
              %add3A_360 = arith.addf %gather3A_354, %gather3A_355 : vector<16xf32>
              tpu.vector_store_idx %arg17[%add3A_359], %add3A_360 masked %lt3A_298 : memref<1024xf32, #tpu.memory_space<vmem>>[vector<16xi32>], vector<16xf32>, vector<16xi1>
            }
            %scan3A_310 = arith.constant 16 : i32
            %sub3A_311 = arith.subi %while3A_271, %mul3A_294 : i32
            %min3A = arith.constant 4 : i32
            %min3A_312 = arith.minsi %min3A, %sub3A_311 : i32
            %slice3A = vector.extract_strided_slice %gather3A_299 {offsets = [0], sizes = [1], strides = [1]} : vector<16xi32> to vector<1xi32>
            %squeeze3A = vector.extract %slice3A[0] : i32 from vector<1xi32>
            %gt3A_313 = arith.constant 0 : i32
            %gt3A_314 = arith.cmpi sgt, %min3A_312, %gt3A_313 : i32
            %convert_element_type3A_315 = arith.extui %gt3A_314 : i1 to i32
            %cond3A_316 = arith.constant 0 : i32
            %cond3A_317 = arith.cmpi ne, %convert_element_type3A_315, %cond3A_316 : i32
            scf.if %cond3A_317 {
              %mul3A_349 = arith.constant 64 : i32
              %mul3A_350 = arith.muli %squeeze3A, %mul3A_349 : i32
              %dma_start3A = arith.constant 0 : i32
              %dma_start3A_351 = tpu.memref_slice %arg17[%dma_start3A] : memref<1024xf32, #tpu.memory_space<vmem>> -> memref<64xf32, #tpu.memory_space<vmem>>
              %dma_start3A_352 = tpu.memref_slice %arg7[%mul3A_350] : memref<1048576xf32, #tpu.memory_space<hbm>> -> memref<64xf32, #tpu.memory_space<hbm>>
              %dma_start3A_353 = tpu.memref_slice %arg7[%mul3A_350] : memref<1048576xf32, #tpu.memory_space<hbm>> -> memref<64xf32, #tpu.memory_space<hbm>>
              %dma_start3A_354 = arith.constant 0 : i32
              %dma_start3A_355 = tpu.memref_slice %arg17[%dma_start3A_354] : memref<1024xf32, #tpu.memory_space<vmem>> -> memref<64xf32, #tpu.memory_space<vmem>>
              tpu.enqueue_dma source(%dma_start3A_355 : memref<64xf32, #tpu.memory_space<vmem>>) target(%dma_start3A_353 : memref<64xf32, #tpu.memory_space<hbm>>) target_semaphore(%arg20 : memref<!tpu.dma_semaphore, #tpu.memory_space<semaphore_mem>>)
            } else {
            }
            %slice3A_318 = vector.extract_strided_slice %gather3A_299 {offsets = [4], sizes = [1], strides = [1]} : vector<16xi32> to vector<1xi32>
            %squeeze3A_319 = vector.extract %slice3A_318[0] : i32 from vector<1xi32>
            %gt3A_320 = arith.constant 1 : i32
            %gt3A_321 = arith.cmpi sgt, %min3A_312, %gt3A_320 : i32
            %convert_element_type3A_322 = arith.extui %gt3A_321 : i1 to i32
            %cond3A_323 = arith.constant 0 : i32
            %cond3A_324 = arith.cmpi ne, %convert_element_type3A_322, %cond3A_323 : i32
            scf.if %cond3A_324 {
              %mul3A_349 = arith.constant 64 : i32
              %mul3A_350 = arith.muli %squeeze3A_319, %mul3A_349 : i32
              %dma_start3A = arith.constant 64 : i32
              %dma_start3A_351 = tpu.memref_slice %arg17[%dma_start3A] : memref<1024xf32, #tpu.memory_space<vmem>> -> memref<64xf32, #tpu.memory_space<vmem>>
              %dma_start3A_352 = tpu.memref_slice %arg7[%mul3A_350] : memref<1048576xf32, #tpu.memory_space<hbm>> -> memref<64xf32, #tpu.memory_space<hbm>>
              %dma_start3A_353 = tpu.memref_slice %arg7[%mul3A_350] : memref<1048576xf32, #tpu.memory_space<hbm>> -> memref<64xf32, #tpu.memory_space<hbm>>
              %dma_start3A_354 = arith.constant 64 : i32
              %dma_start3A_355 = tpu.memref_slice %arg17[%dma_start3A_354] : memref<1024xf32, #tpu.memory_space<vmem>> -> memref<64xf32, #tpu.memory_space<vmem>>
              tpu.enqueue_dma source(%dma_start3A_355 : memref<64xf32, #tpu.memory_space<vmem>>) target(%dma_start3A_353 : memref<64xf32, #tpu.memory_space<hbm>>) target_semaphore(%arg20 : memref<!tpu.dma_semaphore, #tpu.memory_space<semaphore_mem>>)
            } else {
            }
            %slice3A_325 = vector.extract_strided_slice %gather3A_299 {offsets = [8], sizes = [1], strides = [1]} : vector<16xi32> to vector<1xi32>
            %squeeze3A_326 = vector.extract %slice3A_325[0] : i32 from vector<1xi32>
            %gt3A_327 = arith.constant 2 : i32
            %gt3A_328 = arith.cmpi sgt, %min3A_312, %gt3A_327 : i32
            %convert_element_type3A_329 = arith.extui %gt3A_328 : i1 to i32
            %cond3A_330 = arith.constant 0 : i32
            %cond3A_331 = arith.cmpi ne, %convert_element_type3A_329, %cond3A_330 : i32
            scf.if %cond3A_331 {
              %mul3A_349 = arith.constant 64 : i32
              %mul3A_350 = arith.muli %squeeze3A_326, %mul3A_349 : i32
              %dma_start3A = arith.constant 128 : i32
              %dma_start3A_351 = tpu.memref_slice %arg17[%dma_start3A] : memref<1024xf32, #tpu.memory_space<vmem>> -> memref<64xf32, #tpu.memory_space<vmem>>
              %dma_start3A_352 = tpu.memref_slice %arg7[%mul3A_350] : memref<1048576xf32, #tpu.memory_space<hbm>> -> memref<64xf32, #tpu.memory_space<hbm>>
              %dma_start3A_353 = tpu.memref_slice %arg7[%mul3A_350] : memref<1048576xf32, #tpu.memory_space<hbm>> -> memref<64xf32, #tpu.memory_space<hbm>>
              %dma_start3A_354 = arith.constant 128 : i32
              %dma_start3A_355 = tpu.memref_slice %arg17[%dma_start3A_354] : memref<1024xf32, #tpu.memory_space<vmem>> -> memref<64xf32, #tpu.memory_space<vmem>>
              tpu.enqueue_dma source(%dma_start3A_355 : memref<64xf32, #tpu.memory_space<vmem>>) target(%dma_start3A_353 : memref<64xf32, #tpu.memory_space<hbm>>) target_semaphore(%arg20 : memref<!tpu.dma_semaphore, #tpu.memory_space<semaphore_mem>>)
            } else {
            }
            %slice3A_332 = vector.extract_strided_slice %gather3A_299 {offsets = [12], sizes = [1], strides = [1]} : vector<16xi32> to vector<1xi32>
            %squeeze3A_333 = vector.extract %slice3A_332[0] : i32 from vector<1xi32>
            %gt3A_334 = arith.constant 3 : i32
            %gt3A_335 = arith.cmpi sgt, %min3A_312, %gt3A_334 : i32
            %convert_element_type3A_336 = arith.extui %gt3A_335 : i1 to i32
            %cond3A_337 = arith.constant 0 : i32
            %cond3A_338 = arith.cmpi ne, %convert_element_type3A_336, %cond3A_337 : i32
            scf.if %cond3A_338 {
              %mul3A_349 = arith.constant 64 : i32
              %mul3A_350 = arith.muli %squeeze3A_333, %mul3A_349 : i32
              %dma_start3A = arith.constant 192 : i32
              %dma_start3A_351 = tpu.memref_slice %arg17[%dma_start3A] : memref<1024xf32, #tpu.memory_space<vmem>> -> memref<64xf32, #tpu.memory_space<vmem>>
              %dma_start3A_352 = tpu.memref_slice %arg7[%mul3A_350] : memref<1048576xf32, #tpu.memory_space<hbm>> -> memref<64xf32, #tpu.memory_space<hbm>>
              %dma_start3A_353 = tpu.memref_slice %arg7[%mul3A_350] : memref<1048576xf32, #tpu.memory_space<hbm>> -> memref<64xf32, #tpu.memory_space<hbm>>
              %dma_start3A_354 = arith.constant 192 : i32
              %dma_start3A_355 = tpu.memref_slice %arg17[%dma_start3A_354] : memref<1024xf32, #tpu.memory_space<vmem>> -> memref<64xf32, #tpu.memory_space<vmem>>
              tpu.enqueue_dma source(%dma_start3A_355 : memref<64xf32, #tpu.memory_space<vmem>>) target(%dma_start3A_353 : memref<64xf32, #tpu.memory_space<hbm>>) target_semaphore(%arg20 : memref<!tpu.dma_semaphore, #tpu.memory_space<semaphore_mem>>)
            } else {
            }
            %while3A_339 = arith.constant 0 : i32
            %while3A_340 = arith.constant 0 : i32
            %while3A_341 = arith.subi %min3A_312, %while3A_340 : i32
            %while3A_342 = arith.addi %while3A_340, %while3A_341 : i32
            %while3A_343 = arith.constant 1 : i32
            %while3A_344 = arith.divsi %while3A_341, %while3A_343 : i32
            %while3A_345 = arith.muli %while3A_344, %while3A_343 : i32
            %while3A_346 = arith.addi %while3A_340, %while3A_345 : i32
            %while3A_347 = arith.constant 1 : i32
            scf.for %while3A_349 = %while3A_340 to %while3A_346 step %while3A_347  : i32 {
              %dma_wait3A_350 = arith.constant 0 : i32
              %dma_wait3A_351 = tpu.memref_slice %arg17[%dma_wait3A_350] : memref<1024xf32, #tpu.memory_space<vmem>> -> memref<64xf32, #tpu.memory_space<vmem>>
              %dma_wait3A_352 = arith.constant 0 : i32
              %dma_wait3A_353 = tpu.memref_slice %arg7[%dma_wait3A_352] : memref<1048576xf32, #tpu.memory_space<hbm>> -> memref<64xf32, #tpu.memory_space<hbm>>
              %dma_wait3A_354 = arith.constant 0 : i32
              %dma_wait3A_355 = tpu.memref_slice %arg7[%dma_wait3A_354] : memref<1048576xf32, #tpu.memory_space<hbm>> -> memref<64xf32, #tpu.memory_space<hbm>>
              %dma_wait3A_356 = arith.constant 0 : i32
              %dma_wait3A_357 = tpu.memref_slice %arg17[%dma_wait3A_356] : memref<1024xf32, #tpu.memory_space<vmem>> -> memref<64xf32, #tpu.memory_space<vmem>>
              tpu.wait_dma2 semaphore(%arg20 : memref<!tpu.dma_semaphore, #tpu.memory_space<semaphore_mem>>) src(%dma_wait3A_357 : memref<64xf32, #tpu.memory_space<vmem>>) dst(%dma_wait3A_355 : memref<64xf32, #tpu.memory_space<hbm>>)
            }
            %while3A_348 = arith.constant 1 : i32
            scf.for %while3A_349 = %while3A_346 to %while3A_342 step %while3A_348  : i32 {
              %dma_wait3A_350 = arith.constant 0 : i32
              %dma_wait3A_351 = tpu.memref_slice %arg17[%dma_wait3A_350] : memref<1024xf32, #tpu.memory_space<vmem>> -> memref<64xf32, #tpu.memory_space<vmem>>
              %dma_wait3A_352 = arith.constant 0 : i32
              %dma_wait3A_353 = tpu.memref_slice %arg7[%dma_wait3A_352] : memref<1048576xf32, #tpu.memory_space<hbm>> -> memref<64xf32, #tpu.memory_space<hbm>>
              %dma_wait3A_354 = arith.constant 0 : i32
              %dma_wait3A_355 = tpu.memref_slice %arg7[%dma_wait3A_354] : memref<1048576xf32, #tpu.memory_space<hbm>> -> memref<64xf32, #tpu.memory_space<hbm>>
              %dma_wait3A_356 = arith.constant 0 : i32
              %dma_wait3A_357 = tpu.memref_slice %arg17[%dma_wait3A_356] : memref<1024xf32, #tpu.memory_space<vmem>> -> memref<64xf32, #tpu.memory_space<vmem>>
              tpu.wait_dma2 semaphore(%arg20 : memref<!tpu.dma_semaphore, #tpu.memory_space<semaphore_mem>>) src(%dma_wait3A_357 : memref<64xf32, #tpu.memory_space<vmem>>) dst(%dma_wait3A_355 : memref<64xf32, #tpu.memory_space<hbm>>)
            }
          }
        } else {
        }
      }
      %add3A_119 = arith.constant 16 : i32
      %add3A_120 = arith.addi %scan3A_94#1, %add3A_119 : i32
      %sub3A_121 = arith.constant 1 : i32
      %sub3A_122 = arith.subi %add3A_120, %sub3A_121 : i32
      %shift_right_arithmetic3A_123 = arith.constant 4 : i32
      %shift_right_arithmetic3A_124 = arith.shrsi %sub3A_122, %shift_right_arithmetic3A_123 : i32
      %while3A_125 = arith.constant 0 : i32
      %while3A_126 = arith.constant 0 : i32
      %while3A_127 = arith.subi %shift_right_arithmetic3A_124, %while3A_125 : i32
      %while3A_128 = arith.addi %while3A_125, %while3A_127 : i32
      %while3A_129 = arith.constant 1 : i32
      %while3A_130 = arith.divsi %while3A_127, %while3A_129 : i32
      %while3A_131 = arith.muli %while3A_130, %while3A_129 : i32
      %while3A_132 = arith.addi %while3A_125, %while3A_131 : i32
      %while3A_133 = arith.constant 1 : i32
      %while3A_134 = scf.for %while3A_159 = %while3A_125 to %while3A_132 step %while3A_133 iter_args(%while3A_160 = %while3A_126) -> (i32)  : i32 {
        %mul3A_161 = arith.constant 16 : i32
        %mul3A_162 = arith.muli %while3A_159, %mul3A_161 : i32
        %get3A = arith.index_cast %mul3A_162 : i32 to index
        %get3A_163 = tpu.vector_load %arg10[%get3A] {strides = array<i32>} : memref<1040xi32, #tpu.memory_space<vmem>>, vector<16xi32>,
        %get3A_164 = arith.index_cast %mul3A_162 : i32 to index
        %get3A_165 = tpu.vector_load %arg11[%get3A_164] {strides = array<i32>} : memref<1040xi32, #tpu.memory_space<vmem>>, vector<16xi32>,
        %shift_right_arithmetic3A_166 = arith.constant 8 : i32
        %shift_right_arithmetic3A_167 = vector.broadcast %shift_right_arithmetic3A_166 : i32 to vector<16xi32>
        %shift_right_arithmetic3A_168 = arith.shrsi %get3A_163, %shift_right_arithmetic3A_167 : vector<16xi32>
        %eq3A_169 = vector.broadcast %sub3A : i32 to vector<16xi32>
        %eq3A_170 = arith.cmpi eq, %shift_right_arithmetic3A_168, %eq3A_169 : vector<16xi32>
        %and3A_171 = arith.constant 255 : i32
        %and3A_172 = vector.broadcast %and3A_171 : i32 to vector<16xi32>
        %and3A_173 = arith.andi %get3A_163, %and3A_172 : vector<16xi32>
        %swap3A_174 = arith.index_cast %while3A_160 : i32 to index
        %swap3A_175 = tpu.vector_load %arg12[%swap3A_174] masked %eq3A_170 {strides = array<i32>} : memref<1040xi32, #tpu.memory_space<vmem>>, vector<16xi32>, vector<16xi1>
        tpu.vector_store %arg12[%swap3A_174], %and3A_173 masked %eq3A_170 {strides = array<i32>} : memref<1040xi32, #tpu.memory_space<vmem>>, vector<16xi32>, vector<16xi1>
        %swap3A_176 = arith.index_cast %while3A_160 : i32 to index
        %swap3A_177 = tpu.vector_load %arg13[%swap3A_176] masked %eq3A_170 {strides = array<i32>} : memref<1040xi32, #tpu.memory_space<vmem>>, vector<16xi32>, vector<16xi1>
        tpu.vector_store %arg13[%swap3A_176], %get3A_165 masked %eq3A_170 {strides = array<i32>} : memref<1040xi32, #tpu.memory_space<vmem>>, vector<16xi32>, vector<16xi1>
        %all_reduce_population_count3A = tpu.all_reduce %eq3A_170 {dim = 0 : i64, kind = #tpu.reduction_kind<sum>} : vector<16xi1> -> vector<16xi32>
        %slice3A = vector.extract_strided_slice %all_reduce_population_count3A {offsets = [0], sizes = [1], strides = [1]} : vector<16xi32> to vector<1xi32>
        %squeeze3A = vector.extract %slice3A[0] : i32 from vector<1xi32>
        %add3A_178 = arith.addi %while3A_160, %squeeze3A : i32
        scf.yield %add3A_178 : i32
      }
      %while3A_135 = arith.constant 1 : i32
      %while3A_136 = scf.for %while3A_159 = %while3A_132 to %while3A_128 step %while3A_135 iter_args(%while3A_160 = %while3A_134) -> (i32)  : i32 {
        %mul3A_161 = arith.constant 16 : i32
        %mul3A_162 = arith.muli %while3A_159, %mul3A_161 : i32
        %get3A = arith.index_cast %mul3A_162 : i32 to index
        %get3A_163 = tpu.vector_load %arg10[%get3A] {strides = array<i32>} : memref<1040xi32, #tpu.memory_space<vmem>>, vector<16xi32>,
        %get3A_164 = arith.index_cast %mul3A_162 : i32 to index
        %get3A_165 = tpu.vector_load %arg11[%get3A_164] {strides = array<i32>} : memref<1040xi32, #tpu.memory_space<vmem>>, vector<16xi32>,
        %shift_right_arithmetic3A_166 = arith.constant 8 : i32
        %shift_right_arithmetic3A_167 = vector.broadcast %shift_right_arithmetic3A_166 : i32 to vector<16xi32>
        %shift_right_arithmetic3A_168 = arith.shrsi %get3A_163, %shift_right_arithmetic3A_167 : vector<16xi32>
        %eq3A_169 = vector.broadcast %sub3A : i32 to vector<16xi32>
        %eq3A_170 = arith.cmpi eq, %shift_right_arithmetic3A_168, %eq3A_169 : vector<16xi32>
        %and3A_171 = arith.constant 255 : i32
        %and3A_172 = vector.broadcast %and3A_171 : i32 to vector<16xi32>
        %and3A_173 = arith.andi %get3A_163, %and3A_172 : vector<16xi32>
        %swap3A_174 = arith.index_cast %while3A_160 : i32 to index
        %swap3A_175 = tpu.vector_load %arg12[%swap3A_174] masked %eq3A_170 {strides = array<i32>} : memref<1040xi32, #tpu.memory_space<vmem>>, vector<16xi32>, vector<16xi1>
        tpu.vector_store %arg12[%swap3A_174], %and3A_173 masked %eq3A_170 {strides = array<i32>} : memref<1040xi32, #tpu.memory_space<vmem>>, vector<16xi32>, vector<16xi1>
        %swap3A_176 = arith.index_cast %while3A_160 : i32 to index
        %swap3A_177 = tpu.vector_load %arg13[%swap3A_176] masked %eq3A_170 {strides = array<i32>} : memref<1040xi32, #tpu.memory_space<vmem>>, vector<16xi32>, vector<16xi1>
        tpu.vector_store %arg13[%swap3A_176], %get3A_165 masked %eq3A_170 {strides = array<i32>} : memref<1040xi32, #tpu.memory_space<vmem>>, vector<16xi32>, vector<16xi1>
        %all_reduce_population_count3A = tpu.all_reduce %eq3A_170 {dim = 0 : i64, kind = #tpu.reduction_kind<sum>} : vector<16xi1> -> vector<16xi32>
        %slice3A = vector.extract_strided_slice %all_reduce_population_count3A {offsets = [0], sizes = [1], strides = [1]} : vector<16xi32> to vector<1xi32>
        %squeeze3A = vector.extract %slice3A[0] : i32 from vector<1xi32>
        %add3A_178 = arith.addi %while3A_160, %squeeze3A : i32
        scf.yield %add3A_178 : i32
      }
      %shift_right_arithmetic3A_137 = arith.constant 2 : i32
      %shift_right_arithmetic3A_138 = vector.broadcast %shift_right_arithmetic3A_137 : i32 to vector<16xi32>
      %shift_right_arithmetic3A_139 = arith.shrsi %iota3A, %shift_right_arithmetic3A_138 : vector<16xi32>
      %and3A_140 = arith.constant 3 : i32
      %and3A_141 = vector.broadcast %and3A_140 : i32 to vector<16xi32>
      %and3A_142 = arith.andi %iota3A, %and3A_141 : vector<16xi32>
      %add3A_143 = arith.constant 3 : i32
      %add3A_144 = arith.addi %while3A_136, %add3A_143 : i32
      %shift_right_arithmetic3A_145 = arith.constant 2 : i32
      %shift_right_arithmetic3A_146 = arith.shrsi %add3A_144, %shift_right_arithmetic3A_145 : i32
      %while3A_147 = arith.constant 0 : i32
      %while3A_148 = arith.constant 0 : i32
      %while3A_149 = arith.subi %shift_right_arithmetic3A_146, %while3A_148 : i32
      %while3A_150 = arith.addi %while3A_148, %while3A_149 : i32
      %while3A_151 = arith.constant 1 : i32
      %while3A_152 = arith.divsi %while3A_149, %while3A_151 : i32
      %while3A_153 = arith.muli %while3A_152, %while3A_151 : i32
      %while3A_154 = arith.addi %while3A_148, %while3A_153 : i32
      %while3A_155 = arith.constant 1 : i32
      scf.for %while3A_159 = %while3A_148 to %while3A_154 step %while3A_155  : i32 {
        %mul3A_160 = arith.constant 4 : i32
        %mul3A_161 = arith.muli %while3A_159, %mul3A_160 : i32
        %add3A_162 = vector.broadcast %mul3A_161 : i32 to vector<16xi32>
        %add3A_163 = arith.addi %add3A_162, %shift_right_arithmetic3A_139 : vector<16xi32>
        %lt3A = vector.broadcast %while3A_136 : i32 to vector<16xi32>
        %lt3A_164 = arith.cmpi slt, %add3A_163, %lt3A : vector<16xi32>
        %gather3A = tpu.vector_load_idx %arg12[%add3A_163] masked %lt3A_164 : memref<1040xi32, #tpu.memory_space<vmem>>[vector<16xi32>], vector<16xi32>, vector<16xi1>
        %gather3A_165 = tpu.vector_load_idx %arg13[%add3A_163] masked %lt3A_164 : memref<1040xi32, #tpu.memory_space<vmem>>[vector<16xi32>], vector<16xi32>, vector<16xi1>
        %gather3A_166 = tpu.vector_load_idx %arg9[%gather3A_165] masked %lt3A_164 : memref<16384xi32, #tpu.memory_space<vmem>>[vector<16xi32>], vector<16xi32>, vector<16xi1>
        %mul3A_167 = arith.constant 64 : i32
        %mul3A_168 = vector.broadcast %mul3A_167 : i32 to vector<16xi32>
        %mul3A_169 = arith.muli %shift_right_arithmetic3A_139, %mul3A_168 : vector<16xi32>
        %add3A_170 = arith.addi %mul3A_169, %and3A_142 : vector<16xi32>
        %scan3A_171 = arith.constant 0 : i32
        %scan3A_172 = arith.constant 0 : i32
        %scan3A_173 = arith.constant 16 : i32
        %scan3A_174 = arith.addi %scan3A_172, %scan3A_173 : i32
        %scan3A_175 = arith.constant 1 : i32
        scf.for %scan3A_215 = %scan3A_172 to %scan3A_174 step %scan3A_175  : i32 {
          %mul3A_216 = arith.constant 4 : i32
          %mul3A_217 = arith.muli %scan3A_215, %mul3A_216 : i32
          %add3A_218 = vector.broadcast %mul3A_217 : i32 to vector<16xi32>
          %add3A_219 = arith.addi %and3A_142, %add3A_218 : vector<16xi32>
          %gather3A_220 = tpu.vector_load_idx %arg16[%add3A_219, %gather3A] masked %lt3A_164 : memref<64x64xf32, #tpu.memory_space<vmem>>[vector<16xi32>, vector<16xi32>], vector<16xf32>, vector<16xi1>
          %gather3A_221 = tpu.vector_load_idx %arg15[%add3A_219, %gather3A_166] masked %lt3A_164 : memref<64x1000xf32, #tpu.memory_space<vmem>>[vector<16xi32>, vector<16xi32>], vector<16xf32>, vector<16xi1>
          %mul3A_222 = arith.constant 4 : i32
          %mul3A_223 = arith.muli %scan3A_215, %mul3A_222 : i32
          %add3A_224 = vector.broadcast %mul3A_223 : i32 to vector<16xi32>
          %add3A_225 = arith.addi %add3A_170, %add3A_224 : vector<16xi32>
          %add3A_226 = arith.addf %gather3A_220, %gather3A_221 : vector<16xf32>
          tpu.vector_store_idx %arg17[%add3A_225], %add3A_226 masked %lt3A_164 : memref<1024xf32, #tpu.memory_space<vmem>>[vector<16xi32>], vector<16xf32>, vector<16xi1>
        }
        %scan3A_176 = arith.constant 16 : i32
        %sub3A_177 = arith.subi %while3A_136, %mul3A_161 : i32
        %min3A = arith.constant 4 : i32
        %min3A_178 = arith.minsi %min3A, %sub3A_177 : i32
        %slice3A = vector.extract_strided_slice %gather3A_165 {offsets = [0], sizes = [1], strides = [1]} : vector<16xi32> to vector<1xi32>
        %squeeze3A = vector.extract %slice3A[0] : i32 from vector<1xi32>
        %gt3A_179 = arith.constant 0 : i32
        %gt3A_180 = arith.cmpi sgt, %min3A_178, %gt3A_179 : i32
        %convert_element_type3A_181 = arith.extui %gt3A_180 : i1 to i32
        %cond3A_182 = arith.constant 0 : i32
        %cond3A_183 = arith.cmpi ne, %convert_element_type3A_181, %cond3A_182 : i32
        scf.if %cond3A_183 {
          %mul3A_215 = arith.constant 64 : i32
          %mul3A_216 = arith.muli %squeeze3A, %mul3A_215 : i32
          %dma_start3A = arith.constant 0 : i32
          %dma_start3A_217 = tpu.memref_slice %arg17[%dma_start3A] : memref<1024xf32, #tpu.memory_space<vmem>> -> memref<64xf32, #tpu.memory_space<vmem>>
          %dma_start3A_218 = tpu.memref_slice %arg7[%mul3A_216] : memref<1048576xf32, #tpu.memory_space<hbm>> -> memref<64xf32, #tpu.memory_space<hbm>>
          %dma_start3A_219 = tpu.memref_slice %arg7[%mul3A_216] : memref<1048576xf32, #tpu.memory_space<hbm>> -> memref<64xf32, #tpu.memory_space<hbm>>
          %dma_start3A_220 = arith.constant 0 : i32
          %dma_start3A_221 = tpu.memref_slice %arg17[%dma_start3A_220] : memref<1024xf32, #tpu.memory_space<vmem>> -> memref<64xf32, #tpu.memory_space<vmem>>
          tpu.enqueue_dma source(%dma_start3A_221 : memref<64xf32, #tpu.memory_space<vmem>>) target(%dma_start3A_219 : memref<64xf32, #tpu.memory_space<hbm>>) target_semaphore(%arg20 : memref<!tpu.dma_semaphore, #tpu.memory_space<semaphore_mem>>)
        } else {
        }
        %slice3A_184 = vector.extract_strided_slice %gather3A_165 {offsets = [4], sizes = [1], strides = [1]} : vector<16xi32> to vector<1xi32>
        %squeeze3A_185 = vector.extract %slice3A_184[0] : i32 from vector<1xi32>
        %gt3A_186 = arith.constant 1 : i32
        %gt3A_187 = arith.cmpi sgt, %min3A_178, %gt3A_186 : i32
        %convert_element_type3A_188 = arith.extui %gt3A_187 : i1 to i32
        %cond3A_189 = arith.constant 0 : i32
        %cond3A_190 = arith.cmpi ne, %convert_element_type3A_188, %cond3A_189 : i32
        scf.if %cond3A_190 {
          %mul3A_215 = arith.constant 64 : i32
          %mul3A_216 = arith.muli %squeeze3A_185, %mul3A_215 : i32
          %dma_start3A = arith.constant 64 : i32
          %dma_start3A_217 = tpu.memref_slice %arg17[%dma_start3A] : memref<1024xf32, #tpu.memory_space<vmem>> -> memref<64xf32, #tpu.memory_space<vmem>>
          %dma_start3A_218 = tpu.memref_slice %arg7[%mul3A_216] : memref<1048576xf32, #tpu.memory_space<hbm>> -> memref<64xf32, #tpu.memory_space<hbm>>
          %dma_start3A_219 = tpu.memref_slice %arg7[%mul3A_216] : memref<1048576xf32, #tpu.memory_space<hbm>> -> memref<64xf32, #tpu.memory_space<hbm>>
          %dma_start3A_220 = arith.constant 64 : i32
          %dma_start3A_221 = tpu.memref_slice %arg17[%dma_start3A_220] : memref<1024xf32, #tpu.memory_space<vmem>> -> memref<64xf32, #tpu.memory_space<vmem>>
          tpu.enqueue_dma source(%dma_start3A_221 : memref<64xf32, #tpu.memory_space<vmem>>) target(%dma_start3A_219 : memref<64xf32, #tpu.memory_space<hbm>>) target_semaphore(%arg20 : memref<!tpu.dma_semaphore, #tpu.memory_space<semaphore_mem>>)
        } else {
        }
        %slice3A_191 = vector.extract_strided_slice %gather3A_165 {offsets = [8], sizes = [1], strides = [1]} : vector<16xi32> to vector<1xi32>
        %squeeze3A_192 = vector.extract %slice3A_191[0] : i32 from vector<1xi32>
        %gt3A_193 = arith.constant 2 : i32
        %gt3A_194 = arith.cmpi sgt, %min3A_178, %gt3A_193 : i32
        %convert_element_type3A_195 = arith.extui %gt3A_194 : i1 to i32
        %cond3A_196 = arith.constant 0 : i32
        %cond3A_197 = arith.cmpi ne, %convert_element_type3A_195, %cond3A_196 : i32
        scf.if %cond3A_197 {
          %mul3A_215 = arith.constant 64 : i32
          %mul3A_216 = arith.muli %squeeze3A_192, %mul3A_215 : i32
          %dma_start3A = arith.constant 128 : i32
          %dma_start3A_217 = tpu.memref_slice %arg17[%dma_start3A] : memref<1024xf32, #tpu.memory_space<vmem>> -> memref<64xf32, #tpu.memory_space<vmem>>
          %dma_start3A_218 = tpu.memref_slice %arg7[%mul3A_216] : memref<1048576xf32, #tpu.memory_space<hbm>> -> memref<64xf32, #tpu.memory_space<hbm>>
          %dma_start3A_219 = tpu.memref_slice %arg7[%mul3A_216] : memref<1048576xf32, #tpu.memory_space<hbm>> -> memref<64xf32, #tpu.memory_space<hbm>>
          %dma_start3A_220 = arith.constant 128 : i32
          %dma_start3A_221 = tpu.memref_slice %arg17[%dma_start3A_220] : memref<1024xf32, #tpu.memory_space<vmem>> -> memref<64xf32, #tpu.memory_space<vmem>>
          tpu.enqueue_dma source(%dma_start3A_221 : memref<64xf32, #tpu.memory_space<vmem>>) target(%dma_start3A_219 : memref<64xf32, #tpu.memory_space<hbm>>) target_semaphore(%arg20 : memref<!tpu.dma_semaphore, #tpu.memory_space<semaphore_mem>>)
        } else {
        }
        %slice3A_198 = vector.extract_strided_slice %gather3A_165 {offsets = [12], sizes = [1], strides = [1]} : vector<16xi32> to vector<1xi32>
        %squeeze3A_199 = vector.extract %slice3A_198[0] : i32 from vector<1xi32>
        %gt3A_200 = arith.constant 3 : i32
        %gt3A_201 = arith.cmpi sgt, %min3A_178, %gt3A_200 : i32
        %convert_element_type3A_202 = arith.extui %gt3A_201 : i1 to i32
        %cond3A_203 = arith.constant 0 : i32
        %cond3A_204 = arith.cmpi ne, %convert_element_type3A_202, %cond3A_203 : i32
        scf.if %cond3A_204 {
          %mul3A_215 = arith.constant 64 : i32
          %mul3A_216 = arith.muli %squeeze3A_199, %mul3A_215 : i32
          %dma_start3A = arith.constant 192 : i32
          %dma_start3A_217 = tpu.memref_slice %arg17[%dma_start3A] : memref<1024xf32, #tpu.memory_space<vmem>> -> memref<64xf32, #tpu.memory_space<vmem>>
          %dma_start3A_218 = tpu.memref_slice %arg7[%mul3A_216] : memref<1048576xf32, #tpu.memory_space<hbm>> -> memref<64xf32, #tpu.memory_space<hbm>>
          %dma_start3A_219 = tpu.memref_slice %arg7[%mul3A_216] : memref<1048576xf32, #tpu.memory_space<hbm>> -> memref<64xf32, #tpu.memory_space<hbm>>
          %dma_start3A_220 = arith.constant 192 : i32
          %dma_start3A_221 = tpu.memref_slice %arg17[%dma_start3A_220] : memref<1024xf32, #tpu.memory_space<vmem>> -> memref<64xf32, #tpu.memory_space<vmem>>
          tpu.enqueue_dma source(%dma_start3A_221 : memref<64xf32, #tpu.memory_space<vmem>>) target(%dma_start3A_219 : memref<64xf32, #tpu.memory_space<hbm>>) target_semaphore(%arg20 : memref<!tpu.dma_semaphore, #tpu.memory_space<semaphore_mem>>)
        } else {
        }
        %while3A_205 = arith.constant 0 : i32
        %while3A_206 = arith.constant 0 : i32
        %while3A_207 = arith.subi %min3A_178, %while3A_206 : i32
        %while3A_208 = arith.addi %while3A_206, %while3A_207 : i32
        %while3A_209 = arith.constant 1 : i32
        %while3A_210 = arith.divsi %while3A_207, %while3A_209 : i32
        %while3A_211 = arith.muli %while3A_210, %while3A_209 : i32
        %while3A_212 = arith.addi %while3A_206, %while3A_211 : i32
        %while3A_213 = arith.constant 1 : i32
        scf.for %while3A_215 = %while3A_206 to %while3A_212 step %while3A_213  : i32 {
          %dma_wait3A = arith.constant 0 : i32
          %dma_wait3A_216 = tpu.memref_slice %arg17[%dma_wait3A] : memref<1024xf32, #tpu.memory_space<vmem>> -> memref<64xf32, #tpu.memory_space<vmem>>
          %dma_wait3A_217 = arith.constant 0 : i32
          %dma_wait3A_218 = tpu.memref_slice %arg7[%dma_wait3A_217] : memref<1048576xf32, #tpu.memory_space<hbm>> -> memref<64xf32, #tpu.memory_space<hbm>>
          %dma_wait3A_219 = arith.constant 0 : i32
          %dma_wait3A_220 = tpu.memref_slice %arg7[%dma_wait3A_219] : memref<1048576xf32, #tpu.memory_space<hbm>> -> memref<64xf32, #tpu.memory_space<hbm>>
          %dma_wait3A_221 = arith.constant 0 : i32
          %dma_wait3A_222 = tpu.memref_slice %arg17[%dma_wait3A_221] : memref<1024xf32, #tpu.memory_space<vmem>> -> memref<64xf32, #tpu.memory_space<vmem>>
          tpu.wait_dma2 semaphore(%arg20 : memref<!tpu.dma_semaphore, #tpu.memory_space<semaphore_mem>>) src(%dma_wait3A_222 : memref<64xf32, #tpu.memory_space<vmem>>) dst(%dma_wait3A_220 : memref<64xf32, #tpu.memory_space<hbm>>)
        }
        %while3A_214 = arith.constant 1 : i32
        scf.for %while3A_215 = %while3A_212 to %while3A_208 step %while3A_214  : i32 {
          %dma_wait3A = arith.constant 0 : i32
          %dma_wait3A_216 = tpu.memref_slice %arg17[%dma_wait3A] : memref<1024xf32, #tpu.memory_space<vmem>> -> memref<64xf32, #tpu.memory_space<vmem>>
          %dma_wait3A_217 = arith.constant 0 : i32
          %dma_wait3A_218 = tpu.memref_slice %arg7[%dma_wait3A_217] : memref<1048576xf32, #tpu.memory_space<hbm>> -> memref<64xf32, #tpu.memory_space<hbm>>
          %dma_wait3A_219 = arith.constant 0 : i32
          %dma_wait3A_220 = tpu.memref_slice %arg7[%dma_wait3A_219] : memref<1048576xf32, #tpu.memory_space<hbm>> -> memref<64xf32, #tpu.memory_space<hbm>>
          %dma_wait3A_221 = arith.constant 0 : i32
          %dma_wait3A_222 = tpu.memref_slice %arg17[%dma_wait3A_221] : memref<1024xf32, #tpu.memory_space<vmem>> -> memref<64xf32, #tpu.memory_space<vmem>>
          tpu.wait_dma2 semaphore(%arg20 : memref<!tpu.dma_semaphore, #tpu.memory_space<semaphore_mem>>) src(%dma_wait3A_222 : memref<64xf32, #tpu.memory_space<vmem>>) dst(%dma_wait3A_220 : memref<64xf32, #tpu.memory_space<hbm>>)
        }
      }
      %while3A_156 = arith.constant 1 : i32
      scf.for %while3A_159 = %while3A_154 to %while3A_150 step %while3A_156  : i32 {
        %mul3A_160 = arith.constant 4 : i32
        %mul3A_161 = arith.muli %while3A_159, %mul3A_160 : i32
        %add3A_162 = vector.broadcast %mul3A_161 : i32 to vector<16xi32>
        %add3A_163 = arith.addi %add3A_162, %shift_right_arithmetic3A_139 : vector<16xi32>
        %lt3A = vector.broadcast %while3A_136 : i32 to vector<16xi32>
        %lt3A_164 = arith.cmpi slt, %add3A_163, %lt3A : vector<16xi32>
        %gather3A = tpu.vector_load_idx %arg12[%add3A_163] masked %lt3A_164 : memref<1040xi32, #tpu.memory_space<vmem>>[vector<16xi32>], vector<16xi32>, vector<16xi1>
        %gather3A_165 = tpu.vector_load_idx %arg13[%add3A_163] masked %lt3A_164 : memref<1040xi32, #tpu.memory_space<vmem>>[vector<16xi32>], vector<16xi32>, vector<16xi1>
        %gather3A_166 = tpu.vector_load_idx %arg9[%gather3A_165] masked %lt3A_164 : memref<16384xi32, #tpu.memory_space<vmem>>[vector<16xi32>], vector<16xi32>, vector<16xi1>
        %mul3A_167 = arith.constant 64 : i32
        %mul3A_168 = vector.broadcast %mul3A_167 : i32 to vector<16xi32>
        %mul3A_169 = arith.muli %shift_right_arithmetic3A_139, %mul3A_168 : vector<16xi32>
        %add3A_170 = arith.addi %mul3A_169, %and3A_142 : vector<16xi32>
        %scan3A_171 = arith.constant 0 : i32
        %scan3A_172 = arith.constant 0 : i32
        %scan3A_173 = arith.constant 16 : i32
        %scan3A_174 = arith.addi %scan3A_172, %scan3A_173 : i32
        %scan3A_175 = arith.constant 1 : i32
        scf.for %scan3A_215 = %scan3A_172 to %scan3A_174 step %scan3A_175  : i32 {
          %mul3A_216 = arith.constant 4 : i32
          %mul3A_217 = arith.muli %scan3A_215, %mul3A_216 : i32
          %add3A_218 = vector.broadcast %mul3A_217 : i32 to vector<16xi32>
          %add3A_219 = arith.addi %and3A_142, %add3A_218 : vector<16xi32>
          %gather3A_220 = tpu.vector_load_idx %arg16[%add3A_219, %gather3A] masked %lt3A_164 : memref<64x64xf32, #tpu.memory_space<vmem>>[vector<16xi32>, vector<16xi32>], vector<16xf32>, vector<16xi1>
          %gather3A_221 = tpu.vector_load_idx %arg15[%add3A_219, %gather3A_166] masked %lt3A_164 : memref<64x1000xf32, #tpu.memory_space<vmem>>[vector<16xi32>, vector<16xi32>], vector<16xf32>, vector<16xi1>
          %mul3A_222 = arith.constant 4 : i32
          %mul3A_223 = arith.muli %scan3A_215, %mul3A_222 : i32
          %add3A_224 = vector.broadcast %mul3A_223 : i32 to vector<16xi32>
          %add3A_225 = arith.addi %add3A_170, %add3A_224 : vector<16xi32>
          %add3A_226 = arith.addf %gather3A_220, %gather3A_221 : vector<16xf32>
          tpu.vector_store_idx %arg17[%add3A_225], %add3A_226 masked %lt3A_164 : memref<1024xf32, #tpu.memory_space<vmem>>[vector<16xi32>], vector<16xf32>, vector<16xi1>
        }
        %scan3A_176 = arith.constant 16 : i32
        %sub3A_177 = arith.subi %while3A_136, %mul3A_161 : i32
        %min3A = arith.constant 4 : i32
        %min3A_178 = arith.minsi %min3A, %sub3A_177 : i32
        %slice3A = vector.extract_strided_slice %gather3A_165 {offsets = [0], sizes = [1], strides = [1]} : vector<16xi32> to vector<1xi32>
        %squeeze3A = vector.extract %slice3A[0] : i32 from vector<1xi32>
        %gt3A_179 = arith.constant 0 : i32
        %gt3A_180 = arith.cmpi sgt, %min3A_178, %gt3A_179 : i32
        %convert_element_type3A_181 = arith.extui %gt3A_180 : i1 to i32
        %cond3A_182 = arith.constant 0 : i32
        %cond3A_183 = arith.cmpi ne, %convert_element_type3A_181, %cond3A_182 : i32
        scf.if %cond3A_183 {
          %mul3A_215 = arith.constant 64 : i32
          %mul3A_216 = arith.muli %squeeze3A, %mul3A_215 : i32
          %dma_start3A = arith.constant 0 : i32
          %dma_start3A_217 = tpu.memref_slice %arg17[%dma_start3A] : memref<1024xf32, #tpu.memory_space<vmem>> -> memref<64xf32, #tpu.memory_space<vmem>>
          %dma_start3A_218 = tpu.memref_slice %arg7[%mul3A_216] : memref<1048576xf32, #tpu.memory_space<hbm>> -> memref<64xf32, #tpu.memory_space<hbm>>
          %dma_start3A_219 = tpu.memref_slice %arg7[%mul3A_216] : memref<1048576xf32, #tpu.memory_space<hbm>> -> memref<64xf32, #tpu.memory_space<hbm>>
          %dma_start3A_220 = arith.constant 0 : i32
          %dma_start3A_221 = tpu.memref_slice %arg17[%dma_start3A_220] : memref<1024xf32, #tpu.memory_space<vmem>> -> memref<64xf32, #tpu.memory_space<vmem>>
          tpu.enqueue_dma source(%dma_start3A_221 : memref<64xf32, #tpu.memory_space<vmem>>) target(%dma_start3A_219 : memref<64xf32, #tpu.memory_space<hbm>>) target_semaphore(%arg20 : memref<!tpu.dma_semaphore, #tpu.memory_space<semaphore_mem>>)
        } else {
        }
        %slice3A_184 = vector.extract_strided_slice %gather3A_165 {offsets = [4], sizes = [1], strides = [1]} : vector<16xi32> to vector<1xi32>
        %squeeze3A_185 = vector.extract %slice3A_184[0] : i32 from vector<1xi32>
        %gt3A_186 = arith.constant 1 : i32
        %gt3A_187 = arith.cmpi sgt, %min3A_178, %gt3A_186 : i32
        %convert_element_type3A_188 = arith.extui %gt3A_187 : i1 to i32
        %cond3A_189 = arith.constant 0 : i32
        %cond3A_190 = arith.cmpi ne, %convert_element_type3A_188, %cond3A_189 : i32
        scf.if %cond3A_190 {
          %mul3A_215 = arith.constant 64 : i32
          %mul3A_216 = arith.muli %squeeze3A_185, %mul3A_215 : i32
          %dma_start3A = arith.constant 64 : i32
          %dma_start3A_217 = tpu.memref_slice %arg17[%dma_start3A] : memref<1024xf32, #tpu.memory_space<vmem>> -> memref<64xf32, #tpu.memory_space<vmem>>
          %dma_start3A_218 = tpu.memref_slice %arg7[%mul3A_216] : memref<1048576xf32, #tpu.memory_space<hbm>> -> memref<64xf32, #tpu.memory_space<hbm>>
          %dma_start3A_219 = tpu.memref_slice %arg7[%mul3A_216] : memref<1048576xf32, #tpu.memory_space<hbm>> -> memref<64xf32, #tpu.memory_space<hbm>>
          %dma_start3A_220 = arith.constant 64 : i32
          %dma_start3A_221 = tpu.memref_slice %arg17[%dma_start3A_220] : memref<1024xf32, #tpu.memory_space<vmem>> -> memref<64xf32, #tpu.memory_space<vmem>>
          tpu.enqueue_dma source(%dma_start3A_221 : memref<64xf32, #tpu.memory_space<vmem>>) target(%dma_start3A_219 : memref<64xf32, #tpu.memory_space<hbm>>) target_semaphore(%arg20 : memref<!tpu.dma_semaphore, #tpu.memory_space<semaphore_mem>>)
        } else {
        }
        %slice3A_191 = vector.extract_strided_slice %gather3A_165 {offsets = [8], sizes = [1], strides = [1]} : vector<16xi32> to vector<1xi32>
        %squeeze3A_192 = vector.extract %slice3A_191[0] : i32 from vector<1xi32>
        %gt3A_193 = arith.constant 2 : i32
        %gt3A_194 = arith.cmpi sgt, %min3A_178, %gt3A_193 : i32
        %convert_element_type3A_195 = arith.extui %gt3A_194 : i1 to i32
        %cond3A_196 = arith.constant 0 : i32
        %cond3A_197 = arith.cmpi ne, %convert_element_type3A_195, %cond3A_196 : i32
        scf.if %cond3A_197 {
          %mul3A_215 = arith.constant 64 : i32
          %mul3A_216 = arith.muli %squeeze3A_192, %mul3A_215 : i32
          %dma_start3A = arith.constant 128 : i32
          %dma_start3A_217 = tpu.memref_slice %arg17[%dma_start3A] : memref<1024xf32, #tpu.memory_space<vmem>> -> memref<64xf32, #tpu.memory_space<vmem>>
          %dma_start3A_218 = tpu.memref_slice %arg7[%mul3A_216] : memref<1048576xf32, #tpu.memory_space<hbm>> -> memref<64xf32, #tpu.memory_space<hbm>>
          %dma_start3A_219 = tpu.memref_slice %arg7[%mul3A_216] : memref<1048576xf32, #tpu.memory_space<hbm>> -> memref<64xf32, #tpu.memory_space<hbm>>
          %dma_start3A_220 = arith.constant 128 : i32
          %dma_start3A_221 = tpu.memref_slice %arg17[%dma_start3A_220] : memref<1024xf32, #tpu.memory_space<vmem>> -> memref<64xf32, #tpu.memory_space<vmem>>
          tpu.enqueue_dma source(%dma_start3A_221 : memref<64xf32, #tpu.memory_space<vmem>>) target(%dma_start3A_219 : memref<64xf32, #tpu.memory_space<hbm>>) target_semaphore(%arg20 : memref<!tpu.dma_semaphore, #tpu.memory_space<semaphore_mem>>)
        } else {
        }
        %slice3A_198 = vector.extract_strided_slice %gather3A_165 {offsets = [12], sizes = [1], strides = [1]} : vector<16xi32> to vector<1xi32>
        %squeeze3A_199 = vector.extract %slice3A_198[0] : i32 from vector<1xi32>
        %gt3A_200 = arith.constant 3 : i32
        %gt3A_201 = arith.cmpi sgt, %min3A_178, %gt3A_200 : i32
        %convert_element_type3A_202 = arith.extui %gt3A_201 : i1 to i32
        %cond3A_203 = arith.constant 0 : i32
        %cond3A_204 = arith.cmpi ne, %convert_element_type3A_202, %cond3A_203 : i32
        scf.if %cond3A_204 {
          %mul3A_215 = arith.constant 64 : i32
          %mul3A_216 = arith.muli %squeeze3A_199, %mul3A_215 : i32
          %dma_start3A = arith.constant 192 : i32
          %dma_start3A_217 = tpu.memref_slice %arg17[%dma_start3A] : memref<1024xf32, #tpu.memory_space<vmem>> -> memref<64xf32, #tpu.memory_space<vmem>>
          %dma_start3A_218 = tpu.memref_slice %arg7[%mul3A_216] : memref<1048576xf32, #tpu.memory_space<hbm>> -> memref<64xf32, #tpu.memory_space<hbm>>
          %dma_start3A_219 = tpu.memref_slice %arg7[%mul3A_216] : memref<1048576xf32, #tpu.memory_space<hbm>> -> memref<64xf32, #tpu.memory_space<hbm>>
          %dma_start3A_220 = arith.constant 192 : i32
          %dma_start3A_221 = tpu.memref_slice %arg17[%dma_start3A_220] : memref<1024xf32, #tpu.memory_space<vmem>> -> memref<64xf32, #tpu.memory_space<vmem>>
          tpu.enqueue_dma source(%dma_start3A_221 : memref<64xf32, #tpu.memory_space<vmem>>) target(%dma_start3A_219 : memref<64xf32, #tpu.memory_space<hbm>>) target_semaphore(%arg20 : memref<!tpu.dma_semaphore, #tpu.memory_space<semaphore_mem>>)
        } else {
        }
        %while3A_205 = arith.constant 0 : i32
        %while3A_206 = arith.constant 0 : i32
        %while3A_207 = arith.subi %min3A_178, %while3A_206 : i32
        %while3A_208 = arith.addi %while3A_206, %while3A_207 : i32
        %while3A_209 = arith.constant 1 : i32
        %while3A_210 = arith.divsi %while3A_207, %while3A_209 : i32
        %while3A_211 = arith.muli %while3A_210, %while3A_209 : i32
        %while3A_212 = arith.addi %while3A_206, %while3A_211 : i32
        %while3A_213 = arith.constant 1 : i32
        scf.for %while3A_215 = %while3A_206 to %while3A_212 step %while3A_213  : i32 {
          %dma_wait3A = arith.constant 0 : i32
          %dma_wait3A_216 = tpu.memref_slice %arg17[%dma_wait3A] : memref<1024xf32, #tpu.memory_space<vmem>> -> memref<64xf32, #tpu.memory_space<vmem>>
          %dma_wait3A_217 = arith.constant 0 : i32
          %dma_wait3A_218 = tpu.memref_slice %arg7[%dma_wait3A_217] : memref<1048576xf32, #tpu.memory_space<hbm>> -> memref<64xf32, #tpu.memory_space<hbm>>
          %dma_wait3A_219 = arith.constant 0 : i32
          %dma_wait3A_220 = tpu.memref_slice %arg7[%dma_wait3A_219] : memref<1048576xf32, #tpu.memory_space<hbm>> -> memref<64xf32, #tpu.memory_space<hbm>>
          %dma_wait3A_221 = arith.constant 0 : i32
          %dma_wait3A_222 = tpu.memref_slice %arg17[%dma_wait3A_221] : memref<1024xf32, #tpu.memory_space<vmem>> -> memref<64xf32, #tpu.memory_space<vmem>>
          tpu.wait_dma2 semaphore(%arg20 : memref<!tpu.dma_semaphore, #tpu.memory_space<semaphore_mem>>) src(%dma_wait3A_222 : memref<64xf32, #tpu.memory_space<vmem>>) dst(%dma_wait3A_220 : memref<64xf32, #tpu.memory_space<hbm>>)
        }
        %while3A_214 = arith.constant 1 : i32
        scf.for %while3A_215 = %while3A_212 to %while3A_208 step %while3A_214  : i32 {
          %dma_wait3A = arith.constant 0 : i32
          %dma_wait3A_216 = tpu.memref_slice %arg17[%dma_wait3A] : memref<1024xf32, #tpu.memory_space<vmem>> -> memref<64xf32, #tpu.memory_space<vmem>>
          %dma_wait3A_217 = arith.constant 0 : i32
          %dma_wait3A_218 = tpu.memref_slice %arg7[%dma_wait3A_217] : memref<1048576xf32, #tpu.memory_space<hbm>> -> memref<64xf32, #tpu.memory_space<hbm>>
          %dma_wait3A_219 = arith.constant 0 : i32
          %dma_wait3A_220 = tpu.memref_slice %arg7[%dma_wait3A_219] : memref<1048576xf32, #tpu.memory_space<hbm>> -> memref<64xf32, #tpu.memory_space<hbm>>
          %dma_wait3A_221 = arith.constant 0 : i32
          %dma_wait3A_222 = tpu.memref_slice %arg17[%dma_wait3A_221] : memref<1024xf32, #tpu.memory_space<vmem>> -> memref<64xf32, #tpu.memory_space<vmem>>
          tpu.wait_dma2 semaphore(%arg20 : memref<!tpu.dma_semaphore, #tpu.memory_space<semaphore_mem>>) src(%dma_wait3A_222 : memref<64xf32, #tpu.memory_space<vmem>>) dst(%dma_wait3A_220 : memref<64xf32, #tpu.memory_space<hbm>>)
        }
      }
      %add3A_157 = arith.constant 1 : i32
      %add3A_158 = arith.addi %while3A_82, %add3A_157 : i32
      scf.yield %add3A_158, %while3A_83 : i32, i32
    }
    return
  }
}

</mosaic_0001>

<sc_bundles>
// kernel: _transe.3.cloned.1.call-start
scs
__scs_entry_jumppad:
0x0: {  	(pc) =	sbr.rel $0x88, $3  }
0x1: {  	(tag) =	ssettag $0x0;
	lr =	simm.s32 $0x1  }
0x2: {  	[smem:$0x3F9C] =	sst lr;
	_ =	strace $0xD0000000  }
0x3: {  	_ = 	snop  }
0x4: {  	_ = 	snop  }
0x5: {  	_ = 	snop  }
0x6: {  	_ = 	snop  }
0x7: {  	_ = 	snop  }
__scs_overlays_trampoline_lowered:
0x8: {  	[smem:$0x3FAB] =	sst s0  }
0x9: {  	[smem:$0x3FAC] =	sst s1  }
0xa: {  	[smem:$0x3FAD] =	sst s2  }
0xb: {  	[smem:$0x3FAE] =	sst s3  }
0xc: {  	[smem:$0x3FAF] =	sst s4  }
0xd: {  	[smem:$0x3FB0] =	sst s5  }
0xe: {  	[smem:$0x3FB1] =	sst s6  }
0xf: {  	[smem:$0x3FB2] =	sst s7  }
0x10: {  	[smem:$0x3FB3] =	sst s8  }
0x11: {  	[smem:$0x3FB4] =	sst s9;
	s0 =	simm.s32 @!p0 $0x0  }
0x12: {  	s1 =	sld [smem:$0x3F9A];
	s0 =	simm.s32 @p0 $0x1  }
0x13: {  	[smem:$0x3FB5] =	sst s0;
	s0 =	simm.s32 @!p1 $0x0  }
0x14: {  	s2 =	sld [smem:$0x3F99];
	s0 =	simm.s32 @p1 $0x1  }
0x15: {  	[smem:$0x3FB6] =	sst s0;
	s0 =	simm.s32 @!p2 $0x0  }
0x16: {  	s3 =	sld [smem:$0x3FDB];
	s0 =	simm.s32 @p2 $0x1  }
0x17: {  	s4 =	simm.s32 $0x1BF5;
	[smem:$0x3FB8] =	sst s0  }
0x18: {  	s0 =	sld [smem:$0x3F9B];
	_ =	swait.ge [sflag:s4], $0x0  }
0x19: {  	s7 =	sld [smem:$0x3F9C]  }
0x1a: {  	s8 =	sadd.s32 $0xFFFFE003, lr  }
0x1b: {  	s9 =	sadd.s32 $0xFFFFFEF7, lr;
	s5 =	simm.s32 $0xFFFFFFFF;
	p2 =	slt.u32 s8, $0xFFFFF086  }
0x1c: {  	p1 =	slt.u32 s9, $0xF7A;
	s5 =	simm.s32 @!p2 $0x0  }
0x1d: {  	s5 =	simm.s32 @p1 $0x1;
	p0 =	seq.s32 s7, s2  }
0x1e: {  	s7 =	smul.u32 @!p0 $0xF7A, s2;
	p2 =	seq.s32 @!p0 s5, $0x0  }
0x1f: {  	s9 =	smul.u32 $0xF7A, s1;
	s8 =	simm.s32 @!p0 $0x1BF5;
	p2 =	por !p2, p0  }
0x20: {  	[sflag:s8] =	ssyncset.s32 @!p0 $0xFFFFF086;
	s6 =	sadd.s32 @!p0 s3, s7;
	s7 =	simm.s32 @!p0 $0x108  }
0x21: {  	s3 =	sadd.s32 s3, s9;
	s6 =	sadd.s32 @!p0 $0x88, s6;
	s7 =	simm.s32 @p2 $0x1082  }
0x22: {  	[simem:s7], [sflag:s8] =	dma.local @!p0 [hbm:s6], $0xF7A  }
0x23: {  	s9 =	sor.u32 $0xD0000000, s2;
	s6 =	simm.s32 $0x108;
	_ =	swait.ge @!p0 [sflag:s8], $0x0  }
0x24: {  	s3 =	sadd.s32 $0x88, s3;
	s6 =	simm.s32 @!p1 $0x1082;
	[sflag:s4] =	ssyncset.s32 $0xFFFFF086  }
0x25: {  	[simem:s6], [sflag:s4] =	dma.local [hbm:s3], $0xF7A  }
0x26: {  	[smem:$0x3F9C] =	sst s1;
	(tag) =	ssettag s2;
	_ =	strace s9  }
0x27: {  	s1 =	sld [smem:$0x3FAC]  }
0x28: {  	s2 =	sld [smem:$0x3FAD]  }
0x29: {  	s4 =	sld [smem:$0x3FAF]  }
0x2a: {  	p0 =	seq.s32 s5, $0x0;
	s5 =	sld [smem:$0x3FB0]  }
0x2b: {  	s6 =	sld [smem:$0x3FB1]  }
0x2c: {  	s7 =	sld [smem:$0x3FB2]  }
0x2d: {  	s3 =	simm.s32 $0x108;
	s8 =	sld [smem:$0x3FB3]  }
0x2e: {  	s3 =	simm.s32 @!p0 $0x1082;
	s9 =	sld [smem:$0x3FB4]  }
0x2f: {  	lr =	sadd.s32 s0, s3;
	s0 =	sld [smem:$0x3FAB]  }
0x30: {  	s3 =	sld [smem:$0x3FAE]  }
0x31: {  	[smem:$0x3FB7] =	sst s10  }
0x32: {  	s10 =	sld [smem:$0x3FB5];
	_ =	sdelay $0x3  }
0x33: {  	p0 =	seq.s32 s10, $0x1;
	s10 =	sld [smem:$0x3FB7];
	_ =	sdelay $0x3  }
0x34: {  	[smem:$0x3FB7] =	sst s10  }
0x35: {  	s10 =	sld [smem:$0x3FB6];
	_ =	sdelay $0x3  }
0x36: {  	p1 =	seq.s32 s10, $0x1;
	s10 =	sld [smem:$0x3FB7];
	_ =	sdelay $0x3  }
0x37: {  	[smem:$0x3FB7] =	sst s10  }
0x38: {  	s10 =	sld [smem:$0x3FB8]  }
0x39: {  	_ = 	snop;
	(pc) =	sbr.ind lr, $3  }
0x3a: {  	_ = 	snop  }
0x3b: {  	_ = 	snop  }
0x3c: {  	p2 =	seq.s32 s10, $0x1;
	s10 =	sld [smem:$0x3FB7]  }
0x3d: {  	_ =	shalt  }
0x3e: {  	_ =	shalt  }
0x3f: {  	_ =	shalt  }
0x40: {  	_ =	shalt  }
0x41: {  	_ =	shalt  }
0x42: {  	_ =	shalt  }
0x43: {  	_ =	shalt  }
0x44: {  	_ =	shalt  }
0x45: {  	_ =	shalt  }
0x46: {  	_ =	shalt  }
0x47: {  	_ =	shalt  }
0x48: {  	_ =	shalt  }
0x49: {  	_ =	shalt  }
0x4a: {  	_ =	shalt  }
0x4b: {  	_ =	shalt  }
0x4c: {  	_ =	shalt  }
0x4d: {  	_ =	shalt  }
0x4e: {  	_ =	shalt  }
0x4f: {  	_ =	shalt  }
0x50: {  	_ =	shalt  }
0x51: {  	_ =	shalt  }
0x52: {  	_ =	shalt  }
0x53: {  	_ =	shalt  }
0x54: {  	_ =	shalt  }
0x55: {  	_ =	shalt  }
0x56: {  	_ =	shalt  }
0x57: {  	_ =	shalt  }
0x58: {  	_ =	shalt  }
0x59: {  	_ =	shalt  }
0x5a: {  	_ =	shalt  }
0x5b: {  	_ =	shalt  }
0x5c: {  	_ =	shalt  }
0x5d: {  	_ =	shalt  }
0x5e: {  	_ =	shalt  }
0x5f: {  	_ =	shalt  }
0x60: {  	_ =	shalt  }
0x61: {  	_ =	shalt  }
0x62: {  	_ =	shalt  }
0x63: {  	_ =	shalt  }
0x64: {  	_ =	shalt  }
0x65: {  	_ =	shalt  }
0x66: {  	_ =	shalt  }
0x67: {  	_ =	shalt  }
0x68: {  	_ =	shalt  }
0x69: {  	_ =	shalt  }
0x6a: {  	_ =	shalt  }
0x6b: {  	_ =	shalt  }
0x6c: {  	_ =	shalt  }
0x6d: {  	_ =	shalt  }
0x6e: {  	_ =	shalt  }
0x6f: {  	_ =	shalt  }
0x70: {  	_ =	shalt  }
0x71: {  	_ =	shalt  }
0x72: {  	_ =	shalt  }
0x73: {  	_ =	shalt  }
0x74: {  	_ =	shalt  }
0x75: {  	_ =	shalt  }
0x76: {  	_ =	shalt  }
0x77: {  	_ =	shalt  }
0x78: {  	_ =	shalt  }
0x79: {  	_ =	shalt  }
0x7a: {  	_ =	shalt  }
0x7b: {  	_ =	shalt  }
0x7c: {  	_ =	shalt  }
0x7d: {  	_ =	shalt  }
0x7e: {  	_ =	shalt  }
0x7f: {  	_ =	shalt  }
0x80: {  	_ =	shalt  }
0x81: {  	_ =	shalt  }
0x82: {  	_ =	shalt  }
0x83: {  	_ =	shalt  }
0x84: {  	_ =	shalt  }
0x85: {  	_ =	shalt  }
0x86: {  	_ =	shalt  }
0x87: {  	_ =	shalt  }
.Lfunc_end0:
.L_simem_size_0:
called_computation_lowered:
.L_overlay_start_0:
0x88: {  	s2 =	sld [smem:$0x3FD9]  }
0x89: {  	s3 =	sld [smem:$0x3FFE];
	_ =	sdelay $0x1  }
0x8a: {  	s1 =	srdreg.scid  }
0x8b: {  	s0 =	sand.u32 $0x1, s1  }
0x8c: {  	s18 =	sshll.u32 s0, $0xA;
	s2 =	sadd.s32 s3, s2  }
0x8d: {  	s2 =	sadd.s32 s2, s18  }
0x8e: {  	[smem:$0x3FC3] =	sst s2  }
0x8f: {  	_ = 	snop  }
0x90: {  	s2 =	sld [smem:$0x3FC9]  }
0x91: {  	s19 =	sld [smem:$0x3FC8]  }
0x92: {  	s4 =	sld [smem:$0x3FC7]  }
0x93: {  	s5 =	sld [smem:$0x3FC6]  }
0x94: {  	s6 =	sld [smem:$0x3FC5]  }
0x95: {  	s7 =	sld [smem:$0x3FD0];
	(tm) =	ssettm $0x1  }
0x96: {  	s8 =	sld [smem:$0x3FFB];
	_ =	sdelay $0x3  }
0x97: {  	_ =	strace s8  }
0x98: {  	s8 =	sld [smem:$0x3FFC];
	_ =	sdelay $0x3  }
0x99: {  	_ =	strace s8  }
0x9a: {  	s8 =	sld [smem:$0x3FFD];
	_ =	sdelay $0x3  }
0x9b: {  	_ =	strace s8  }
0x9c: {  	_ =	strace $0x8FFFFFFF  }
0x9d: {  	s20 =	sld [smem:$0x3FDB];
	_ =	sdelay $0x1  }
0x9e: {  	s9 =	simm.s32 $_scs_section_size  }
0x9f: {  	s10 =	simm.s32 $_size__tile_overlayer_lowered;
	s11 =	simm.s32 $_tile_overlayer_lowered  }
0xa0: {  	s23 =	simm.s32 $0x1BFF;
	s22 =	sshll.u32 s11, $0x1;
	s8 =	sadd.s32 s9, s20  }
0xa1: {  	s12 =	simm.s32 $0x0;
	s21 =	sshll.u32 s10, $0x1;
	s10 =	sadd.s32 s22, s8  }
0xa2: {  	[timem:s12], [sflag:s23] =	dma.local [hbm:s10], s21  }
0xa3: {  	_ =	swait.ge [sflag:s23], s21  }
0xa4: {  	s9 =	ssub.s32 $0x0, s21;
	[sflag:s23] =	ssyncset.done $0x0  }
0xa5: {  	[sflag:s23] =	ssyncadd.s32 s9;
	_ =	sdelay $0x1  }
0xa6: {  	s24 =	simm.s32 $0x1B8B  }
0xa7: {  	_ =	swait.ge [sflag:s24], $0x1  }
0xa8: {  	[sflag:s24] =	ssyncset.done $0x0  }
0xa9: {  	s25 =	simm.s32 $0x1B8E;
	[sflag:s24] =	ssyncadd.s32 $0xFFFFFFFF  }
0xaa: {  	s26 =	simm.s32 $execute0_lowered;
	[smem:$0x3FD2] =	sst s25  }
0xab: {  	s9 =	sshll.u32 s26, $0x1;
	_ =	strace $0x80000046;
	[dreg:$0x1] =	wrdreg $0xFFFFFFFF  }
0xac: {  	s28 =	simm.s32 $_size_execute0_lowered;
	s8 =	sadd.s32 s8, s9;
	[dreg:$0x0] =	wrdreg $0x0  }
0xad: {  	s9 =	sshll.u32 s28, $0x1;
	[dreg:$0x2] =	wrdreg s8  }
0xae: {  	[dreg:$0x3] =	wrdreg s9  }
0xaf: {  	[dreg:$0x4] =	wrdreg $0xC0  }
0xb0: {  	_ =	task [dreg:s12], $0x5FFFF  }
0xb1: {  	[dreg:$0x1] =	wrdreg $0xFFFFFFFF  }
0xb2: {  	[dreg:$0x0] =	wrdreg $0x60  }
0xb3: {  	[dreg:$0x2] =	wrdreg s2  }
0xb4: {  	[dreg:$0x3] =	wrdreg s19  }
0xb5: {  	[dreg:$0x4] =	wrdreg s4  }
0xb6: {  	[dreg:$0x5] =	wrdreg s5  }
0xb7: {  	[dreg:$0x6] =	wrdreg s6  }
0xb8: {  	[dreg:$0x7] =	wrdreg s7  }
0xb9: {  	[dreg:$0x8] =	wrdreg $0x9  }
0xba: {  	_ =	task.clear_ibuf [dreg:s12], $0x9FFFF;
	_ =	strace $0x90000046  }
0xbb: {  	s29 =	simm.s32 $0x9;
	_ =	strace $0x80000048  }
0xbc: {  	_ =	swait.ge [sflag:s29], $0x1  }
0xbd: {  	[sflag:s29] =	ssyncadd.s32 $0xFFFFFFFF  }
0xbe: {  	_ =	strace $0x90000048  }
0xbf: {  	_ =	sfence  }
0xc0: {  	s30 =	sld [smem:$0x0];
	_ =	sdelay $0x2  }
0xc1: {  	s31 =	sshll.u32 s1, $0xD;
	s1 =	sshrl.u32 s1, $0x2  }
0xc2: {  	s3 =	sand.u32 $0x4000, s31;
	s1 =	sadd.s32 s1, s30  }
0xc3: {  	s0 =	sor.u32 s3, s0;
	s1 =	sshll.u32 s1, $0x11  }
0xc4: {  	s0 =	sor.u32 s1, s0  }
0xc5: {  	s0 =	sadd.s32 $0x8F2B, s0  }
0xc6: {  	[sflag:s0] =	ssyncadd.remote.s32 $0x1  }
0xc7: {  	_ =	sfence.sel $0xFFFF  }
0xc8: {  	[dreg:$0x0] =	wrdreg $0xFFFFFFFF;
	(pc) =	sbr.abs _section_cstart, $3  }
0xc9: {  	[dreg:$0x1] =	wrdreg $0xFFFFFFFF  }
0xca: {  	_ =	task.clear_ibuf [dreg:s12], $0x2FFFF;
	_ =	strace $0x9FFFFFFF  }
0xcb: {  	(tm) =	ssettm $0x7FFFFFFF  }
tec
execute0_lowered:
.L_overlay_start_1:
0x0: {  	(tag) =	ssettag $0x1  }
0x1: {  	s0 =	rddreg [dreg:$0x0]  }
0x2: {  	s3 =	rddreg [dreg:$0x2];
	s1 =	srdreg.scid  }
0x3: {  	s2 =	stileid.u32;
	s7 =	rddreg [dreg:$0x5]  }
0x4: {  	s8 =	simm.s32 $0x0;
	s10 =	simm.s32 $0x1;
	s15 =	simm.s32 $0x800  }
0x5: {  	s16 =	simm.s32 $0xDA00;
	s17 =	simm.s32 $0x1DA00;
	s18 =	simm.s32 $0x5  }
0x6: {  	s20 =	simm.s32 $0x5100;
	s21 =	simm.s32 $0x5580;
	s22 =	simm.s32 $0x5A00  }
0x7: {  	v0 =	vimm.s32 $0x83828180;
	s23 =	simm.s32 $0x1FA00;
	s1 =	sand.u32 $0x1, s1;
	s2 =	sshll.u32 s2, $0x1  }
0x8: {  	v1 =	vimm.s32 $0x3020100;
	v2 =	vimm.s32 $0x43424140;
	s24 =	simm.s32 $0x3;
	[smem:$0x7FF] =	sst s8;
	s2 =	sor.u32 s1, s2  }
0x9: {  	v3 =	vunpack.c.0.s8.s32 v0;
	v0 =	vimm.s32 $0xC3C2C1C0;
	s1 =	ssub.s32 $0x2, s1;
	_ =	strace $0x80000047;
	s4 =	smul.u32 $0xF42, s2  }
0xa: {  	v5 =	vunpack.c.0.s8.s32 v1;
	v6 =	vunpack.c.0.s8.s32 v2;
	v4 =	vunpack.c.0.s8.s32 v0;
	s5 =	sshrl.u32 s1, $0x1;
	p0 =	seq.s32 s2, $0x1F;
	s2 =	simm.s32 $0x1  }
0xb: {  	vm0 =	vcmask $0x1F10;
	s1 =	ssub.s32 s1, s5;
	s2 =	simm.s32 @!p0 $0x0;
	s6 =	sadd.s32 $0xF42, s4  }
.Ltmp0:
0xc: {  	v5 =	vsel vm0, v6, v5;
	v7 =	vsel vm0, v4, v3;
	s9 =	sshrl.u32 s4, $0x5;
	s28 =	sshrl.u32 s6, $0x5;
	(pc) =	sbr.rel .LBB2_1-.Ltmp0, $4  }
0xd: {  	v6 =	vimm.s32 $0xFFFFFFFF;
	v4 =	vlaneseq.u32;
	s1 =	smax.u32 s1, $0x1;
	v9 =	vcombine.low v5, v7;
	s29 =	sshll.u32 s9, $0x8;
	s11 =	ssub.s32 s28, s9  }
0xe: {  	v5 =	vimm.s32 $0x0;
	v8 =	vand.u32 $0x3, v4;
	v7 =	vshrl.u32 v4, $0x2;
	[dreg:$0x8] =	wrdreg s1;
	s30 =	sadd.s32 s3, s29;
	s31 =	sadd.s32 $0x1, s11  }
0xf: {  	v0 =	vmov s9;
	v8 =	vmul.u32 $0x80, v8;
	s2 =	sadd.s32 s2, s28;
	v2 =	vmov s29;
	[dreg:$0x7] =	wrdreg s30;
	s13 =	sshra.s32 s31, $0x1  }
0x10: {  	v9 =	vand.u32 $0xFF, v9;
	v1 =	vmov s2;
	p0 =	slt.s32 s11, $0x1;
	v3 =	vmov s11;
	s2 =	simm.s32 $0x0;
	p1 =	slt.s32 s13, $0x1  }
.LBB2_106:
0x11: {  	s2 =	rddreg [dreg:$0x9]  }
0x12: {  	s1 =	rddreg [dreg:$0x8];
	s2 =	sadd.s32 $0x1, s2  }
0x13: {  	p2 =	sne.s32 s2, s1  }
.Ltmp1:
0x14: {  	_ = 	snop;
	(pc) =	sbr.rel @!p2 .LBB2_107-.Ltmp1, $1  }
0x15: {  	_ =	sdelay $0x3  }
.LBB2_1:
0x16: {  	[dreg:$0x9] =	wrdreg s2  }
0x17: {  	s1 =	rddreg [dreg:$0x1]  }
0x18: {  	[tilespmem:s15], [sflag:$0x4] =	stream.linear.gather [hbm4b:s1+s8], $0x4000, $0x38;
	[tilespmem:$0x1FE00] =	vst v63  }
0x19: {  	s30 =	rddreg [dreg:$0x3]  }
0x1a: {  	[tilespmem:s16], [sflag:$0x4] =	stream.linear.gather [hbm4b:s30+s8], $0x10000, $0x38;
	[tilespmem:$0x1FE00] =	vst v63  }
0x1b: {  	s31 =	rddreg [dreg:$0x4];
	s2 =	simm.s32 @!p0 $0x7A1400;
	s4 =	simm.s32 @!p0 $0x5A00  }
0x1c: {  	[tilespmem:s17], [sflag:$0x4] =	stream.linear.gather [hbm4b:s31+s8], $0x2000, $0x38;
	[tilespmem:$0x1FE00] =	vst v63  }
0x1d: {  	s5 =	rddreg [dreg:$0x7];
	s12 =	simm.s32 $0x0;
	s1 =	simm.s32 @!p0 $0x800  }
0x1e: {  	[tilespmem:s4], [sflag:$0x1] =	stream.strided.gather @!p0 [hbm4b:s5+s1], $0x4000, s2, s1, $0x38;
	[tilespmem:$0x1FE00] =	vst v63  }
0x1f: {  	s1 =	simm.s32 $0x0;
	s2 =	simm.s32 $0x0;
	s4 =	simm.s32 $0x0  }
.LBB2_2:
0x20: {  	s5 =	sshll.u32 s4, $0x8  }
0x21: {  	s6 =	simm.s32 $0x0;
	s5 =	sadd.s32 s0, s5  }
0x22: {  	[tilespmem:s6], [sflag:$0x5] =	stream.linear.gather [hbm4b:s5+s6], $0x800, $0x38;
	[tilespmem:$0x1FE00] =	vst v63  }
0x23: {  	_ =	swait.ge [sflag:s18], $0x800  }
0x24: {  	[sflag:s18] =	ssyncset.done $0x0  }
0x25: {  	s29 =	simm.s32 $0x0;
	[sflag:s18] =	ssyncadd.s32 $0xFFFFF800  }
0x26: {  	v10 =	vld [tilespmem:s29+$0x0];
	_ =	sdelay $0x4  }
0x27: {  	v11 =	vshra.s32 v10, $0x8  }
0x28: {  	vm0 =	vge.s32 v11, v0;
	vm1 =	vlt.s32 v11, v1  }
0x29: {  	vm0 =	vmand vm0, vm1  }
0x2a: {  	v11 =	vsel vm0, $0x1, v5  }
0x2b: {  	(xrf0) =	vadd.scan.msk.s32 $0xffff, v11;
	_ =	sdelay $0x4  }
0x2c: {  	v11 =	vsel vm0, $0xFFFFFFFF, v5  }
0x2d: {  	v11 =	vadd.s32 s12, v11;
	v12, _, _ =	vpop (xrf0)  }
0x2e: {  	v11 =	vadd.s32 v12, v11;
	v12 =	vmpcnt.ones.xlane vm0;
	_ =	sdelay $0x1  }
0x2f: {  	vm1 =	vlt.u32 v11, $0x400;
	(v2sf) =	vpush v12, $0x0  }
0x30: {  	v10 =	vsub.s32 v10, v2;
	vm0 =	vmand vm0, vm1  }
0x31: {  	[tilespmem:s2+$0x4800] =	vst.msk vm0, v10;
	v10 =	vor.u32 s1, v4;
	v11 =	vmpcnt.ones.xlane vm0  }
0x32: {  	s30 =	simm.s32 $0x10;
	[tilespmem:s2+$0x4C80] =	vst.msk vm0, v10  }
0x33: {  	v10 =	vld [tilespmem:s30+$0x0];
	(v2sf) =	vpush v11, $0x0;
	_ =	sdelay $0x4  }
0x34: {  	v11 =	vshra.s32 v10, $0x8  }
0x35: {  	vm0 =	vge.s32 v11, v0;
	vm1 =	vlt.s32 v11, v1  }
0x36: {  	vm0 =	vmand vm0, vm1  }
0x37: {  	v11 =	vsel vm0, $0x1, v5  }
0x38: {  	(xrf0) =	vadd.scan.msk.s32 $0xffff, v11;
	v11 =	vmpcnt.ones.xlane vm0;
	_ =	sdelay $0x1  }
0x39: {  	s31 =	spop (v2sf);
	(v2sf) =	vpush v11, $0x0  }
0x3a: {  	v12 =	vsel vm0, $0xFFFFFFFF, v5;
	_ =	sdelay $0x1  }
0x3b: {  	s5 =	sadd.s32 s12, s31  }
0x3c: {  	s6 =	smov.u32 s1;
	s12 =	simm.s32 $0x80;
	v11 =	vadd.s32 s5, v12;
	v12, _, _ =	vpop (xrf0);
	s14 =	spop (v2sf)  }
.LBB2_3:
0x3d: {  	s2 =	sadd.s32 s2, s14  }
0x3e: {  	v11 =	vadd.s32 v12, v11;
	s6 =	sadd.s32 $0x10, s6;
	s14 =	smov.u32 s12;
	s19 =	sadd.s32 $0x40, s12  }
0x3f: {  	p2 =	sne.s32 s12, $0x1FC0;
	vm1 =	vlt.u32 v11, $0x400  }
0x40: {  	v10 =	vsub.s32 v10, v2;
	vm0 =	vmand vm0, vm1  }
0x41: {  	[tilespmem:s2+$0x4800] =	vst.msk vm0, v10;
	v10 =	vor.u32 s6, v4;
	v11 =	vmpcnt.ones.xlane vm0  }
0x42: {  	s12 =	sshra.s32 s14, $0x2;
	[tilespmem:s2+$0x4C80] =	vst.msk vm0, v10  }
0x43: {  	v10 =	vld [tilespmem:s12+$0x0];
	(v2sf) =	vpush v11, $0x0;
	_ =	sdelay $0x3  }
0x44: {  	s12 =	spop (v2sf)  }
0x45: {  	v11 =	vshra.s32 v10, $0x8;
	s5 =	sadd.s32 s5, s12  }
0x46: {  	vm0 =	vge.s32 v11, v0;
	vm1 =	vlt.s32 v11, v1  }
0x47: {  	vm0 =	vmand vm0, vm1  }
0x48: {  	v11 =	vsel vm0, $0xFFFFFFFF, v5;
	v12 =	vsel vm0, $0x1, v5;
	v13 =	vmpcnt.ones.xlane vm0  }
0x49: {  	(xrf0) =	vadd.scan.msk.s32 $0xffff, v12  }
0x4a: {  	(v2sf) =	vpush v13, $0x0  }
.Ltmp2:
0x4b: {  	(pc) =	sbr.rel @p2 .LBB2_3-.Ltmp2, $2  }
0x4c: {  	_ =	sdelay $0x2  }
0x4d: {  	s12 =	smov.u32 s19;
	v11 =	vadd.s32 s5, v11;
	v12, _, _ =	vpop (xrf0);
	s14 =	spop (v2sf)  }
0x4e: {  	v11 =	vadd.s32 v12, v11  }
0x4f: {  	vm1 =	vlt.u32 v11, $0x400  }
0x50: {  	vm0 =	vmand vm0, vm1  }
0x51: {  	v11 =	vmpcnt.ones.xlane vm0;
	_ =	sdelay $0x1  }
0x52: {  	(v2sf) =	vpush v11, $0x0;
	_ =	sdelay $0x9  }
0x53: {  	s4 =	sadd.s32 $0x1, s4  }
0x54: {  	p2 =	sne.s32 s4, $0x8  }
.Ltmp3:
0x55: {  	_ = 	snop;
	(pc) =	sbr.rel @p2 .LBB2_2-.Ltmp3, $4  }
0x56: {  	_ = 	snop  }
0x57: {  	s2 =	sadd.s32 s2, s14;
	s6 =	sadd.s32 $0x10, s6;
	v10 =	vsub.s32 v10, v2;
	s12 =	spop (v2sf)  }
0x58: {  	[tilespmem:s2+$0x4800] =	vst.msk vm0, v10;
	v10 =	vor.u32 s6, v4;
	s31 =	spop (v2sf)  }
0x59: {  	s1 =	sadd.s32 $0x800, s1;
	[tilespmem:s2+$0x4C80] =	vst.msk vm0, v10;
	s12 =	sadd.s32 s5, s12;
	s2 =	sadd.s32 s2, s31  }
0x5a: {  	[dreg:$0xa] =	wrdreg s12;
	[tilespmem:s2+$0x4800] =	vst v6;
	s4 =	simm.s32 $0x4  }
0x5b: {  	_ =	swait.ge [sflag:s4], $0x4000  }
0x5c: {  	[sflag:s4] =	ssyncset.done $0x0  }
0x5d: {  	[sflag:s4] =	ssyncadd.s32 $0xFFFFC000  }
0x5e: {  	_ =	swait.ge [sflag:s4], $0x10000  }
.Ltmp4:
0x5f: {  	[sflag:s4] =	ssyncset.done $0x0;
	(pc) =	sbr.rel @!p1 .LBB2_6-.Ltmp4, $4  }
0x60: {  	[sflag:s4] =	ssyncadd.s32 $0xFFFF0000  }
0x61: {  	_ =	swait.ge [sflag:s4], $0x2000  }
0x62: {  	s1 =	sadd.s32 $0xF, s2;
	[sflag:s4] =	ssyncset.done $0x0  }
0x63: {  	s29 =	simm.s32 $0x0;
	s28 =	sshra.s32 s1, $0x4;
	[sflag:s4] =	ssyncadd.s32 $0xFFFFE000  }
.LBB2_37:
0x64: {  	p2 =	slt.s32 s28, $0x1  }
.Ltmp5:
0x65: {  	_ = 	snop;
	(pc) =	sbr.rel @p2 .LBB2_52-.Ltmp5, $1  }
0x66: {  	_ =	sdelay $0x3  }
0x67: {  	p3 =	sne.s32 s28, $0x1  }
.Ltmp6:
0x68: {  	_ = 	snop;
	(pc) =	sbr.rel @!p3 .LBB2_39-.Ltmp6, $3  }
0x69: {  	_ =	sdelay $0x1  }
0x6a: {  	s4 =	simm.s32 $0x0;
	s2 =	simm.s32 $0x4800  }
0x6b: {  	s1 =	simm.s32 $0x4C80;
	p2 =	por $0x0, $0x0;
	v10 =	vld [tilespmem:s2+$0x0];
	s2 =	sadd.s32 $0xFFFFFFFF, s28  }
0x6c: {  	_ =	sdelay $0x3  }
0x6d: {  	v12 =	vshra.s32 v10, $0x8  }
0x6e: {  	vm0 =	veq.s32 v12, v3  }
0x6f: {  	v12 =	vmpcnt.ones.xlane vm0;
	_ =	sdelay $0x1  }
0x70: {  	(v2sf) =	vpush v12, $0x0  }
0x71: {  	v11 =	vld [tilespmem:s1+$0x0]  }
0x72: {  	p3 =	sne.s32 s2, $0x1  }
.Ltmp7:
0x73: {  	_ = 	snop;
	(pc) =	sbr.rel @!p3 .LBB2_41-.Ltmp7, $4  }
0x74: {  	v10 =	vand.u32 $0xFF, v10  }
0x75: {  	[tilespmem:s4+$0x5100] =	vst.msk vm0, v10  }
0x76: {  	s6 =	simm.s32 $0x4810;
	s12 =	sadd.s32 $0xFFFFFFFF, s2;
	[tilespmem:s4+$0x5580] =	vst.msk vm0, v11  }
0x77: {  	p2 =	por $0x1, $0x1;
	s2 =	simm.s32 $0x4C80;
	s5 =	simm.s32 $0x0;
	v10 =	vld [tilespmem:s6+$0x0]  }
.LBB2_42:
0x78: {  	p3 =	sne.s32 s12, $0x1;
	_ =	sdelay $0x3  }
0x79: {  	s2 =	sadd.s32 $0x10, s2;
	v11 =	vshra.s32 v10, $0x8;
	v10 =	vand.u32 $0xFF, v10  }
0x7a: {  	v12 =	vld [tilespmem:s2+$0x0];
	vm0 =	veq.s32 v11, v3  }
0x7b: {  	v11 =	vmpcnt.ones.xlane vm0  }
0x7c: {  	s14 =	spop (v2sf)  }
0x7d: {  	(v2sf) =	vpush v11, $0x0;
	s5 =	sadd.s32 s5, s14  }
0x7e: {  	[tilespmem:s5+$0x5100] =	vst.msk vm0, v10  }
0x7f: {  	[tilespmem:s5+$0x5580] =	vst.msk vm0, v12  }
.Ltmp8:
0x80: {  	(pc) =	sbr.rel @p3 .LBB2_42-.Ltmp8, $3  }
0x81: {  	_ =	sdelay $0x1  }
0x82: {  	s6 =	sadd.s32 $0x10, s6  }
0x83: {  	s12 =	sadd.s32 $0xFFFFFFFF, s12;
	v10 =	vld [tilespmem:s6+$0x0]  }
.LBB2_43:
0x84: {  	_ =	sdelay $0x3  }
0x85: {  	v11 =	vshra.s32 v10, $0x8  }
0x86: {  	vm0 =	veq.s32 v11, v3  }
0x87: {  	v11 =	vmpcnt.ones.xlane vm0;
	_ =	sdelay $0x1  }
0x88: {  	(v2sf) =	vpush v11, $0x0;
	_ =	sdelay $0xc  }
0x89: {  	s2 =	sadd.s32 @p2 $0x10, s2;
	s6 =	spop @p2 (v2sf)  }
0x8a: {  	s1 =	smov.u32 @p2 s2;
	s2 =	sadd.s32 @p2 s5, s6  }
0x8b: {  	s4 =	smov.u32 @p2 s2;
	s30 =	spop (v2sf)  }
0x8c: {  	v11 =	vld [tilespmem:s1+$0x0];
	s1 =	sadd.s32 s4, s30  }
0x8d: {  	s31 =	sadd.s32 $0x3, s1  }
0x8e: {  	s2 =	sshra.s32 s31, $0x2  }
0x8f: {  	p2 =	slt.s32 s2, $0x1  }
.Ltmp9:
0x90: {  	_ = 	snop;
	(pc) =	sbr.rel @p2 .LBB2_52-.Ltmp9, $4  }
0x91: {  	_ = 	snop  }
0x92: {  	v10 =	vand.u32 $0xFF, v10  }
0x93: {  	[tilespmem:s4+$0x5100] =	vst.msk vm0, v10  }
0x94: {  	[tilespmem:s4+$0x5580] =	vst.msk vm0, v11  }
.Ltmp10:
0x95: {  	(pc) =	sbr.rel .LBB2_45-.Ltmp10, $2  }
0x96: {  	_ =	sdelay $0x2  }
0x97: {  	v10 =	vmov s1;
	s4 =	simm.s32 $0x0;
	s5 =	smov.u32 s1;
	s6 =	simm.s32 $0x0  }
.LBB2_36:
0x98: {  	s29 =	sadd.s32 $0x1, s29  }
0x99: {  	p2 =	sne.s32 s29, s13  }
.Ltmp11:
0x9a: {  	_ = 	snop;
	(pc) =	sbr.rel @!p2 .LBB2_37-.Ltmp11, $1  }
0x9b: {  	_ =	sdelay $0x3  }
.LBB2_6:
0x9c: {  	s30 =	sshllo.u32 s29, $0x1  }
0x9d: {  	p2 =	sge.s32 s30, s11  }
0x9e: {  	s1 =	sadd.s32 @!p2 s9, s30  }
0x9f: {  	s2 =	simm.s32 @!p2 $0x800;
	s1 =	sshll.u32 @!p2 s1, $0x8  }
0xa0: {  	p3 =	slt.s32 s28, $0x1;
	s4 =	simm.s32 @!p2 $0x7A1400;
	s1 =	sand.u32 @!p2 $0x1FFFFF00, s1  }
.Ltmp12:
0xa1: {  	s5 =	simm.s32 @!p2 $0x9A00;
	s1 =	sadd.s32 @!p2 s3, s1;
	(pc) =	sbr.rel @p3 .LBB2_21-.Ltmp12, $4  }
0xa2: {  	[tilespmem:s5], [sflag:$0x2] =	stream.strided.gather @!p2 [hbm4b:s1+s2], $0x4000, s4, s2, $0x38;
	[tilespmem:$0x1FE00] =	vst v63  }
0xa3: {  	_ =	swait.ge [sflag:s10], $0x4000  }
0xa4: {  	[sflag:s10] =	ssyncset.done $0x0  }
0xa5: {  	s31 =	sshll.u32 s29, $0x1;
	[sflag:s10] =	ssyncadd.s32 $0xFFFFC000  }
0xa6: {  	p4 =	sne.s32 s28, $0x1  }
.Ltmp13:
0xa7: {  	_ = 	snop;
	(pc) =	sbr.rel @!p4 .LBB2_8-.Ltmp13, $3  }
0xa8: {  	_ =	sdelay $0x1  }
0xa9: {  	s2 =	simm.s32 $0x0;
	s4 =	simm.s32 $0x4800  }
0xaa: {  	v10 =	vmov s31;
	s1 =	simm.s32 $0x4C80;
	p3 =	por $0x0, $0x0;
	v11 =	vld [tilespmem:s4+$0x0];
	s4 =	sadd.s32 $0xFFFFFFFF, s28  }
0xab: {  	_ =	sdelay $0x3  }
0xac: {  	v13 =	vshra.s32 v11, $0x8  }
0xad: {  	vm0 =	veq.s32 v13, v10  }
0xae: {  	v13 =	vmpcnt.ones.xlane vm0;
	_ =	sdelay $0x1  }
0xaf: {  	(v2sf) =	vpush v13, $0x0  }
0xb0: {  	v12 =	vld [tilespmem:s1+$0x0]  }
0xb1: {  	p4 =	sne.s32 s4, $0x1  }
.Ltmp14:
0xb2: {  	_ = 	snop;
	(pc) =	sbr.rel @!p4 .LBB2_10-.Ltmp14, $4  }
0xb3: {  	v11 =	vand.u32 $0xFF, v11  }
0xb4: {  	[tilespmem:s2+$0x5100] =	vst.msk vm0, v11  }
0xb5: {  	s6 =	simm.s32 $0x4810;
	s12 =	sadd.s32 $0xFFFFFFFF, s4;
	[tilespmem:s2+$0x5580] =	vst.msk vm0, v12  }
0xb6: {  	p3 =	por $0x1, $0x1;
	s4 =	simm.s32 $0x4C80;
	s5 =	simm.s32 $0x0;
	v11 =	vld [tilespmem:s6+$0x0]  }
.LBB2_11:
0xb7: {  	p4 =	sne.s32 s12, $0x1;
	_ =	sdelay $0x3  }
0xb8: {  	s4 =	sadd.s32 $0x10, s4;
	v12 =	vshra.s32 v11, $0x8;
	v11 =	vand.u32 $0xFF, v11  }
0xb9: {  	v13 =	vld [tilespmem:s4+$0x0];
	vm0 =	veq.s32 v12, v10  }
0xba: {  	v12 =	vmpcnt.ones.xlane vm0  }
0xbb: {  	s14 =	spop (v2sf)  }
0xbc: {  	(v2sf) =	vpush v12, $0x0;
	s5 =	sadd.s32 s5, s14  }
0xbd: {  	[tilespmem:s5+$0x5100] =	vst.msk vm0, v11  }
0xbe: {  	[tilespmem:s5+$0x5580] =	vst.msk vm0, v13  }
.Ltmp15:
0xbf: {  	(pc) =	sbr.rel @p4 .LBB2_11-.Ltmp15, $3  }
0xc0: {  	_ =	sdelay $0x1  }
0xc1: {  	s6 =	sadd.s32 $0x10, s6  }
0xc2: {  	s12 =	sadd.s32 $0xFFFFFFFF, s12;
	v11 =	vld [tilespmem:s6+$0x0]  }
.LBB2_12:
0xc3: {  	_ =	sdelay $0x3  }
0xc4: {  	v12 =	vshra.s32 v11, $0x8  }
0xc5: {  	vm0 =	veq.s32 v12, v10  }
0xc6: {  	v10 =	vmpcnt.ones.xlane vm0;
	_ =	sdelay $0x1  }
0xc7: {  	(v2sf) =	vpush v10, $0x0;
	_ =	sdelay $0xc  }
0xc8: {  	s4 =	sadd.s32 @p3 $0x10, s4;
	s6 =	spop @p3 (v2sf)  }
0xc9: {  	s1 =	smov.u32 @p3 s4;
	s4 =	sadd.s32 @p3 s5, s6  }
0xca: {  	s2 =	smov.u32 @p3 s4;
	s26 =	spop (v2sf)  }
0xcb: {  	s5 =	sadd.s32 s2, s26  }
0xcc: {  	v10 =	vld [tilespmem:s1+$0x0];
	s1 =	sadd.s32 $0x3, s5  }
0xcd: {  	s1 =	sshra.s32 s1, $0x2  }
0xce: {  	p3 =	slt.s32 s1, $0x1  }
.Ltmp16:
0xcf: {  	_ = 	snop;
	(pc) =	sbr.rel @p3 .LBB2_21-.Ltmp16, $4  }
0xd0: {  	_ = 	snop  }
0xd1: {  	v11 =	vand.u32 $0xFF, v11  }
0xd2: {  	[tilespmem:s2+$0x5100] =	vst.msk vm0, v11  }
0xd3: {  	[tilespmem:s2+$0x5580] =	vst.msk vm0, v10  }
.Ltmp17:
0xd4: {  	(pc) =	sbr.rel .LBB2_14-.Ltmp17, $2  }
0xd5: {  	_ =	sdelay $0x2  }
0xd6: {  	v10 =	vmov s5;
	s2 =	simm.s32 $0x0;
	s4 =	smov.u32 s5;
	s6 =	simm.s32 $0x0  }
.LBB2_19:
0xd7: {  	[sflag:s24] =	ssyncadd.s32 $0xFFFFFFC0  }
.LBB2_20:
0xd8: {  	s6 =	sadd.s32 $0x1, s6  }
0xd9: {  	p3 =	sne.s32 s6, s1  }
.Ltmp18:
0xda: {  	_ = 	snop;
	(pc) =	sbr.rel @!p3 .LBB2_21-.Ltmp18, $2  }
0xdb: {  	_ =	sdelay $0x2  }
0xdc: {  	s4 =	sadd.s32 $0xFFFFFFFC, s4  }
.LBB2_14:
0xdd: {  	s19 =	sshll.u32 s6, $0x2  }
0xde: {  	v12 =	vor.u32 s19, v7  }
0xdf: {  	vm0 =	vlt.s32 v12, v10;
	_ =	sdelay $0x5  }
0xe0: {  	v11 =	vld.idx.msk [tilespmem:v12+s21+$0x0], vm0;
	_ =	sdelay $0x5  }
0xe1: {  	v12 =	vld.idx.msk [tilespmem:v12+s20+$0x0], vm0;
	_ =	sdelay $0x1  }
0xe2: {  	v13 =	vld.idx.msk [tilespmem:v11+s15+$0x0], vm0;
	_ =	sdelay $0x2  }
0xe3: {  	v14 =	vshll.u32 v12, $0x3  }
0xe4: {  	v15 =	vmov s2;
	v12 =	vand.u32 $0x7F, v12;
	v14 =	vand.u32 $0xFFFFFC00, v14  }
0xe5: {  	v12 =	vor.u32 v12, v14;
	v14 =	vand.u32 $0x7F, v13;
	v13 =	vshll.u32 v13, $0x3  }
0xe6: {  	v16 =	vshll.u32 v15, $0x7;
	v15 =	vshrl.u32 v15, $0x3;
	v13 =	vand.u32 $0xFFFFFC00, v13  }
0xe7: {  	v13 =	vor.u32 v14, v13;
	v14 =	vor.u32 v8, v16;
	v16 =	vshll.u32 v15, $0xD  }
0xe8: {  	v15 =	vshll.u32 v15, $0xB;
	v14 =	vand.u32 $0x380, v14;
	v16 =	vadd.s32 v13, v16  }
0xe9: {  	v15 =	vadd.s32 v12, v15;
	v16 =	vor.u32 v14, v16  }
0xea: {  	v15 =	vor.u32 v14, v15;
	_ =	sdelay $0x2  }
0xeb: {  	p3 =	sgt.s32 s4, $0x1;
	s12 =	smov.u32 s4;
	s25 =	simm.s32 $0x4  }
0xec: {  	s12 =	simm.s32 @!p3 $0x1;
	v14 =	vld.idx.msk [tilespmem:v16+s16+$0x0], vm0;
	v16 =	vmov s25  }
0xed: {  	s26 =	simm.s32 $0x8;
	s14 =	smin.u32 s12, $0x4;
	s12 =	simm.s32 $0x0;
	v15 =	vld.idx.msk [tilespmem:v15+s22+$0x0], vm0;
	v17 =	vshll.u32 v16, $0x7;
	v16 =	vshrl.u32 v16, $0x3  }
.LBB2_15:
0xee: {  	p3 =	sne.s32 s26, $0x3C;
	v17 =	vor.u32 v8, v17;
	v18 =	vshll.u32 v16, $0xD;
	v19 =	vor.u32 s12, v9;
	s12 =	smov.u32 s25;
	s25 =	smov.u32 s26  }
0xef: {  	v16 =	vshll.u32 v16, $0xB;
	v17 =	vand.u32 $0x380, v17;
	v18 =	vadd.s32 v13, v18  }
0xf0: {  	v16 =	vadd.s32 v12, v16;
	v18 =	vor.u32 v17, v18  }
0xf1: {  	v16 =	vor.u32 v17, v16  }
0xf2: {  	v14 =	vadd.f32 v14, v15  }
.Ltmp19:
0xf3: {  	(pc) =	sbr.rel @p3 .LBB2_15-.Ltmp19, $4  }
0xf4: {  	[tilespmem:v19+s23+$0x0] =	vst.idx.msk vm0, v14  }
0xf5: {  	v14 =	vld.idx.msk [tilespmem:v18+s16+$0x0], vm0  }
0xf6: {  	v18 =	vmov s26;
	v15 =	vld.idx.msk [tilespmem:v16+s22+$0x0], vm0  }
0xf7: {  	s26 =	sadd.s32 $0x4, s26;
	v17 =	vshll.u32 v18, $0x7;
	v16 =	vshrl.u32 v18, $0x3  }
0xf8: {  	v17 =	vor.u32 v8, v17;
	v18 =	vshll.u32 v16, $0xD;
	v19 =	vor.u32 s12, v9  }
0xf9: {  	v62 =	vshll.u32 v16, $0xB;
	v17 =	vand.u32 $0x380, v17;
	v13 =	vadd.s32 v13, v18  }
0xfa: {  	v12 =	vadd.s32 v12, v62;
	v13 =	vor.u32 v17, v13  }
0xfb: {  	v12 =	vor.u32 v17, v12  }
0xfc: {  	v14 =	vadd.f32 v14, v15;
	_ =	sdelay $0x1  }
0xfd: {  	[tilespmem:v19+s23+$0x0] =	vst.idx.msk vm0, v14  }
0xfe: {  	v13 =	vld.idx.msk [tilespmem:v13+s16+$0x0], vm0  }
0xff: {  	v12 =	vld.idx.msk [tilespmem:v12+s22+$0x0], vm0  }
0x100: {  	s12 =	ssub.s32 s5, s19  }
0x101: {  	v63 =	vor.u32 s25, v9;
	p3 =	slt.s32 s12, $0x1  }
.Ltmp20:
0x102: {  	_ = 	snop;
	(pc) =	sbr.rel @p3 .LBB2_20-.Ltmp20, $3  }
0x103: {  	_ = 	snop  }
0x104: {  	v12 =	vadd.f32 v13, v12;
	_ =	sdelay $0x1  }
0x105: {  	[tilespmem:v63+s23+$0x0] =	vst.idx.msk vm0, v12  }
0x106: {  	(v2sf) =	vpush v11, $0x0;
	_ =	sdelay $0x1  }
0x107: {  	p5 =	seq.s32 s12, $0x1  }
0x108: {  	(v2sf) =	vpush @!p5 v11, $0x4;
	_ =	sdelay $0x1  }
0x109: {  	p3 =	slt.u32 @!p5 s12, $0x3  }
0x10a: {  	p4 =	por p3, p5  }
0x10b: {  	(v2sf) =	vpush @!p4 v11, $0x8;
	_ =	sdelay $0x2  }
0x10c: {  	p6 =	seq.s32 @!p4 s12, $0x3  }
0x10d: {  	p3 =	por @!p5 p6, p3  }
0x10e: {  	p3 =	por p3, p5  }
0x10f: {  	(v2sf) =	vpush @!p3 v11, $0xC;
	_ =	sdelay $0x1  }
0x110: {  	s26 =	spop (v2sf)  }
0x111: {  	s12 =	sshll.u32 s26, $0x3  }
0x112: {  	s12 =	sand.u32 $0x1FFFFFF8, s12  }
0x113: {  	s19 =	spop @!p5 (v2sf);
	s12 =	sadd.s32 s7, s12  }
0x114: {  	[hbm4b:s12+s8] =	stream.linear.scatter [tilespmem:s23], [sflag:$0x3], $0x40, $0x38;
	[tilespmem:$0x1FE00] =	vst v63  }
0x115: {  	s12 =	sshll.u32 @!p5 s19, $0x3  }
0x116: {  	s25 =	simm.s32 @!p5 $0x0;
	s12 =	sand.u32 @!p5 $0x1FFFFFF8, s12  }
0x117: {  	s26 =	simm.s32 @!p5 $0x1FA40;
	s19 =	spop @!p4 (v2sf);
	s12 =	sadd.s32 @!p5 s7, s12  }
0x118: {  	[hbm4b:s12+s25] =	stream.linear.scatter @!p5 [tilespmem:s26], [sflag:$0x3], $0x40, $0x38;
	[tilespmem:$0x1FE00] =	vst v63  }
0x119: {  	s12 =	sshll.u32 @!p4 s19, $0x3  }
0x11a: {  	s12 =	sand.u32 @!p4 $0x1FFFFFF8, s12  }
0x11b: {  	s19 =	simm.s32 @!p4 $0x0;
	s25 =	simm.s32 @!p4 $0x1FA80;
	s12 =	sadd.s32 @!p4 s7, s12  }
0x11c: {  	[hbm4b:s12+s19] =	stream.linear.scatter @!p4 [tilespmem:s25], [sflag:$0x3], $0x40, $0x38;
	[tilespmem:$0x1FE00] =	vst v63  }
0x11d: {  	s12 =	spop @!p3 (v2sf)  }
0x11e: {  	s12 =	sshll.u32 @!p3 s12, $0x3  }
0x11f: {  	s12 =	sand.u32 @!p3 $0x1FFFFFF8, s12  }
0x120: {  	s19 =	simm.s32 @!p3 $0x0;
	s25 =	simm.s32 @!p3 $0x1FAC0;
	s12 =	sadd.s32 @!p3 s7, s12  }
0x121: {  	[hbm4b:s12+s19] =	stream.linear.scatter @!p3 [tilespmem:s25], [sflag:$0x3], $0x40, $0x38;
	[tilespmem:$0x1FE00] =	vst v63  }
0x122: {  	p3 =	sne.s32 s14, $0x1  }
.Ltmp21:
0x123: {  	_ = 	snop;
	(pc) =	sbr.rel @!p3 .LBB2_19-.Ltmp21, $3  }
0x124: {  	_ =	sdelay $0x1  }
0x125: {  	_ =	swait.ge [sflag:s24], $0x40  }
0x126: {  	s12 =	sadd.s32 $0xFFFFFFFF, s14;
	[sflag:s24] =	ssyncset.done $0x0  }
.LBB2_18:
0x127: {  	p3 =	sne.s32 s12, $0x1;
	s12 =	sadd.s32 $0xFFFFFFFF, s12;
	[sflag:s24] =	ssyncadd.s32 $0xFFFFFFC0  }
.Ltmp22:
0x128: {  	(pc) =	sbr.rel @p3 .LBB2_18-.Ltmp22, $3  }
0x129: {  	_ =	sdelay $0x1  }
0x12a: {  	_ =	swait.ge [sflag:s24], $0x40  }
0x12b: {  	[sflag:s24] =	ssyncset.done $0x0  }
.Ltmp23:
0x12c: {  	_ = 	snop;
	(pc) =	sbr.rel .LBB2_19-.Ltmp23, $1  }
0x12d: {  	_ =	sdelay $0x3  }
.LBB2_21:
0x12e: {  	s1 =	sadd.s32 @!p2 $0x2, s31  }
0x12f: {  	p3 =	sge.s32 @!p2 s1, s11  }
0x130: {  	p3 =	por p3, p2  }
0x131: {  	s1 =	sadd.s32 @!p3 s9, s1  }
0x132: {  	s1 =	sshll.u32 @!p3 s1, $0x8  }
0x133: {  	s2 =	simm.s32 @!p3 $0x800;
	s1 =	sand.u32 @!p3 $0x1FFFFF00, s1  }
0x134: {  	s4 =	simm.s32 @!p3 $0x7A1400;
	s5 =	simm.s32 @!p3 $0x5A00;
	s1 =	sadd.s32 @!p3 s3, s1  }
0x135: {  	[tilespmem:s5], [sflag:$0x1] =	stream.strided.gather @!p3 [hbm4b:s1+s2], $0x4000, s4, s2, $0x38;
	[tilespmem:$0x1FE00] =	vst v63  }
0x136: {  	p3 =	slt.s32 @!p2 s28, $0x1  }
0x137: {  	p3 =	por p2, p3  }
.Ltmp24:
0x138: {  	_ = 	snop;
	(pc) =	sbr.rel @p3 .LBB2_36-.Ltmp24, $4  }
0x139: {  	s1 =	simm.s32 @!p2 $0x2  }
0x13a: {  	_ =	swait.ge @!p2 [sflag:s1], $0x4000  }
0x13b: {  	[sflag:s1] =	ssyncset.done @!p2 $0x0  }
0x13c: {  	[sflag:s1] =	ssyncadd.s32 @!p2 $0xFFFFC000  }
0x13d: {  	p3 =	sne.s32 s28, $0x1  }
.Ltmp25:
0x13e: {  	_ = 	snop;
	(pc) =	sbr.rel @!p3 .LBB2_23-.Ltmp25, $3  }
0x13f: {  	_ =	sdelay $0x1  }
0x140: {  	s2 =	simm.s32 $0x0;
	s4 =	simm.s32 $0x4800  }
0x141: {  	v10 =	vmov s30;
	s1 =	simm.s32 $0x4C80;
	p2 =	por $0x0, $0x0;
	v11 =	vld [tilespmem:s4+$0x0];
	s4 =	sadd.s32 $0xFFFFFFFF, s28  }
0x142: {  	_ =	sdelay $0x3  }
0x143: {  	v13 =	vshra.s32 v11, $0x8  }
0x144: {  	vm0 =	veq.s32 v13, v10  }
0x145: {  	v13 =	vmpcnt.ones.xlane vm0;
	_ =	sdelay $0x1  }
0x146: {  	(v2sf) =	vpush v13, $0x0  }
0x147: {  	v12 =	vld [tilespmem:s1+$0x0]  }
0x148: {  	p3 =	sne.s32 s4, $0x1  }
.Ltmp26:
0x149: {  	_ = 	snop;
	(pc) =	sbr.rel @!p3 .LBB2_25-.Ltmp26, $4  }
0x14a: {  	v11 =	vand.u32 $0xFF, v11  }
0x14b: {  	[tilespmem:s2+$0x5100] =	vst.msk vm0, v11  }
0x14c: {  	s6 =	simm.s32 $0x4810;
	s12 =	sadd.s32 $0xFFFFFFFF, s4;
	[tilespmem:s2+$0x5580] =	vst.msk vm0, v12  }
0x14d: {  	p2 =	por $0x1, $0x1;
	s4 =	simm.s32 $0x4C80;
	s5 =	simm.s32 $0x0;
	v11 =	vld [tilespmem:s6+$0x0]  }
.LBB2_26:
0x14e: {  	p3 =	sne.s32 s12, $0x1;
	_ =	sdelay $0x3  }
0x14f: {  	s4 =	sadd.s32 $0x10, s4;
	v12 =	vshra.s32 v11, $0x8;
	v11 =	vand.u32 $0xFF, v11  }
0x150: {  	v13 =	vld [tilespmem:s4+$0x0];
	vm0 =	veq.s32 v12, v10  }
0x151: {  	v12 =	vmpcnt.ones.xlane vm0  }
0x152: {  	s14 =	spop (v2sf)  }
0x153: {  	(v2sf) =	vpush v12, $0x0;
	s5 =	sadd.s32 s5, s14  }
0x154: {  	[tilespmem:s5+$0x5100] =	vst.msk vm0, v11  }
0x155: {  	[tilespmem:s5+$0x5580] =	vst.msk vm0, v13  }
.Ltmp27:
0x156: {  	(pc) =	sbr.rel @p3 .LBB2_26-.Ltmp27, $3  }
0x157: {  	_ =	sdelay $0x1  }
0x158: {  	s6 =	sadd.s32 $0x10, s6  }
0x159: {  	s12 =	sadd.s32 $0xFFFFFFFF, s12;
	v11 =	vld [tilespmem:s6+$0x0]  }
.LBB2_27:
0x15a: {  	_ =	sdelay $0x3  }
0x15b: {  	v12 =	vshra.s32 v11, $0x8  }
0x15c: {  	vm0 =	veq.s32 v12, v10  }
0x15d: {  	v10 =	vmpcnt.ones.xlane vm0;
	_ =	sdelay $0x1  }
0x15e: {  	(v2sf) =	vpush v10, $0x0;
	_ =	sdelay $0xc  }
0x15f: {  	s4 =	sadd.s32 @p2 $0x10, s4;
	s6 =	spop @p2 (v2sf)  }
0x160: {  	s1 =	smov.u32 @p2 s4;
	s4 =	sadd.s32 @p2 s5, s6  }
0x161: {  	s2 =	smov.u32 @p2 s4;
	s31 =	spop (v2sf)  }
0x162: {  	s5 =	sadd.s32 s2, s31  }
0x163: {  	v10 =	vld [tilespmem:s1+$0x0];
	s1 =	sadd.s32 $0x3, s5  }
0x164: {  	s1 =	sshra.s32 s1, $0x2  }
0x165: {  	p2 =	slt.s32 s1, $0x1  }
.Ltmp28:
0x166: {  	_ = 	snop;
	(pc) =	sbr.rel @p2 .LBB2_36-.Ltmp28, $4  }
0x167: {  	_ = 	snop  }
0x168: {  	v11 =	vand.u32 $0xFF, v11  }
0x169: {  	[tilespmem:s2+$0x5100] =	vst.msk vm0, v11  }
0x16a: {  	[tilespmem:s2+$0x5580] =	vst.msk vm0, v10  }
.Ltmp29:
0x16b: {  	(pc) =	sbr.rel .LBB2_29-.Ltmp29, $2  }
0x16c: {  	_ =	sdelay $0x2  }
0x16d: {  	v10 =	vmov s5;
	s2 =	simm.s32 $0x0;
	s4 =	smov.u32 s5;
	s30 =	simm.s32 $0x0  }
.LBB2_34:
0x16e: {  	[sflag:s24] =	ssyncadd.s32 $0xFFFFFFC0  }
.LBB2_35:
0x16f: {  	s30 =	sadd.s32 $0x1, s30  }
0x170: {  	p2 =	sne.s32 s30, s1  }
.Ltmp30:
0x171: {  	_ = 	snop;
	(pc) =	sbr.rel @!p2 .LBB2_36-.Ltmp30, $2  }
0x172: {  	_ =	sdelay $0x2  }
0x173: {  	s4 =	sadd.s32 $0xFFFFFFFC, s4  }
.LBB2_29:
0x174: {  	s14 =	sshll.u32 s30, $0x2  }
0x175: {  	v12 =	vor.u32 s14, v7  }
0x176: {  	vm0 =	vlt.s32 v12, v10;
	_ =	sdelay $0x5  }
0x177: {  	v11 =	vld.idx.msk [tilespmem:v12+s21+$0x0], vm0;
	_ =	sdelay $0x5  }
0x178: {  	v12 =	vld.idx.msk [tilespmem:v12+s20+$0x0], vm0;
	_ =	sdelay $0x1  }
0x179: {  	v13 =	vld.idx.msk [tilespmem:v11+s15+$0x0], vm0;
	_ =	sdelay $0x2  }
0x17a: {  	v15 =	vmov s2;
	v14 =	vshll.u32 v12, $0x3  }
0x17b: {  	v16 =	vshll.u32 v15, $0x7;
	v12 =	vand.u32 $0x7F, v12;
	v14 =	vand.u32 $0xFFFFFC00, v14  }
0x17c: {  	v12 =	vor.u32 v12, v14;
	v14 =	vand.u32 $0x7F, v13;
	v13 =	vshll.u32 v13, $0x3  }
0x17d: {  	v15 =	vshrl.u32 v15, $0x3;
	v12 =	vadd.s32 $0x4000, v12;
	v13 =	vand.u32 $0xFFFFFC00, v13  }
0x17e: {  	v13 =	vor.u32 v14, v13;
	v14 =	vor.u32 v8, v16;
	v16 =	vshll.u32 v15, $0xD  }
0x17f: {  	v15 =	vshll.u32 v15, $0xB;
	v14 =	vand.u32 $0x380, v14;
	v16 =	vadd.s32 v13, v16  }
0x180: {  	v15 =	vadd.s32 v15, v12;
	v16 =	vor.u32 v14, v16  }
0x181: {  	v15 =	vor.u32 v14, v15;
	_ =	sdelay $0x2  }
0x182: {  	p2 =	sgt.s32 s4, $0x1;
	s6 =	smov.u32 s4;
	s19 =	simm.s32 $0x4  }
0x183: {  	s6 =	simm.s32 @!p2 $0x1;
	v14 =	vld.idx.msk [tilespmem:v16+s16+$0x0], vm0;
	v16 =	vmov s19  }
0x184: {  	s25 =	simm.s32 $0x8;
	s12 =	simm.s32 $0x0;
	s6 =	smin.u32 s6, $0x4;
	v15 =	vld.idx.msk [tilespmem:v15+s22+$0x0], vm0;
	v17 =	vshll.u32 v16, $0x7;
	v16 =	vshrl.u32 v16, $0x3  }
.LBB2_30:
0x185: {  	p2 =	sne.s32 s25, $0x3C;
	v17 =	vor.u32 v8, v17;
	v18 =	vshll.u32 v16, $0xD;
	v19 =	vor.u32 s12, v9;
	s12 =	smov.u32 s19;
	s19 =	smov.u32 s25  }
0x186: {  	v16 =	vshll.u32 v16, $0xB;
	v17 =	vand.u32 $0x380, v17;
	v18 =	vadd.s32 v13, v18  }
0x187: {  	v16 =	vadd.s32 v16, v12;
	v18 =	vor.u32 v17, v18  }
0x188: {  	v16 =	vor.u32 v17, v16  }
0x189: {  	v14 =	vadd.f32 v14, v15  }
.Ltmp31:
0x18a: {  	(pc) =	sbr.rel @p2 .LBB2_30-.Ltmp31, $4  }
0x18b: {  	[tilespmem:v19+s23+$0x0] =	vst.idx.msk vm0, v14  }
0x18c: {  	v14 =	vld.idx.msk [tilespmem:v18+s16+$0x0], vm0  }
0x18d: {  	v18 =	vmov s25;
	v15 =	vld.idx.msk [tilespmem:v16+s22+$0x0], vm0  }
0x18e: {  	s25 =	sadd.s32 $0x4, s25;
	v17 =	vshll.u32 v18, $0x7;
	v16 =	vshrl.u32 v18, $0x3  }
0x18f: {  	v17 =	vor.u32 v8, v17;
	v18 =	vshll.u32 v16, $0xD;
	v19 =	vor.u32 s12, v9  }
0x190: {  	v62 =	vshll.u32 v16, $0xB;
	v17 =	vand.u32 $0x380, v17;
	v13 =	vadd.s32 v13, v18  }
0x191: {  	v12 =	vadd.s32 v62, v12;
	v13 =	vor.u32 v17, v13  }
0x192: {  	v12 =	vor.u32 v17, v12  }
0x193: {  	v14 =	vadd.f32 v14, v15;
	_ =	sdelay $0x1  }
0x194: {  	[tilespmem:v19+s23+$0x0] =	vst.idx.msk vm0, v14  }
0x195: {  	v13 =	vld.idx.msk [tilespmem:v13+s16+$0x0], vm0  }
0x196: {  	v12 =	vld.idx.msk [tilespmem:v12+s22+$0x0], vm0  }
0x197: {  	s12 =	ssub.s32 s5, s14  }
0x198: {  	v63 =	vor.u32 s19, v9;
	p2 =	slt.s32 s12, $0x1  }
.Ltmp32:
0x199: {  	_ = 	snop;
	(pc) =	sbr.rel @p2 .LBB2_35-.Ltmp32, $3  }
0x19a: {  	_ = 	snop  }
0x19b: {  	v12 =	vadd.f32 v13, v12;
	_ =	sdelay $0x1  }
0x19c: {  	[tilespmem:v63+s23+$0x0] =	vst.idx.msk vm0, v12  }
0x19d: {  	(v2sf) =	vpush v11, $0x0;
	_ =	sdelay $0x1  }
0x19e: {  	p4 =	seq.s32 s12, $0x1  }
0x19f: {  	(v2sf) =	vpush @!p4 v11, $0x4;
	_ =	sdelay $0x1  }
0x1a0: {  	p2 =	slt.u32 @!p4 s12, $0x3  }
0x1a1: {  	p3 =	por p2, p4  }
0x1a2: {  	(v2sf) =	vpush @!p3 v11, $0x8;
	_ =	sdelay $0x2  }
0x1a3: {  	p5 =	seq.s32 @!p3 s12, $0x3  }
0x1a4: {  	p2 =	por @!p4 p5, p2  }
0x1a5: {  	p2 =	por p2, p4  }
0x1a6: {  	(v2sf) =	vpush @!p2 v11, $0xC;
	_ =	sdelay $0x1  }
0x1a7: {  	s31 =	spop (v2sf)  }
0x1a8: {  	s12 =	sshll.u32 s31, $0x3  }
0x1a9: {  	s12 =	sand.u32 $0x1FFFFFF8, s12  }
0x1aa: {  	s14 =	spop @!p4 (v2sf);
	s12 =	sadd.s32 s7, s12  }
0x1ab: {  	[hbm4b:s12+s8] =	stream.linear.scatter [tilespmem:s23], [sflag:$0x3], $0x40, $0x38;
	[tilespmem:$0x1FE00] =	vst v63  }
0x1ac: {  	s12 =	sshll.u32 @!p4 s14, $0x3  }
0x1ad: {  	s19 =	simm.s32 @!p4 $0x0;
	s12 =	sand.u32 @!p4 $0x1FFFFFF8, s12  }
0x1ae: {  	s25 =	simm.s32 @!p4 $0x1FA40;
	s14 =	spop @!p3 (v2sf);
	s12 =	sadd.s32 @!p4 s7, s12  }
0x1af: {  	[hbm4b:s12+s19] =	stream.linear.scatter @!p4 [tilespmem:s25], [sflag:$0x3], $0x40, $0x38;
	[tilespmem:$0x1FE00] =	vst v63  }
0x1b0: {  	s12 =	sshll.u32 @!p3 s14, $0x3  }
0x1b1: {  	s12 =	sand.u32 @!p3 $0x1FFFFFF8, s12  }
0x1b2: {  	s14 =	simm.s32 @!p3 $0x0;
	s19 =	simm.s32 @!p3 $0x1FA80;
	s12 =	sadd.s32 @!p3 s7, s12  }
0x1b3: {  	[hbm4b:s12+s14] =	stream.linear.scatter @!p3 [tilespmem:s19], [sflag:$0x3], $0x40, $0x38;
	[tilespmem:$0x1FE00] =	vst v63  }
0x1b4: {  	s12 =	spop @!p2 (v2sf)  }
0x1b5: {  	s12 =	sshll.u32 @!p2 s12, $0x3  }
0x1b6: {  	s12 =	sand.u32 @!p2 $0x1FFFFFF8, s12  }
0x1b7: {  	s14 =	simm.s32 @!p2 $0x0;
	s19 =	simm.s32 @!p2 $0x1FAC0;
	s12 =	sadd.s32 @!p2 s7, s12  }
0x1b8: {  	[hbm4b:s12+s14] =	stream.linear.scatter @!p2 [tilespmem:s19], [sflag:$0x3], $0x40, $0x38;
	[tilespmem:$0x1FE00] =	vst v63  }
0x1b9: {  	p2 =	sne.s32 s6, $0x1  }
.Ltmp33:
0x1ba: {  	_ = 	snop;
	(pc) =	sbr.rel @!p2 .LBB2_34-.Ltmp33, $3  }
0x1bb: {  	_ =	sdelay $0x1  }
0x1bc: {  	_ =	swait.ge [sflag:s24], $0x40  }
0x1bd: {  	s6 =	sadd.s32 $0xFFFFFFFF, s6;
	[sflag:s24] =	ssyncset.done $0x0  }
.LBB2_33:
0x1be: {  	p2 =	sne.s32 s6, $0x1;
	s6 =	sadd.s32 $0xFFFFFFFF, s6;
	[sflag:s24] =	ssyncadd.s32 $0xFFFFFFC0  }
.Ltmp34:
0x1bf: {  	(pc) =	sbr.rel @p2 .LBB2_33-.Ltmp34, $3  }
0x1c0: {  	_ =	sdelay $0x1  }
0x1c1: {  	_ =	swait.ge [sflag:s24], $0x40  }
0x1c2: {  	[sflag:s24] =	ssyncset.done $0x0  }
.Ltmp35:
0x1c3: {  	_ = 	snop;
	(pc) =	sbr.rel .LBB2_34-.Ltmp35, $1  }
0x1c4: {  	_ =	sdelay $0x3  }
.LBB2_8:
.Ltmp36:
0x1c5: {  	(pc) =	sbr.rel .LBB2_12-.Ltmp36, $2  }
0x1c6: {  	_ =	sdelay $0x2  }
0x1c7: {  	s4 =	simm.s32 $0x4C80;
	s5 =	simm.s32 $0x0  }
.LBB2_23:
.Ltmp37:
0x1c8: {  	(pc) =	sbr.rel .LBB2_27-.Ltmp37, $2  }
0x1c9: {  	_ =	sdelay $0x2  }
0x1ca: {  	s4 =	simm.s32 $0x4C80;
	s5 =	simm.s32 $0x0  }
.LBB2_10:
.Ltmp38:
0x1cb: {  	(pc) =	sbr.rel .LBB2_12-.Ltmp38, $2  }
0x1cc: {  	_ =	sdelay $0x2  }
0x1cd: {  	s4 =	simm.s32 $0x4C80;
	s5 =	simm.s32 $0x0  }
.LBB2_25:
.Ltmp39:
0x1ce: {  	(pc) =	sbr.rel .LBB2_27-.Ltmp39, $2  }
0x1cf: {  	_ =	sdelay $0x2  }
0x1d0: {  	s4 =	simm.s32 $0x4C80;
	s5 =	simm.s32 $0x0  }
.LBB2_50:
0x1d1: {  	[sflag:s24] =	ssyncadd.s32 $0xFFFFFFC0  }
.LBB2_51:
0x1d2: {  	s6 =	sadd.s32 $0x1, s6  }
0x1d3: {  	p2 =	seq.s32 s6, s2  }
.Ltmp40:
0x1d4: {  	_ = 	snop;
	(pc) =	sbr.rel @p2 .LBB2_52-.Ltmp40, $2  }
0x1d5: {  	_ =	sdelay $0x2  }
0x1d6: {  	s5 =	sadd.s32 $0xFFFFFFFC, s5  }
.LBB2_45:
0x1d7: {  	s19 =	sshll.u32 s6, $0x2  }
0x1d8: {  	v12 =	vor.u32 s19, v7  }
0x1d9: {  	vm0 =	vlt.s32 v12, v10;
	_ =	sdelay $0x5  }
0x1da: {  	v11 =	vld.idx.msk [tilespmem:v12+s21+$0x0], vm0;
	_ =	sdelay $0x7  }
0x1db: {  	v14 =	vld.idx.msk [tilespmem:v11+s15+$0x0], vm0;
	_ =	sdelay $0x3  }
0x1dc: {  	v13 =	vmov s4  }
0x1dd: {  	v16 =	vshll.u32 v13, $0x7;
	v17 =	vshll.u32 v13, $0xA;
	v12 =	vld.idx.msk [tilespmem:v12+s20+$0x0], vm0;
	v15 =	vshll.u32 v14, $0x3  }
0x1de: {  	v13 =	vand.u32 $0xFFFFFC00, v15;
	v15 =	vor.u32 v8, v16;
	v16 =	vand.u32 $0xE000, v17  }
0x1df: {  	v16 =	vadd.s32 v13, v16;
	v17 =	vand.u32 $0x380, v15  }
0x1e0: {  	v14 =	vand.u32 $0x7F, v14;
	v16 =	vor.u32 v17, v16  }
0x1e1: {  	v16 =	vor.u32 v14, v16  }
0x1e2: {  	v19 =	vadd.s32 v12, v15;
	_ =	sdelay $0x2  }
0x1e3: {  	p2 =	sgt.s32 s5, $0x1;
	s14 =	smov.u32 s5;
	s12 =	simm.s32 $0x4  }
0x1e4: {  	s14 =	simm.s32 @!p2 $0x1;
	v18 =	vmov s12;
	v15 =	vld.idx.msk [tilespmem:v16+s16+$0x0], vm0  }
0x1e5: {  	s26 =	simm.s32 $0x8;
	s25 =	simm.s32 $0x0;
	s14 =	smin.u32 s14, $0x4;
	v17 =	vshll.u32 v18, $0x7;
	v18 =	vshll.u32 v18, $0xA;
	v16 =	vld.idx.msk [tilespmem:v19+s17+$0x0], vm0  }
.LBB2_46:
0x1e6: {  	p2 =	sne.s32 s26, $0x3C;
	v17 =	vor.u32 v8, v17;
	v18 =	vand.u32 $0xE000, v18  }
0x1e7: {  	v18 =	vadd.s32 v13, v18;
	v19 =	vand.u32 $0x380, v17  }
0x1e8: {  	v18 =	vor.u32 v19, v18;
	v19 =	vor.u32 s25, v9;
	s25 =	smov.u32 s12;
	s12 =	smov.u32 s26  }
0x1e9: {  	v18 =	vor.u32 v14, v18  }
0x1ea: {  	v20 =	vadd.s32 v12, v17  }
.Ltmp41:
0x1eb: {  	v15 =	vadd.f32 v15, v16;
	(pc) =	sbr.rel @p2 .LBB2_46-.Ltmp41, $4  }
0x1ec: {  	_ = 	snop  }
0x1ed: {  	[tilespmem:v19+s23+$0x0] =	vst.idx.msk vm0, v15  }
0x1ee: {  	v16 =	vmov s26;
	v15 =	vld.idx.msk [tilespmem:v18+s16+$0x0], vm0  }
0x1ef: {  	s26 =	sadd.s32 $0x4, s26;
	v17 =	vshll.u32 v16, $0x7;
	v18 =	vshll.u32 v16, $0xA;
	v16 =	vld.idx.msk [tilespmem:v20+s17+$0x0], vm0  }
0x1f0: {  	v17 =	vor.u32 v8, v17;
	v18 =	vand.u32 $0xE000, v18  }
0x1f1: {  	v61 =	vor.u32 s25, v9;
	v13 =	vadd.s32 v13, v18;
	v60 =	vand.u32 $0x380, v17  }
0x1f2: {  	v12 =	vadd.s32 v12, v17;
	v13 =	vor.u32 v60, v13  }
0x1f3: {  	v13 =	vor.u32 v14, v13  }
0x1f4: {  	v62 =	vadd.f32 v15, v16;
	_ =	sdelay $0x1  }
0x1f5: {  	[tilespmem:v61+s23+$0x0] =	vst.idx.msk vm0, v62  }
0x1f6: {  	v12 =	vld.idx.msk [tilespmem:v12+s17+$0x0], vm0  }
0x1f7: {  	v13 =	vld.idx.msk [tilespmem:v13+s16+$0x0], vm0  }
0x1f8: {  	v63 =	vor.u32 s12, v9;
	s12 =	ssub.s32 s1, s19  }
0x1f9: {  	p2 =	slt.s32 s12, $0x1  }
.Ltmp42:
0x1fa: {  	_ = 	snop;
	(pc) =	sbr.rel @p2 .LBB2_51-.Ltmp42, $3  }
0x1fb: {  	_ = 	snop  }
0x1fc: {  	v12 =	vadd.f32 v13, v12;
	_ =	sdelay $0x1  }
0x1fd: {  	[tilespmem:v63+s23+$0x0] =	vst.idx.msk vm0, v12  }
0x1fe: {  	(v2sf) =	vpush v11, $0x0;
	_ =	sdelay $0x1  }
0x1ff: {  	p4 =	seq.s32 s12, $0x1  }
0x200: {  	(v2sf) =	vpush @!p4 v11, $0x4;
	_ =	sdelay $0x1  }
0x201: {  	p2 =	slt.u32 @!p4 s12, $0x3  }
0x202: {  	p3 =	por p2, p4  }
0x203: {  	(v2sf) =	vpush @!p3 v11, $0x8;
	_ =	sdelay $0x2  }
0x204: {  	p5 =	seq.s32 @!p3 s12, $0x3  }
0x205: {  	p2 =	por @!p4 p5, p2  }
0x206: {  	p2 =	por p2, p4  }
0x207: {  	(v2sf) =	vpush @!p2 v11, $0xC;
	_ =	sdelay $0x1  }
0x208: {  	s31 =	spop (v2sf)  }
0x209: {  	s12 =	sshll.u32 s31, $0x3  }
0x20a: {  	s12 =	sand.u32 $0x1FFFFFF8, s12  }
0x20b: {  	s19 =	spop @!p4 (v2sf);
	s12 =	sadd.s32 s7, s12  }
0x20c: {  	[hbm4b:s12+s8] =	stream.linear.scatter [tilespmem:s23], [sflag:$0x3], $0x40, $0x38;
	[tilespmem:$0x1FE00] =	vst v63  }
0x20d: {  	s12 =	sshll.u32 @!p4 s19, $0x3  }
0x20e: {  	s25 =	simm.s32 @!p4 $0x0;
	s12 =	sand.u32 @!p4 $0x1FFFFFF8, s12  }
0x20f: {  	s26 =	simm.s32 @!p4 $0x1FA40;
	s19 =	spop @!p3 (v2sf);
	s12 =	sadd.s32 @!p4 s7, s12  }
0x210: {  	[hbm4b:s12+s25] =	stream.linear.scatter @!p4 [tilespmem:s26], [sflag:$0x3], $0x40, $0x38;
	[tilespmem:$0x1FE00] =	vst v63  }
0x211: {  	s12 =	sshll.u32 @!p3 s19, $0x3  }
0x212: {  	s12 =	sand.u32 @!p3 $0x1FFFFFF8, s12  }
0x213: {  	s19 =	simm.s32 @!p3 $0x0;
	s25 =	simm.s32 @!p3 $0x1FA80;
	s12 =	sadd.s32 @!p3 s7, s12  }
0x214: {  	[hbm4b:s12+s19] =	stream.linear.scatter @!p3 [tilespmem:s25], [sflag:$0x3], $0x40, $0x38;
	[tilespmem:$0x1FE00] =	vst v63  }
0x215: {  	s12 =	spop @!p2 (v2sf)  }
0x216: {  	s12 =	sshll.u32 @!p2 s12, $0x3  }
0x217: {  	s12 =	sand.u32 @!p2 $0x1FFFFFF8, s12  }
0x218: {  	s19 =	simm.s32 @!p2 $0x0;
	s25 =	simm.s32 @!p2 $0x1FAC0;
	s12 =	sadd.s32 @!p2 s7, s12  }
0x219: {  	[hbm4b:s12+s19] =	stream.linear.scatter @!p2 [tilespmem:s25], [sflag:$0x3], $0x40, $0x38;
	[tilespmem:$0x1FE00] =	vst v63  }
0x21a: {  	p2 =	sne.s32 s14, $0x1  }
.Ltmp43:
0x21b: {  	_ = 	snop;
	(pc) =	sbr.rel @!p2 .LBB2_50-.Ltmp43, $3  }
0x21c: {  	_ =	sdelay $0x1  }
0x21d: {  	_ =	swait.ge [sflag:s24], $0x40  }
0x21e: {  	s12 =	sadd.s32 $0xFFFFFFFF, s14;
	[sflag:s24] =	ssyncset.done $0x0  }
.LBB2_49:
0x21f: {  	p2 =	sne.s32 s12, $0x1;
	s12 =	sadd.s32 $0xFFFFFFFF, s12;
	[sflag:s24] =	ssyncadd.s32 $0xFFFFFFC0  }
.Ltmp44:
0x220: {  	(pc) =	sbr.rel @p2 .LBB2_49-.Ltmp44, $3  }
0x221: {  	_ =	sdelay $0x1  }
0x222: {  	_ =	swait.ge [sflag:s24], $0x40  }
0x223: {  	[sflag:s24] =	ssyncset.done $0x0  }
.Ltmp45:
0x224: {  	_ = 	snop;
	(pc) =	sbr.rel .LBB2_50-.Ltmp45, $1  }
0x225: {  	_ =	sdelay $0x3  }
.LBB2_52:
0x226: {  	s1 =	rddreg [dreg:$0xa]  }
0x227: {  	p2 =	sgt.s32 s1, $0x400  }
.Ltmp46:
0x228: {  	_ = 	snop;
	(pc) =	sbr.rel @!p2 .LBB2_106-.Ltmp46, $1  }
0x229: {  	_ =	sdelay $0x3  }
.Ltmp47:
0x22a: {  	(pc) =	sbr.rel .LBB2_54-.Ltmp47, $2  }
0x22b: {  	_ =	sdelay $0x2  }
0x22c: {  	s2 =	simm.s32 $0x1;
	s4 =	simm.s32 $0x400  }
.LBB2_105:
0x22d: {  	s2 =	rddreg [dreg:$0xb]  }
0x22e: {  	s2 =	sadd.s32 $0x1, s2  }
0x22f: {  	s1 =	rddreg [dreg:$0xa];
	s4 =	sshll.u32 s2, $0xA  }
0x230: {  	p2 =	slt.s32 s4, s1  }
.Ltmp48:
0x231: {  	_ = 	snop;
	(pc) =	sbr.rel @!p2 .LBB2_106-.Ltmp48, $1  }
0x232: {  	_ =	sdelay $0x3  }
.LBB2_54:
0x233: {  	[dreg:$0xb] =	wrdreg s2  }
0x234: {  	s5 =	sadd.s32 $0x400, s4;
	s1 =	simm.s32 $0x0;
	s2 =	simm.s32 $0x0  }
0x235: {  	v10 =	vmov s4;
	s6 =	simm.s32 $0x0;
	s4 =	simm.s32 $0x0;
	v11 =	vmov s5;
	s5 =	simm.s32 $0x0  }
.LBB2_55:
0x236: {  	s12 =	sshll.u32 s4, $0x8  }
0x237: {  	s12 =	sadd.s32 s0, s12  }
0x238: {  	[tilespmem:s1], [sflag:$0x5] =	stream.linear.gather [hbm4b:s12+s1], $0x800, $0x38;
	[tilespmem:$0x1FE00] =	vst v63  }
0x239: {  	_ =	swait.ge [sflag:s18], $0x800  }
0x23a: {  	[sflag:s18] =	ssyncset.done $0x0  }
0x23b: {  	s29 =	simm.s32 $0x0;
	[sflag:s18] =	ssyncadd.s32 $0xFFFFF800  }
0x23c: {  	v12 =	vld [tilespmem:s29+$0x0];
	_ =	sdelay $0x4  }
0x23d: {  	v13 =	vshra.s32 v12, $0x8  }
0x23e: {  	vm0 =	vge.s32 v13, v0;
	vm1 =	vlt.s32 v13, v1  }
0x23f: {  	vm0 =	vmand vm0, vm1  }
0x240: {  	v13 =	vsel vm0, $0x1, v5  }
0x241: {  	(xrf0) =	vadd.scan.msk.s32 $0xffff, v13;
	_ =	sdelay $0x5  }
0x242: {  	v14, _, _ =	vpop (xrf0)  }
0x243: {  	v13 =	vsub.s32 v14, v13  }
0x244: {  	v13 =	vadd.s32 s6, v13  }
0x245: {  	vm1 =	vge.s32 v13, v10;
	vm2 =	vlt.s32 v13, v11;
	v13 =	vmpcnt.ones.xlane vm0;
	_ =	sdelay $0x1  }
0x246: {  	vm1 =	vmand vm1, vm2;
	(v2sf) =	vpush v13, $0x0  }
0x247: {  	v12 =	vsub.s32 v12, v2;
	vm0 =	vmand vm0, vm1  }
0x248: {  	[tilespmem:s5+$0x4800] =	vst.msk vm0, v12;
	v12 =	vor.u32 s2, v4;
	v14 =	vmpcnt.ones.xlane vm0  }
0x249: {  	s30 =	simm.s32 $0x10;
	[tilespmem:s5+$0x4C80] =	vst.msk vm0, v12  }
0x24a: {  	v12 =	vld [tilespmem:s30+$0x0];
	(v2sf) =	vpush v14, $0x0;
	_ =	sdelay $0x4  }
0x24b: {  	v13 =	vshra.s32 v12, $0x8  }
0x24c: {  	vm0 =	vge.s32 v13, v0;
	vm1 =	vlt.s32 v13, v1  }
0x24d: {  	vm0 =	vmand vm0, vm1  }
0x24e: {  	v13 =	vsel vm0, $0x1, v5  }
0x24f: {  	v14 =	vmpcnt.ones.xlane vm0;
	(xrf0) =	vadd.scan.msk.s32 $0xffff, v13;
	_ =	sdelay $0x1  }
0x250: {  	s31 =	spop (v2sf);
	(v2sf) =	vpush v14, $0x0;
	_ =	sdelay $0x2  }
0x251: {  	s19 =	simm.s32 $0x80  }
0x252: {  	s14 =	smov.u32 s2;
	s6 =	sadd.s32 s6, s31;
	v14, _, _ =	vpop (xrf0);
	s12 =	spop (v2sf)  }
.LBB2_56:
0x253: {  	s5 =	sadd.s32 s5, s12  }
0x254: {  	v13 =	vsub.s32 v14, v13;
	s14 =	sadd.s32 $0x10, s14;
	s12 =	smov.u32 s19;
	s25 =	sadd.s32 $0x40, s19  }
0x255: {  	p2 =	sne.s32 s19, $0x1FC0;
	v13 =	vadd.s32 s6, v13  }
0x256: {  	vm1 =	vge.s32 v13, v10;
	vm2 =	vlt.s32 v13, v11  }
0x257: {  	vm1 =	vmand vm1, vm2  }
0x258: {  	v12 =	vsub.s32 v12, v2;
	vm0 =	vmand vm0, vm1  }
0x259: {  	[tilespmem:s5+$0x4800] =	vst.msk vm0, v12;
	v12 =	vor.u32 s14, v4;
	v13 =	vmpcnt.ones.xlane vm0  }
0x25a: {  	s12 =	sshra.s32 s12, $0x2;
	[tilespmem:s5+$0x4C80] =	vst.msk vm0, v12  }
0x25b: {  	v12 =	vld [tilespmem:s12+$0x0];
	(v2sf) =	vpush v13, $0x0;
	_ =	sdelay $0x1  }
0x25c: {  	s12 =	spop (v2sf)  }
0x25d: {  	s6 =	sadd.s32 s6, s12;
	_ =	sdelay $0x1  }
0x25e: {  	v13 =	vshra.s32 v12, $0x8  }
0x25f: {  	vm0 =	vge.s32 v13, v0;
	vm1 =	vlt.s32 v13, v1  }
0x260: {  	vm0 =	vmand vm0, vm1  }
0x261: {  	v13 =	vsel vm0, $0x1, v5;
	v14 =	vmpcnt.ones.xlane vm0  }
0x262: {  	(xrf0) =	vadd.scan.msk.s32 $0xffff, v13  }
0x263: {  	(v2sf) =	vpush v14, $0x0  }
.Ltmp49:
0x264: {  	(pc) =	sbr.rel @p2 .LBB2_56-.Ltmp49, $2  }
0x265: {  	_ =	sdelay $0x2  }
0x266: {  	s19 =	smov.u32 s25;
	v14, _, _ =	vpop (xrf0);
	s12 =	spop (v2sf)  }
0x267: {  	v13 =	vsub.s32 v14, v13  }
0x268: {  	v13 =	vadd.s32 s6, v13  }
0x269: {  	vm1 =	vge.s32 v13, v10;
	vm2 =	vlt.s32 v13, v11  }
0x26a: {  	vm1 =	vmand vm1, vm2  }
0x26b: {  	vm0 =	vmand vm0, vm1  }
0x26c: {  	v62 =	vmpcnt.ones.xlane vm0;
	_ =	sdelay $0x1  }
0x26d: {  	(v2sf) =	vpush v62, $0x0;
	_ =	sdelay $0x9  }
0x26e: {  	s4 =	sadd.s32 $0x1, s4  }
0x26f: {  	p2 =	sne.s32 s4, $0x8  }
.Ltmp50:
0x270: {  	_ = 	snop;
	(pc) =	sbr.rel @p2 .LBB2_55-.Ltmp50, $4  }
0x271: {  	_ = 	snop  }
0x272: {  	s5 =	sadd.s32 s5, s12;
	s29 =	sadd.s32 $0x10, s14;
	v12 =	vsub.s32 v12, v2;
	s30 =	spop (v2sf)  }
0x273: {  	v63 =	vor.u32 s29, v4;
	[tilespmem:s5+$0x4800] =	vst.msk vm0, v12;
	s31 =	spop (v2sf)  }
0x274: {  	s2 =	sadd.s32 $0x800, s2;
	[tilespmem:s5+$0x4C80] =	vst.msk vm0, v63;
	s6 =	sadd.s32 s6, s30;
	s5 =	sadd.s32 s5, s31  }
.Ltmp51:
0x275: {  	(pc) =	sbr.rel @!p1 .LBB2_59-.Ltmp51, $4  }
0x276: {  	s1 =	simm.s32 @!p0 $0x800;
	s2 =	simm.s32 @!p0 $0x7A1400  }
0x277: {  	[tilespmem:s5+$0x4800] =	vst v6;
	s4 =	simm.s32 @!p0 $0x5A00;
	s6 =	rddreg [dreg:$0x7];
	s31 =	sadd.s32 $0xF, s5  }
0x278: {  	[tilespmem:s4], [sflag:$0x1] =	stream.strided.gather @!p0 [hbm4b:s6+s1], $0x4000, s2, s1, $0x38;
	[tilespmem:$0x1FE00] =	vst v63  }
0x279: {  	s30 =	simm.s32 $0x0;
	s29 =	sshra.s32 s31, $0x4  }
.LBB2_90:
0x27a: {  	p2 =	slt.s32 s29, $0x1  }
.Ltmp52:
0x27b: {  	_ = 	snop;
	(pc) =	sbr.rel @p2 .LBB2_105-.Ltmp52, $1  }
0x27c: {  	_ =	sdelay $0x3  }
0x27d: {  	p3 =	sne.s32 s29, $0x1  }
.Ltmp53:
0x27e: {  	_ = 	snop;
	(pc) =	sbr.rel @!p3 .LBB2_92-.Ltmp53, $3  }
0x27f: {  	_ =	sdelay $0x1  }
0x280: {  	s4 =	simm.s32 $0x0;
	s2 =	simm.s32 $0x4800  }
0x281: {  	s1 =	simm.s32 $0x4C80;
	p2 =	por $0x0, $0x0;
	v10 =	vld [tilespmem:s2+$0x0];
	s2 =	sadd.s32 $0xFFFFFFFF, s29  }
0x282: {  	_ =	sdelay $0x3  }
0x283: {  	v12 =	vshra.s32 v10, $0x8  }
0x284: {  	vm0 =	veq.s32 v12, v3  }
0x285: {  	v12 =	vmpcnt.ones.xlane vm0;
	_ =	sdelay $0x1  }
0x286: {  	(v2sf) =	vpush v12, $0x0  }
0x287: {  	v11 =	vld [tilespmem:s1+$0x0]  }
0x288: {  	p3 =	sne.s32 s2, $0x1  }
.Ltmp54:
0x289: {  	_ = 	snop;
	(pc) =	sbr.rel @!p3 .LBB2_94-.Ltmp54, $4  }
0x28a: {  	v10 =	vand.u32 $0xFF, v10  }
0x28b: {  	[tilespmem:s4+$0x5100] =	vst.msk vm0, v10  }
0x28c: {  	s6 =	simm.s32 $0x4810;
	s12 =	sadd.s32 $0xFFFFFFFF, s2;
	[tilespmem:s4+$0x5580] =	vst.msk vm0, v11  }
0x28d: {  	p2 =	por $0x1, $0x1;
	s2 =	simm.s32 $0x4C80;
	s5 =	simm.s32 $0x0;
	v10 =	vld [tilespmem:s6+$0x0]  }
.LBB2_95:
0x28e: {  	p3 =	sne.s32 s12, $0x1;
	_ =	sdelay $0x3  }
0x28f: {  	s2 =	sadd.s32 $0x10, s2;
	v11 =	vshra.s32 v10, $0x8;
	v10 =	vand.u32 $0xFF, v10  }
0x290: {  	v12 =	vld [tilespmem:s2+$0x0];
	vm0 =	veq.s32 v11, v3  }
0x291: {  	v11 =	vmpcnt.ones.xlane vm0  }
0x292: {  	s14 =	spop (v2sf)  }
0x293: {  	(v2sf) =	vpush v11, $0x0;
	s5 =	sadd.s32 s5, s14  }
0x294: {  	[tilespmem:s5+$0x5100] =	vst.msk vm0, v10  }
0x295: {  	[tilespmem:s5+$0x5580] =	vst.msk vm0, v12  }
.Ltmp55:
0x296: {  	(pc) =	sbr.rel @p3 .LBB2_95-.Ltmp55, $3  }
0x297: {  	_ =	sdelay $0x1  }
0x298: {  	s6 =	sadd.s32 $0x10, s6  }
0x299: {  	s12 =	sadd.s32 $0xFFFFFFFF, s12;
	v10 =	vld [tilespmem:s6+$0x0]  }
.LBB2_96:
0x29a: {  	_ =	sdelay $0x3  }
0x29b: {  	v11 =	vshra.s32 v10, $0x8  }
0x29c: {  	vm0 =	veq.s32 v11, v3  }
0x29d: {  	v11 =	vmpcnt.ones.xlane vm0;
	_ =	sdelay $0x1  }
0x29e: {  	(v2sf) =	vpush v11, $0x0;
	_ =	sdelay $0xc  }
0x29f: {  	s2 =	sadd.s32 @p2 $0x10, s2;
	s6 =	spop @p2 (v2sf)  }
0x2a0: {  	s1 =	smov.u32 @p2 s2;
	s2 =	sadd.s32 @p2 s5, s6  }
0x2a1: {  	s4 =	smov.u32 @p2 s2;
	s30 =	spop (v2sf)  }
0x2a2: {  	v11 =	vld [tilespmem:s1+$0x0];
	s1 =	sadd.s32 s4, s30  }
0x2a3: {  	s31 =	sadd.s32 $0x3, s1  }
0x2a4: {  	s2 =	sshra.s32 s31, $0x2  }
0x2a5: {  	p2 =	slt.s32 s2, $0x1  }
.Ltmp56:
0x2a6: {  	_ = 	snop;
	(pc) =	sbr.rel @p2 .LBB2_105-.Ltmp56, $4  }
0x2a7: {  	_ = 	snop  }
0x2a8: {  	v10 =	vand.u32 $0xFF, v10  }
0x2a9: {  	[tilespmem:s4+$0x5100] =	vst.msk vm0, v10  }
0x2aa: {  	[tilespmem:s4+$0x5580] =	vst.msk vm0, v11  }
.Ltmp57:
0x2ab: {  	(pc) =	sbr.rel .LBB2_98-.Ltmp57, $2  }
0x2ac: {  	_ =	sdelay $0x2  }
0x2ad: {  	v10 =	vmov s1;
	s4 =	simm.s32 $0x0;
	s5 =	smov.u32 s1;
	s6 =	simm.s32 $0x0  }
.LBB2_89:
0x2ae: {  	s30 =	sadd.s32 $0x1, s30  }
0x2af: {  	p2 =	sne.s32 s30, s13  }
.Ltmp58:
0x2b0: {  	_ = 	snop;
	(pc) =	sbr.rel @!p2 .LBB2_90-.Ltmp58, $1  }
0x2b1: {  	_ =	sdelay $0x3  }
.LBB2_59:
0x2b2: {  	s31 =	sshllo.u32 s30, $0x1  }
0x2b3: {  	p2 =	sge.s32 s31, s11  }
0x2b4: {  	s1 =	sadd.s32 @!p2 s9, s31  }
0x2b5: {  	s2 =	simm.s32 @!p2 $0x800;
	s1 =	sshll.u32 @!p2 s1, $0x8  }
0x2b6: {  	p3 =	slt.s32 s29, $0x1;
	s4 =	simm.s32 @!p2 $0x7A1400;
	s1 =	sand.u32 @!p2 $0x1FFFFF00, s1  }
.Ltmp59:
0x2b7: {  	s5 =	simm.s32 @!p2 $0x9A00;
	s1 =	sadd.s32 @!p2 s3, s1;
	(pc) =	sbr.rel @p3 .LBB2_74-.Ltmp59, $4  }
0x2b8: {  	[tilespmem:s5], [sflag:$0x2] =	stream.strided.gather @!p2 [hbm4b:s1+s2], $0x4000, s4, s2, $0x38;
	[tilespmem:$0x1FE00] =	vst v63  }
0x2b9: {  	_ =	swait.ge [sflag:s10], $0x4000  }
0x2ba: {  	[sflag:s10] =	ssyncset.done $0x0  }
0x2bb: {  	s5 =	sshll.u32 s30, $0x1;
	[sflag:s10] =	ssyncadd.s32 $0xFFFFC000  }
0x2bc: {  	p4 =	sne.s32 s29, $0x1  }
.Ltmp60:
0x2bd: {  	_ = 	snop;
	(pc) =	sbr.rel @!p4 .LBB2_61-.Ltmp60, $3  }
0x2be: {  	_ =	sdelay $0x1  }
0x2bf: {  	s1 =	simm.s32 $0x0;
	s4 =	simm.s32 $0x4800  }
0x2c0: {  	v10 =	vmov s5;
	s2 =	simm.s32 $0x4C80;
	p3 =	por $0x0, $0x0;
	v11 =	vld [tilespmem:s4+$0x0];
	s4 =	sadd.s32 $0xFFFFFFFF, s29  }
0x2c1: {  	_ =	sdelay $0x3  }
0x2c2: {  	v13 =	vshra.s32 v11, $0x8  }
0x2c3: {  	vm0 =	veq.s32 v13, v10  }
0x2c4: {  	v13 =	vmpcnt.ones.xlane vm0;
	_ =	sdelay $0x1  }
0x2c5: {  	(v2sf) =	vpush v13, $0x0  }
0x2c6: {  	v12 =	vld [tilespmem:s2+$0x0]  }
0x2c7: {  	p4 =	sne.s32 s4, $0x1  }
.Ltmp61:
0x2c8: {  	_ = 	snop;
	(pc) =	sbr.rel @!p4 .LBB2_63-.Ltmp61, $4  }
0x2c9: {  	v11 =	vand.u32 $0xFF, v11  }
0x2ca: {  	[tilespmem:s1+$0x5100] =	vst.msk vm0, v11  }
0x2cb: {  	s12 =	simm.s32 $0x4810;
	s14 =	sadd.s32 $0xFFFFFFFF, s4;
	[tilespmem:s1+$0x5580] =	vst.msk vm0, v12  }
0x2cc: {  	p3 =	por $0x1, $0x1;
	s4 =	simm.s32 $0x4C80;
	s6 =	simm.s32 $0x0;
	v11 =	vld [tilespmem:s12+$0x0]  }
.LBB2_64:
0x2cd: {  	p4 =	sne.s32 s14, $0x1;
	_ =	sdelay $0x3  }
0x2ce: {  	s4 =	sadd.s32 $0x10, s4;
	v12 =	vshra.s32 v11, $0x8;
	v11 =	vand.u32 $0xFF, v11  }
0x2cf: {  	v13 =	vld [tilespmem:s4+$0x0];
	vm0 =	veq.s32 v12, v10  }
0x2d0: {  	v12 =	vmpcnt.ones.xlane vm0  }
0x2d1: {  	s19 =	spop (v2sf)  }
0x2d2: {  	(v2sf) =	vpush v12, $0x0;
	s6 =	sadd.s32 s6, s19  }
0x2d3: {  	[tilespmem:s6+$0x5100] =	vst.msk vm0, v11  }
0x2d4: {  	[tilespmem:s6+$0x5580] =	vst.msk vm0, v13  }
.Ltmp62:
0x2d5: {  	(pc) =	sbr.rel @p4 .LBB2_64-.Ltmp62, $3  }
0x2d6: {  	_ =	sdelay $0x1  }
0x2d7: {  	s12 =	sadd.s32 $0x10, s12  }
0x2d8: {  	s14 =	sadd.s32 $0xFFFFFFFF, s14;
	v11 =	vld [tilespmem:s12+$0x0]  }
.LBB2_65:
0x2d9: {  	_ =	sdelay $0x3  }
0x2da: {  	v12 =	vshra.s32 v11, $0x8  }
0x2db: {  	vm0 =	veq.s32 v12, v10  }
0x2dc: {  	v10 =	vmpcnt.ones.xlane vm0;
	_ =	sdelay $0x1  }
0x2dd: {  	(v2sf) =	vpush v10, $0x0;
	_ =	sdelay $0xc  }
0x2de: {  	s4 =	sadd.s32 @p3 $0x10, s4;
	s12 =	spop @p3 (v2sf)  }
0x2df: {  	s2 =	smov.u32 @p3 s4;
	s4 =	sadd.s32 @p3 s6, s12  }
0x2e0: {  	s1 =	smov.u32 @p3 s4;
	s28 =	spop (v2sf)  }
0x2e1: {  	s6 =	sadd.s32 s1, s28  }
0x2e2: {  	v10 =	vld [tilespmem:s2+$0x0];
	s2 =	sadd.s32 $0x3, s6  }
0x2e3: {  	s2 =	sshra.s32 s2, $0x2  }
0x2e4: {  	p3 =	slt.s32 s2, $0x1  }
.Ltmp63:
0x2e5: {  	_ = 	snop;
	(pc) =	sbr.rel @p3 .LBB2_74-.Ltmp63, $4  }
0x2e6: {  	_ = 	snop  }
0x2e7: {  	v11 =	vand.u32 $0xFF, v11  }
0x2e8: {  	[tilespmem:s1+$0x5100] =	vst.msk vm0, v11  }
0x2e9: {  	[tilespmem:s1+$0x5580] =	vst.msk vm0, v10  }
.Ltmp64:
0x2ea: {  	(pc) =	sbr.rel .LBB2_67-.Ltmp64, $2  }
0x2eb: {  	_ =	sdelay $0x2  }
0x2ec: {  	v10 =	vmov s6;
	s4 =	simm.s32 $0x0;
	s1 =	smov.u32 s6;
	s14 =	simm.s32 $0x0  }
.LBB2_72:
0x2ed: {  	[sflag:s24] =	ssyncadd.s32 $0xFFFFFFC0  }
.LBB2_73:
0x2ee: {  	s14 =	sadd.s32 $0x1, s14  }
0x2ef: {  	p3 =	sne.s32 s14, s2  }
.Ltmp65:
0x2f0: {  	_ = 	snop;
	(pc) =	sbr.rel @!p3 .LBB2_74-.Ltmp65, $2  }
0x2f1: {  	_ =	sdelay $0x2  }
0x2f2: {  	s1 =	sadd.s32 $0xFFFFFFFC, s1  }
.LBB2_67:
0x2f3: {  	s25 =	sshll.u32 s14, $0x2  }
0x2f4: {  	v12 =	vor.u32 s25, v7  }
0x2f5: {  	vm0 =	vlt.s32 v12, v10;
	_ =	sdelay $0x5  }
0x2f6: {  	v11 =	vld.idx.msk [tilespmem:v12+s21+$0x0], vm0;
	_ =	sdelay $0x5  }
0x2f7: {  	v12 =	vld.idx.msk [tilespmem:v12+s20+$0x0], vm0;
	_ =	sdelay $0x1  }
0x2f8: {  	v13 =	vld.idx.msk [tilespmem:v11+s15+$0x0], vm0;
	_ =	sdelay $0x2  }
0x2f9: {  	v14 =	vshll.u32 v12, $0x3  }
0x2fa: {  	v15 =	vmov s4;
	v12 =	vand.u32 $0x7F, v12;
	v14 =	vand.u32 $0xFFFFFC00, v14  }
0x2fb: {  	v12 =	vor.u32 v12, v14;
	v14 =	vand.u32 $0x7F, v13;
	v13 =	vshll.u32 v13, $0x3  }
0x2fc: {  	v16 =	vshll.u32 v15, $0x7;
	v15 =	vshrl.u32 v15, $0x3;
	v13 =	vand.u32 $0xFFFFFC00, v13  }
0x2fd: {  	v13 =	vor.u32 v14, v13;
	v14 =	vor.u32 v8, v16;
	v16 =	vshll.u32 v15, $0xD  }
0x2fe: {  	v15 =	vshll.u32 v15, $0xB;
	v14 =	vand.u32 $0x380, v14;
	v16 =	vadd.s32 v13, v16  }
0x2ff: {  	v15 =	vadd.s32 v12, v15;
	v16 =	vor.u32 v14, v16  }
0x300: {  	v15 =	vor.u32 v14, v15;
	_ =	sdelay $0x2  }
0x301: {  	p3 =	sgt.s32 s1, $0x1;
	s19 =	smov.u32 s1;
	s12 =	simm.s32 $0x4  }
0x302: {  	s19 =	simm.s32 @!p3 $0x1;
	v14 =	vld.idx.msk [tilespmem:v16+s16+$0x0], vm0;
	v16 =	vmov s12  }
0x303: {  	s28 =	simm.s32 $0x8;
	s26 =	simm.s32 $0x0;
	s19 =	smin.u32 s19, $0x4;
	v15 =	vld.idx.msk [tilespmem:v15+s22+$0x0], vm0;
	v17 =	vshll.u32 v16, $0x7;
	v16 =	vshrl.u32 v16, $0x3  }
.LBB2_68:
0x304: {  	p3 =	sne.s32 s28, $0x3C;
	v17 =	vor.u32 v8, v17;
	v18 =	vshll.u32 v16, $0xD;
	v19 =	vor.u32 s26, v9;
	s26 =	smov.u32 s12;
	s12 =	smov.u32 s28  }
0x305: {  	v16 =	vshll.u32 v16, $0xB;
	v17 =	vand.u32 $0x380, v17;
	v18 =	vadd.s32 v13, v18  }
0x306: {  	v16 =	vadd.s32 v12, v16;
	v18 =	vor.u32 v17, v18  }
0x307: {  	v16 =	vor.u32 v17, v16  }
0x308: {  	v14 =	vadd.f32 v14, v15  }
.Ltmp66:
0x309: {  	(pc) =	sbr.rel @p3 .LBB2_68-.Ltmp66, $4  }
0x30a: {  	[tilespmem:v19+s23+$0x0] =	vst.idx.msk vm0, v14  }
0x30b: {  	v14 =	vld.idx.msk [tilespmem:v18+s16+$0x0], vm0  }
0x30c: {  	v18 =	vmov s28;
	v15 =	vld.idx.msk [tilespmem:v16+s22+$0x0], vm0  }
0x30d: {  	s28 =	sadd.s32 $0x4, s28;
	v17 =	vshll.u32 v18, $0x7;
	v16 =	vshrl.u32 v18, $0x3  }
0x30e: {  	v17 =	vor.u32 v8, v17;
	v18 =	vshll.u32 v16, $0xD;
	v19 =	vor.u32 s26, v9  }
0x30f: {  	v62 =	vshll.u32 v16, $0xB;
	v17 =	vand.u32 $0x380, v17;
	v13 =	vadd.s32 v13, v18  }
0x310: {  	v12 =	vadd.s32 v12, v62;
	v13 =	vor.u32 v17, v13  }
0x311: {  	v12 =	vor.u32 v17, v12  }
0x312: {  	v14 =	vadd.f32 v14, v15;
	_ =	sdelay $0x1  }
0x313: {  	[tilespmem:v19+s23+$0x0] =	vst.idx.msk vm0, v14  }
0x314: {  	v13 =	vld.idx.msk [tilespmem:v13+s16+$0x0], vm0  }
0x315: {  	v12 =	vld.idx.msk [tilespmem:v12+s22+$0x0], vm0  }
0x316: {  	v63 =	vor.u32 s12, v9;
	s12 =	ssub.s32 s6, s25  }
0x317: {  	p3 =	slt.s32 s12, $0x1  }
.Ltmp67:
0x318: {  	_ = 	snop;
	(pc) =	sbr.rel @p3 .LBB2_73-.Ltmp67, $3  }
0x319: {  	_ = 	snop  }
0x31a: {  	v12 =	vadd.f32 v13, v12;
	_ =	sdelay $0x1  }
0x31b: {  	[tilespmem:v63+s23+$0x0] =	vst.idx.msk vm0, v12  }
0x31c: {  	(v2sf) =	vpush v11, $0x0;
	_ =	sdelay $0x1  }
0x31d: {  	p5 =	seq.s32 s12, $0x1  }
0x31e: {  	(v2sf) =	vpush @!p5 v11, $0x4;
	_ =	sdelay $0x1  }
0x31f: {  	p3 =	slt.u32 @!p5 s12, $0x3  }
0x320: {  	p4 =	por p3, p5  }
0x321: {  	(v2sf) =	vpush @!p4 v11, $0x8;
	_ =	sdelay $0x2  }
0x322: {  	p6 =	seq.s32 @!p4 s12, $0x3  }
0x323: {  	p3 =	por @!p5 p6, p3  }
0x324: {  	p3 =	por p3, p5  }
0x325: {  	(v2sf) =	vpush @!p3 v11, $0xC;
	_ =	sdelay $0x1  }
0x326: {  	s28 =	spop (v2sf)  }
0x327: {  	s12 =	sshll.u32 s28, $0x3  }
0x328: {  	s12 =	sand.u32 $0x1FFFFFF8, s12  }
0x329: {  	s25 =	spop @!p5 (v2sf);
	s12 =	sadd.s32 s7, s12  }
0x32a: {  	[hbm4b:s12+s8] =	stream.linear.scatter [tilespmem:s23], [sflag:$0x3], $0x40, $0x38;
	[tilespmem:$0x1FE00] =	vst v63  }
0x32b: {  	s12 =	sshll.u32 @!p5 s25, $0x3  }
0x32c: {  	s26 =	simm.s32 @!p5 $0x0;
	s12 =	sand.u32 @!p5 $0x1FFFFFF8, s12  }
0x32d: {  	s28 =	simm.s32 @!p5 $0x1FA40;
	s25 =	spop @!p4 (v2sf);
	s12 =	sadd.s32 @!p5 s7, s12  }
0x32e: {  	[hbm4b:s12+s26] =	stream.linear.scatter @!p5 [tilespmem:s28], [sflag:$0x3], $0x40, $0x38;
	[tilespmem:$0x1FE00] =	vst v63  }
0x32f: {  	s12 =	sshll.u32 @!p4 s25, $0x3  }
0x330: {  	s12 =	sand.u32 @!p4 $0x1FFFFFF8, s12  }
0x331: {  	s25 =	simm.s32 @!p4 $0x0;
	s26 =	simm.s32 @!p4 $0x1FA80;
	s12 =	sadd.s32 @!p4 s7, s12  }
0x332: {  	[hbm4b:s12+s25] =	stream.linear.scatter @!p4 [tilespmem:s26], [sflag:$0x3], $0x40, $0x38;
	[tilespmem:$0x1FE00] =	vst v63  }
0x333: {  	s12 =	spop @!p3 (v2sf)  }
0x334: {  	s12 =	sshll.u32 @!p3 s12, $0x3  }
0x335: {  	s12 =	sand.u32 @!p3 $0x1FFFFFF8, s12  }
0x336: {  	s25 =	simm.s32 @!p3 $0x0;
	s26 =	simm.s32 @!p3 $0x1FAC0;
	s12 =	sadd.s32 @!p3 s7, s12  }
0x337: {  	[hbm4b:s12+s25] =	stream.linear.scatter @!p3 [tilespmem:s26], [sflag:$0x3], $0x40, $0x38;
	[tilespmem:$0x1FE00] =	vst v63  }
0x338: {  	p3 =	sne.s32 s19, $0x1  }
.Ltmp68:
0x339: {  	_ = 	snop;
	(pc) =	sbr.rel @!p3 .LBB2_72-.Ltmp68, $3  }
0x33a: {  	_ =	sdelay $0x1  }
0x33b: {  	_ =	swait.ge [sflag:s24], $0x40  }
0x33c: {  	s12 =	sadd.s32 $0xFFFFFFFF, s19;
	[sflag:s24] =	ssyncset.done $0x0  }
.LBB2_71:
0x33d: {  	p3 =	sne.s32 s12, $0x1;
	s12 =	sadd.s32 $0xFFFFFFFF, s12;
	[sflag:s24] =	ssyncadd.s32 $0xFFFFFFC0  }
.Ltmp69:
0x33e: {  	(pc) =	sbr.rel @p3 .LBB2_71-.Ltmp69, $3  }
0x33f: {  	_ =	sdelay $0x1  }
0x340: {  	_ =	swait.ge [sflag:s24], $0x40  }
0x341: {  	[sflag:s24] =	ssyncset.done $0x0  }
.Ltmp70:
0x342: {  	_ = 	snop;
	(pc) =	sbr.rel .LBB2_72-.Ltmp70, $1  }
0x343: {  	_ =	sdelay $0x3  }
.LBB2_74:
0x344: {  	s1 =	sadd.s32 @!p2 $0x2, s5  }
0x345: {  	p3 =	sge.s32 @!p2 s1, s11  }
0x346: {  	p3 =	por p3, p2  }
0x347: {  	s1 =	sadd.s32 @!p3 s9, s1  }
0x348: {  	s1 =	sshll.u32 @!p3 s1, $0x8  }
0x349: {  	s2 =	simm.s32 @!p3 $0x800;
	s1 =	sand.u32 @!p3 $0x1FFFFF00, s1  }
0x34a: {  	s4 =	simm.s32 @!p3 $0x7A1400;
	s5 =	simm.s32 @!p3 $0x5A00;
	s1 =	sadd.s32 @!p3 s3, s1  }
0x34b: {  	[tilespmem:s5], [sflag:$0x1] =	stream.strided.gather @!p3 [hbm4b:s1+s2], $0x4000, s4, s2, $0x38;
	[tilespmem:$0x1FE00] =	vst v63  }
0x34c: {  	p3 =	slt.s32 @!p2 s29, $0x1  }
0x34d: {  	p3 =	por p2, p3  }
.Ltmp71:
0x34e: {  	_ = 	snop;
	(pc) =	sbr.rel @p3 .LBB2_89-.Ltmp71, $4  }
0x34f: {  	s1 =	simm.s32 @!p2 $0x2  }
0x350: {  	_ =	swait.ge @!p2 [sflag:s1], $0x4000  }
0x351: {  	[sflag:s1] =	ssyncset.done @!p2 $0x0  }
0x352: {  	[sflag:s1] =	ssyncadd.s32 @!p2 $0xFFFFC000  }
0x353: {  	p3 =	sne.s32 s29, $0x1  }
.Ltmp72:
0x354: {  	_ = 	snop;
	(pc) =	sbr.rel @!p3 .LBB2_76-.Ltmp72, $3  }
0x355: {  	_ =	sdelay $0x1  }
0x356: {  	s2 =	simm.s32 $0x0;
	s4 =	simm.s32 $0x4800  }
0x357: {  	v10 =	vmov s31;
	s1 =	simm.s32 $0x4C80;
	p2 =	por $0x0, $0x0;
	v11 =	vld [tilespmem:s4+$0x0];
	s4 =	sadd.s32 $0xFFFFFFFF, s29  }
0x358: {  	_ =	sdelay $0x3  }
0x359: {  	v13 =	vshra.s32 v11, $0x8  }
0x35a: {  	vm0 =	veq.s32 v13, v10  }
0x35b: {  	v13 =	vmpcnt.ones.xlane vm0;
	_ =	sdelay $0x1  }
0x35c: {  	(v2sf) =	vpush v13, $0x0  }
0x35d: {  	v12 =	vld [tilespmem:s1+$0x0]  }
0x35e: {  	p3 =	sne.s32 s4, $0x1  }
.Ltmp73:
0x35f: {  	_ = 	snop;
	(pc) =	sbr.rel @!p3 .LBB2_78-.Ltmp73, $4  }
0x360: {  	v11 =	vand.u32 $0xFF, v11  }
0x361: {  	[tilespmem:s2+$0x5100] =	vst.msk vm0, v11  }
0x362: {  	s6 =	simm.s32 $0x4810;
	s12 =	sadd.s32 $0xFFFFFFFF, s4;
	[tilespmem:s2+$0x5580] =	vst.msk vm0, v12  }
0x363: {  	p2 =	por $0x1, $0x1;
	s4 =	simm.s32 $0x4C80;
	s5 =	simm.s32 $0x0;
	v11 =	vld [tilespmem:s6+$0x0]  }
.LBB2_79:
0x364: {  	p3 =	sne.s32 s12, $0x1;
	_ =	sdelay $0x3  }
0x365: {  	s4 =	sadd.s32 $0x10, s4;
	v12 =	vshra.s32 v11, $0x8;
	v11 =	vand.u32 $0xFF, v11  }
0x366: {  	v13 =	vld [tilespmem:s4+$0x0];
	vm0 =	veq.s32 v12, v10  }
0x367: {  	v12 =	vmpcnt.ones.xlane vm0  }
0x368: {  	s14 =	spop (v2sf)  }
0x369: {  	(v2sf) =	vpush v12, $0x0;
	s5 =	sadd.s32 s5, s14  }
0x36a: {  	[tilespmem:s5+$0x5100] =	vst.msk vm0, v11  }
0x36b: {  	[tilespmem:s5+$0x5580] =	vst.msk vm0, v13  }
.Ltmp74:
0x36c: {  	(pc) =	sbr.rel @p3 .LBB2_79-.Ltmp74, $3  }
0x36d: {  	_ =	sdelay $0x1  }
0x36e: {  	s6 =	sadd.s32 $0x10, s6  }
0x36f: {  	s12 =	sadd.s32 $0xFFFFFFFF, s12;
	v11 =	vld [tilespmem:s6+$0x0]  }
.LBB2_80:
0x370: {  	_ =	sdelay $0x3  }
0x371: {  	v12 =	vshra.s32 v11, $0x8  }
0x372: {  	vm0 =	veq.s32 v12, v10  }
0x373: {  	v10 =	vmpcnt.ones.xlane vm0;
	_ =	sdelay $0x1  }
0x374: {  	(v2sf) =	vpush v10, $0x0;
	_ =	sdelay $0xc  }
0x375: {  	s4 =	sadd.s32 @p2 $0x10, s4;
	s6 =	spop @p2 (v2sf)  }
0x376: {  	s1 =	smov.u32 @p2 s4;
	s4 =	sadd.s32 @p2 s5, s6  }
0x377: {  	s2 =	smov.u32 @p2 s4;
	s31 =	spop (v2sf)  }
0x378: {  	s5 =	sadd.s32 s2, s31  }
0x379: {  	v10 =	vld [tilespmem:s1+$0x0];
	s1 =	sadd.s32 $0x3, s5  }
0x37a: {  	s1 =	sshra.s32 s1, $0x2  }
0x37b: {  	p2 =	slt.s32 s1, $0x1  }
.Ltmp75:
0x37c: {  	_ = 	snop;
	(pc) =	sbr.rel @p2 .LBB2_89-.Ltmp75, $4  }
0x37d: {  	_ = 	snop  }
0x37e: {  	v11 =	vand.u32 $0xFF, v11  }
0x37f: {  	[tilespmem:s2+$0x5100] =	vst.msk vm0, v11  }
0x380: {  	[tilespmem:s2+$0x5580] =	vst.msk vm0, v10  }
.Ltmp76:
0x381: {  	(pc) =	sbr.rel .LBB2_82-.Ltmp76, $2  }
0x382: {  	_ =	sdelay $0x2  }
0x383: {  	v10 =	vmov s5;
	s2 =	simm.s32 $0x0;
	s4 =	smov.u32 s5;
	s6 =	simm.s32 $0x0  }
.LBB2_87:
0x384: {  	[sflag:s24] =	ssyncadd.s32 $0xFFFFFFC0  }
.LBB2_88:
0x385: {  	s6 =	sadd.s32 $0x1, s6  }
0x386: {  	p2 =	sne.s32 s6, s1  }
.Ltmp77:
0x387: {  	_ = 	snop;
	(pc) =	sbr.rel @!p2 .LBB2_89-.Ltmp77, $2  }
0x388: {  	_ =	sdelay $0x2  }
0x389: {  	s4 =	sadd.s32 $0xFFFFFFFC, s4  }
.LBB2_82:
0x38a: {  	s19 =	sshll.u32 s6, $0x2  }
0x38b: {  	v12 =	vor.u32 s19, v7  }
0x38c: {  	vm0 =	vlt.s32 v12, v10;
	_ =	sdelay $0x5  }
0x38d: {  	v11 =	vld.idx.msk [tilespmem:v12+s21+$0x0], vm0;
	_ =	sdelay $0x5  }
0x38e: {  	v12 =	vld.idx.msk [tilespmem:v12+s20+$0x0], vm0;
	_ =	sdelay $0x1  }
0x38f: {  	v13 =	vld.idx.msk [tilespmem:v11+s15+$0x0], vm0;
	_ =	sdelay $0x2  }
0x390: {  	v15 =	vmov s2;
	v14 =	vshll.u32 v12, $0x3  }
0x391: {  	v16 =	vshll.u32 v15, $0x7;
	v12 =	vand.u32 $0x7F, v12;
	v14 =	vand.u32 $0xFFFFFC00, v14  }
0x392: {  	v12 =	vor.u32 v12, v14;
	v14 =	vand.u32 $0x7F, v13;
	v13 =	vshll.u32 v13, $0x3  }
0x393: {  	v15 =	vshrl.u32 v15, $0x3;
	v12 =	vadd.s32 $0x4000, v12;
	v13 =	vand.u32 $0xFFFFFC00, v13  }
0x394: {  	v13 =	vor.u32 v14, v13;
	v14 =	vor.u32 v8, v16;
	v16 =	vshll.u32 v15, $0xD  }
0x395: {  	v15 =	vshll.u32 v15, $0xB;
	v14 =	vand.u32 $0x380, v14;
	v16 =	vadd.s32 v13, v16  }
0x396: {  	v15 =	vadd.s32 v15, v12;
	v16 =	vor.u32 v14, v16  }
0x397: {  	v15 =	vor.u32 v14, v15;
	_ =	sdelay $0x2  }
0x398: {  	p2 =	sgt.s32 s4, $0x1;
	s14 =	smov.u32 s4;
	s12 =	simm.s32 $0x4  }
0x399: {  	s14 =	simm.s32 @!p2 $0x1;
	v14 =	vld.idx.msk [tilespmem:v16+s16+$0x0], vm0;
	v16 =	vmov s12  }
0x39a: {  	s26 =	simm.s32 $0x8;
	s25 =	simm.s32 $0x0;
	s14 =	smin.u32 s14, $0x4;
	v15 =	vld.idx.msk [tilespmem:v15+s22+$0x0], vm0;
	v17 =	vshll.u32 v16, $0x7;
	v16 =	vshrl.u32 v16, $0x3  }
.LBB2_83:
0x39b: {  	p2 =	sne.s32 s26, $0x3C;
	v17 =	vor.u32 v8, v17;
	v18 =	vshll.u32 v16, $0xD;
	v19 =	vor.u32 s25, v9;
	s25 =	smov.u32 s12;
	s12 =	smov.u32 s26  }
0x39c: {  	v16 =	vshll.u32 v16, $0xB;
	v17 =	vand.u32 $0x380, v17;
	v18 =	vadd.s32 v13, v18  }
0x39d: {  	v16 =	vadd.s32 v16, v12;
	v18 =	vor.u32 v17, v18  }
0x39e: {  	v16 =	vor.u32 v17, v16  }
0x39f: {  	v14 =	vadd.f32 v14, v15  }
.Ltmp78:
0x3a0: {  	(pc) =	sbr.rel @p2 .LBB2_83-.Ltmp78, $4  }
0x3a1: {  	[tilespmem:v19+s23+$0x0] =	vst.idx.msk vm0, v14  }
0x3a2: {  	v14 =	vld.idx.msk [tilespmem:v18+s16+$0x0], vm0  }
0x3a3: {  	v18 =	vmov s26;
	v15 =	vld.idx.msk [tilespmem:v16+s22+$0x0], vm0  }
0x3a4: {  	s26 =	sadd.s32 $0x4, s26;
	v17 =	vshll.u32 v18, $0x7;
	v16 =	vshrl.u32 v18, $0x3  }
0x3a5: {  	v17 =	vor.u32 v8, v17;
	v18 =	vshll.u32 v16, $0xD;
	v19 =	vor.u32 s25, v9  }
0x3a6: {  	v62 =	vshll.u32 v16, $0xB;
	v17 =	vand.u32 $0x380, v17;
	v13 =	vadd.s32 v13, v18  }
0x3a7: {  	v12 =	vadd.s32 v62, v12;
	v13 =	vor.u32 v17, v13  }
0x3a8: {  	v12 =	vor.u32 v17, v12  }
0x3a9: {  	v14 =	vadd.f32 v14, v15;
	_ =	sdelay $0x1  }
0x3aa: {  	[tilespmem:v19+s23+$0x0] =	vst.idx.msk vm0, v14  }
0x3ab: {  	v13 =	vld.idx.msk [tilespmem:v13+s16+$0x0], vm0  }
0x3ac: {  	v12 =	vld.idx.msk [tilespmem:v12+s22+$0x0], vm0  }
0x3ad: {  	v63 =	vor.u32 s12, v9;
	s12 =	ssub.s32 s5, s19  }
0x3ae: {  	p2 =	slt.s32 s12, $0x1  }
.Ltmp79:
0x3af: {  	_ = 	snop;
	(pc) =	sbr.rel @p2 .LBB2_88-.Ltmp79, $3  }
0x3b0: {  	_ = 	snop  }
0x3b1: {  	v12 =	vadd.f32 v13, v12;
	_ =	sdelay $0x1  }
0x3b2: {  	[tilespmem:v63+s23+$0x0] =	vst.idx.msk vm0, v12  }
0x3b3: {  	(v2sf) =	vpush v11, $0x0;
	_ =	sdelay $0x1  }
0x3b4: {  	p4 =	seq.s32 s12, $0x1  }
0x3b5: {  	(v2sf) =	vpush @!p4 v11, $0x4;
	_ =	sdelay $0x1  }
0x3b6: {  	p2 =	slt.u32 @!p4 s12, $0x3  }
0x3b7: {  	p3 =	por p2, p4  }
0x3b8: {  	(v2sf) =	vpush @!p3 v11, $0x8;
	_ =	sdelay $0x2  }
0x3b9: {  	p5 =	seq.s32 @!p3 s12, $0x3  }
0x3ba: {  	p2 =	por @!p4 p5, p2  }
0x3bb: {  	p2 =	por p2, p4  }
0x3bc: {  	(v2sf) =	vpush @!p2 v11, $0xC;
	_ =	sdelay $0x1  }
0x3bd: {  	s31 =	spop (v2sf)  }
0x3be: {  	s12 =	sshll.u32 s31, $0x3  }
0x3bf: {  	s12 =	sand.u32 $0x1FFFFFF8, s12  }
0x3c0: {  	s19 =	spop @!p4 (v2sf);
	s12 =	sadd.s32 s7, s12  }
0x3c1: {  	[hbm4b:s12+s8] =	stream.linear.scatter [tilespmem:s23], [sflag:$0x3], $0x40, $0x38;
	[tilespmem:$0x1FE00] =	vst v63  }
0x3c2: {  	s12 =	sshll.u32 @!p4 s19, $0x3  }
0x3c3: {  	s25 =	simm.s32 @!p4 $0x0;
	s12 =	sand.u32 @!p4 $0x1FFFFFF8, s12  }
0x3c4: {  	s26 =	simm.s32 @!p4 $0x1FA40;
	s19 =	spop @!p3 (v2sf);
	s12 =	sadd.s32 @!p4 s7, s12  }
0x3c5: {  	[hbm4b:s12+s25] =	stream.linear.scatter @!p4 [tilespmem:s26], [sflag:$0x3], $0x40, $0x38;
	[tilespmem:$0x1FE00] =	vst v63  }
0x3c6: {  	s12 =	sshll.u32 @!p3 s19, $0x3  }
0x3c7: {  	s12 =	sand.u32 @!p3 $0x1FFFFFF8, s12  }
0x3c8: {  	s19 =	simm.s32 @!p3 $0x0;
	s25 =	simm.s32 @!p3 $0x1FA80;
	s12 =	sadd.s32 @!p3 s7, s12  }
0x3c9: {  	[hbm4b:s12+s19] =	stream.linear.scatter @!p3 [tilespmem:s25], [sflag:$0x3], $0x40, $0x38;
	[tilespmem:$0x1FE00] =	vst v63  }
0x3ca: {  	s12 =	spop @!p2 (v2sf)  }
0x3cb: {  	s12 =	sshll.u32 @!p2 s12, $0x3  }
0x3cc: {  	s12 =	sand.u32 @!p2 $0x1FFFFFF8, s12  }
0x3cd: {  	s19 =	simm.s32 @!p2 $0x0;
	s25 =	simm.s32 @!p2 $0x1FAC0;
	s12 =	sadd.s32 @!p2 s7, s12  }
0x3ce: {  	[hbm4b:s12+s19] =	stream.linear.scatter @!p2 [tilespmem:s25], [sflag:$0x3], $0x40, $0x38;
	[tilespmem:$0x1FE00] =	vst v63  }
0x3cf: {  	p2 =	sne.s32 s14, $0x1  }
.Ltmp80:
0x3d0: {  	_ = 	snop;
	(pc) =	sbr.rel @!p2 .LBB2_87-.Ltmp80, $3  }
0x3d1: {  	_ =	sdelay $0x1  }
0x3d2: {  	_ =	swait.ge [sflag:s24], $0x40  }
0x3d3: {  	s12 =	sadd.s32 $0xFFFFFFFF, s14;
	[sflag:s24] =	ssyncset.done $0x0  }
.LBB2_86:
0x3d4: {  	p2 =	sne.s32 s12, $0x1;
	s12 =	sadd.s32 $0xFFFFFFFF, s12;
	[sflag:s24] =	ssyncadd.s32 $0xFFFFFFC0  }
.Ltmp81:
0x3d5: {  	(pc) =	sbr.rel @p2 .LBB2_86-.Ltmp81, $3  }
0x3d6: {  	_ =	sdelay $0x1  }
0x3d7: {  	_ =	swait.ge [sflag:s24], $0x40  }
0x3d8: {  	[sflag:s24] =	ssyncset.done $0x0  }
.Ltmp82:
0x3d9: {  	_ = 	snop;
	(pc) =	sbr.rel .LBB2_87-.Ltmp82, $1  }
0x3da: {  	_ =	sdelay $0x3  }
.LBB2_61:
.Ltmp83:
0x3db: {  	(pc) =	sbr.rel .LBB2_65-.Ltmp83, $2  }
0x3dc: {  	_ =	sdelay $0x2  }
0x3dd: {  	s4 =	simm.s32 $0x4C80;
	s6 =	simm.s32 $0x0  }
.LBB2_76:
.Ltmp84:
0x3de: {  	(pc) =	sbr.rel .LBB2_80-.Ltmp84, $2  }
0x3df: {  	_ =	sdelay $0x2  }
0x3e0: {  	s4 =	simm.s32 $0x4C80;
	s5 =	simm.s32 $0x0  }
.LBB2_63:
.Ltmp85:
0x3e1: {  	(pc) =	sbr.rel .LBB2_65-.Ltmp85, $2  }
0x3e2: {  	_ =	sdelay $0x2  }
0x3e3: {  	s4 =	simm.s32 $0x4C80;
	s6 =	simm.s32 $0x0  }
.LBB2_78:
.Ltmp86:
0x3e4: {  	(pc) =	sbr.rel .LBB2_80-.Ltmp86, $2  }
0x3e5: {  	_ =	sdelay $0x2  }
0x3e6: {  	s4 =	simm.s32 $0x4C80;
	s5 =	simm.s32 $0x0  }
.LBB2_103:
0x3e7: {  	[sflag:s24] =	ssyncadd.s32 $0xFFFFFFC0  }
.LBB2_104:
0x3e8: {  	s6 =	sadd.s32 $0x1, s6  }
0x3e9: {  	p2 =	sne.s32 s6, s2  }
.Ltmp87:
0x3ea: {  	_ = 	snop;
	(pc) =	sbr.rel @!p2 .LBB2_105-.Ltmp87, $2  }
0x3eb: {  	_ =	sdelay $0x2  }
0x3ec: {  	s5 =	sadd.s32 $0xFFFFFFFC, s5  }
.LBB2_98:
0x3ed: {  	s19 =	sshll.u32 s6, $0x2  }
0x3ee: {  	v12 =	vor.u32 s19, v7  }
0x3ef: {  	vm0 =	vlt.s32 v12, v10;
	_ =	sdelay $0x5  }
0x3f0: {  	v11 =	vld.idx.msk [tilespmem:v12+s21+$0x0], vm0;
	_ =	sdelay $0x7  }
0x3f1: {  	v14 =	vld.idx.msk [tilespmem:v11+s15+$0x0], vm0;
	_ =	sdelay $0x3  }
0x3f2: {  	v13 =	vmov s4  }
0x3f3: {  	v16 =	vshll.u32 v13, $0x7;
	v17 =	vshll.u32 v13, $0xA;
	v12 =	vld.idx.msk [tilespmem:v12+s20+$0x0], vm0;
	v15 =	vshll.u32 v14, $0x3  }
0x3f4: {  	v13 =	vand.u32 $0xFFFFFC00, v15;
	v15 =	vor.u32 v8, v16;
	v16 =	vand.u32 $0xE000, v17  }
0x3f5: {  	v16 =	vadd.s32 v13, v16;
	v17 =	vand.u32 $0x380, v15  }
0x3f6: {  	v14 =	vand.u32 $0x7F, v14;
	v16 =	vor.u32 v17, v16  }
0x3f7: {  	v16 =	vor.u32 v14, v16  }
0x3f8: {  	v19 =	vadd.s32 v12, v15;
	_ =	sdelay $0x2  }
0x3f9: {  	p2 =	sgt.s32 s5, $0x1;
	s14 =	smov.u32 s5;
	s12 =	simm.s32 $0x4  }
0x3fa: {  	s14 =	simm.s32 @!p2 $0x1;
	v18 =	vmov s12;
	v15 =	vld.idx.msk [tilespmem:v16+s16+$0x0], vm0  }
0x3fb: {  	s26 =	simm.s32 $0x8;
	s25 =	simm.s32 $0x0;
	s14 =	smin.u32 s14, $0x4;
	v17 =	vshll.u32 v18, $0x7;
	v18 =	vshll.u32 v18, $0xA;
	v16 =	vld.idx.msk [tilespmem:v19+s17+$0x0], vm0  }
.LBB2_99:
0x3fc: {  	p2 =	sne.s32 s26, $0x3C;
	v17 =	vor.u32 v8, v17;
	v18 =	vand.u32 $0xE000, v18  }
0x3fd: {  	v18 =	vadd.s32 v13, v18;
	v19 =	vand.u32 $0x380, v17  }
0x3fe: {  	v18 =	vor.u32 v19, v18;
	v19 =	vor.u32 s25, v9;
	s25 =	smov.u32 s12;
	s12 =	smov.u32 s26  }
0x3ff: {  	v18 =	vor.u32 v14, v18  }
0x400: {  	v20 =	vadd.s32 v12, v17  }
.Ltmp88:
0x401: {  	v15 =	vadd.f32 v15, v16;
	(pc) =	sbr.rel @p2 .LBB2_99-.Ltmp88, $4  }
0x402: {  	_ = 	snop  }
0x403: {  	[tilespmem:v19+s23+$0x0] =	vst.idx.msk vm0, v15  }
0x404: {  	v16 =	vmov s26;
	v15 =	vld.idx.msk [tilespmem:v18+s16+$0x0], vm0  }
0x405: {  	s26 =	sadd.s32 $0x4, s26;
	v17 =	vshll.u32 v16, $0x7;
	v18 =	vshll.u32 v16, $0xA;
	v16 =	vld.idx.msk [tilespmem:v20+s17+$0x0], vm0  }
0x406: {  	v17 =	vor.u32 v8, v17;
	v18 =	vand.u32 $0xE000, v18  }
0x407: {  	v61 =	vor.u32 s25, v9;
	v13 =	vadd.s32 v13, v18;
	v60 =	vand.u32 $0x380, v17  }
0x408: {  	v12 =	vadd.s32 v12, v17;
	v13 =	vor.u32 v60, v13  }
0x409: {  	v13 =	vor.u32 v14, v13  }
0x40a: {  	v62 =	vadd.f32 v15, v16;
	_ =	sdelay $0x1  }
0x40b: {  	[tilespmem:v61+s23+$0x0] =	vst.idx.msk vm0, v62  }
0x40c: {  	v12 =	vld.idx.msk [tilespmem:v12+s17+$0x0], vm0  }
0x40d: {  	v13 =	vld.idx.msk [tilespmem:v13+s16+$0x0], vm0  }
0x40e: {  	v63 =	vor.u32 s12, v9;
	s12 =	ssub.s32 s1, s19  }
0x40f: {  	p2 =	slt.s32 s12, $0x1  }
.Ltmp89:
0x410: {  	_ = 	snop;
	(pc) =	sbr.rel @p2 .LBB2_104-.Ltmp89, $3  }
0x411: {  	_ = 	snop  }
0x412: {  	v12 =	vadd.f32 v13, v12;
	_ =	sdelay $0x1  }
0x413: {  	[tilespmem:v63+s23+$0x0] =	vst.idx.msk vm0, v12  }
0x414: {  	(v2sf) =	vpush v11, $0x0;
	_ =	sdelay $0x1  }
0x415: {  	p4 =	seq.s32 s12, $0x1  }
0x416: {  	(v2sf) =	vpush @!p4 v11, $0x4;
	_ =	sdelay $0x1  }
0x417: {  	p2 =	slt.u32 @!p4 s12, $0x3  }
0x418: {  	p3 =	por p2, p4  }
0x419: {  	(v2sf) =	vpush @!p3 v11, $0x8;
	_ =	sdelay $0x2  }
0x41a: {  	p5 =	seq.s32 @!p3 s12, $0x3  }
0x41b: {  	p2 =	por @!p4 p5, p2  }
0x41c: {  	p2 =	por p2, p4  }
0x41d: {  	(v2sf) =	vpush @!p2 v11, $0xC;
	_ =	sdelay $0x1  }
0x41e: {  	s31 =	spop (v2sf)  }
0x41f: {  	s12 =	sshll.u32 s31, $0x3  }
0x420: {  	s12 =	sand.u32 $0x1FFFFFF8, s12  }
0x421: {  	s19 =	spop @!p4 (v2sf);
	s12 =	sadd.s32 s7, s12  }
0x422: {  	[hbm4b:s12+s8] =	stream.linear.scatter [tilespmem:s23], [sflag:$0x3], $0x40, $0x38;
	[tilespmem:$0x1FE00] =	vst v63  }
0x423: {  	s12 =	sshll.u32 @!p4 s19, $0x3  }
0x424: {  	s25 =	simm.s32 @!p4 $0x0;
	s12 =	sand.u32 @!p4 $0x1FFFFFF8, s12  }
0x425: {  	s26 =	simm.s32 @!p4 $0x1FA40;
	s19 =	spop @!p3 (v2sf);
	s12 =	sadd.s32 @!p4 s7, s12  }
0x426: {  	[hbm4b:s12+s25] =	stream.linear.scatter @!p4 [tilespmem:s26], [sflag:$0x3], $0x40, $0x38;
	[tilespmem:$0x1FE00] =	vst v63  }
0x427: {  	s12 =	sshll.u32 @!p3 s19, $0x3  }
0x428: {  	s12 =	sand.u32 @!p3 $0x1FFFFFF8, s12  }
0x429: {  	s19 =	simm.s32 @!p3 $0x0;
	s25 =	simm.s32 @!p3 $0x1FA80;
	s12 =	sadd.s32 @!p3 s7, s12  }
0x42a: {  	[hbm4b:s12+s19] =	stream.linear.scatter @!p3 [tilespmem:s25], [sflag:$0x3], $0x40, $0x38;
	[tilespmem:$0x1FE00] =	vst v63  }
0x42b: {  	s12 =	spop @!p2 (v2sf)  }
0x42c: {  	s12 =	sshll.u32 @!p2 s12, $0x3  }
0x42d: {  	s12 =	sand.u32 @!p2 $0x1FFFFFF8, s12  }
0x42e: {  	s19 =	simm.s32 @!p2 $0x0;
	s25 =	simm.s32 @!p2 $0x1FAC0;
	s12 =	sadd.s32 @!p2 s7, s12  }
0x42f: {  	[hbm4b:s12+s19] =	stream.linear.scatter @!p2 [tilespmem:s25], [sflag:$0x3], $0x40, $0x38;
	[tilespmem:$0x1FE00] =	vst v63  }
0x430: {  	p2 =	sne.s32 s14, $0x1  }
.Ltmp90:
0x431: {  	_ = 	snop;
	(pc) =	sbr.rel @!p2 .LBB2_103-.Ltmp90, $3  }
0x432: {  	_ =	sdelay $0x1  }
0x433: {  	_ =	swait.ge [sflag:s24], $0x40  }
0x434: {  	s12 =	sadd.s32 $0xFFFFFFFF, s14;
	[sflag:s24] =	ssyncset.done $0x0  }
.LBB2_102:
0x435: {  	p2 =	sne.s32 s12, $0x1;
	s12 =	sadd.s32 $0xFFFFFFFF, s12;
	[sflag:s24] =	ssyncadd.s32 $0xFFFFFFC0  }
.Ltmp91:
0x436: {  	(pc) =	sbr.rel @p2 .LBB2_102-.Ltmp91, $3  }
0x437: {  	_ =	sdelay $0x1  }
0x438: {  	_ =	swait.ge [sflag:s24], $0x40  }
0x439: {  	[sflag:s24] =	ssyncset.done $0x0  }
.Ltmp92:
0x43a: {  	_ = 	snop;
	(pc) =	sbr.rel .LBB2_103-.Ltmp92, $1  }
0x43b: {  	_ =	sdelay $0x3  }
.LBB2_92:
.Ltmp93:
0x43c: {  	(pc) =	sbr.rel .LBB2_96-.Ltmp93, $2  }
0x43d: {  	_ =	sdelay $0x2  }
0x43e: {  	s2 =	simm.s32 $0x4C80;
	s5 =	simm.s32 $0x0  }
.LBB2_94:
.Ltmp94:
0x43f: {  	(pc) =	sbr.rel .LBB2_96-.Ltmp94, $2  }
0x440: {  	_ =	sdelay $0x2  }
0x441: {  	s2 =	simm.s32 $0x4C80;
	s5 =	simm.s32 $0x0  }
.LBB2_39:
.Ltmp95:
0x442: {  	(pc) =	sbr.rel .LBB2_43-.Ltmp95, $2  }
0x443: {  	_ =	sdelay $0x2  }
0x444: {  	s2 =	simm.s32 $0x4C80;
	s5 =	simm.s32 $0x0  }
.LBB2_41:
.Ltmp96:
0x445: {  	(pc) =	sbr.rel .LBB2_43-.Ltmp96, $2  }
0x446: {  	_ =	sdelay $0x2  }
0x447: {  	s2 =	simm.s32 $0x4C80;
	s5 =	simm.s32 $0x0  }
.LBB2_107:
0x448: {  	_ =	sfence.sel $0x180000  }
0x449: {  	[bflag:$0x0] =	sbarrier.arrive $0xFFFF  }
0x44a: {  	_ =	strace $0x90000047  }
0x44b: {  	s0 =	stileid.u32;
	[bflag:$0x2] =	sbarrier.arrive $0xFFFF  }
0x44c: {  	p0 =	sne.s32 s0, $0x0;
	s0 =	rddreg [dreg:$0x6]  }
0x44d: {  	s0 =	sadd.s32 @!p0 $0x100000, s0  }
0x44e: {  	[sflag:s0] =	ssyncadd.tile.s32 @!p0 $0x1;
	_ =	shalt  }
.Lfunc_end2:
_tile_overlayer_lowered:
.L_overlay_start_2:
0x44f: {  	(tag) =	ssettag $0x2  }
0x450: {  	s0 =	rddreg [dreg:$0x0];
	s2 =	stileid.u32  }
0x451: {  	s1 =	rddreg [dreg:$0x1];
	p0 =	sne.s32 s2, $0x0  }
0x452: {  	s3 =	rddreg [dreg:$0x2];
	[bflag:$0x3] =	sbarrier.arrive $0xFFFF;
	s2 =	simm.s32 @!p0 $0x1C05  }
0x453: {  	[timem:s3], [sflag:s2] =	dma.local @!p0 [hbm:s0], s1  }
0x454: {  	s0 =	simm.s32 @!p0 $0x5  }
0x455: {  	_ =	swait.ge @!p0 [sflag:s0], s1  }
0x456: {  	s1 =	ssub.s32 @!p0 $0x0, s1;
	[sflag:s0] =	ssyncset.done @!p0 $0x0  }
0x457: {  	[sflag:s0] =	ssyncadd.s32 @!p0 s1  }
0x458: {  	[bflag:$0x3] =	sbarrier.arrive $0xFFFF  }
0x459: {  	_ =	shalt  }

</sc_bundles>
